<compile_context>
chip_gen: v7x
topology: tpu7x:2x2x1
jax: 0.10.2.dev20260603
libtpu: 0.0.44.dev20260713+nightly
codegen_flags: <defaults>
</compile_context>

<pallas_src>
import dataclasses
import functools

import jax
import jax.numpy as jnp
from jax import lax
from jax.experimental import pallas as pl
from jax.experimental.pallas import tpu as pltpu
from jax.experimental.pallas import tpu_sc as plsc

B, D, P, A, M = 16384, 512, 256, 32, 4096
BETA_LONG, BETA_SHORT, ALPHA_LP = 0.995, 0.9, 0.5

ERR_TILE = 2048


def _err_body(obs_ref, nobs_ref, actT_ref, we_ref, be_ref, wf1_ref, wf2_ref,
              bf_ref, err_ref):
    obs = obs_ref[...]
    nobs = nobs_ref[...]
    phi_t = jnp.maximum(obs @ we_ref[...] + be_ref[...], 0.0)
    phi_tp1 = jnp.maximum(nobs @ we_ref[...] + be_ref[...], 0.0)
    act_term = lax.dot_general(actT_ref[...], wf2_ref[...],
                               (((0,), (0,)), ((), ())),
                               preferred_element_type=jnp.float32)
    pred = phi_t @ wf1_ref[...] + act_term + bf_ref[...]
    d = pred - phi_tp1
    errcol = jnp.sum(d * d, axis=1, keepdims=True) * (1.0 / P)
    bidx = lax.broadcasted_iota(jnp.int32, (ERR_TILE, 128), 0)
    lidx = lax.broadcasted_iota(jnp.int32, (ERR_TILE, 128), 1)
    pick = (bidx - (bidx // 128) * 128 == lidx).astype(jnp.float32)
    sidx = lax.broadcasted_iota(jnp.int32, (ERR_TILE // 128, ERR_TILE), 0)
    b2 = lax.broadcasted_iota(jnp.int32, (ERR_TILE // 128, ERR_TILE), 1)
    grp = (b2 // 128 == sidx).astype(jnp.float32)
    err_ref[...] = grp @ (errcol * pick)


def _err_tc(obs, next_obs, actions, W_enc, b_enc, W_fwd, b_fwd):
    grid = B // ERR_TILE
    return pl.pallas_call(
        _err_body,
        grid=(grid,),
        in_specs=[
            pl.BlockSpec((ERR_TILE, D), lambda i: (i, 0)),
            pl.BlockSpec((ERR_TILE, D), lambda i: (i, 0)),
            pl.BlockSpec((A, ERR_TILE), lambda i: (0, i)),
            pl.BlockSpec((D, P), lambda i: (0, 0)),
            pl.BlockSpec((1, P), lambda i: (0, 0)),
            pl.BlockSpec((P, P), lambda i: (0, 0)),
            pl.BlockSpec((A, P), lambda i: (8, 0)),
            pl.BlockSpec((1, P), lambda i: (0, 0)),
        ],
        out_specs=pl.BlockSpec((ERR_TILE // 128, 128), lambda i: (i, 0)),
        out_shape=jax.ShapeDtypeStruct((ROWS, 128), jnp.float32),
    )(obs, next_obs, actions.T, W_enc, b_enc.reshape(1, P), W_fwd, W_fwd,
      b_fwd.reshape(1, P))


NS = 16
ROWS = B // 128
RPW = ROWS // NS
MS = M // NS


def _sc_middle(err2d, rids2d, ema_long, ema_short, counts, prev_ms):
    mesh = plsc.VectorSubcoreMesh(core_axis_name="c", subcore_axis_name="s")
    cp = pltpu.CompilerParams()
    if "needs_layout_passes" in pltpu.CompilerParams.__dataclass_fields__:
        cp = dataclasses.replace(cp, needs_layout_passes=False)

    @functools.partial(
        pl.kernel, mesh=mesh, compiler_params=cp,
        out_type=jax.ShapeDtypeStruct((ROWS, 128), jnp.float32),
        scratch_types=[
            pltpu.VMEM((RPW, 128), jnp.int32),
            pltpu.VMEM((RPW, 128), jnp.float32),
            pltpu.VMEM((128,), jnp.float32),
            pltpu.VMEM((MS,), jnp.float32),
            pltpu.VMEM((MS,), jnp.float32),
            pltpu.VMEM((MS,), jnp.float32),
            pltpu.VMEM((MS,), jnp.float32),
            pltpu.VMEM((MS,), jnp.int32),
            pltpu.VMEM((MS,), jnp.float32),
            pltpu.VMEM((RPW, 128), jnp.float32),
            pltpu.VMEM((NS,), jnp.float32),
            pltpu.VMEM((NS * NS,), jnp.float32),
            pltpu.VMEM((NS,), jnp.float32),
            pltpu.VMEM_SHARED((M,), jnp.float32),
            pltpu.VMEM_SHARED((M,), jnp.float32),
            pltpu.VMEM_SHARED((M,), jnp.float32),
            pltpu.VMEM_SHARED((NS * NS,), jnp.float32),
            pltpu.SemaphoreType.DMA,
            pltpu.SemaphoreType.DMA,
        ],
    )
    def k(err_hbm, rid_hbm, el_hbm, es_hbm, c0_hbm, pms_hbm, out_hbm,
          rid_v, err_v, ones_v, sums_t, cnts_t, el_t, es_t, c0_t,
          lpr_t, lp_v, ss_t, pall_t, pms_v, sums_sh, cnts_sh, lpr_sh,
          ss_sh, sem_in, sem_sc):
        cid = lax.axis_index("c")
        sid = lax.axis_index("s")

        @pl.when(cid == 0)
        def _work():
            base_m = sid * MS
            row0 = sid * RPW
            h_rid = pltpu.async_copy(rid_hbm.at[pl.ds(row0, RPW)], rid_v,
                                     sem_in)
            h_err = pltpu.async_copy(err_hbm.at[pl.ds(row0, RPW)], err_v,
                                     sem_in)
            h_el = pltpu.async_copy(el_hbm.at[pl.ds(base_m, MS)], el_t,
                                    sem_in)
            h_es = pltpu.async_copy(es_hbm.at[pl.ds(base_m, MS)], es_t,
                                    sem_in)
            h_c0 = pltpu.async_copy(c0_hbm.at[pl.ds(base_m, MS)], c0_t,
                                    sem_in)
            pms_v[pl.ds(0, NS)] = jnp.zeros((NS,), jnp.float32)
            h_pm = pltpu.async_copy(pms_hbm, pms_v.at[pl.ds(0, 1)], sem_in)
            for j in range(128 // NS):
                ones_v[pl.ds(j * NS, NS)] = jnp.full((NS,), 1.0, jnp.float32)
            for j in range(MS // NS):
                sums_t[pl.ds(j * NS, NS)] = jnp.zeros((NS,), jnp.float32)
            h_z1 = pltpu.async_copy(sums_t, sums_sh.at[pl.ds(base_m, MS)],
                                    sem_sc)
            h_z2 = pltpu.async_copy(sums_t, cnts_sh.at[pl.ds(base_m, MS)],
                                    sem_sc)
            h_z1.wait()
            h_z2.wait()
            h_rid.wait()
            h_err.wait()
            plsc.subcore_barrier()

            hs = []
            for r in range(RPW):
                hs.append(pltpu.async_copy(err_v.at[r],
                                           sums_sh.at[rid_v.at[r]],
                                           sem_sc, add=True))
                hs.append(pltpu.async_copy(ones_v,
                                           cnts_sh.at[rid_v.at[r]],
                                           sem_sc, add=True))
            for h in hs:
                h.wait()
            plsc.subcore_barrier()

            h_s = pltpu.async_copy(sums_sh.at[pl.ds(base_m, MS)], sums_t,
                                   sem_sc)
            h_c = pltpu.async_copy(cnts_sh.at[pl.ds(base_m, MS)], cnts_t,
                                   sem_sc)
            h_el.wait()
            h_es.wait()
            h_c0.wait()
            h_pm.wait()
            h_s.wait()
            h_c.wait()
            for j in range(MS // NS):
                sl = pl.ds(j * NS, NS)
                s = sums_t[sl]
                c = cnts_t[sl]
                el = el_t[sl]
                es = es_t[sl]
                c0 = c0_t[sl].astype(jnp.float32)
                means = s / jnp.maximum(c, 1.0)
                pres = jnp.minimum(c, 1.0)
                old = jnp.minimum(c0, 1.0)
                ema_l = BETA_LONG * el + (1.0 - BETA_LONG) * means
                ema_s = BETA_SHORT * es + (1.0 - BETA_SHORT) * means
                upd_l = (1.0 - old) * means + old * ema_l
                upd_s = (1.0 - old) * means + old * ema_s
                nl = (1.0 - pres) * el + pres * upd_l
                nsh = (1.0 - pres) * es + pres * upd_s
                lpr_t[sl] = (pres * old) * jnp.maximum(nl - nsh, 0.0)
            pltpu.sync_copy(lpr_t, lpr_sh.at[pl.ds(base_m, MS)])
            plsc.subcore_barrier()

            hg = [pltpu.async_copy(lpr_sh.at[rid_v.at[r]], lp_v.at[r],
                                   sem_sc) for r in range(RPW)]
            for h in hg:
                h.wait()

            acc = jnp.zeros((NS,), jnp.float32)
            for r in range(RPW):
                for j in range(128 // NS):
                    v = lp_v[r, pl.ds(j * NS, NS)]
                    acc = acc + v * v
            ss_t[...] = acc
            pltpu.sync_copy(ss_t, ss_sh.at[pl.ds(sid * NS, NS)])
            plsc.subcore_barrier()

            pltpu.sync_copy(ss_sh, pall_t)
            tot = jnp.zeros((NS,), jnp.float32)
            for j in range(NS):
                tot = tot + pall_t[pl.ds(j * NS, NS)]
            sumsq = lax.reduce_sum_p.bind(tot, axes=(0,))
            pmsval = lax.reduce_sum_p.bind(pms_v[...], axes=(0,))
            ms = 0.99 * pmsval + (0.01 / B) * sumsq
            x = jnp.full((NS,), ms + 1e-8, jnp.float32)
            xi = lax.bitcast_convert_type(x, jnp.int32)
            seed = jnp.full((NS,), 0x5F3759DF, jnp.int32) - (xi >> 1)
            r0 = lax.bitcast_convert_type(seed, jnp.float32)
            for _ in range(3):
                r0 = r0 * (1.5 - 0.5 * x * r0 * r0)
            scale = ALPHA_LP / (x * r0 + 1e-8)
            for r in range(RPW):
                for j in range(128 // NS):
                    sl = pl.ds(j * NS, NS)
                    lp_v[r, sl] = lp_v[r, sl] * scale
            pltpu.sync_copy(lp_v, out_hbm.at[pl.ds(row0, RPW)])

    return k(err2d, rids2d, ema_long, ema_short, counts, prev_ms)


def kernel(obs, next_obs, actions, rids, ema_long, ema_short, counts,
           W_enc, b_enc, W_fwd, b_fwd, prev_ms):
    err2d = _err_tc(obs, next_obs, actions, W_enc, b_enc, W_fwd, b_fwd)
    out2d = _sc_middle(err2d, rids.reshape(ROWS, 128),
                       ema_long, ema_short, counts, prev_ms)
    return out2d.reshape(B)

# --- scband reference (transcript-rebuilt; emitter-appended) ---
"""Pipeline reference for scband-riac-81398220193997 (READ-ONLY COPY).

The authoritative reference and input builder live on the scoring server;
editing this copy changes nothing except your own understanding.
"""

import jax, jax.numpy as jnp
import numpy as np

B, D, P, A, M = 16384, 512, 256, 32, 4096
BETA_LONG, BETA_SHORT, ALPHA_LP = 0.995, 0.9, 0.5


def setup_inputs(seed: int = 0) -> dict:
    key = jax.random.key(seed)
    ks = jax.random.split(key, 12)
    obs = jax.random.normal(ks[0], (B, D), dtype=jnp.float32)
    next_obs = jax.random.normal(ks[1], (B, D), dtype=jnp.float32)
    actions = jax.random.normal(ks[2], (B, A), dtype=jnp.float32)
    rids = jax.random.randint(ks[3], (B,), 0, M)
    ema_long = jax.random.uniform(ks[4], (M,), dtype=jnp.float32)
    ema_short = jax.random.uniform(ks[5], (M,), dtype=jnp.float32)
    counts = jax.random.randint(ks[6], (M,), 0, 100)
    W_enc = jax.random.normal(ks[7], (D, P), dtype=jnp.float32) * 0.05
    b_enc = jnp.zeros((P,), dtype=jnp.float32)
    W_fwd = jax.random.normal(ks[8], (P + A, P), dtype=jnp.float32) * 0.05
    b_fwd = jnp.zeros((P,), dtype=jnp.float32)
    prev_ms = jnp.ones((1,), dtype=jnp.float32)
    return {"obs": obs, "next_obs": next_obs, "actions": actions, "rids": rids,
            "ema_long": ema_long, "ema_short": ema_short, "counts": counts,
            "W_enc": W_enc, "b_enc": b_enc, "W_fwd": W_fwd, "b_fwd": b_fwd,
            "prev_ms": prev_ms}


def reference(obs, next_obs, actions, rids, ema_long, ema_short, counts,
              W_enc, b_enc, W_fwd, b_fwd, prev_ms):
    # _forward_error_per_sample: phi encoder + forward head, per-sample MSE in phi-space
    phi_t = jax.nn.relu(obs @ W_enc + b_enc)
    phi_tp1 = jax.nn.relu(next_obs @ W_enc + b_enc)
    pred = jnp.concatenate([phi_t, actions], axis=-1) @ W_fwd + b_fwd
    err = jnp.mean((pred - phi_tp1) ** 2, axis=-1)  # [B]

    # Group errors by region id (scatter-add), per-region mean error
    sums = jax.ops.segment_sum(err, rids, num_segments=M)
    cnts = jax.ops.segment_sum(jnp.ones_like(err), rids, num_segments=M)
    means = sums / jnp.maximum(1.0, cnts)

    present = cnts > 0
    is_new = counts == 0

    # EMA updates (scatter-overwrite into region memory)
    new_long = jnp.where(present, jnp.where(is_new, means,
                 BETA_LONG * ema_long + (1.0 - BETA_LONG) * means), ema_long)
    new_short = jnp.where(present, jnp.where(is_new, means,
                  BETA_SHORT * ema_short + (1.0 - BETA_SHORT) * means), ema_short)

    # Learning progress per region; new regions emit 0
    lp_region = jnp.where(present & (~is_new),
                          jnp.maximum(0.0, new_long - new_short),
                          jnp.zeros_like(new_long))

    # Gather per-sample LP and RMS-normalize
    lp = lp_region[rids]
    ms = 0.99 * prev_ms[0] + 0.01 * jnp.mean(lp ** 2)
    rms = jnp.sqrt(ms + 1e-8)
    out = ALPHA_LP * lp / (rms + 1e-8)
    return out

if __name__ == "__main__":
    import jax
    _d = setup_inputs()
    print(jax.jit(kernel)(*tuple(_d.values())))

</pallas_src>

<mosaic_0001>
#map = affine_map<(d0, d1) -> (0, 0)>
#map1 = affine_map<(d0, d1) -> (0)>
module attributes {stable_mosaic.version = 14 : i64} {
  func.func @k(%arg0: i32, %arg1: i32, %arg2: memref<128x128xf32, #tpu.memory_space<hbm>>, %arg3: memref<128x128xi32, #tpu.memory_space<hbm>>, %arg4: memref<4096xf32, #tpu.memory_space<hbm>>, %arg5: memref<4096xf32, #tpu.memory_space<hbm>>, %arg6: memref<4096xi32, #tpu.memory_space<hbm>>, %arg7: memref<1xf32, #tpu.memory_space<hbm>>, %arg8: memref<128x128xf32, #tpu.memory_space<hbm>>, %arg9: memref<8x128xi32, #tpu.memory_space<vmem>>, %arg10: memref<8x128xf32, #tpu.memory_space<vmem>>, %arg11: memref<128xf32, #tpu.memory_space<vmem>>, %arg12: memref<256xf32, #tpu.memory_space<vmem>>, %arg13: memref<256xf32, #tpu.memory_space<vmem>>, %arg14: memref<256xf32, #tpu.memory_space<vmem>>, %arg15: memref<256xf32, #tpu.memory_space<vmem>>, %arg16: memref<256xi32, #tpu.memory_space<vmem>>, %arg17: memref<256xf32, #tpu.memory_space<vmem>>, %arg18: memref<8x128xf32, #tpu.memory_space<vmem>>, %arg19: memref<16xf32, #tpu.memory_space<vmem>>, %arg20: memref<256xf32, #tpu.memory_space<vmem>>, %arg21: memref<16xf32, #tpu.memory_space<vmem>>, %arg22: memref<4096xf32, #tpu.memory_space<vmem_shared>>, %arg23: memref<4096xf32, #tpu.memory_space<vmem_shared>>, %arg24: memref<4096xf32, #tpu.memory_space<vmem_shared>>, %arg25: memref<256xf32, #tpu.memory_space<vmem_shared>>, %arg26: memref<!tpu.dma_semaphore, #tpu.memory_space<semaphore_mem>>, %arg27: memref<!tpu.dma_semaphore, #tpu.memory_space<semaphore_mem>>) attributes {dimension_semantics = [#tpu.dimension_semantics<core_parallel>, #tpu.dimension_semantics<subcore_parallel>], iteration_bounds = array<i64: 2, 16>, scalar_prefetch = 0 : i64, scratch_operands = 19 : i64, tpu.core_type = #tpu.core_type<sc_vector_subcore>, window_params = [{transform_indices = #map}, {transform_indices = #map}, {transform_indices = #map1}, {transform_indices = #map1}, {transform_indices = #map1}, {transform_indices = #map1}, {transform_indices = #map}]} {
    %eq3A = arith.constant 0 : i32
    %eq3A_0 = arith.cmpi eq, %arg0, %eq3A : i32
    %convert_element_type3A = arith.extui %eq3A_0 : i1 to i32
    %cond3A = arith.constant 0 : i32
    %cond3A_1 = arith.cmpi ne, %convert_element_type3A, %cond3A : i32
    scf.if %cond3A_1 {
      %mul3A = arith.constant 256 : i32
      %mul3A_2 = arith.muli %arg1, %mul3A : i32
      %mul3A_3 = arith.constant 8 : i32
      %mul3A_4 = arith.muli %arg1, %mul3A_3 : i32
      %dma_start3A = arith.constant 0 : i32
      %dma_start3A_5 = tpu.memref_slice %arg3[%mul3A_4, %dma_start3A] : memref<128x128xi32, #tpu.memory_space<hbm>> -> memref<8x128xi32, #tpu.memory_space<hbm>>
      %dma_start3A_6 = arith.constant 0 : i32
      %dma_start3A_7 = tpu.memref_slice %arg3[%mul3A_4, %dma_start3A_6] : memref<128x128xi32, #tpu.memory_space<hbm>> -> memref<8x128xi32, #tpu.memory_space<hbm>>
      tpu.enqueue_dma source(%dma_start3A_7 : memref<8x128xi32, #tpu.memory_space<hbm>>) target(%arg9 : memref<8x128xi32, #tpu.memory_space<vmem>>) target_semaphore(%arg26 : memref<!tpu.dma_semaphore, #tpu.memory_space<semaphore_mem>>)
      %dma_start3A_8 = arith.constant 0 : i32
      %dma_start3A_9 = tpu.memref_slice %arg2[%mul3A_4, %dma_start3A_8] : memref<128x128xf32, #tpu.memory_space<hbm>> -> memref<8x128xf32, #tpu.memory_space<hbm>>
      %dma_start3A_10 = arith.constant 0 : i32
      %dma_start3A_11 = tpu.memref_slice %arg2[%mul3A_4, %dma_start3A_10] : memref<128x128xf32, #tpu.memory_space<hbm>> -> memref<8x128xf32, #tpu.memory_space<hbm>>
      tpu.enqueue_dma source(%dma_start3A_11 : memref<8x128xf32, #tpu.memory_space<hbm>>) target(%arg10 : memref<8x128xf32, #tpu.memory_space<vmem>>) target_semaphore(%arg26 : memref<!tpu.dma_semaphore, #tpu.memory_space<semaphore_mem>>)
      %dma_start3A_12 = tpu.memref_slice %arg4[%mul3A_2] : memref<4096xf32, #tpu.memory_space<hbm>> -> memref<256xf32, #tpu.memory_space<hbm>>
      %dma_start3A_13 = tpu.memref_slice %arg4[%mul3A_2] : memref<4096xf32, #tpu.memory_space<hbm>> -> memref<256xf32, #tpu.memory_space<hbm>>
      tpu.enqueue_dma source(%dma_start3A_13 : memref<256xf32, #tpu.memory_space<hbm>>) target(%arg14 : memref<256xf32, #tpu.memory_space<vmem>>) target_semaphore(%arg26 : memref<!tpu.dma_semaphore, #tpu.memory_space<semaphore_mem>>)
      %dma_start3A_14 = tpu.memref_slice %arg5[%mul3A_2] : memref<4096xf32, #tpu.memory_space<hbm>> -> memref<256xf32, #tpu.memory_space<hbm>>
      %dma_start3A_15 = tpu.memref_slice %arg5[%mul3A_2] : memref<4096xf32, #tpu.memory_space<hbm>> -> memref<256xf32, #tpu.memory_space<hbm>>
      tpu.enqueue_dma source(%dma_start3A_15 : memref<256xf32, #tpu.memory_space<hbm>>) target(%arg15 : memref<256xf32, #tpu.memory_space<vmem>>) target_semaphore(%arg26 : memref<!tpu.dma_semaphore, #tpu.memory_space<semaphore_mem>>)
      %dma_start3A_16 = tpu.memref_slice %arg6[%mul3A_2] : memref<4096xi32, #tpu.memory_space<hbm>> -> memref<256xi32, #tpu.memory_space<hbm>>
      %dma_start3A_17 = tpu.memref_slice %arg6[%mul3A_2] : memref<4096xi32, #tpu.memory_space<hbm>> -> memref<256xi32, #tpu.memory_space<hbm>>
      tpu.enqueue_dma source(%dma_start3A_17 : memref<256xi32, #tpu.memory_space<hbm>>) target(%arg16 : memref<256xi32, #tpu.memory_space<vmem>>) target_semaphore(%arg26 : memref<!tpu.dma_semaphore, #tpu.memory_space<semaphore_mem>>)
      %broadcast_in_dim3A = arith.constant 0.000000e+00 : f32
      %broadcast_in_dim3A_18 = vector.broadcast %broadcast_in_dim3A : f32 to vector<16xf32>
      %swap3A = arith.constant 0 : index
      %swap3A_19 = tpu.vector_load %arg21[%swap3A] {strides = array<i32>} : memref<16xf32, #tpu.memory_space<vmem>>, vector<16xf32>,
      tpu.vector_store %arg21[%swap3A], %broadcast_in_dim3A_18 {strides = array<i32>} : memref<16xf32, #tpu.memory_space<vmem>>, vector<16xf32>,
      %dma_start3A_20 = arith.constant 0 : i32
      %dma_start3A_21 = tpu.memref_slice %arg21[%dma_start3A_20] : memref<16xf32, #tpu.memory_space<vmem>> -> memref<1xf32, #tpu.memory_space<vmem>>
      %dma_start3A_22 = arith.constant 0 : i32
      %dma_start3A_23 = tpu.memref_slice %arg21[%dma_start3A_22] : memref<16xf32, #tpu.memory_space<vmem>> -> memref<1xf32, #tpu.memory_space<vmem>>
      tpu.enqueue_dma source(%arg7 : memref<1xf32, #tpu.memory_space<hbm>>) target(%dma_start3A_23 : memref<1xf32, #tpu.memory_space<vmem>>) target_semaphore(%arg26 : memref<!tpu.dma_semaphore, #tpu.memory_space<semaphore_mem>>)
      %broadcast_in_dim3A_24 = arith.constant 1.000000e+00 : f32
      %broadcast_in_dim3A_25 = vector.broadcast %broadcast_in_dim3A_24 : f32 to vector<16xf32>
      %swap3A_26 = arith.constant 0 : index
      %swap3A_27 = tpu.vector_load %arg11[%swap3A_26] {strides = array<i32>} : memref<128xf32, #tpu.memory_space<vmem>>, vector<16xf32>,
      tpu.vector_store %arg11[%swap3A_26], %broadcast_in_dim3A_25 {strides = array<i32>} : memref<128xf32, #tpu.memory_space<vmem>>, vector<16xf32>,
      %broadcast_in_dim3A_28 = arith.constant 1.000000e+00 : f32
      %broadcast_in_dim3A_29 = vector.broadcast %broadcast_in_dim3A_28 : f32 to vector<16xf32>
      %swap3A_30 = arith.constant 16 : index
      %swap3A_31 = tpu.vector_load %arg11[%swap3A_30] {strides = array<i32>} : memref<128xf32, #tpu.memory_space<vmem>>, vector<16xf32>,
      tpu.vector_store %arg11[%swap3A_30], %broadcast_in_dim3A_29 {strides = array<i32>} : memref<128xf32, #tpu.memory_space<vmem>>, vector<16xf32>,
      %broadcast_in_dim3A_32 = arith.constant 1.000000e+00 : f32
      %broadcast_in_dim3A_33 = vector.broadcast %broadcast_in_dim3A_32 : f32 to vector<16xf32>
      %swap3A_34 = arith.constant 32 : index
      %swap3A_35 = tpu.vector_load %arg11[%swap3A_34] {strides = array<i32>} : memref<128xf32, #tpu.memory_space<vmem>>, vector<16xf32>,
      tpu.vector_store %arg11[%swap3A_34], %broadcast_in_dim3A_33 {strides = array<i32>} : memref<128xf32, #tpu.memory_space<vmem>>, vector<16xf32>,
      %broadcast_in_dim3A_36 = arith.constant 1.000000e+00 : f32
      %broadcast_in_dim3A_37 = vector.broadcast %broadcast_in_dim3A_36 : f32 to vector<16xf32>
      %swap3A_38 = arith.constant 48 : index
      %swap3A_39 = tpu.vector_load %arg11[%swap3A_38] {strides = array<i32>} : memref<128xf32, #tpu.memory_space<vmem>>, vector<16xf32>,
      tpu.vector_store %arg11[%swap3A_38], %broadcast_in_dim3A_37 {strides = array<i32>} : memref<128xf32, #tpu.memory_space<vmem>>, vector<16xf32>,
      %broadcast_in_dim3A_40 = arith.constant 1.000000e+00 : f32
      %broadcast_in_dim3A_41 = vector.broadcast %broadcast_in_dim3A_40 : f32 to vector<16xf32>
      %swap3A_42 = arith.constant 64 : index
      %swap3A_43 = tpu.vector_load %arg11[%swap3A_42] {strides = array<i32>} : memref<128xf32, #tpu.memory_space<vmem>>, vector<16xf32>,
      tpu.vector_store %arg11[%swap3A_42], %broadcast_in_dim3A_41 {strides = array<i32>} : memref<128xf32, #tpu.memory_space<vmem>>, vector<16xf32>,
      %broadcast_in_dim3A_44 = arith.constant 1.000000e+00 : f32
      %broadcast_in_dim3A_45 = vector.broadcast %broadcast_in_dim3A_44 : f32 to vector<16xf32>
      %swap3A_46 = arith.constant 80 : index
      %swap3A_47 = tpu.vector_load %arg11[%swap3A_46] {strides = array<i32>} : memref<128xf32, #tpu.memory_space<vmem>>, vector<16xf32>,
      tpu.vector_store %arg11[%swap3A_46], %broadcast_in_dim3A_45 {strides = array<i32>} : memref<128xf32, #tpu.memory_space<vmem>>, vector<16xf32>,
      %broadcast_in_dim3A_48 = arith.constant 1.000000e+00 : f32
      %broadcast_in_dim3A_49 = vector.broadcast %broadcast_in_dim3A_48 : f32 to vector<16xf32>
      %swap3A_50 = arith.constant 96 : index
      %swap3A_51 = tpu.vector_load %arg11[%swap3A_50] {strides = array<i32>} : memref<128xf32, #tpu.memory_space<vmem>>, vector<16xf32>,
      tpu.vector_store %arg11[%swap3A_50], %broadcast_in_dim3A_49 {strides = array<i32>} : memref<128xf32, #tpu.memory_space<vmem>>, vector<16xf32>,
      %broadcast_in_dim3A_52 = arith.constant 1.000000e+00 : f32
      %broadcast_in_dim3A_53 = vector.broadcast %broadcast_in_dim3A_52 : f32 to vector<16xf32>
      %swap3A_54 = arith.constant 112 : index
      %swap3A_55 = tpu.vector_load %arg11[%swap3A_54] {strides = array<i32>} : memref<128xf32, #tpu.memory_space<vmem>>, vector<16xf32>,
      tpu.vector_store %arg11[%swap3A_54], %broadcast_in_dim3A_53 {strides = array<i32>} : memref<128xf32, #tpu.memory_space<vmem>>, vector<16xf32>,
      %broadcast_in_dim3A_56 = arith.constant 0.000000e+00 : f32
      %broadcast_in_dim3A_57 = vector.broadcast %broadcast_in_dim3A_56 : f32 to vector<16xf32>
      %swap3A_58 = arith.constant 0 : index
      %swap3A_59 = tpu.vector_load %arg12[%swap3A_58] {strides = array<i32>} : memref<256xf32, #tpu.memory_space<vmem>>, vector<16xf32>,
      tpu.vector_store %arg12[%swap3A_58], %broadcast_in_dim3A_57 {strides = array<i32>} : memref<256xf32, #tpu.memory_space<vmem>>, vector<16xf32>,
      %broadcast_in_dim3A_60 = arith.constant 0.000000e+00 : f32
      %broadcast_in_dim3A_61 = vector.broadcast %broadcast_in_dim3A_60 : f32 to vector<16xf32>
      %swap3A_62 = arith.constant 16 : index
      %swap3A_63 = tpu.vector_load %arg12[%swap3A_62] {strides = array<i32>} : memref<256xf32, #tpu.memory_space<vmem>>, vector<16xf32>,
      tpu.vector_store %arg12[%swap3A_62], %broadcast_in_dim3A_61 {strides = array<i32>} : memref<256xf32, #tpu.memory_space<vmem>>, vector<16xf32>,
      %broadcast_in_dim3A_64 = arith.constant 0.000000e+00 : f32
      %broadcast_in_dim3A_65 = vector.broadcast %broadcast_in_dim3A_64 : f32 to vector<16xf32>
      %swap3A_66 = arith.constant 32 : index
      %swap3A_67 = tpu.vector_load %arg12[%swap3A_66] {strides = array<i32>} : memref<256xf32, #tpu.memory_space<vmem>>, vector<16xf32>,
      tpu.vector_store %arg12[%swap3A_66], %broadcast_in_dim3A_65 {strides = array<i32>} : memref<256xf32, #tpu.memory_space<vmem>>, vector<16xf32>,
      %broadcast_in_dim3A_68 = arith.constant 0.000000e+00 : f32
      %broadcast_in_dim3A_69 = vector.broadcast %broadcast_in_dim3A_68 : f32 to vector<16xf32>
      %swap3A_70 = arith.constant 48 : index
      %swap3A_71 = tpu.vector_load %arg12[%swap3A_70] {strides = array<i32>} : memref<256xf32, #tpu.memory_space<vmem>>, vector<16xf32>,
      tpu.vector_store %arg12[%swap3A_70], %broadcast_in_dim3A_69 {strides = array<i32>} : memref<256xf32, #tpu.memory_space<vmem>>, vector<16xf32>,
      %broadcast_in_dim3A_72 = arith.constant 0.000000e+00 : f32
      %broadcast_in_dim3A_73 = vector.broadcast %broadcast_in_dim3A_72 : f32 to vector<16xf32>
      %swap3A_74 = arith.constant 64 : index
      %swap3A_75 = tpu.vector_load %arg12[%swap3A_74] {strides = array<i32>} : memref<256xf32, #tpu.memory_space<vmem>>, vector<16xf32>,
      tpu.vector_store %arg12[%swap3A_74], %broadcast_in_dim3A_73 {strides = array<i32>} : memref<256xf32, #tpu.memory_space<vmem>>, vector<16xf32>,
      %broadcast_in_dim3A_76 = arith.constant 0.000000e+00 : f32
      %broadcast_in_dim3A_77 = vector.broadcast %broadcast_in_dim3A_76 : f32 to vector<16xf32>
      %swap3A_78 = arith.constant 80 : index
      %swap3A_79 = tpu.vector_load %arg12[%swap3A_78] {strides = array<i32>} : memref<256xf32, #tpu.memory_space<vmem>>, vector<16xf32>,
      tpu.vector_store %arg12[%swap3A_78], %broadcast_in_dim3A_77 {strides = array<i32>} : memref<256xf32, #tpu.memory_space<vmem>>, vector<16xf32>,
      %broadcast_in_dim3A_80 = arith.constant 0.000000e+00 : f32
      %broadcast_in_dim3A_81 = vector.broadcast %broadcast_in_dim3A_80 : f32 to vector<16xf32>
      %swap3A_82 = arith.constant 96 : index
      %swap3A_83 = tpu.vector_load %arg12[%swap3A_82] {strides = array<i32>} : memref<256xf32, #tpu.memory_space<vmem>>, vector<16xf32>,
      tpu.vector_store %arg12[%swap3A_82], %broadcast_in_dim3A_81 {strides = array<i32>} : memref<256xf32, #tpu.memory_space<vmem>>, vector<16xf32>,
      %broadcast_in_dim3A_84 = arith.constant 0.000000e+00 : f32
      %broadcast_in_dim3A_85 = vector.broadcast %broadcast_in_dim3A_84 : f32 to vector<16xf32>
      %swap3A_86 = arith.constant 112 : index
      %swap3A_87 = tpu.vector_load %arg12[%swap3A_86] {strides = array<i32>} : memref<256xf32, #tpu.memory_space<vmem>>, vector<16xf32>,
      tpu.vector_store %arg12[%swap3A_86], %broadcast_in_dim3A_85 {strides = array<i32>} : memref<256xf32, #tpu.memory_space<vmem>>, vector<16xf32>,
      %broadcast_in_dim3A_88 = arith.constant 0.000000e+00 : f32
      %broadcast_in_dim3A_89 = vector.broadcast %broadcast_in_dim3A_88 : f32 to vector<16xf32>
      %swap3A_90 = arith.constant 128 : index
      %swap3A_91 = tpu.vector_load %arg12[%swap3A_90] {strides = array<i32>} : memref<256xf32, #tpu.memory_space<vmem>>, vector<16xf32>,
      tpu.vector_store %arg12[%swap3A_90], %broadcast_in_dim3A_89 {strides = array<i32>} : memref<256xf32, #tpu.memory_space<vmem>>, vector<16xf32>,
      %broadcast_in_dim3A_92 = arith.constant 0.000000e+00 : f32
      %broadcast_in_dim3A_93 = vector.broadcast %broadcast_in_dim3A_92 : f32 to vector<16xf32>
      %swap3A_94 = arith.constant 144 : index
      %swap3A_95 = tpu.vector_load %arg12[%swap3A_94] {strides = array<i32>} : memref<256xf32, #tpu.memory_space<vmem>>, vector<16xf32>,
      tpu.vector_store %arg12[%swap3A_94], %broadcast_in_dim3A_93 {strides = array<i32>} : memref<256xf32, #tpu.memory_space<vmem>>, vector<16xf32>,
      %broadcast_in_dim3A_96 = arith.constant 0.000000e+00 : f32
      %broadcast_in_dim3A_97 = vector.broadcast %broadcast_in_dim3A_96 : f32 to vector<16xf32>
      %swap3A_98 = arith.constant 160 : index
      %swap3A_99 = tpu.vector_load %arg12[%swap3A_98] {strides = array<i32>} : memref<256xf32, #tpu.memory_space<vmem>>, vector<16xf32>,
      tpu.vector_store %arg12[%swap3A_98], %broadcast_in_dim3A_97 {strides = array<i32>} : memref<256xf32, #tpu.memory_space<vmem>>, vector<16xf32>,
      %broadcast_in_dim3A_100 = arith.constant 0.000000e+00 : f32
      %broadcast_in_dim3A_101 = vector.broadcast %broadcast_in_dim3A_100 : f32 to vector<16xf32>
      %swap3A_102 = arith.constant 176 : index
      %swap3A_103 = tpu.vector_load %arg12[%swap3A_102] {strides = array<i32>} : memref<256xf32, #tpu.memory_space<vmem>>, vector<16xf32>,
      tpu.vector_store %arg12[%swap3A_102], %broadcast_in_dim3A_101 {strides = array<i32>} : memref<256xf32, #tpu.memory_space<vmem>>, vector<16xf32>,
      %broadcast_in_dim3A_104 = arith.constant 0.000000e+00 : f32
      %broadcast_in_dim3A_105 = vector.broadcast %broadcast_in_dim3A_104 : f32 to vector<16xf32>
      %swap3A_106 = arith.constant 192 : index
      %swap3A_107 = tpu.vector_load %arg12[%swap3A_106] {strides = array<i32>} : memref<256xf32, #tpu.memory_space<vmem>>, vector<16xf32>,
      tpu.vector_store %arg12[%swap3A_106], %broadcast_in_dim3A_105 {strides = array<i32>} : memref<256xf32, #tpu.memory_space<vmem>>, vector<16xf32>,
      %broadcast_in_dim3A_108 = arith.constant 0.000000e+00 : f32
      %broadcast_in_dim3A_109 = vector.broadcast %broadcast_in_dim3A_108 : f32 to vector<16xf32>
      %swap3A_110 = arith.constant 208 : index
      %swap3A_111 = tpu.vector_load %arg12[%swap3A_110] {strides = array<i32>} : memref<256xf32, #tpu.memory_space<vmem>>, vector<16xf32>,
      tpu.vector_store %arg12[%swap3A_110], %broadcast_in_dim3A_109 {strides = array<i32>} : memref<256xf32, #tpu.memory_space<vmem>>, vector<16xf32>,
      %broadcast_in_dim3A_112 = arith.constant 0.000000e+00 : f32
      %broadcast_in_dim3A_113 = vector.broadcast %broadcast_in_dim3A_112 : f32 to vector<16xf32>
      %swap3A_114 = arith.constant 224 : index
      %swap3A_115 = tpu.vector_load %arg12[%swap3A_114] {strides = array<i32>} : memref<256xf32, #tpu.memory_space<vmem>>, vector<16xf32>,
      tpu.vector_store %arg12[%swap3A_114], %broadcast_in_dim3A_113 {strides = array<i32>} : memref<256xf32, #tpu.memory_space<vmem>>, vector<16xf32>,
      %broadcast_in_dim3A_116 = arith.constant 0.000000e+00 : f32
      %broadcast_in_dim3A_117 = vector.broadcast %broadcast_in_dim3A_116 : f32 to vector<16xf32>
      %swap3A_118 = arith.constant 240 : index
      %swap3A_119 = tpu.vector_load %arg12[%swap3A_118] {strides = array<i32>} : memref<256xf32, #tpu.memory_space<vmem>>, vector<16xf32>,
      tpu.vector_store %arg12[%swap3A_118], %broadcast_in_dim3A_117 {strides = array<i32>} : memref<256xf32, #tpu.memory_space<vmem>>, vector<16xf32>,
      %dma_start3A_120 = tpu.memref_slice %arg22[%mul3A_2] : memref<4096xf32, #tpu.memory_space<vmem_shared>> -> memref<256xf32, #tpu.memory_space<vmem_shared>>
      %dma_start3A_121 = tpu.memref_slice %arg22[%mul3A_2] : memref<4096xf32, #tpu.memory_space<vmem_shared>> -> memref<256xf32, #tpu.memory_space<vmem_shared>>
      tpu.enqueue_dma source(%arg12 : memref<256xf32, #tpu.memory_space<vmem>>) target(%dma_start3A_121 : memref<256xf32, #tpu.memory_space<vmem_shared>>) target_semaphore(%arg27 : memref<!tpu.dma_semaphore, #tpu.memory_space<semaphore_mem>>)
      %dma_start3A_122 = tpu.memref_slice %arg23[%mul3A_2] : memref<4096xf32, #tpu.memory_space<vmem_shared>> -> memref<256xf32, #tpu.memory_space<vmem_shared>>
      %dma_start3A_123 = tpu.memref_slice %arg23[%mul3A_2] : memref<4096xf32, #tpu.memory_space<vmem_shared>> -> memref<256xf32, #tpu.memory_space<vmem_shared>>
      tpu.enqueue_dma source(%arg12 : memref<256xf32, #tpu.memory_space<vmem>>) target(%dma_start3A_123 : memref<256xf32, #tpu.memory_space<vmem_shared>>) target_semaphore(%arg27 : memref<!tpu.dma_semaphore, #tpu.memory_space<semaphore_mem>>)
      %dma_wait3A = tpu.memref_slice %arg22[%mul3A_2] : memref<4096xf32, #tpu.memory_space<vmem_shared>> -> memref<256xf32, #tpu.memory_space<vmem_shared>>
      %dma_wait3A_124 = tpu.memref_slice %arg22[%mul3A_2] : memref<4096xf32, #tpu.memory_space<vmem_shared>> -> memref<256xf32, #tpu.memory_space<vmem_shared>>
      tpu.wait_dma2 semaphore(%arg27 : memref<!tpu.dma_semaphore, #tpu.memory_space<semaphore_mem>>) src(%arg12 : memref<256xf32, #tpu.memory_space<vmem>>) dst(%dma_wait3A_124 : memref<256xf32, #tpu.memory_space<vmem_shared>>)
      %dma_wait3A_125 = tpu.memref_slice %arg23[%mul3A_2] : memref<4096xf32, #tpu.memory_space<vmem_shared>> -> memref<256xf32, #tpu.memory_space<vmem_shared>>
      %dma_wait3A_126 = tpu.memref_slice %arg23[%mul3A_2] : memref<4096xf32, #tpu.memory_space<vmem_shared>> -> memref<256xf32, #tpu.memory_space<vmem_shared>>
      tpu.wait_dma2 semaphore(%arg27 : memref<!tpu.dma_semaphore, #tpu.memory_space<semaphore_mem>>) src(%arg12 : memref<256xf32, #tpu.memory_space<vmem>>) dst(%dma_wait3A_126 : memref<256xf32, #tpu.memory_space<vmem_shared>>)
      %dma_wait3A_127 = arith.constant 0 : i32
      %dma_wait3A_128 = tpu.memref_slice %arg3[%mul3A_4, %dma_wait3A_127] : memref<128x128xi32, #tpu.memory_space<hbm>> -> memref<8x128xi32, #tpu.memory_space<hbm>>
      %dma_wait3A_129 = arith.constant 0 : i32
      %dma_wait3A_130 = tpu.memref_slice %arg3[%mul3A_4, %dma_wait3A_129] : memref<128x128xi32, #tpu.memory_space<hbm>> -> memref<8x128xi32, #tpu.memory_space<hbm>>
      tpu.wait_dma2 semaphore(%arg26 : memref<!tpu.dma_semaphore, #tpu.memory_space<semaphore_mem>>) src(%dma_wait3A_130 : memref<8x128xi32, #tpu.memory_space<hbm>>) dst(%arg9 : memref<8x128xi32, #tpu.memory_space<vmem>>)
      %dma_wait3A_131 = arith.constant 0 : i32
      %dma_wait3A_132 = tpu.memref_slice %arg2[%mul3A_4, %dma_wait3A_131] : memref<128x128xf32, #tpu.memory_space<hbm>> -> memref<8x128xf32, #tpu.memory_space<hbm>>
      %dma_wait3A_133 = arith.constant 0 : i32
      %dma_wait3A_134 = tpu.memref_slice %arg2[%mul3A_4, %dma_wait3A_133] : memref<128x128xf32, #tpu.memory_space<hbm>> -> memref<8x128xf32, #tpu.memory_space<hbm>>
      tpu.wait_dma2 semaphore(%arg26 : memref<!tpu.dma_semaphore, #tpu.memory_space<semaphore_mem>>) src(%dma_wait3A_134 : memref<8x128xf32, #tpu.memory_space<hbm>>) dst(%arg10 : memref<8x128xf32, #tpu.memory_space<vmem>>)
      %barrier3A = arith.constant 0 : index
      tpu.barrier barrier_id(%barrier3A)
      %dma_start3A_135 = arith.constant 0 : i32
      %dma_start3A_136 = arith.constant 0 : i32
      %dma_start3A_137 = arith.constant 0 : i32
      %dma_start3A_138 = tpu.memref_slice %arg10[%dma_start3A_135, %dma_start3A_137] : memref<8x128xf32, #tpu.memory_space<vmem>> -> memref<1x128xf32, #tpu.memory_space<vmem>>
      %dma_start3A_139 = tpu.memref_squeeze %dma_start3A_138 : memref<1x128xf32, #tpu.memory_space<vmem>> -> memref<128xf32, #tpu.memory_space<vmem>>
      %dma_start3A_140 = arith.constant 0 : i32
      %dma_start3A_141 = tpu.memref_slice %arg9[%dma_start3A_136, %dma_start3A_140] : memref<8x128xi32, #tpu.memory_space<vmem>> -> memref<1x128xi32, #tpu.memory_space<vmem>>
      %dma_start3A_142 = tpu.memref_squeeze %dma_start3A_141 : memref<1x128xi32, #tpu.memory_space<vmem>> -> memref<128xi32, #tpu.memory_space<vmem>>
      %dma_start3A_143 = arith.constant 0 : i32
      %dma_start3A_144 = tpu.memref_slice %arg22[%dma_start3A_143] : memref<4096xf32, #tpu.memory_space<vmem_shared>> -> memref<4096xf32, #tpu.memory_space<vmem_shared>>
      tpu.enqueue_indirect_dma source(%dma_start3A_139 : memref<128xf32, #tpu.memory_space<vmem>>) target(%dma_start3A_144 : memref<4096xf32, #tpu.memory_space<vmem_shared>>) offsets(%dma_start3A_142 : memref<128xi32, #tpu.memory_space<vmem>>) semaphore(%arg27 : memref<!tpu.dma_semaphore, #tpu.memory_space<semaphore_mem>>) {add = true}
      %dma_start3A_145 = arith.constant 0 : i32
      %dma_start3A_146 = arith.constant 0 : i32
      %dma_start3A_147 = tpu.memref_slice %arg9[%dma_start3A_145, %dma_start3A_146] : memref<8x128xi32, #tpu.memory_space<vmem>> -> memref<1x128xi32, #tpu.memory_space<vmem>>
      %dma_start3A_148 = tpu.memref_squeeze %dma_start3A_147 : memref<1x128xi32, #tpu.memory_space<vmem>> -> memref<128xi32, #tpu.memory_space<vmem>>
      %dma_start3A_149 = arith.constant 0 : i32
      %dma_start3A_150 = tpu.memref_slice %arg23[%dma_start3A_149] : memref<4096xf32, #tpu.memory_space<vmem_shared>> -> memref<4096xf32, #tpu.memory_space<vmem_shared>>
      tpu.enqueue_indirect_dma source(%arg11 : memref<128xf32, #tpu.memory_space<vmem>>) target(%dma_start3A_150 : memref<4096xf32, #tpu.memory_space<vmem_shared>>) offsets(%dma_start3A_148 : memref<128xi32, #tpu.memory_space<vmem>>) semaphore(%arg27 : memref<!tpu.dma_semaphore, #tpu.memory_space<semaphore_mem>>) {add = true}
      %dma_start3A_151 = arith.constant 1 : i32
      %dma_start3A_152 = arith.constant 1 : i32
      %dma_start3A_153 = arith.constant 0 : i32
      %dma_start3A_154 = tpu.memref_slice %arg10[%dma_start3A_151, %dma_start3A_153] : memref<8x128xf32, #tpu.memory_space<vmem>> -> memref<1x128xf32, #tpu.memory_space<vmem>>
      %dma_start3A_155 = tpu.memref_squeeze %dma_start3A_154 : memref<1x128xf32, #tpu.memory_space<vmem>> -> memref<128xf32, #tpu.memory_space<vmem>>
      %dma_start3A_156 = arith.constant 0 : i32
      %dma_start3A_157 = tpu.memref_slice %arg9[%dma_start3A_152, %dma_start3A_156] : memref<8x128xi32, #tpu.memory_space<vmem>> -> memref<1x128xi32, #tpu.memory_space<vmem>>
      %dma_start3A_158 = tpu.memref_squeeze %dma_start3A_157 : memref<1x128xi32, #tpu.memory_space<vmem>> -> memref<128xi32, #tpu.memory_space<vmem>>
      %dma_start3A_159 = arith.constant 0 : i32
      %dma_start3A_160 = tpu.memref_slice %arg22[%dma_start3A_159] : memref<4096xf32, #tpu.memory_space<vmem_shared>> -> memref<4096xf32, #tpu.memory_space<vmem_shared>>
      tpu.enqueue_indirect_dma source(%dma_start3A_155 : memref<128xf32, #tpu.memory_space<vmem>>) target(%dma_start3A_160 : memref<4096xf32, #tpu.memory_space<vmem_shared>>) offsets(%dma_start3A_158 : memref<128xi32, #tpu.memory_space<vmem>>) semaphore(%arg27 : memref<!tpu.dma_semaphore, #tpu.memory_space<semaphore_mem>>) {add = true}
      %dma_start3A_161 = arith.constant 1 : i32
      %dma_start3A_162 = arith.constant 0 : i32
      %dma_start3A_163 = tpu.memref_slice %arg9[%dma_start3A_161, %dma_start3A_162] : memref<8x128xi32, #tpu.memory_space<vmem>> -> memref<1x128xi32, #tpu.memory_space<vmem>>
      %dma_start3A_164 = tpu.memref_squeeze %dma_start3A_163 : memref<1x128xi32, #tpu.memory_space<vmem>> -> memref<128xi32, #tpu.memory_space<vmem>>
      %dma_start3A_165 = arith.constant 0 : i32
      %dma_start3A_166 = tpu.memref_slice %arg23[%dma_start3A_165] : memref<4096xf32, #tpu.memory_space<vmem_shared>> -> memref<4096xf32, #tpu.memory_space<vmem_shared>>
      tpu.enqueue_indirect_dma source(%arg11 : memref<128xf32, #tpu.memory_space<vmem>>) target(%dma_start3A_166 : memref<4096xf32, #tpu.memory_space<vmem_shared>>) offsets(%dma_start3A_164 : memref<128xi32, #tpu.memory_space<vmem>>) semaphore(%arg27 : memref<!tpu.dma_semaphore, #tpu.memory_space<semaphore_mem>>) {add = true}
      %dma_start3A_167 = arith.constant 2 : i32
      %dma_start3A_168 = arith.constant 2 : i32
      %dma_start3A_169 = arith.constant 0 : i32
      %dma_start3A_170 = tpu.memref_slice %arg10[%dma_start3A_167, %dma_start3A_169] : memref<8x128xf32, #tpu.memory_space<vmem>> -> memref<1x128xf32, #tpu.memory_space<vmem>>
      %dma_start3A_171 = tpu.memref_squeeze %dma_start3A_170 : memref<1x128xf32, #tpu.memory_space<vmem>> -> memref<128xf32, #tpu.memory_space<vmem>>
      %dma_start3A_172 = arith.constant 0 : i32
      %dma_start3A_173 = tpu.memref_slice %arg9[%dma_start3A_168, %dma_start3A_172] : memref<8x128xi32, #tpu.memory_space<vmem>> -> memref<1x128xi32, #tpu.memory_space<vmem>>
      %dma_start3A_174 = tpu.memref_squeeze %dma_start3A_173 : memref<1x128xi32, #tpu.memory_space<vmem>> -> memref<128xi32, #tpu.memory_space<vmem>>
      %dma_start3A_175 = arith.constant 0 : i32
      %dma_start3A_176 = tpu.memref_slice %arg22[%dma_start3A_175] : memref<4096xf32, #tpu.memory_space<vmem_shared>> -> memref<4096xf32, #tpu.memory_space<vmem_shared>>
      tpu.enqueue_indirect_dma source(%dma_start3A_171 : memref<128xf32, #tpu.memory_space<vmem>>) target(%dma_start3A_176 : memref<4096xf32, #tpu.memory_space<vmem_shared>>) offsets(%dma_start3A_174 : memref<128xi32, #tpu.memory_space<vmem>>) semaphore(%arg27 : memref<!tpu.dma_semaphore, #tpu.memory_space<semaphore_mem>>) {add = true}
      %dma_start3A_177 = arith.constant 2 : i32
      %dma_start3A_178 = arith.constant 0 : i32
      %dma_start3A_179 = tpu.memref_slice %arg9[%dma_start3A_177, %dma_start3A_178] : memref<8x128xi32, #tpu.memory_space<vmem>> -> memref<1x128xi32, #tpu.memory_space<vmem>>
      %dma_start3A_180 = tpu.memref_squeeze %dma_start3A_179 : memref<1x128xi32, #tpu.memory_space<vmem>> -> memref<128xi32, #tpu.memory_space<vmem>>
      %dma_start3A_181 = arith.constant 0 : i32
      %dma_start3A_182 = tpu.memref_slice %arg23[%dma_start3A_181] : memref<4096xf32, #tpu.memory_space<vmem_shared>> -> memref<4096xf32, #tpu.memory_space<vmem_shared>>
      tpu.enqueue_indirect_dma source(%arg11 : memref<128xf32, #tpu.memory_space<vmem>>) target(%dma_start3A_182 : memref<4096xf32, #tpu.memory_space<vmem_shared>>) offsets(%dma_start3A_180 : memref<128xi32, #tpu.memory_space<vmem>>) semaphore(%arg27 : memref<!tpu.dma_semaphore, #tpu.memory_space<semaphore_mem>>) {add = true}
      %dma_start3A_183 = arith.constant 3 : i32
      %dma_start3A_184 = arith.constant 3 : i32
      %dma_start3A_185 = arith.constant 0 : i32
      %dma_start3A_186 = tpu.memref_slice %arg10[%dma_start3A_183, %dma_start3A_185] : memref<8x128xf32, #tpu.memory_space<vmem>> -> memref<1x128xf32, #tpu.memory_space<vmem>>
      %dma_start3A_187 = tpu.memref_squeeze %dma_start3A_186 : memref<1x128xf32, #tpu.memory_space<vmem>> -> memref<128xf32, #tpu.memory_space<vmem>>
      %dma_start3A_188 = arith.constant 0 : i32
      %dma_start3A_189 = tpu.memref_slice %arg9[%dma_start3A_184, %dma_start3A_188] : memref<8x128xi32, #tpu.memory_space<vmem>> -> memref<1x128xi32, #tpu.memory_space<vmem>>
      %dma_start3A_190 = tpu.memref_squeeze %dma_start3A_189 : memref<1x128xi32, #tpu.memory_space<vmem>> -> memref<128xi32, #tpu.memory_space<vmem>>
      %dma_start3A_191 = arith.constant 0 : i32
      %dma_start3A_192 = tpu.memref_slice %arg22[%dma_start3A_191] : memref<4096xf32, #tpu.memory_space<vmem_shared>> -> memref<4096xf32, #tpu.memory_space<vmem_shared>>
      tpu.enqueue_indirect_dma source(%dma_start3A_187 : memref<128xf32, #tpu.memory_space<vmem>>) target(%dma_start3A_192 : memref<4096xf32, #tpu.memory_space<vmem_shared>>) offsets(%dma_start3A_190 : memref<128xi32, #tpu.memory_space<vmem>>) semaphore(%arg27 : memref<!tpu.dma_semaphore, #tpu.memory_space<semaphore_mem>>) {add = true}
      %dma_start3A_193 = arith.constant 3 : i32
      %dma_start3A_194 = arith.constant 0 : i32
      %dma_start3A_195 = tpu.memref_slice %arg9[%dma_start3A_193, %dma_start3A_194] : memref<8x128xi32, #tpu.memory_space<vmem>> -> memref<1x128xi32, #tpu.memory_space<vmem>>
      %dma_start3A_196 = tpu.memref_squeeze %dma_start3A_195 : memref<1x128xi32, #tpu.memory_space<vmem>> -> memref<128xi32, #tpu.memory_space<vmem>>
      %dma_start3A_197 = arith.constant 0 : i32
      %dma_start3A_198 = tpu.memref_slice %arg23[%dma_start3A_197] : memref<4096xf32, #tpu.memory_space<vmem_shared>> -> memref<4096xf32, #tpu.memory_space<vmem_shared>>
      tpu.enqueue_indirect_dma source(%arg11 : memref<128xf32, #tpu.memory_space<vmem>>) target(%dma_start3A_198 : memref<4096xf32, #tpu.memory_space<vmem_shared>>) offsets(%dma_start3A_196 : memref<128xi32, #tpu.memory_space<vmem>>) semaphore(%arg27 : memref<!tpu.dma_semaphore, #tpu.memory_space<semaphore_mem>>) {add = true}
      %dma_start3A_199 = arith.constant 4 : i32
      %dma_start3A_200 = arith.constant 4 : i32
      %dma_start3A_201 = arith.constant 0 : i32
      %dma_start3A_202 = tpu.memref_slice %arg10[%dma_start3A_199, %dma_start3A_201] : memref<8x128xf32, #tpu.memory_space<vmem>> -> memref<1x128xf32, #tpu.memory_space<vmem>>
      %dma_start3A_203 = tpu.memref_squeeze %dma_start3A_202 : memref<1x128xf32, #tpu.memory_space<vmem>> -> memref<128xf32, #tpu.memory_space<vmem>>
      %dma_start3A_204 = arith.constant 0 : i32
      %dma_start3A_205 = tpu.memref_slice %arg9[%dma_start3A_200, %dma_start3A_204] : memref<8x128xi32, #tpu.memory_space<vmem>> -> memref<1x128xi32, #tpu.memory_space<vmem>>
      %dma_start3A_206 = tpu.memref_squeeze %dma_start3A_205 : memref<1x128xi32, #tpu.memory_space<vmem>> -> memref<128xi32, #tpu.memory_space<vmem>>
      %dma_start3A_207 = arith.constant 0 : i32
      %dma_start3A_208 = tpu.memref_slice %arg22[%dma_start3A_207] : memref<4096xf32, #tpu.memory_space<vmem_shared>> -> memref<4096xf32, #tpu.memory_space<vmem_shared>>
      tpu.enqueue_indirect_dma source(%dma_start3A_203 : memref<128xf32, #tpu.memory_space<vmem>>) target(%dma_start3A_208 : memref<4096xf32, #tpu.memory_space<vmem_shared>>) offsets(%dma_start3A_206 : memref<128xi32, #tpu.memory_space<vmem>>) semaphore(%arg27 : memref<!tpu.dma_semaphore, #tpu.memory_space<semaphore_mem>>) {add = true}
      %dma_start3A_209 = arith.constant 4 : i32
      %dma_start3A_210 = arith.constant 0 : i32
      %dma_start3A_211 = tpu.memref_slice %arg9[%dma_start3A_209, %dma_start3A_210] : memref<8x128xi32, #tpu.memory_space<vmem>> -> memref<1x128xi32, #tpu.memory_space<vmem>>
      %dma_start3A_212 = tpu.memref_squeeze %dma_start3A_211 : memref<1x128xi32, #tpu.memory_space<vmem>> -> memref<128xi32, #tpu.memory_space<vmem>>
      %dma_start3A_213 = arith.constant 0 : i32
      %dma_start3A_214 = tpu.memref_slice %arg23[%dma_start3A_213] : memref<4096xf32, #tpu.memory_space<vmem_shared>> -> memref<4096xf32, #tpu.memory_space<vmem_shared>>
      tpu.enqueue_indirect_dma source(%arg11 : memref<128xf32, #tpu.memory_space<vmem>>) target(%dma_start3A_214 : memref<4096xf32, #tpu.memory_space<vmem_shared>>) offsets(%dma_start3A_212 : memref<128xi32, #tpu.memory_space<vmem>>) semaphore(%arg27 : memref<!tpu.dma_semaphore, #tpu.memory_space<semaphore_mem>>) {add = true}
      %dma_start3A_215 = arith.constant 5 : i32
      %dma_start3A_216 = arith.constant 5 : i32
      %dma_start3A_217 = arith.constant 0 : i32
      %dma_start3A_218 = tpu.memref_slice %arg10[%dma_start3A_215, %dma_start3A_217] : memref<8x128xf32, #tpu.memory_space<vmem>> -> memref<1x128xf32, #tpu.memory_space<vmem>>
      %dma_start3A_219 = tpu.memref_squeeze %dma_start3A_218 : memref<1x128xf32, #tpu.memory_space<vmem>> -> memref<128xf32, #tpu.memory_space<vmem>>
      %dma_start3A_220 = arith.constant 0 : i32
      %dma_start3A_221 = tpu.memref_slice %arg9[%dma_start3A_216, %dma_start3A_220] : memref<8x128xi32, #tpu.memory_space<vmem>> -> memref<1x128xi32, #tpu.memory_space<vmem>>
      %dma_start3A_222 = tpu.memref_squeeze %dma_start3A_221 : memref<1x128xi32, #tpu.memory_space<vmem>> -> memref<128xi32, #tpu.memory_space<vmem>>
      %dma_start3A_223 = arith.constant 0 : i32
      %dma_start3A_224 = tpu.memref_slice %arg22[%dma_start3A_223] : memref<4096xf32, #tpu.memory_space<vmem_shared>> -> memref<4096xf32, #tpu.memory_space<vmem_shared>>
      tpu.enqueue_indirect_dma source(%dma_start3A_219 : memref<128xf32, #tpu.memory_space<vmem>>) target(%dma_start3A_224 : memref<4096xf32, #tpu.memory_space<vmem_shared>>) offsets(%dma_start3A_222 : memref<128xi32, #tpu.memory_space<vmem>>) semaphore(%arg27 : memref<!tpu.dma_semaphore, #tpu.memory_space<semaphore_mem>>) {add = true}
      %dma_start3A_225 = arith.constant 5 : i32
      %dma_start3A_226 = arith.constant 0 : i32
      %dma_start3A_227 = tpu.memref_slice %arg9[%dma_start3A_225, %dma_start3A_226] : memref<8x128xi32, #tpu.memory_space<vmem>> -> memref<1x128xi32, #tpu.memory_space<vmem>>
      %dma_start3A_228 = tpu.memref_squeeze %dma_start3A_227 : memref<1x128xi32, #tpu.memory_space<vmem>> -> memref<128xi32, #tpu.memory_space<vmem>>
      %dma_start3A_229 = arith.constant 0 : i32
      %dma_start3A_230 = tpu.memref_slice %arg23[%dma_start3A_229] : memref<4096xf32, #tpu.memory_space<vmem_shared>> -> memref<4096xf32, #tpu.memory_space<vmem_shared>>
      tpu.enqueue_indirect_dma source(%arg11 : memref<128xf32, #tpu.memory_space<vmem>>) target(%dma_start3A_230 : memref<4096xf32, #tpu.memory_space<vmem_shared>>) offsets(%dma_start3A_228 : memref<128xi32, #tpu.memory_space<vmem>>) semaphore(%arg27 : memref<!tpu.dma_semaphore, #tpu.memory_space<semaphore_mem>>) {add = true}
      %dma_start3A_231 = arith.constant 6 : i32
      %dma_start3A_232 = arith.constant 6 : i32
      %dma_start3A_233 = arith.constant 0 : i32
      %dma_start3A_234 = tpu.memref_slice %arg10[%dma_start3A_231, %dma_start3A_233] : memref<8x128xf32, #tpu.memory_space<vmem>> -> memref<1x128xf32, #tpu.memory_space<vmem>>
      %dma_start3A_235 = tpu.memref_squeeze %dma_start3A_234 : memref<1x128xf32, #tpu.memory_space<vmem>> -> memref<128xf32, #tpu.memory_space<vmem>>
      %dma_start3A_236 = arith.constant 0 : i32
      %dma_start3A_237 = tpu.memref_slice %arg9[%dma_start3A_232, %dma_start3A_236] : memref<8x128xi32, #tpu.memory_space<vmem>> -> memref<1x128xi32, #tpu.memory_space<vmem>>
      %dma_start3A_238 = tpu.memref_squeeze %dma_start3A_237 : memref<1x128xi32, #tpu.memory_space<vmem>> -> memref<128xi32, #tpu.memory_space<vmem>>
      %dma_start3A_239 = arith.constant 0 : i32
      %dma_start3A_240 = tpu.memref_slice %arg22[%dma_start3A_239] : memref<4096xf32, #tpu.memory_space<vmem_shared>> -> memref<4096xf32, #tpu.memory_space<vmem_shared>>
      tpu.enqueue_indirect_dma source(%dma_start3A_235 : memref<128xf32, #tpu.memory_space<vmem>>) target(%dma_start3A_240 : memref<4096xf32, #tpu.memory_space<vmem_shared>>) offsets(%dma_start3A_238 : memref<128xi32, #tpu.memory_space<vmem>>) semaphore(%arg27 : memref<!tpu.dma_semaphore, #tpu.memory_space<semaphore_mem>>) {add = true}
      %dma_start3A_241 = arith.constant 6 : i32
      %dma_start3A_242 = arith.constant 0 : i32
      %dma_start3A_243 = tpu.memref_slice %arg9[%dma_start3A_241, %dma_start3A_242] : memref<8x128xi32, #tpu.memory_space<vmem>> -> memref<1x128xi32, #tpu.memory_space<vmem>>
      %dma_start3A_244 = tpu.memref_squeeze %dma_start3A_243 : memref<1x128xi32, #tpu.memory_space<vmem>> -> memref<128xi32, #tpu.memory_space<vmem>>
      %dma_start3A_245 = arith.constant 0 : i32
      %dma_start3A_246 = tpu.memref_slice %arg23[%dma_start3A_245] : memref<4096xf32, #tpu.memory_space<vmem_shared>> -> memref<4096xf32, #tpu.memory_space<vmem_shared>>
      tpu.enqueue_indirect_dma source(%arg11 : memref<128xf32, #tpu.memory_space<vmem>>) target(%dma_start3A_246 : memref<4096xf32, #tpu.memory_space<vmem_shared>>) offsets(%dma_start3A_244 : memref<128xi32, #tpu.memory_space<vmem>>) semaphore(%arg27 : memref<!tpu.dma_semaphore, #tpu.memory_space<semaphore_mem>>) {add = true}
      %dma_start3A_247 = arith.constant 7 : i32
      %dma_start3A_248 = arith.constant 7 : i32
      %dma_start3A_249 = arith.constant 0 : i32
      %dma_start3A_250 = tpu.memref_slice %arg10[%dma_start3A_247, %dma_start3A_249] : memref<8x128xf32, #tpu.memory_space<vmem>> -> memref<1x128xf32, #tpu.memory_space<vmem>>
      %dma_start3A_251 = tpu.memref_squeeze %dma_start3A_250 : memref<1x128xf32, #tpu.memory_space<vmem>> -> memref<128xf32, #tpu.memory_space<vmem>>
      %dma_start3A_252 = arith.constant 0 : i32
      %dma_start3A_253 = tpu.memref_slice %arg9[%dma_start3A_248, %dma_start3A_252] : memref<8x128xi32, #tpu.memory_space<vmem>> -> memref<1x128xi32, #tpu.memory_space<vmem>>
      %dma_start3A_254 = tpu.memref_squeeze %dma_start3A_253 : memref<1x128xi32, #tpu.memory_space<vmem>> -> memref<128xi32, #tpu.memory_space<vmem>>
      %dma_start3A_255 = arith.constant 0 : i32
      %dma_start3A_256 = tpu.memref_slice %arg22[%dma_start3A_255] : memref<4096xf32, #tpu.memory_space<vmem_shared>> -> memref<4096xf32, #tpu.memory_space<vmem_shared>>
      tpu.enqueue_indirect_dma source(%dma_start3A_251 : memref<128xf32, #tpu.memory_space<vmem>>) target(%dma_start3A_256 : memref<4096xf32, #tpu.memory_space<vmem_shared>>) offsets(%dma_start3A_254 : memref<128xi32, #tpu.memory_space<vmem>>) semaphore(%arg27 : memref<!tpu.dma_semaphore, #tpu.memory_space<semaphore_mem>>) {add = true}
      %dma_start3A_257 = arith.constant 7 : i32
      %dma_start3A_258 = arith.constant 0 : i32
      %dma_start3A_259 = tpu.memref_slice %arg9[%dma_start3A_257, %dma_start3A_258] : memref<8x128xi32, #tpu.memory_space<vmem>> -> memref<1x128xi32, #tpu.memory_space<vmem>>
      %dma_start3A_260 = tpu.memref_squeeze %dma_start3A_259 : memref<1x128xi32, #tpu.memory_space<vmem>> -> memref<128xi32, #tpu.memory_space<vmem>>
      %dma_start3A_261 = arith.constant 0 : i32
      %dma_start3A_262 = tpu.memref_slice %arg23[%dma_start3A_261] : memref<4096xf32, #tpu.memory_space<vmem_shared>> -> memref<4096xf32, #tpu.memory_space<vmem_shared>>
      tpu.enqueue_indirect_dma source(%arg11 : memref<128xf32, #tpu.memory_space<vmem>>) target(%dma_start3A_262 : memref<4096xf32, #tpu.memory_space<vmem_shared>>) offsets(%dma_start3A_260 : memref<128xi32, #tpu.memory_space<vmem>>) semaphore(%arg27 : memref<!tpu.dma_semaphore, #tpu.memory_space<semaphore_mem>>) {add = true}
      %dma_wait3A_263 = arith.constant 0 : i32
      %dma_wait3A_264 = arith.constant 0 : i32
      %dma_wait3A_265 = arith.constant 0 : i32
      %dma_wait3A_266 = tpu.memref_slice %arg10[%dma_wait3A_263, %dma_wait3A_265] : memref<8x128xf32, #tpu.memory_space<vmem>> -> memref<1x128xf32, #tpu.memory_space<vmem>>
      %dma_wait3A_267 = tpu.memref_squeeze %dma_wait3A_266 : memref<1x128xf32, #tpu.memory_space<vmem>> -> memref<128xf32, #tpu.memory_space<vmem>>
      %dma_wait3A_268 = arith.constant 0 : i32
      %dma_wait3A_269 = tpu.memref_slice %arg9[%dma_wait3A_264, %dma_wait3A_268] : memref<8x128xi32, #tpu.memory_space<vmem>> -> memref<1x128xi32, #tpu.memory_space<vmem>>
      %dma_wait3A_270 = tpu.memref_squeeze %dma_wait3A_269 : memref<1x128xi32, #tpu.memory_space<vmem>> -> memref<128xi32, #tpu.memory_space<vmem>>
      %dma_wait3A_271 = arith.constant 0 : i32
      %dma_wait3A_272 = tpu.memref_slice %arg22[%dma_wait3A_271] : memref<4096xf32, #tpu.memory_space<vmem_shared>> -> memref<4096xf32, #tpu.memory_space<vmem_shared>>
      tpu.wait_indirect_dma semaphore(%arg27 : memref<!tpu.dma_semaphore, #tpu.memory_space<semaphore_mem>>) src(%dma_wait3A_267 : memref<128xf32, #tpu.memory_space<vmem>>) dst(%dma_wait3A_272 : memref<4096xf32, #tpu.memory_space<vmem_shared>>)
      %dma_wait3A_273 = arith.constant 0 : i32
      %dma_wait3A_274 = arith.constant 0 : i32
      %dma_wait3A_275 = tpu.memref_slice %arg9[%dma_wait3A_273, %dma_wait3A_274] : memref<8x128xi32, #tpu.memory_space<vmem>> -> memref<1x128xi32, #tpu.memory_space<vmem>>
      %dma_wait3A_276 = tpu.memref_squeeze %dma_wait3A_275 : memref<1x128xi32, #tpu.memory_space<vmem>> -> memref<128xi32, #tpu.memory_space<vmem>>
      %dma_wait3A_277 = arith.constant 0 : i32
      %dma_wait3A_278 = tpu.memref_slice %arg23[%dma_wait3A_277] : memref<4096xf32, #tpu.memory_space<vmem_shared>> -> memref<4096xf32, #tpu.memory_space<vmem_shared>>
      tpu.wait_indirect_dma semaphore(%arg27 : memref<!tpu.dma_semaphore, #tpu.memory_space<semaphore_mem>>) src(%arg11 : memref<128xf32, #tpu.memory_space<vmem>>) dst(%dma_wait3A_278 : memref<4096xf32, #tpu.memory_space<vmem_shared>>)
      %dma_wait3A_279 = arith.constant 1 : i32
      %dma_wait3A_280 = arith.constant 1 : i32
      %dma_wait3A_281 = arith.constant 0 : i32
      %dma_wait3A_282 = tpu.memref_slice %arg10[%dma_wait3A_279, %dma_wait3A_281] : memref<8x128xf32, #tpu.memory_space<vmem>> -> memref<1x128xf32, #tpu.memory_space<vmem>>
      %dma_wait3A_283 = tpu.memref_squeeze %dma_wait3A_282 : memref<1x128xf32, #tpu.memory_space<vmem>> -> memref<128xf32, #tpu.memory_space<vmem>>
      %dma_wait3A_284 = arith.constant 0 : i32
      %dma_wait3A_285 = tpu.memref_slice %arg9[%dma_wait3A_280, %dma_wait3A_284] : memref<8x128xi32, #tpu.memory_space<vmem>> -> memref<1x128xi32, #tpu.memory_space<vmem>>
      %dma_wait3A_286 = tpu.memref_squeeze %dma_wait3A_285 : memref<1x128xi32, #tpu.memory_space<vmem>> -> memref<128xi32, #tpu.memory_space<vmem>>
      %dma_wait3A_287 = arith.constant 0 : i32
      %dma_wait3A_288 = tpu.memref_slice %arg22[%dma_wait3A_287] : memref<4096xf32, #tpu.memory_space<vmem_shared>> -> memref<4096xf32, #tpu.memory_space<vmem_shared>>
      tpu.wait_indirect_dma semaphore(%arg27 : memref<!tpu.dma_semaphore, #tpu.memory_space<semaphore_mem>>) src(%dma_wait3A_283 : memref<128xf32, #tpu.memory_space<vmem>>) dst(%dma_wait3A_288 : memref<4096xf32, #tpu.memory_space<vmem_shared>>)
      %dma_wait3A_289 = arith.constant 1 : i32
      %dma_wait3A_290 = arith.constant 0 : i32
      %dma_wait3A_291 = tpu.memref_slice %arg9[%dma_wait3A_289, %dma_wait3A_290] : memref<8x128xi32, #tpu.memory_space<vmem>> -> memref<1x128xi32, #tpu.memory_space<vmem>>
      %dma_wait3A_292 = tpu.memref_squeeze %dma_wait3A_291 : memref<1x128xi32, #tpu.memory_space<vmem>> -> memref<128xi32, #tpu.memory_space<vmem>>
      %dma_wait3A_293 = arith.constant 0 : i32
      %dma_wait3A_294 = tpu.memref_slice %arg23[%dma_wait3A_293] : memref<4096xf32, #tpu.memory_space<vmem_shared>> -> memref<4096xf32, #tpu.memory_space<vmem_shared>>
      tpu.wait_indirect_dma semaphore(%arg27 : memref<!tpu.dma_semaphore, #tpu.memory_space<semaphore_mem>>) src(%arg11 : memref<128xf32, #tpu.memory_space<vmem>>) dst(%dma_wait3A_294 : memref<4096xf32, #tpu.memory_space<vmem_shared>>)
      %dma_wait3A_295 = arith.constant 2 : i32
      %dma_wait3A_296 = arith.constant 2 : i32
      %dma_wait3A_297 = arith.constant 0 : i32
      %dma_wait3A_298 = tpu.memref_slice %arg10[%dma_wait3A_295, %dma_wait3A_297] : memref<8x128xf32, #tpu.memory_space<vmem>> -> memref<1x128xf32, #tpu.memory_space<vmem>>
      %dma_wait3A_299 = tpu.memref_squeeze %dma_wait3A_298 : memref<1x128xf32, #tpu.memory_space<vmem>> -> memref<128xf32, #tpu.memory_space<vmem>>
      %dma_wait3A_300 = arith.constant 0 : i32
      %dma_wait3A_301 = tpu.memref_slice %arg9[%dma_wait3A_296, %dma_wait3A_300] : memref<8x128xi32, #tpu.memory_space<vmem>> -> memref<1x128xi32, #tpu.memory_space<vmem>>
      %dma_wait3A_302 = tpu.memref_squeeze %dma_wait3A_301 : memref<1x128xi32, #tpu.memory_space<vmem>> -> memref<128xi32, #tpu.memory_space<vmem>>
      %dma_wait3A_303 = arith.constant 0 : i32
      %dma_wait3A_304 = tpu.memref_slice %arg22[%dma_wait3A_303] : memref<4096xf32, #tpu.memory_space<vmem_shared>> -> memref<4096xf32, #tpu.memory_space<vmem_shared>>
      tpu.wait_indirect_dma semaphore(%arg27 : memref<!tpu.dma_semaphore, #tpu.memory_space<semaphore_mem>>) src(%dma_wait3A_299 : memref<128xf32, #tpu.memory_space<vmem>>) dst(%dma_wait3A_304 : memref<4096xf32, #tpu.memory_space<vmem_shared>>)
      %dma_wait3A_305 = arith.constant 2 : i32
      %dma_wait3A_306 = arith.constant 0 : i32
      %dma_wait3A_307 = tpu.memref_slice %arg9[%dma_wait3A_305, %dma_wait3A_306] : memref<8x128xi32, #tpu.memory_space<vmem>> -> memref<1x128xi32, #tpu.memory_space<vmem>>
      %dma_wait3A_308 = tpu.memref_squeeze %dma_wait3A_307 : memref<1x128xi32, #tpu.memory_space<vmem>> -> memref<128xi32, #tpu.memory_space<vmem>>
      %dma_wait3A_309 = arith.constant 0 : i32
      %dma_wait3A_310 = tpu.memref_slice %arg23[%dma_wait3A_309] : memref<4096xf32, #tpu.memory_space<vmem_shared>> -> memref<4096xf32, #tpu.memory_space<vmem_shared>>
      tpu.wait_indirect_dma semaphore(%arg27 : memref<!tpu.dma_semaphore, #tpu.memory_space<semaphore_mem>>) src(%arg11 : memref<128xf32, #tpu.memory_space<vmem>>) dst(%dma_wait3A_310 : memref<4096xf32, #tpu.memory_space<vmem_shared>>)
      %dma_wait3A_311 = arith.constant 3 : i32
      %dma_wait3A_312 = arith.constant 3 : i32
      %dma_wait3A_313 = arith.constant 0 : i32
      %dma_wait3A_314 = tpu.memref_slice %arg10[%dma_wait3A_311, %dma_wait3A_313] : memref<8x128xf32, #tpu.memory_space<vmem>> -> memref<1x128xf32, #tpu.memory_space<vmem>>
      %dma_wait3A_315 = tpu.memref_squeeze %dma_wait3A_314 : memref<1x128xf32, #tpu.memory_space<vmem>> -> memref<128xf32, #tpu.memory_space<vmem>>
      %dma_wait3A_316 = arith.constant 0 : i32
      %dma_wait3A_317 = tpu.memref_slice %arg9[%dma_wait3A_312, %dma_wait3A_316] : memref<8x128xi32, #tpu.memory_space<vmem>> -> memref<1x128xi32, #tpu.memory_space<vmem>>
      %dma_wait3A_318 = tpu.memref_squeeze %dma_wait3A_317 : memref<1x128xi32, #tpu.memory_space<vmem>> -> memref<128xi32, #tpu.memory_space<vmem>>
      %dma_wait3A_319 = arith.constant 0 : i32
      %dma_wait3A_320 = tpu.memref_slice %arg22[%dma_wait3A_319] : memref<4096xf32, #tpu.memory_space<vmem_shared>> -> memref<4096xf32, #tpu.memory_space<vmem_shared>>
      tpu.wait_indirect_dma semaphore(%arg27 : memref<!tpu.dma_semaphore, #tpu.memory_space<semaphore_mem>>) src(%dma_wait3A_315 : memref<128xf32, #tpu.memory_space<vmem>>) dst(%dma_wait3A_320 : memref<4096xf32, #tpu.memory_space<vmem_shared>>)
      %dma_wait3A_321 = arith.constant 3 : i32
      %dma_wait3A_322 = arith.constant 0 : i32
      %dma_wait3A_323 = tpu.memref_slice %arg9[%dma_wait3A_321, %dma_wait3A_322] : memref<8x128xi32, #tpu.memory_space<vmem>> -> memref<1x128xi32, #tpu.memory_space<vmem>>
      %dma_wait3A_324 = tpu.memref_squeeze %dma_wait3A_323 : memref<1x128xi32, #tpu.memory_space<vmem>> -> memref<128xi32, #tpu.memory_space<vmem>>
      %dma_wait3A_325 = arith.constant 0 : i32
      %dma_wait3A_326 = tpu.memref_slice %arg23[%dma_wait3A_325] : memref<4096xf32, #tpu.memory_space<vmem_shared>> -> memref<4096xf32, #tpu.memory_space<vmem_shared>>
      tpu.wait_indirect_dma semaphore(%arg27 : memref<!tpu.dma_semaphore, #tpu.memory_space<semaphore_mem>>) src(%arg11 : memref<128xf32, #tpu.memory_space<vmem>>) dst(%dma_wait3A_326 : memref<4096xf32, #tpu.memory_space<vmem_shared>>)
      %dma_wait3A_327 = arith.constant 4 : i32
      %dma_wait3A_328 = arith.constant 4 : i32
      %dma_wait3A_329 = arith.constant 0 : i32
      %dma_wait3A_330 = tpu.memref_slice %arg10[%dma_wait3A_327, %dma_wait3A_329] : memref<8x128xf32, #tpu.memory_space<vmem>> -> memref<1x128xf32, #tpu.memory_space<vmem>>
      %dma_wait3A_331 = tpu.memref_squeeze %dma_wait3A_330 : memref<1x128xf32, #tpu.memory_space<vmem>> -> memref<128xf32, #tpu.memory_space<vmem>>
      %dma_wait3A_332 = arith.constant 0 : i32
      %dma_wait3A_333 = tpu.memref_slice %arg9[%dma_wait3A_328, %dma_wait3A_332] : memref<8x128xi32, #tpu.memory_space<vmem>> -> memref<1x128xi32, #tpu.memory_space<vmem>>
      %dma_wait3A_334 = tpu.memref_squeeze %dma_wait3A_333 : memref<1x128xi32, #tpu.memory_space<vmem>> -> memref<128xi32, #tpu.memory_space<vmem>>
      %dma_wait3A_335 = arith.constant 0 : i32
      %dma_wait3A_336 = tpu.memref_slice %arg22[%dma_wait3A_335] : memref<4096xf32, #tpu.memory_space<vmem_shared>> -> memref<4096xf32, #tpu.memory_space<vmem_shared>>
      tpu.wait_indirect_dma semaphore(%arg27 : memref<!tpu.dma_semaphore, #tpu.memory_space<semaphore_mem>>) src(%dma_wait3A_331 : memref<128xf32, #tpu.memory_space<vmem>>) dst(%dma_wait3A_336 : memref<4096xf32, #tpu.memory_space<vmem_shared>>)
      %dma_wait3A_337 = arith.constant 4 : i32
      %dma_wait3A_338 = arith.constant 0 : i32
      %dma_wait3A_339 = tpu.memref_slice %arg9[%dma_wait3A_337, %dma_wait3A_338] : memref<8x128xi32, #tpu.memory_space<vmem>> -> memref<1x128xi32, #tpu.memory_space<vmem>>
      %dma_wait3A_340 = tpu.memref_squeeze %dma_wait3A_339 : memref<1x128xi32, #tpu.memory_space<vmem>> -> memref<128xi32, #tpu.memory_space<vmem>>
      %dma_wait3A_341 = arith.constant 0 : i32
      %dma_wait3A_342 = tpu.memref_slice %arg23[%dma_wait3A_341] : memref<4096xf32, #tpu.memory_space<vmem_shared>> -> memref<4096xf32, #tpu.memory_space<vmem_shared>>
      tpu.wait_indirect_dma semaphore(%arg27 : memref<!tpu.dma_semaphore, #tpu.memory_space<semaphore_mem>>) src(%arg11 : memref<128xf32, #tpu.memory_space<vmem>>) dst(%dma_wait3A_342 : memref<4096xf32, #tpu.memory_space<vmem_shared>>)
      %dma_wait3A_343 = arith.constant 5 : i32
      %dma_wait3A_344 = arith.constant 5 : i32
      %dma_wait3A_345 = arith.constant 0 : i32
      %dma_wait3A_346 = tpu.memref_slice %arg10[%dma_wait3A_343, %dma_wait3A_345] : memref<8x128xf32, #tpu.memory_space<vmem>> -> memref<1x128xf32, #tpu.memory_space<vmem>>
      %dma_wait3A_347 = tpu.memref_squeeze %dma_wait3A_346 : memref<1x128xf32, #tpu.memory_space<vmem>> -> memref<128xf32, #tpu.memory_space<vmem>>
      %dma_wait3A_348 = arith.constant 0 : i32
      %dma_wait3A_349 = tpu.memref_slice %arg9[%dma_wait3A_344, %dma_wait3A_348] : memref<8x128xi32, #tpu.memory_space<vmem>> -> memref<1x128xi32, #tpu.memory_space<vmem>>
      %dma_wait3A_350 = tpu.memref_squeeze %dma_wait3A_349 : memref<1x128xi32, #tpu.memory_space<vmem>> -> memref<128xi32, #tpu.memory_space<vmem>>
      %dma_wait3A_351 = arith.constant 0 : i32
      %dma_wait3A_352 = tpu.memref_slice %arg22[%dma_wait3A_351] : memref<4096xf32, #tpu.memory_space<vmem_shared>> -> memref<4096xf32, #tpu.memory_space<vmem_shared>>
      tpu.wait_indirect_dma semaphore(%arg27 : memref<!tpu.dma_semaphore, #tpu.memory_space<semaphore_mem>>) src(%dma_wait3A_347 : memref<128xf32, #tpu.memory_space<vmem>>) dst(%dma_wait3A_352 : memref<4096xf32, #tpu.memory_space<vmem_shared>>)
      %dma_wait3A_353 = arith.constant 5 : i32
      %dma_wait3A_354 = arith.constant 0 : i32
      %dma_wait3A_355 = tpu.memref_slice %arg9[%dma_wait3A_353, %dma_wait3A_354] : memref<8x128xi32, #tpu.memory_space<vmem>> -> memref<1x128xi32, #tpu.memory_space<vmem>>
      %dma_wait3A_356 = tpu.memref_squeeze %dma_wait3A_355 : memref<1x128xi32, #tpu.memory_space<vmem>> -> memref<128xi32, #tpu.memory_space<vmem>>
      %dma_wait3A_357 = arith.constant 0 : i32
      %dma_wait3A_358 = tpu.memref_slice %arg23[%dma_wait3A_357] : memref<4096xf32, #tpu.memory_space<vmem_shared>> -> memref<4096xf32, #tpu.memory_space<vmem_shared>>
      tpu.wait_indirect_dma semaphore(%arg27 : memref<!tpu.dma_semaphore, #tpu.memory_space<semaphore_mem>>) src(%arg11 : memref<128xf32, #tpu.memory_space<vmem>>) dst(%dma_wait3A_358 : memref<4096xf32, #tpu.memory_space<vmem_shared>>)
      %dma_wait3A_359 = arith.constant 6 : i32
      %dma_wait3A_360 = arith.constant 6 : i32
      %dma_wait3A_361 = arith.constant 0 : i32
      %dma_wait3A_362 = tpu.memref_slice %arg10[%dma_wait3A_359, %dma_wait3A_361] : memref<8x128xf32, #tpu.memory_space<vmem>> -> memref<1x128xf32, #tpu.memory_space<vmem>>
      %dma_wait3A_363 = tpu.memref_squeeze %dma_wait3A_362 : memref<1x128xf32, #tpu.memory_space<vmem>> -> memref<128xf32, #tpu.memory_space<vmem>>
      %dma_wait3A_364 = arith.constant 0 : i32
      %dma_wait3A_365 = tpu.memref_slice %arg9[%dma_wait3A_360, %dma_wait3A_364] : memref<8x128xi32, #tpu.memory_space<vmem>> -> memref<1x128xi32, #tpu.memory_space<vmem>>
      %dma_wait3A_366 = tpu.memref_squeeze %dma_wait3A_365 : memref<1x128xi32, #tpu.memory_space<vmem>> -> memref<128xi32, #tpu.memory_space<vmem>>
      %dma_wait3A_367 = arith.constant 0 : i32
      %dma_wait3A_368 = tpu.memref_slice %arg22[%dma_wait3A_367] : memref<4096xf32, #tpu.memory_space<vmem_shared>> -> memref<4096xf32, #tpu.memory_space<vmem_shared>>
      tpu.wait_indirect_dma semaphore(%arg27 : memref<!tpu.dma_semaphore, #tpu.memory_space<semaphore_mem>>) src(%dma_wait3A_363 : memref<128xf32, #tpu.memory_space<vmem>>) dst(%dma_wait3A_368 : memref<4096xf32, #tpu.memory_space<vmem_shared>>)
      %dma_wait3A_369 = arith.constant 6 : i32
      %dma_wait3A_370 = arith.constant 0 : i32
      %dma_wait3A_371 = tpu.memref_slice %arg9[%dma_wait3A_369, %dma_wait3A_370] : memref<8x128xi32, #tpu.memory_space<vmem>> -> memref<1x128xi32, #tpu.memory_space<vmem>>
      %dma_wait3A_372 = tpu.memref_squeeze %dma_wait3A_371 : memref<1x128xi32, #tpu.memory_space<vmem>> -> memref<128xi32, #tpu.memory_space<vmem>>
      %dma_wait3A_373 = arith.constant 0 : i32
      %dma_wait3A_374 = tpu.memref_slice %arg23[%dma_wait3A_373] : memref<4096xf32, #tpu.memory_space<vmem_shared>> -> memref<4096xf32, #tpu.memory_space<vmem_shared>>
      tpu.wait_indirect_dma semaphore(%arg27 : memref<!tpu.dma_semaphore, #tpu.memory_space<semaphore_mem>>) src(%arg11 : memref<128xf32, #tpu.memory_space<vmem>>) dst(%dma_wait3A_374 : memref<4096xf32, #tpu.memory_space<vmem_shared>>)
      %dma_wait3A_375 = arith.constant 7 : i32
      %dma_wait3A_376 = arith.constant 7 : i32
      %dma_wait3A_377 = arith.constant 0 : i32
      %dma_wait3A_378 = tpu.memref_slice %arg10[%dma_wait3A_375, %dma_wait3A_377] : memref<8x128xf32, #tpu.memory_space<vmem>> -> memref<1x128xf32, #tpu.memory_space<vmem>>
      %dma_wait3A_379 = tpu.memref_squeeze %dma_wait3A_378 : memref<1x128xf32, #tpu.memory_space<vmem>> -> memref<128xf32, #tpu.memory_space<vmem>>
      %dma_wait3A_380 = arith.constant 0 : i32
      %dma_wait3A_381 = tpu.memref_slice %arg9[%dma_wait3A_376, %dma_wait3A_380] : memref<8x128xi32, #tpu.memory_space<vmem>> -> memref<1x128xi32, #tpu.memory_space<vmem>>
      %dma_wait3A_382 = tpu.memref_squeeze %dma_wait3A_381 : memref<1x128xi32, #tpu.memory_space<vmem>> -> memref<128xi32, #tpu.memory_space<vmem>>
      %dma_wait3A_383 = arith.constant 0 : i32
      %dma_wait3A_384 = tpu.memref_slice %arg22[%dma_wait3A_383] : memref<4096xf32, #tpu.memory_space<vmem_shared>> -> memref<4096xf32, #tpu.memory_space<vmem_shared>>
      tpu.wait_indirect_dma semaphore(%arg27 : memref<!tpu.dma_semaphore, #tpu.memory_space<semaphore_mem>>) src(%dma_wait3A_379 : memref<128xf32, #tpu.memory_space<vmem>>) dst(%dma_wait3A_384 : memref<4096xf32, #tpu.memory_space<vmem_shared>>)
      %dma_wait3A_385 = arith.constant 7 : i32
      %dma_wait3A_386 = arith.constant 0 : i32
      %dma_wait3A_387 = tpu.memref_slice %arg9[%dma_wait3A_385, %dma_wait3A_386] : memref<8x128xi32, #tpu.memory_space<vmem>> -> memref<1x128xi32, #tpu.memory_space<vmem>>
      %dma_wait3A_388 = tpu.memref_squeeze %dma_wait3A_387 : memref<1x128xi32, #tpu.memory_space<vmem>> -> memref<128xi32, #tpu.memory_space<vmem>>
      %dma_wait3A_389 = arith.constant 0 : i32
      %dma_wait3A_390 = tpu.memref_slice %arg23[%dma_wait3A_389] : memref<4096xf32, #tpu.memory_space<vmem_shared>> -> memref<4096xf32, #tpu.memory_space<vmem_shared>>
      tpu.wait_indirect_dma semaphore(%arg27 : memref<!tpu.dma_semaphore, #tpu.memory_space<semaphore_mem>>) src(%arg11 : memref<128xf32, #tpu.memory_space<vmem>>) dst(%dma_wait3A_390 : memref<4096xf32, #tpu.memory_space<vmem_shared>>)
      %barrier3A_391 = arith.constant 0 : index
      tpu.barrier barrier_id(%barrier3A_391)
      %dma_start3A_392 = tpu.memref_slice %arg22[%mul3A_2] : memref<4096xf32, #tpu.memory_space<vmem_shared>> -> memref<256xf32, #tpu.memory_space<vmem_shared>>
      %dma_start3A_393 = tpu.memref_slice %arg22[%mul3A_2] : memref<4096xf32, #tpu.memory_space<vmem_shared>> -> memref<256xf32, #tpu.memory_space<vmem_shared>>
      tpu.enqueue_dma source(%dma_start3A_393 : memref<256xf32, #tpu.memory_space<vmem_shared>>) target(%arg12 : memref<256xf32, #tpu.memory_space<vmem>>) target_semaphore(%arg27 : memref<!tpu.dma_semaphore, #tpu.memory_space<semaphore_mem>>)
      %dma_start3A_394 = tpu.memref_slice %arg23[%mul3A_2] : memref<4096xf32, #tpu.memory_space<vmem_shared>> -> memref<256xf32, #tpu.memory_space<vmem_shared>>
      %dma_start3A_395 = tpu.memref_slice %arg23[%mul3A_2] : memref<4096xf32, #tpu.memory_space<vmem_shared>> -> memref<256xf32, #tpu.memory_space<vmem_shared>>
      tpu.enqueue_dma source(%dma_start3A_395 : memref<256xf32, #tpu.memory_space<vmem_shared>>) target(%arg13 : memref<256xf32, #tpu.memory_space<vmem>>) target_semaphore(%arg27 : memref<!tpu.dma_semaphore, #tpu.memory_space<semaphore_mem>>)
      %dma_wait3A_396 = tpu.memref_slice %arg4[%mul3A_2] : memref<4096xf32, #tpu.memory_space<hbm>> -> memref<256xf32, #tpu.memory_space<hbm>>
      %dma_wait3A_397 = tpu.memref_slice %arg4[%mul3A_2] : memref<4096xf32, #tpu.memory_space<hbm>> -> memref<256xf32, #tpu.memory_space<hbm>>
      tpu.wait_dma2 semaphore(%arg26 : memref<!tpu.dma_semaphore, #tpu.memory_space<semaphore_mem>>) src(%dma_wait3A_397 : memref<256xf32, #tpu.memory_space<hbm>>) dst(%arg14 : memref<256xf32, #tpu.memory_space<vmem>>)
      %dma_wait3A_398 = tpu.memref_slice %arg5[%mul3A_2] : memref<4096xf32, #tpu.memory_space<hbm>> -> memref<256xf32, #tpu.memory_space<hbm>>
      %dma_wait3A_399 = tpu.memref_slice %arg5[%mul3A_2] : memref<4096xf32, #tpu.memory_space<hbm>> -> memref<256xf32, #tpu.memory_space<hbm>>
      tpu.wait_dma2 semaphore(%arg26 : memref<!tpu.dma_semaphore, #tpu.memory_space<semaphore_mem>>) src(%dma_wait3A_399 : memref<256xf32, #tpu.memory_space<hbm>>) dst(%arg15 : memref<256xf32, #tpu.memory_space<vmem>>)
      %dma_wait3A_400 = tpu.memref_slice %arg6[%mul3A_2] : memref<4096xi32, #tpu.memory_space<hbm>> -> memref<256xi32, #tpu.memory_space<hbm>>
      %dma_wait3A_401 = tpu.memref_slice %arg6[%mul3A_2] : memref<4096xi32, #tpu.memory_space<hbm>> -> memref<256xi32, #tpu.memory_space<hbm>>
      tpu.wait_dma2 semaphore(%arg26 : memref<!tpu.dma_semaphore, #tpu.memory_space<semaphore_mem>>) src(%dma_wait3A_401 : memref<256xi32, #tpu.memory_space<hbm>>) dst(%arg16 : memref<256xi32, #tpu.memory_space<vmem>>)
      %dma_wait3A_402 = arith.constant 0 : i32
      %dma_wait3A_403 = tpu.memref_slice %arg21[%dma_wait3A_402] : memref<16xf32, #tpu.memory_space<vmem>> -> memref<1xf32, #tpu.memory_space<vmem>>
      %dma_wait3A_404 = arith.constant 0 : i32
      %dma_wait3A_405 = tpu.memref_slice %arg21[%dma_wait3A_404] : memref<16xf32, #tpu.memory_space<vmem>> -> memref<1xf32, #tpu.memory_space<vmem>>
      tpu.wait_dma2 semaphore(%arg26 : memref<!tpu.dma_semaphore, #tpu.memory_space<semaphore_mem>>) src(%arg7 : memref<1xf32, #tpu.memory_space<hbm>>) dst(%dma_wait3A_405 : memref<1xf32, #tpu.memory_space<vmem>>)
      %dma_wait3A_406 = tpu.memref_slice %arg22[%mul3A_2] : memref<4096xf32, #tpu.memory_space<vmem_shared>> -> memref<256xf32, #tpu.memory_space<vmem_shared>>
      %dma_wait3A_407 = tpu.memref_slice %arg22[%mul3A_2] : memref<4096xf32, #tpu.memory_space<vmem_shared>> -> memref<256xf32, #tpu.memory_space<vmem_shared>>
      tpu.wait_dma2 semaphore(%arg27 : memref<!tpu.dma_semaphore, #tpu.memory_space<semaphore_mem>>) src(%dma_wait3A_407 : memref<256xf32, #tpu.memory_space<vmem_shared>>) dst(%arg12 : memref<256xf32, #tpu.memory_space<vmem>>)
      %dma_wait3A_408 = tpu.memref_slice %arg23[%mul3A_2] : memref<4096xf32, #tpu.memory_space<vmem_shared>> -> memref<256xf32, #tpu.memory_space<vmem_shared>>
      %dma_wait3A_409 = tpu.memref_slice %arg23[%mul3A_2] : memref<4096xf32, #tpu.memory_space<vmem_shared>> -> memref<256xf32, #tpu.memory_space<vmem_shared>>
      tpu.wait_dma2 semaphore(%arg27 : memref<!tpu.dma_semaphore, #tpu.memory_space<semaphore_mem>>) src(%dma_wait3A_409 : memref<256xf32, #tpu.memory_space<vmem_shared>>) dst(%arg13 : memref<256xf32, #tpu.memory_space<vmem>>)
      %get3A = arith.constant 0 : index
      %get3A_410 = tpu.vector_load %arg12[%get3A] {strides = array<i32>} : memref<256xf32, #tpu.memory_space<vmem>>, vector<16xf32>,
      %get3A_411 = arith.constant 0 : index
      %get3A_412 = tpu.vector_load %arg13[%get3A_411] {strides = array<i32>} : memref<256xf32, #tpu.memory_space<vmem>>, vector<16xf32>,
      %get3A_413 = arith.constant 0 : index
      %get3A_414 = tpu.vector_load %arg14[%get3A_413] {strides = array<i32>} : memref<256xf32, #tpu.memory_space<vmem>>, vector<16xf32>,
      %get3A_415 = arith.constant 0 : index
      %get3A_416 = tpu.vector_load %arg15[%get3A_415] {strides = array<i32>} : memref<256xf32, #tpu.memory_space<vmem>>, vector<16xf32>,
      %get3A_417 = arith.constant 0 : index
      %get3A_418 = tpu.vector_load %arg16[%get3A_417] {strides = array<i32>} : memref<256xi32, #tpu.memory_space<vmem>>, vector<16xi32>,
      %convert_element_type3A_419 = arith.sitofp %get3A_418 : vector<16xi32> to vector<16xf32>
      %max3A = arith.constant 1.000000e+00 : f32
      %max3A_420 = vector.broadcast %max3A : f32 to vector<16xf32>
      %max3A_421 = arith.maximumf %get3A_412, %max3A_420 : vector<16xf32>
      %div3A = arith.divf %get3A_410, %max3A_421 : vector<16xf32>
      %min3A = arith.constant 1.000000e+00 : f32
      %min3A_422 = vector.broadcast %min3A : f32 to vector<16xf32>
      %min3A_423 = arith.minimumf %get3A_412, %min3A_422 : vector<16xf32>
      %min3A_424 = arith.constant 1.000000e+00 : f32
      %min3A_425 = vector.broadcast %min3A_424 : f32 to vector<16xf32>
      %min3A_426 = arith.minimumf %convert_element_type3A_419, %min3A_425 : vector<16xf32>
      %mul3A_427 = arith.constant 9.950000e-01 : f32
      %mul3A_428 = vector.broadcast %mul3A_427 : f32 to vector<16xf32>
      %mul3A_429 = arith.mulf %mul3A_428, %get3A_414 : vector<16xf32>
      %mul3A_430 = arith.constant 5.000000e-03 : f32
      %mul3A_431 = vector.broadcast %mul3A_430 : f32 to vector<16xf32>
      %mul3A_432 = arith.mulf %mul3A_431, %div3A : vector<16xf32>
      %add3A = arith.addf %mul3A_429, %mul3A_432 : vector<16xf32>
      %mul3A_433 = arith.constant 0.899999976 : f32
      %mul3A_434 = vector.broadcast %mul3A_433 : f32 to vector<16xf32>
      %mul3A_435 = arith.mulf %mul3A_434, %get3A_416 : vector<16xf32>
      %mul3A_436 = arith.constant 1.000000e-01 : f32
      %mul3A_437 = vector.broadcast %mul3A_436 : f32 to vector<16xf32>
      %mul3A_438 = arith.mulf %mul3A_437, %div3A : vector<16xf32>
      %add3A_439 = arith.addf %mul3A_435, %mul3A_438 : vector<16xf32>
      %sub3A = arith.constant 1.000000e+00 : f32
      %sub3A_440 = vector.broadcast %sub3A : f32 to vector<16xf32>
      %sub3A_441 = arith.subf %sub3A_440, %min3A_426 : vector<16xf32>
      %mul3A_442 = arith.mulf %sub3A_441, %div3A : vector<16xf32>
      %mul3A_443 = arith.mulf %min3A_426, %add3A : vector<16xf32>
      %add3A_444 = arith.addf %mul3A_442, %mul3A_443 : vector<16xf32>
      %sub3A_445 = arith.constant 1.000000e+00 : f32
      %sub3A_446 = vector.broadcast %sub3A_445 : f32 to vector<16xf32>
      %sub3A_447 = arith.subf %sub3A_446, %min3A_426 : vector<16xf32>
      %mul3A_448 = arith.mulf %sub3A_447, %div3A : vector<16xf32>
      %mul3A_449 = arith.mulf %min3A_426, %add3A_439 : vector<16xf32>
      %add3A_450 = arith.addf %mul3A_448, %mul3A_449 : vector<16xf32>
      %sub3A_451 = arith.constant 1.000000e+00 : f32
      %sub3A_452 = vector.broadcast %sub3A_451 : f32 to vector<16xf32>
      %sub3A_453 = arith.subf %sub3A_452, %min3A_423 : vector<16xf32>
      %mul3A_454 = arith.mulf %sub3A_453, %get3A_414 : vector<16xf32>
      %mul3A_455 = arith.mulf %min3A_423, %add3A_444 : vector<16xf32>
      %add3A_456 = arith.addf %mul3A_454, %mul3A_455 : vector<16xf32>
      %sub3A_457 = arith.constant 1.000000e+00 : f32
      %sub3A_458 = vector.broadcast %sub3A_457 : f32 to vector<16xf32>
      %sub3A_459 = arith.subf %sub3A_458, %min3A_423 : vector<16xf32>
      %mul3A_460 = arith.mulf %sub3A_459, %get3A_416 : vector<16xf32>
      %mul3A_461 = arith.mulf %min3A_423, %add3A_450 : vector<16xf32>
      %add3A_462 = arith.addf %mul3A_460, %mul3A_461 : vector<16xf32>
      %mul3A_463 = arith.mulf %min3A_423, %min3A_426 : vector<16xf32>
      %sub3A_464 = arith.subf %add3A_456, %add3A_462 : vector<16xf32>
      %max3A_465 = arith.constant 0.000000e+00 : f32
      %max3A_466 = vector.broadcast %max3A_465 : f32 to vector<16xf32>
      %max3A_467 = arith.maximumf %sub3A_464, %max3A_466 : vector<16xf32>
      %mul3A_468 = arith.mulf %mul3A_463, %max3A_467 : vector<16xf32>
      %swap3A_469 = arith.constant 0 : index
      %swap3A_470 = tpu.vector_load %arg17[%swap3A_469] {strides = array<i32>} : memref<256xf32, #tpu.memory_space<vmem>>, vector<16xf32>,
      tpu.vector_store %arg17[%swap3A_469], %mul3A_468 {strides = array<i32>} : memref<256xf32, #tpu.memory_space<vmem>>, vector<16xf32>,
      %get3A_471 = arith.constant 16 : index
      %get3A_472 = tpu.vector_load %arg12[%get3A_471] {strides = array<i32>} : memref<256xf32, #tpu.memory_space<vmem>>, vector<16xf32>,
      %get3A_473 = arith.constant 16 : index
      %get3A_474 = tpu.vector_load %arg13[%get3A_473] {strides = array<i32>} : memref<256xf32, #tpu.memory_space<vmem>>, vector<16xf32>,
      %get3A_475 = arith.constant 16 : index
      %get3A_476 = tpu.vector_load %arg14[%get3A_475] {strides = array<i32>} : memref<256xf32, #tpu.memory_space<vmem>>, vector<16xf32>,
      %get3A_477 = arith.constant 16 : index
      %get3A_478 = tpu.vector_load %arg15[%get3A_477] {strides = array<i32>} : memref<256xf32, #tpu.memory_space<vmem>>, vector<16xf32>,
      %get3A_479 = arith.constant 16 : index
      %get3A_480 = tpu.vector_load %arg16[%get3A_479] {strides = array<i32>} : memref<256xi32, #tpu.memory_space<vmem>>, vector<16xi32>,
      %convert_element_type3A_481 = arith.sitofp %get3A_480 : vector<16xi32> to vector<16xf32>
      %max3A_482 = arith.constant 1.000000e+00 : f32
      %max3A_483 = vector.broadcast %max3A_482 : f32 to vector<16xf32>
      %max3A_484 = arith.maximumf %get3A_474, %max3A_483 : vector<16xf32>
      %div3A_485 = arith.divf %get3A_472, %max3A_484 : vector<16xf32>
      %min3A_486 = arith.constant 1.000000e+00 : f32
      %min3A_487 = vector.broadcast %min3A_486 : f32 to vector<16xf32>
      %min3A_488 = arith.minimumf %get3A_474, %min3A_487 : vector<16xf32>
      %min3A_489 = arith.constant 1.000000e+00 : f32
      %min3A_490 = vector.broadcast %min3A_489 : f32 to vector<16xf32>
      %min3A_491 = arith.minimumf %convert_element_type3A_481, %min3A_490 : vector<16xf32>
      %mul3A_492 = arith.constant 9.950000e-01 : f32
      %mul3A_493 = vector.broadcast %mul3A_492 : f32 to vector<16xf32>
      %mul3A_494 = arith.mulf %mul3A_493, %get3A_476 : vector<16xf32>
      %mul3A_495 = arith.constant 5.000000e-03 : f32
      %mul3A_496 = vector.broadcast %mul3A_495 : f32 to vector<16xf32>
      %mul3A_497 = arith.mulf %mul3A_496, %div3A_485 : vector<16xf32>
      %add3A_498 = arith.addf %mul3A_494, %mul3A_497 : vector<16xf32>
      %mul3A_499 = arith.constant 0.899999976 : f32
      %mul3A_500 = vector.broadcast %mul3A_499 : f32 to vector<16xf32>
      %mul3A_501 = arith.mulf %mul3A_500, %get3A_478 : vector<16xf32>
      %mul3A_502 = arith.constant 1.000000e-01 : f32
      %mul3A_503 = vector.broadcast %mul3A_502 : f32 to vector<16xf32>
      %mul3A_504 = arith.mulf %mul3A_503, %div3A_485 : vector<16xf32>
      %add3A_505 = arith.addf %mul3A_501, %mul3A_504 : vector<16xf32>
      %sub3A_506 = arith.constant 1.000000e+00 : f32
      %sub3A_507 = vector.broadcast %sub3A_506 : f32 to vector<16xf32>
      %sub3A_508 = arith.subf %sub3A_507, %min3A_491 : vector<16xf32>
      %mul3A_509 = arith.mulf %sub3A_508, %div3A_485 : vector<16xf32>
      %mul3A_510 = arith.mulf %min3A_491, %add3A_498 : vector<16xf32>
      %add3A_511 = arith.addf %mul3A_509, %mul3A_510 : vector<16xf32>
      %sub3A_512 = arith.constant 1.000000e+00 : f32
      %sub3A_513 = vector.broadcast %sub3A_512 : f32 to vector<16xf32>
      %sub3A_514 = arith.subf %sub3A_513, %min3A_491 : vector<16xf32>
      %mul3A_515 = arith.mulf %sub3A_514, %div3A_485 : vector<16xf32>
      %mul3A_516 = arith.mulf %min3A_491, %add3A_505 : vector<16xf32>
      %add3A_517 = arith.addf %mul3A_515, %mul3A_516 : vector<16xf32>
      %sub3A_518 = arith.constant 1.000000e+00 : f32
      %sub3A_519 = vector.broadcast %sub3A_518 : f32 to vector<16xf32>
      %sub3A_520 = arith.subf %sub3A_519, %min3A_488 : vector<16xf32>
      %mul3A_521 = arith.mulf %sub3A_520, %get3A_476 : vector<16xf32>
      %mul3A_522 = arith.mulf %min3A_488, %add3A_511 : vector<16xf32>
      %add3A_523 = arith.addf %mul3A_521, %mul3A_522 : vector<16xf32>
      %sub3A_524 = arith.constant 1.000000e+00 : f32
      %sub3A_525 = vector.broadcast %sub3A_524 : f32 to vector<16xf32>
      %sub3A_526 = arith.subf %sub3A_525, %min3A_488 : vector<16xf32>
      %mul3A_527 = arith.mulf %sub3A_526, %get3A_478 : vector<16xf32>
      %mul3A_528 = arith.mulf %min3A_488, %add3A_517 : vector<16xf32>
      %add3A_529 = arith.addf %mul3A_527, %mul3A_528 : vector<16xf32>
      %mul3A_530 = arith.mulf %min3A_488, %min3A_491 : vector<16xf32>
      %sub3A_531 = arith.subf %add3A_523, %add3A_529 : vector<16xf32>
      %max3A_532 = arith.constant 0.000000e+00 : f32
      %max3A_533 = vector.broadcast %max3A_532 : f32 to vector<16xf32>
      %max3A_534 = arith.maximumf %sub3A_531, %max3A_533 : vector<16xf32>
      %mul3A_535 = arith.mulf %mul3A_530, %max3A_534 : vector<16xf32>
      %swap3A_536 = arith.constant 16 : index
      %swap3A_537 = tpu.vector_load %arg17[%swap3A_536] {strides = array<i32>} : memref<256xf32, #tpu.memory_space<vmem>>, vector<16xf32>,
      tpu.vector_store %arg17[%swap3A_536], %mul3A_535 {strides = array<i32>} : memref<256xf32, #tpu.memory_space<vmem>>, vector<16xf32>,
      %get3A_538 = arith.constant 32 : index
      %get3A_539 = tpu.vector_load %arg12[%get3A_538] {strides = array<i32>} : memref<256xf32, #tpu.memory_space<vmem>>, vector<16xf32>,
      %get3A_540 = arith.constant 32 : index
      %get3A_541 = tpu.vector_load %arg13[%get3A_540] {strides = array<i32>} : memref<256xf32, #tpu.memory_space<vmem>>, vector<16xf32>,
      %get3A_542 = arith.constant 32 : index
      %get3A_543 = tpu.vector_load %arg14[%get3A_542] {strides = array<i32>} : memref<256xf32, #tpu.memory_space<vmem>>, vector<16xf32>,
      %get3A_544 = arith.constant 32 : index
      %get3A_545 = tpu.vector_load %arg15[%get3A_544] {strides = array<i32>} : memref<256xf32, #tpu.memory_space<vmem>>, vector<16xf32>,
      %get3A_546 = arith.constant 32 : index
      %get3A_547 = tpu.vector_load %arg16[%get3A_546] {strides = array<i32>} : memref<256xi32, #tpu.memory_space<vmem>>, vector<16xi32>,
      %convert_element_type3A_548 = arith.sitofp %get3A_547 : vector<16xi32> to vector<16xf32>
      %max3A_549 = arith.constant 1.000000e+00 : f32
      %max3A_550 = vector.broadcast %max3A_549 : f32 to vector<16xf32>
      %max3A_551 = arith.maximumf %get3A_541, %max3A_550 : vector<16xf32>
      %div3A_552 = arith.divf %get3A_539, %max3A_551 : vector<16xf32>
      %min3A_553 = arith.constant 1.000000e+00 : f32
      %min3A_554 = vector.broadcast %min3A_553 : f32 to vector<16xf32>
      %min3A_555 = arith.minimumf %get3A_541, %min3A_554 : vector<16xf32>
      %min3A_556 = arith.constant 1.000000e+00 : f32
      %min3A_557 = vector.broadcast %min3A_556 : f32 to vector<16xf32>
      %min3A_558 = arith.minimumf %convert_element_type3A_548, %min3A_557 : vector<16xf32>
      %mul3A_559 = arith.constant 9.950000e-01 : f32
      %mul3A_560 = vector.broadcast %mul3A_559 : f32 to vector<16xf32>
      %mul3A_561 = arith.mulf %mul3A_560, %get3A_543 : vector<16xf32>
      %mul3A_562 = arith.constant 5.000000e-03 : f32
      %mul3A_563 = vector.broadcast %mul3A_562 : f32 to vector<16xf32>
      %mul3A_564 = arith.mulf %mul3A_563, %div3A_552 : vector<16xf32>
      %add3A_565 = arith.addf %mul3A_561, %mul3A_564 : vector<16xf32>
      %mul3A_566 = arith.constant 0.899999976 : f32
      %mul3A_567 = vector.broadcast %mul3A_566 : f32 to vector<16xf32>
      %mul3A_568 = arith.mulf %mul3A_567, %get3A_545 : vector<16xf32>
      %mul3A_569 = arith.constant 1.000000e-01 : f32
      %mul3A_570 = vector.broadcast %mul3A_569 : f32 to vector<16xf32>
      %mul3A_571 = arith.mulf %mul3A_570, %div3A_552 : vector<16xf32>
      %add3A_572 = arith.addf %mul3A_568, %mul3A_571 : vector<16xf32>
      %sub3A_573 = arith.constant 1.000000e+00 : f32
      %sub3A_574 = vector.broadcast %sub3A_573 : f32 to vector<16xf32>
      %sub3A_575 = arith.subf %sub3A_574, %min3A_558 : vector<16xf32>
      %mul3A_576 = arith.mulf %sub3A_575, %div3A_552 : vector<16xf32>
      %mul3A_577 = arith.mulf %min3A_558, %add3A_565 : vector<16xf32>
      %add3A_578 = arith.addf %mul3A_576, %mul3A_577 : vector<16xf32>
      %sub3A_579 = arith.constant 1.000000e+00 : f32
      %sub3A_580 = vector.broadcast %sub3A_579 : f32 to vector<16xf32>
      %sub3A_581 = arith.subf %sub3A_580, %min3A_558 : vector<16xf32>
      %mul3A_582 = arith.mulf %sub3A_581, %div3A_552 : vector<16xf32>
      %mul3A_583 = arith.mulf %min3A_558, %add3A_572 : vector<16xf32>
      %add3A_584 = arith.addf %mul3A_582, %mul3A_583 : vector<16xf32>
      %sub3A_585 = arith.constant 1.000000e+00 : f32
      %sub3A_586 = vector.broadcast %sub3A_585 : f32 to vector<16xf32>
      %sub3A_587 = arith.subf %sub3A_586, %min3A_555 : vector<16xf32>
      %mul3A_588 = arith.mulf %sub3A_587, %get3A_543 : vector<16xf32>
      %mul3A_589 = arith.mulf %min3A_555, %add3A_578 : vector<16xf32>
      %add3A_590 = arith.addf %mul3A_588, %mul3A_589 : vector<16xf32>
      %sub3A_591 = arith.constant 1.000000e+00 : f32
      %sub3A_592 = vector.broadcast %sub3A_591 : f32 to vector<16xf32>
      %sub3A_593 = arith.subf %sub3A_592, %min3A_555 : vector<16xf32>
      %mul3A_594 = arith.mulf %sub3A_593, %get3A_545 : vector<16xf32>
      %mul3A_595 = arith.mulf %min3A_555, %add3A_584 : vector<16xf32>
      %add3A_596 = arith.addf %mul3A_594, %mul3A_595 : vector<16xf32>
      %mul3A_597 = arith.mulf %min3A_555, %min3A_558 : vector<16xf32>
      %sub3A_598 = arith.subf %add3A_590, %add3A_596 : vector<16xf32>
      %max3A_599 = arith.constant 0.000000e+00 : f32
      %max3A_600 = vector.broadcast %max3A_599 : f32 to vector<16xf32>
      %max3A_601 = arith.maximumf %sub3A_598, %max3A_600 : vector<16xf32>
      %mul3A_602 = arith.mulf %mul3A_597, %max3A_601 : vector<16xf32>
      %swap3A_603 = arith.constant 32 : index
      %swap3A_604 = tpu.vector_load %arg17[%swap3A_603] {strides = array<i32>} : memref<256xf32, #tpu.memory_space<vmem>>, vector<16xf32>,
      tpu.vector_store %arg17[%swap3A_603], %mul3A_602 {strides = array<i32>} : memref<256xf32, #tpu.memory_space<vmem>>, vector<16xf32>,
      %get3A_605 = arith.constant 48 : index
      %get3A_606 = tpu.vector_load %arg12[%get3A_605] {strides = array<i32>} : memref<256xf32, #tpu.memory_space<vmem>>, vector<16xf32>,
      %get3A_607 = arith.constant 48 : index
      %get3A_608 = tpu.vector_load %arg13[%get3A_607] {strides = array<i32>} : memref<256xf32, #tpu.memory_space<vmem>>, vector<16xf32>,
      %get3A_609 = arith.constant 48 : index
      %get3A_610 = tpu.vector_load %arg14[%get3A_609] {strides = array<i32>} : memref<256xf32, #tpu.memory_space<vmem>>, vector<16xf32>,
      %get3A_611 = arith.constant 48 : index
      %get3A_612 = tpu.vector_load %arg15[%get3A_611] {strides = array<i32>} : memref<256xf32, #tpu.memory_space<vmem>>, vector<16xf32>,
      %get3A_613 = arith.constant 48 : index
      %get3A_614 = tpu.vector_load %arg16[%get3A_613] {strides = array<i32>} : memref<256xi32, #tpu.memory_space<vmem>>, vector<16xi32>,
      %convert_element_type3A_615 = arith.sitofp %get3A_614 : vector<16xi32> to vector<16xf32>
      %max3A_616 = arith.constant 1.000000e+00 : f32
      %max3A_617 = vector.broadcast %max3A_616 : f32 to vector<16xf32>
      %max3A_618 = arith.maximumf %get3A_608, %max3A_617 : vector<16xf32>
      %div3A_619 = arith.divf %get3A_606, %max3A_618 : vector<16xf32>
      %min3A_620 = arith.constant 1.000000e+00 : f32
      %min3A_621 = vector.broadcast %min3A_620 : f32 to vector<16xf32>
      %min3A_622 = arith.minimumf %get3A_608, %min3A_621 : vector<16xf32>
      %min3A_623 = arith.constant 1.000000e+00 : f32
      %min3A_624 = vector.broadcast %min3A_623 : f32 to vector<16xf32>
      %min3A_625 = arith.minimumf %convert_element_type3A_615, %min3A_624 : vector<16xf32>
      %mul3A_626 = arith.constant 9.950000e-01 : f32
      %mul3A_627 = vector.broadcast %mul3A_626 : f32 to vector<16xf32>
      %mul3A_628 = arith.mulf %mul3A_627, %get3A_610 : vector<16xf32>
      %mul3A_629 = arith.constant 5.000000e-03 : f32
      %mul3A_630 = vector.broadcast %mul3A_629 : f32 to vector<16xf32>
      %mul3A_631 = arith.mulf %mul3A_630, %div3A_619 : vector<16xf32>
      %add3A_632 = arith.addf %mul3A_628, %mul3A_631 : vector<16xf32>
      %mul3A_633 = arith.constant 0.899999976 : f32
      %mul3A_634 = vector.broadcast %mul3A_633 : f32 to vector<16xf32>
      %mul3A_635 = arith.mulf %mul3A_634, %get3A_612 : vector<16xf32>
      %mul3A_636 = arith.constant 1.000000e-01 : f32
      %mul3A_637 = vector.broadcast %mul3A_636 : f32 to vector<16xf32>
      %mul3A_638 = arith.mulf %mul3A_637, %div3A_619 : vector<16xf32>
      %add3A_639 = arith.addf %mul3A_635, %mul3A_638 : vector<16xf32>
      %sub3A_640 = arith.constant 1.000000e+00 : f32
      %sub3A_641 = vector.broadcast %sub3A_640 : f32 to vector<16xf32>
      %sub3A_642 = arith.subf %sub3A_641, %min3A_625 : vector<16xf32>
      %mul3A_643 = arith.mulf %sub3A_642, %div3A_619 : vector<16xf32>
      %mul3A_644 = arith.mulf %min3A_625, %add3A_632 : vector<16xf32>
      %add3A_645 = arith.addf %mul3A_643, %mul3A_644 : vector<16xf32>
      %sub3A_646 = arith.constant 1.000000e+00 : f32
      %sub3A_647 = vector.broadcast %sub3A_646 : f32 to vector<16xf32>
      %sub3A_648 = arith.subf %sub3A_647, %min3A_625 : vector<16xf32>
      %mul3A_649 = arith.mulf %sub3A_648, %div3A_619 : vector<16xf32>
      %mul3A_650 = arith.mulf %min3A_625, %add3A_639 : vector<16xf32>
      %add3A_651 = arith.addf %mul3A_649, %mul3A_650 : vector<16xf32>
      %sub3A_652 = arith.constant 1.000000e+00 : f32
      %sub3A_653 = vector.broadcast %sub3A_652 : f32 to vector<16xf32>
      %sub3A_654 = arith.subf %sub3A_653, %min3A_622 : vector<16xf32>
      %mul3A_655 = arith.mulf %sub3A_654, %get3A_610 : vector<16xf32>
      %mul3A_656 = arith.mulf %min3A_622, %add3A_645 : vector<16xf32>
      %add3A_657 = arith.addf %mul3A_655, %mul3A_656 : vector<16xf32>
      %sub3A_658 = arith.constant 1.000000e+00 : f32
      %sub3A_659 = vector.broadcast %sub3A_658 : f32 to vector<16xf32>
      %sub3A_660 = arith.subf %sub3A_659, %min3A_622 : vector<16xf32>
      %mul3A_661 = arith.mulf %sub3A_660, %get3A_612 : vector<16xf32>
      %mul3A_662 = arith.mulf %min3A_622, %add3A_651 : vector<16xf32>
      %add3A_663 = arith.addf %mul3A_661, %mul3A_662 : vector<16xf32>
      %mul3A_664 = arith.mulf %min3A_622, %min3A_625 : vector<16xf32>
      %sub3A_665 = arith.subf %add3A_657, %add3A_663 : vector<16xf32>
      %max3A_666 = arith.constant 0.000000e+00 : f32
      %max3A_667 = vector.broadcast %max3A_666 : f32 to vector<16xf32>
      %max3A_668 = arith.maximumf %sub3A_665, %max3A_667 : vector<16xf32>
      %mul3A_669 = arith.mulf %mul3A_664, %max3A_668 : vector<16xf32>
      %swap3A_670 = arith.constant 48 : index
      %swap3A_671 = tpu.vector_load %arg17[%swap3A_670] {strides = array<i32>} : memref<256xf32, #tpu.memory_space<vmem>>, vector<16xf32>,
      tpu.vector_store %arg17[%swap3A_670], %mul3A_669 {strides = array<i32>} : memref<256xf32, #tpu.memory_space<vmem>>, vector<16xf32>,
      %get3A_672 = arith.constant 64 : index
      %get3A_673 = tpu.vector_load %arg12[%get3A_672] {strides = array<i32>} : memref<256xf32, #tpu.memory_space<vmem>>, vector<16xf32>,
      %get3A_674 = arith.constant 64 : index
      %get3A_675 = tpu.vector_load %arg13[%get3A_674] {strides = array<i32>} : memref<256xf32, #tpu.memory_space<vmem>>, vector<16xf32>,
      %get3A_676 = arith.constant 64 : index
      %get3A_677 = tpu.vector_load %arg14[%get3A_676] {strides = array<i32>} : memref<256xf32, #tpu.memory_space<vmem>>, vector<16xf32>,
      %get3A_678 = arith.constant 64 : index
      %get3A_679 = tpu.vector_load %arg15[%get3A_678] {strides = array<i32>} : memref<256xf32, #tpu.memory_space<vmem>>, vector<16xf32>,
      %get3A_680 = arith.constant 64 : index
      %get3A_681 = tpu.vector_load %arg16[%get3A_680] {strides = array<i32>} : memref<256xi32, #tpu.memory_space<vmem>>, vector<16xi32>,
      %convert_element_type3A_682 = arith.sitofp %get3A_681 : vector<16xi32> to vector<16xf32>
      %max3A_683 = arith.constant 1.000000e+00 : f32
      %max3A_684 = vector.broadcast %max3A_683 : f32 to vector<16xf32>
      %max3A_685 = arith.maximumf %get3A_675, %max3A_684 : vector<16xf32>
      %div3A_686 = arith.divf %get3A_673, %max3A_685 : vector<16xf32>
      %min3A_687 = arith.constant 1.000000e+00 : f32
      %min3A_688 = vector.broadcast %min3A_687 : f32 to vector<16xf32>
      %min3A_689 = arith.minimumf %get3A_675, %min3A_688 : vector<16xf32>
      %min3A_690 = arith.constant 1.000000e+00 : f32
      %min3A_691 = vector.broadcast %min3A_690 : f32 to vector<16xf32>
      %min3A_692 = arith.minimumf %convert_element_type3A_682, %min3A_691 : vector<16xf32>
      %mul3A_693 = arith.constant 9.950000e-01 : f32
      %mul3A_694 = vector.broadcast %mul3A_693 : f32 to vector<16xf32>
      %mul3A_695 = arith.mulf %mul3A_694, %get3A_677 : vector<16xf32>
      %mul3A_696 = arith.constant 5.000000e-03 : f32
      %mul3A_697 = vector.broadcast %mul3A_696 : f32 to vector<16xf32>
      %mul3A_698 = arith.mulf %mul3A_697, %div3A_686 : vector<16xf32>
      %add3A_699 = arith.addf %mul3A_695, %mul3A_698 : vector<16xf32>
      %mul3A_700 = arith.constant 0.899999976 : f32
      %mul3A_701 = vector.broadcast %mul3A_700 : f32 to vector<16xf32>
      %mul3A_702 = arith.mulf %mul3A_701, %get3A_679 : vector<16xf32>
      %mul3A_703 = arith.constant 1.000000e-01 : f32
      %mul3A_704 = vector.broadcast %mul3A_703 : f32 to vector<16xf32>
      %mul3A_705 = arith.mulf %mul3A_704, %div3A_686 : vector<16xf32>
      %add3A_706 = arith.addf %mul3A_702, %mul3A_705 : vector<16xf32>
      %sub3A_707 = arith.constant 1.000000e+00 : f32
      %sub3A_708 = vector.broadcast %sub3A_707 : f32 to vector<16xf32>
      %sub3A_709 = arith.subf %sub3A_708, %min3A_692 : vector<16xf32>
      %mul3A_710 = arith.mulf %sub3A_709, %div3A_686 : vector<16xf32>
      %mul3A_711 = arith.mulf %min3A_692, %add3A_699 : vector<16xf32>
      %add3A_712 = arith.addf %mul3A_710, %mul3A_711 : vector<16xf32>
      %sub3A_713 = arith.constant 1.000000e+00 : f32
      %sub3A_714 = vector.broadcast %sub3A_713 : f32 to vector<16xf32>
      %sub3A_715 = arith.subf %sub3A_714, %min3A_692 : vector<16xf32>
      %mul3A_716 = arith.mulf %sub3A_715, %div3A_686 : vector<16xf32>
      %mul3A_717 = arith.mulf %min3A_692, %add3A_706 : vector<16xf32>
      %add3A_718 = arith.addf %mul3A_716, %mul3A_717 : vector<16xf32>
      %sub3A_719 = arith.constant 1.000000e+00 : f32
      %sub3A_720 = vector.broadcast %sub3A_719 : f32 to vector<16xf32>
      %sub3A_721 = arith.subf %sub3A_720, %min3A_689 : vector<16xf32>
      %mul3A_722 = arith.mulf %sub3A_721, %get3A_677 : vector<16xf32>
      %mul3A_723 = arith.mulf %min3A_689, %add3A_712 : vector<16xf32>
      %add3A_724 = arith.addf %mul3A_722, %mul3A_723 : vector<16xf32>
      %sub3A_725 = arith.constant 1.000000e+00 : f32
      %sub3A_726 = vector.broadcast %sub3A_725 : f32 to vector<16xf32>
      %sub3A_727 = arith.subf %sub3A_726, %min3A_689 : vector<16xf32>
      %mul3A_728 = arith.mulf %sub3A_727, %get3A_679 : vector<16xf32>
      %mul3A_729 = arith.mulf %min3A_689, %add3A_718 : vector<16xf32>
      %add3A_730 = arith.addf %mul3A_728, %mul3A_729 : vector<16xf32>
      %mul3A_731 = arith.mulf %min3A_689, %min3A_692 : vector<16xf32>
      %sub3A_732 = arith.subf %add3A_724, %add3A_730 : vector<16xf32>
      %max3A_733 = arith.constant 0.000000e+00 : f32
      %max3A_734 = vector.broadcast %max3A_733 : f32 to vector<16xf32>
      %max3A_735 = arith.maximumf %sub3A_732, %max3A_734 : vector<16xf32>
      %mul3A_736 = arith.mulf %mul3A_731, %max3A_735 : vector<16xf32>
      %swap3A_737 = arith.constant 64 : index
      %swap3A_738 = tpu.vector_load %arg17[%swap3A_737] {strides = array<i32>} : memref<256xf32, #tpu.memory_space<vmem>>, vector<16xf32>,
      tpu.vector_store %arg17[%swap3A_737], %mul3A_736 {strides = array<i32>} : memref<256xf32, #tpu.memory_space<vmem>>, vector<16xf32>,
      %get3A_739 = arith.constant 80 : index
      %get3A_740 = tpu.vector_load %arg12[%get3A_739] {strides = array<i32>} : memref<256xf32, #tpu.memory_space<vmem>>, vector<16xf32>,
      %get3A_741 = arith.constant 80 : index
      %get3A_742 = tpu.vector_load %arg13[%get3A_741] {strides = array<i32>} : memref<256xf32, #tpu.memory_space<vmem>>, vector<16xf32>,
      %get3A_743 = arith.constant 80 : index
      %get3A_744 = tpu.vector_load %arg14[%get3A_743] {strides = array<i32>} : memref<256xf32, #tpu.memory_space<vmem>>, vector<16xf32>,
      %get3A_745 = arith.constant 80 : index
      %get3A_746 = tpu.vector_load %arg15[%get3A_745] {strides = array<i32>} : memref<256xf32, #tpu.memory_space<vmem>>, vector<16xf32>,
      %get3A_747 = arith.constant 80 : index
      %get3A_748 = tpu.vector_load %arg16[%get3A_747] {strides = array<i32>} : memref<256xi32, #tpu.memory_space<vmem>>, vector<16xi32>,
      %convert_element_type3A_749 = arith.sitofp %get3A_748 : vector<16xi32> to vector<16xf32>
      %max3A_750 = arith.constant 1.000000e+00 : f32
      %max3A_751 = vector.broadcast %max3A_750 : f32 to vector<16xf32>
      %max3A_752 = arith.maximumf %get3A_742, %max3A_751 : vector<16xf32>
      %div3A_753 = arith.divf %get3A_740, %max3A_752 : vector<16xf32>
      %min3A_754 = arith.constant 1.000000e+00 : f32
      %min3A_755 = vector.broadcast %min3A_754 : f32 to vector<16xf32>
      %min3A_756 = arith.minimumf %get3A_742, %min3A_755 : vector<16xf32>
      %min3A_757 = arith.constant 1.000000e+00 : f32
      %min3A_758 = vector.broadcast %min3A_757 : f32 to vector<16xf32>
      %min3A_759 = arith.minimumf %convert_element_type3A_749, %min3A_758 : vector<16xf32>
      %mul3A_760 = arith.constant 9.950000e-01 : f32
      %mul3A_761 = vector.broadcast %mul3A_760 : f32 to vector<16xf32>
      %mul3A_762 = arith.mulf %mul3A_761, %get3A_744 : vector<16xf32>
      %mul3A_763 = arith.constant 5.000000e-03 : f32
      %mul3A_764 = vector.broadcast %mul3A_763 : f32 to vector<16xf32>
      %mul3A_765 = arith.mulf %mul3A_764, %div3A_753 : vector<16xf32>
      %add3A_766 = arith.addf %mul3A_762, %mul3A_765 : vector<16xf32>
      %mul3A_767 = arith.constant 0.899999976 : f32
      %mul3A_768 = vector.broadcast %mul3A_767 : f32 to vector<16xf32>
      %mul3A_769 = arith.mulf %mul3A_768, %get3A_746 : vector<16xf32>
      %mul3A_770 = arith.constant 1.000000e-01 : f32
      %mul3A_771 = vector.broadcast %mul3A_770 : f32 to vector<16xf32>
      %mul3A_772 = arith.mulf %mul3A_771, %div3A_753 : vector<16xf32>
      %add3A_773 = arith.addf %mul3A_769, %mul3A_772 : vector<16xf32>
      %sub3A_774 = arith.constant 1.000000e+00 : f32
      %sub3A_775 = vector.broadcast %sub3A_774 : f32 to vector<16xf32>
      %sub3A_776 = arith.subf %sub3A_775, %min3A_759 : vector<16xf32>
      %mul3A_777 = arith.mulf %sub3A_776, %div3A_753 : vector<16xf32>
      %mul3A_778 = arith.mulf %min3A_759, %add3A_766 : vector<16xf32>
      %add3A_779 = arith.addf %mul3A_777, %mul3A_778 : vector<16xf32>
      %sub3A_780 = arith.constant 1.000000e+00 : f32
      %sub3A_781 = vector.broadcast %sub3A_780 : f32 to vector<16xf32>
      %sub3A_782 = arith.subf %sub3A_781, %min3A_759 : vector<16xf32>
      %mul3A_783 = arith.mulf %sub3A_782, %div3A_753 : vector<16xf32>
      %mul3A_784 = arith.mulf %min3A_759, %add3A_773 : vector<16xf32>
      %add3A_785 = arith.addf %mul3A_783, %mul3A_784 : vector<16xf32>
      %sub3A_786 = arith.constant 1.000000e+00 : f32
      %sub3A_787 = vector.broadcast %sub3A_786 : f32 to vector<16xf32>
      %sub3A_788 = arith.subf %sub3A_787, %min3A_756 : vector<16xf32>
      %mul3A_789 = arith.mulf %sub3A_788, %get3A_744 : vector<16xf32>
      %mul3A_790 = arith.mulf %min3A_756, %add3A_779 : vector<16xf32>
      %add3A_791 = arith.addf %mul3A_789, %mul3A_790 : vector<16xf32>
      %sub3A_792 = arith.constant 1.000000e+00 : f32
      %sub3A_793 = vector.broadcast %sub3A_792 : f32 to vector<16xf32>
      %sub3A_794 = arith.subf %sub3A_793, %min3A_756 : vector<16xf32>
      %mul3A_795 = arith.mulf %sub3A_794, %get3A_746 : vector<16xf32>
      %mul3A_796 = arith.mulf %min3A_756, %add3A_785 : vector<16xf32>
      %add3A_797 = arith.addf %mul3A_795, %mul3A_796 : vector<16xf32>
      %mul3A_798 = arith.mulf %min3A_756, %min3A_759 : vector<16xf32>
      %sub3A_799 = arith.subf %add3A_791, %add3A_797 : vector<16xf32>
      %max3A_800 = arith.constant 0.000000e+00 : f32
      %max3A_801 = vector.broadcast %max3A_800 : f32 to vector<16xf32>
      %max3A_802 = arith.maximumf %sub3A_799, %max3A_801 : vector<16xf32>
      %mul3A_803 = arith.mulf %mul3A_798, %max3A_802 : vector<16xf32>
      %swap3A_804 = arith.constant 80 : index
      %swap3A_805 = tpu.vector_load %arg17[%swap3A_804] {strides = array<i32>} : memref<256xf32, #tpu.memory_space<vmem>>, vector<16xf32>,
      tpu.vector_store %arg17[%swap3A_804], %mul3A_803 {strides = array<i32>} : memref<256xf32, #tpu.memory_space<vmem>>, vector<16xf32>,
      %get3A_806 = arith.constant 96 : index
      %get3A_807 = tpu.vector_load %arg12[%get3A_806] {strides = array<i32>} : memref<256xf32, #tpu.memory_space<vmem>>, vector<16xf32>,
      %get3A_808 = arith.constant 96 : index
      %get3A_809 = tpu.vector_load %arg13[%get3A_808] {strides = array<i32>} : memref<256xf32, #tpu.memory_space<vmem>>, vector<16xf32>,
      %get3A_810 = arith.constant 96 : index
      %get3A_811 = tpu.vector_load %arg14[%get3A_810] {strides = array<i32>} : memref<256xf32, #tpu.memory_space<vmem>>, vector<16xf32>,
      %get3A_812 = arith.constant 96 : index
      %get3A_813 = tpu.vector_load %arg15[%get3A_812] {strides = array<i32>} : memref<256xf32, #tpu.memory_space<vmem>>, vector<16xf32>,
      %get3A_814 = arith.constant 96 : index
      %get3A_815 = tpu.vector_load %arg16[%get3A_814] {strides = array<i32>} : memref<256xi32, #tpu.memory_space<vmem>>, vector<16xi32>,
      %convert_element_type3A_816 = arith.sitofp %get3A_815 : vector<16xi32> to vector<16xf32>
      %max3A_817 = arith.constant 1.000000e+00 : f32
      %max3A_818 = vector.broadcast %max3A_817 : f32 to vector<16xf32>
      %max3A_819 = arith.maximumf %get3A_809, %max3A_818 : vector<16xf32>
      %div3A_820 = arith.divf %get3A_807, %max3A_819 : vector<16xf32>
      %min3A_821 = arith.constant 1.000000e+00 : f32
      %min3A_822 = vector.broadcast %min3A_821 : f32 to vector<16xf32>
      %min3A_823 = arith.minimumf %get3A_809, %min3A_822 : vector<16xf32>
      %min3A_824 = arith.constant 1.000000e+00 : f32
      %min3A_825 = vector.broadcast %min3A_824 : f32 to vector<16xf32>
      %min3A_826 = arith.minimumf %convert_element_type3A_816, %min3A_825 : vector<16xf32>
      %mul3A_827 = arith.constant 9.950000e-01 : f32
      %mul3A_828 = vector.broadcast %mul3A_827 : f32 to vector<16xf32>
      %mul3A_829 = arith.mulf %mul3A_828, %get3A_811 : vector<16xf32>
      %mul3A_830 = arith.constant 5.000000e-03 : f32
      %mul3A_831 = vector.broadcast %mul3A_830 : f32 to vector<16xf32>
      %mul3A_832 = arith.mulf %mul3A_831, %div3A_820 : vector<16xf32>
      %add3A_833 = arith.addf %mul3A_829, %mul3A_832 : vector<16xf32>
      %mul3A_834 = arith.constant 0.899999976 : f32
      %mul3A_835 = vector.broadcast %mul3A_834 : f32 to vector<16xf32>
      %mul3A_836 = arith.mulf %mul3A_835, %get3A_813 : vector<16xf32>
      %mul3A_837 = arith.constant 1.000000e-01 : f32
      %mul3A_838 = vector.broadcast %mul3A_837 : f32 to vector<16xf32>
      %mul3A_839 = arith.mulf %mul3A_838, %div3A_820 : vector<16xf32>
      %add3A_840 = arith.addf %mul3A_836, %mul3A_839 : vector<16xf32>
      %sub3A_841 = arith.constant 1.000000e+00 : f32
      %sub3A_842 = vector.broadcast %sub3A_841 : f32 to vector<16xf32>
      %sub3A_843 = arith.subf %sub3A_842, %min3A_826 : vector<16xf32>
      %mul3A_844 = arith.mulf %sub3A_843, %div3A_820 : vector<16xf32>
      %mul3A_845 = arith.mulf %min3A_826, %add3A_833 : vector<16xf32>
      %add3A_846 = arith.addf %mul3A_844, %mul3A_845 : vector<16xf32>
      %sub3A_847 = arith.constant 1.000000e+00 : f32
      %sub3A_848 = vector.broadcast %sub3A_847 : f32 to vector<16xf32>
      %sub3A_849 = arith.subf %sub3A_848, %min3A_826 : vector<16xf32>
      %mul3A_850 = arith.mulf %sub3A_849, %div3A_820 : vector<16xf32>
      %mul3A_851 = arith.mulf %min3A_826, %add3A_840 : vector<16xf32>
      %add3A_852 = arith.addf %mul3A_850, %mul3A_851 : vector<16xf32>
      %sub3A_853 = arith.constant 1.000000e+00 : f32
      %sub3A_854 = vector.broadcast %sub3A_853 : f32 to vector<16xf32>
      %sub3A_855 = arith.subf %sub3A_854, %min3A_823 : vector<16xf32>
      %mul3A_856 = arith.mulf %sub3A_855, %get3A_811 : vector<16xf32>
      %mul3A_857 = arith.mulf %min3A_823, %add3A_846 : vector<16xf32>
      %add3A_858 = arith.addf %mul3A_856, %mul3A_857 : vector<16xf32>
      %sub3A_859 = arith.constant 1.000000e+00 : f32
      %sub3A_860 = vector.broadcast %sub3A_859 : f32 to vector<16xf32>
      %sub3A_861 = arith.subf %sub3A_860, %min3A_823 : vector<16xf32>
      %mul3A_862 = arith.mulf %sub3A_861, %get3A_813 : vector<16xf32>
      %mul3A_863 = arith.mulf %min3A_823, %add3A_852 : vector<16xf32>
      %add3A_864 = arith.addf %mul3A_862, %mul3A_863 : vector<16xf32>
      %mul3A_865 = arith.mulf %min3A_823, %min3A_826 : vector<16xf32>
      %sub3A_866 = arith.subf %add3A_858, %add3A_864 : vector<16xf32>
      %max3A_867 = arith.constant 0.000000e+00 : f32
      %max3A_868 = vector.broadcast %max3A_867 : f32 to vector<16xf32>
      %max3A_869 = arith.maximumf %sub3A_866, %max3A_868 : vector<16xf32>
      %mul3A_870 = arith.mulf %mul3A_865, %max3A_869 : vector<16xf32>
      %swap3A_871 = arith.constant 96 : index
      %swap3A_872 = tpu.vector_load %arg17[%swap3A_871] {strides = array<i32>} : memref<256xf32, #tpu.memory_space<vmem>>, vector<16xf32>,
      tpu.vector_store %arg17[%swap3A_871], %mul3A_870 {strides = array<i32>} : memref<256xf32, #tpu.memory_space<vmem>>, vector<16xf32>,
      %get3A_873 = arith.constant 112 : index
      %get3A_874 = tpu.vector_load %arg12[%get3A_873] {strides = array<i32>} : memref<256xf32, #tpu.memory_space<vmem>>, vector<16xf32>,
      %get3A_875 = arith.constant 112 : index
      %get3A_876 = tpu.vector_load %arg13[%get3A_875] {strides = array<i32>} : memref<256xf32, #tpu.memory_space<vmem>>, vector<16xf32>,
      %get3A_877 = arith.constant 112 : index
      %get3A_878 = tpu.vector_load %arg14[%get3A_877] {strides = array<i32>} : memref<256xf32, #tpu.memory_space<vmem>>, vector<16xf32>,
      %get3A_879 = arith.constant 112 : index
      %get3A_880 = tpu.vector_load %arg15[%get3A_879] {strides = array<i32>} : memref<256xf32, #tpu.memory_space<vmem>>, vector<16xf32>,
      %get3A_881 = arith.constant 112 : index
      %get3A_882 = tpu.vector_load %arg16[%get3A_881] {strides = array<i32>} : memref<256xi32, #tpu.memory_space<vmem>>, vector<16xi32>,
      %convert_element_type3A_883 = arith.sitofp %get3A_882 : vector<16xi32> to vector<16xf32>
      %max3A_884 = arith.constant 1.000000e+00 : f32
      %max3A_885 = vector.broadcast %max3A_884 : f32 to vector<16xf32>
      %max3A_886 = arith.maximumf %get3A_876, %max3A_885 : vector<16xf32>
      %div3A_887 = arith.divf %get3A_874, %max3A_886 : vector<16xf32>
      %min3A_888 = arith.constant 1.000000e+00 : f32
      %min3A_889 = vector.broadcast %min3A_888 : f32 to vector<16xf32>
      %min3A_890 = arith.minimumf %get3A_876, %min3A_889 : vector<16xf32>
      %min3A_891 = arith.constant 1.000000e+00 : f32
      %min3A_892 = vector.broadcast %min3A_891 : f32 to vector<16xf32>
      %min3A_893 = arith.minimumf %convert_element_type3A_883, %min3A_892 : vector<16xf32>
      %mul3A_894 = arith.constant 9.950000e-01 : f32
      %mul3A_895 = vector.broadcast %mul3A_894 : f32 to vector<16xf32>
      %mul3A_896 = arith.mulf %mul3A_895, %get3A_878 : vector<16xf32>
      %mul3A_897 = arith.constant 5.000000e-03 : f32
      %mul3A_898 = vector.broadcast %mul3A_897 : f32 to vector<16xf32>
      %mul3A_899 = arith.mulf %mul3A_898, %div3A_887 : vector<16xf32>
      %add3A_900 = arith.addf %mul3A_896, %mul3A_899 : vector<16xf32>
      %mul3A_901 = arith.constant 0.899999976 : f32
      %mul3A_902 = vector.broadcast %mul3A_901 : f32 to vector<16xf32>
      %mul3A_903 = arith.mulf %mul3A_902, %get3A_880 : vector<16xf32>
      %mul3A_904 = arith.constant 1.000000e-01 : f32
      %mul3A_905 = vector.broadcast %mul3A_904 : f32 to vector<16xf32>
      %mul3A_906 = arith.mulf %mul3A_905, %div3A_887 : vector<16xf32>
      %add3A_907 = arith.addf %mul3A_903, %mul3A_906 : vector<16xf32>
      %sub3A_908 = arith.constant 1.000000e+00 : f32
      %sub3A_909 = vector.broadcast %sub3A_908 : f32 to vector<16xf32>
      %sub3A_910 = arith.subf %sub3A_909, %min3A_893 : vector<16xf32>
      %mul3A_911 = arith.mulf %sub3A_910, %div3A_887 : vector<16xf32>
      %mul3A_912 = arith.mulf %min3A_893, %add3A_900 : vector<16xf32>
      %add3A_913 = arith.addf %mul3A_911, %mul3A_912 : vector<16xf32>
      %sub3A_914 = arith.constant 1.000000e+00 : f32
      %sub3A_915 = vector.broadcast %sub3A_914 : f32 to vector<16xf32>
      %sub3A_916 = arith.subf %sub3A_915, %min3A_893 : vector<16xf32>
      %mul3A_917 = arith.mulf %sub3A_916, %div3A_887 : vector<16xf32>
      %mul3A_918 = arith.mulf %min3A_893, %add3A_907 : vector<16xf32>
      %add3A_919 = arith.addf %mul3A_917, %mul3A_918 : vector<16xf32>
      %sub3A_920 = arith.constant 1.000000e+00 : f32
      %sub3A_921 = vector.broadcast %sub3A_920 : f32 to vector<16xf32>
      %sub3A_922 = arith.subf %sub3A_921, %min3A_890 : vector<16xf32>
      %mul3A_923 = arith.mulf %sub3A_922, %get3A_878 : vector<16xf32>
      %mul3A_924 = arith.mulf %min3A_890, %add3A_913 : vector<16xf32>
      %add3A_925 = arith.addf %mul3A_923, %mul3A_924 : vector<16xf32>
      %sub3A_926 = arith.constant 1.000000e+00 : f32
      %sub3A_927 = vector.broadcast %sub3A_926 : f32 to vector<16xf32>
      %sub3A_928 = arith.subf %sub3A_927, %min3A_890 : vector<16xf32>
      %mul3A_929 = arith.mulf %sub3A_928, %get3A_880 : vector<16xf32>
      %mul3A_930 = arith.mulf %min3A_890, %add3A_919 : vector<16xf32>
      %add3A_931 = arith.addf %mul3A_929, %mul3A_930 : vector<16xf32>
      %mul3A_932 = arith.mulf %min3A_890, %min3A_893 : vector<16xf32>
      %sub3A_933 = arith.subf %add3A_925, %add3A_931 : vector<16xf32>
      %max3A_934 = arith.constant 0.000000e+00 : f32
      %max3A_935 = vector.broadcast %max3A_934 : f32 to vector<16xf32>
      %max3A_936 = arith.maximumf %sub3A_933, %max3A_935 : vector<16xf32>
      %mul3A_937 = arith.mulf %mul3A_932, %max3A_936 : vector<16xf32>
      %swap3A_938 = arith.constant 112 : index
      %swap3A_939 = tpu.vector_load %arg17[%swap3A_938] {strides = array<i32>} : memref<256xf32, #tpu.memory_space<vmem>>, vector<16xf32>,
      tpu.vector_store %arg17[%swap3A_938], %mul3A_937 {strides = array<i32>} : memref<256xf32, #tpu.memory_space<vmem>>, vector<16xf32>,
      %get3A_940 = arith.constant 128 : index
      %get3A_941 = tpu.vector_load %arg12[%get3A_940] {strides = array<i32>} : memref<256xf32, #tpu.memory_space<vmem>>, vector<16xf32>,
      %get3A_942 = arith.constant 128 : index
      %get3A_943 = tpu.vector_load %arg13[%get3A_942] {strides = array<i32>} : memref<256xf32, #tpu.memory_space<vmem>>, vector<16xf32>,
      %get3A_944 = arith.constant 128 : index
      %get3A_945 = tpu.vector_load %arg14[%get3A_944] {strides = array<i32>} : memref<256xf32, #tpu.memory_space<vmem>>, vector<16xf32>,
      %get3A_946 = arith.constant 128 : index
      %get3A_947 = tpu.vector_load %arg15[%get3A_946] {strides = array<i32>} : memref<256xf32, #tpu.memory_space<vmem>>, vector<16xf32>,
      %get3A_948 = arith.constant 128 : index
      %get3A_949 = tpu.vector_load %arg16[%get3A_948] {strides = array<i32>} : memref<256xi32, #tpu.memory_space<vmem>>, vector<16xi32>,
      %convert_element_type3A_950 = arith.sitofp %get3A_949 : vector<16xi32> to vector<16xf32>
      %max3A_951 = arith.constant 1.000000e+00 : f32
      %max3A_952 = vector.broadcast %max3A_951 : f32 to vector<16xf32>
      %max3A_953 = arith.maximumf %get3A_943, %max3A_952 : vector<16xf32>
      %div3A_954 = arith.divf %get3A_941, %max3A_953 : vector<16xf32>
      %min3A_955 = arith.constant 1.000000e+00 : f32
      %min3A_956 = vector.broadcast %min3A_955 : f32 to vector<16xf32>
      %min3A_957 = arith.minimumf %get3A_943, %min3A_956 : vector<16xf32>
      %min3A_958 = arith.constant 1.000000e+00 : f32
      %min3A_959 = vector.broadcast %min3A_958 : f32 to vector<16xf32>
      %min3A_960 = arith.minimumf %convert_element_type3A_950, %min3A_959 : vector<16xf32>
      %mul3A_961 = arith.constant 9.950000e-01 : f32
      %mul3A_962 = vector.broadcast %mul3A_961 : f32 to vector<16xf32>
      %mul3A_963 = arith.mulf %mul3A_962, %get3A_945 : vector<16xf32>
      %mul3A_964 = arith.constant 5.000000e-03 : f32
      %mul3A_965 = vector.broadcast %mul3A_964 : f32 to vector<16xf32>
      %mul3A_966 = arith.mulf %mul3A_965, %div3A_954 : vector<16xf32>
      %add3A_967 = arith.addf %mul3A_963, %mul3A_966 : vector<16xf32>
      %mul3A_968 = arith.constant 0.899999976 : f32
      %mul3A_969 = vector.broadcast %mul3A_968 : f32 to vector<16xf32>
      %mul3A_970 = arith.mulf %mul3A_969, %get3A_947 : vector<16xf32>
      %mul3A_971 = arith.constant 1.000000e-01 : f32
      %mul3A_972 = vector.broadcast %mul3A_971 : f32 to vector<16xf32>
      %mul3A_973 = arith.mulf %mul3A_972, %div3A_954 : vector<16xf32>
      %add3A_974 = arith.addf %mul3A_970, %mul3A_973 : vector<16xf32>
      %sub3A_975 = arith.constant 1.000000e+00 : f32
      %sub3A_976 = vector.broadcast %sub3A_975 : f32 to vector<16xf32>
      %sub3A_977 = arith.subf %sub3A_976, %min3A_960 : vector<16xf32>
      %mul3A_978 = arith.mulf %sub3A_977, %div3A_954 : vector<16xf32>
      %mul3A_979 = arith.mulf %min3A_960, %add3A_967 : vector<16xf32>
      %add3A_980 = arith.addf %mul3A_978, %mul3A_979 : vector<16xf32>
      %sub3A_981 = arith.constant 1.000000e+00 : f32
      %sub3A_982 = vector.broadcast %sub3A_981 : f32 to vector<16xf32>
      %sub3A_983 = arith.subf %sub3A_982, %min3A_960 : vector<16xf32>
      %mul3A_984 = arith.mulf %sub3A_983, %div3A_954 : vector<16xf32>
      %mul3A_985 = arith.mulf %min3A_960, %add3A_974 : vector<16xf32>
      %add3A_986 = arith.addf %mul3A_984, %mul3A_985 : vector<16xf32>
      %sub3A_987 = arith.constant 1.000000e+00 : f32
      %sub3A_988 = vector.broadcast %sub3A_987 : f32 to vector<16xf32>
      %sub3A_989 = arith.subf %sub3A_988, %min3A_957 : vector<16xf32>
      %mul3A_990 = arith.mulf %sub3A_989, %get3A_945 : vector<16xf32>
      %mul3A_991 = arith.mulf %min3A_957, %add3A_980 : vector<16xf32>
      %add3A_992 = arith.addf %mul3A_990, %mul3A_991 : vector<16xf32>
      %sub3A_993 = arith.constant 1.000000e+00 : f32
      %sub3A_994 = vector.broadcast %sub3A_993 : f32 to vector<16xf32>
      %sub3A_995 = arith.subf %sub3A_994, %min3A_957 : vector<16xf32>
      %mul3A_996 = arith.mulf %sub3A_995, %get3A_947 : vector<16xf32>
      %mul3A_997 = arith.mulf %min3A_957, %add3A_986 : vector<16xf32>
      %add3A_998 = arith.addf %mul3A_996, %mul3A_997 : vector<16xf32>
      %mul3A_999 = arith.mulf %min3A_957, %min3A_960 : vector<16xf32>
      %sub3A_1000 = arith.subf %add3A_992, %add3A_998 : vector<16xf32>
      %max3A_1001 = arith.constant 0.000000e+00 : f32
      %max3A_1002 = vector.broadcast %max3A_1001 : f32 to vector<16xf32>
      %max3A_1003 = arith.maximumf %sub3A_1000, %max3A_1002 : vector<16xf32>
      %mul3A_1004 = arith.mulf %mul3A_999, %max3A_1003 : vector<16xf32>
      %swap3A_1005 = arith.constant 128 : index
      %swap3A_1006 = tpu.vector_load %arg17[%swap3A_1005] {strides = array<i32>} : memref<256xf32, #tpu.memory_space<vmem>>, vector<16xf32>,
      tpu.vector_store %arg17[%swap3A_1005], %mul3A_1004 {strides = array<i32>} : memref<256xf32, #tpu.memory_space<vmem>>, vector<16xf32>,
      %get3A_1007 = arith.constant 144 : index
      %get3A_1008 = tpu.vector_load %arg12[%get3A_1007] {strides = array<i32>} : memref<256xf32, #tpu.memory_space<vmem>>, vector<16xf32>,
      %get3A_1009 = arith.constant 144 : index
      %get3A_1010 = tpu.vector_load %arg13[%get3A_1009] {strides = array<i32>} : memref<256xf32, #tpu.memory_space<vmem>>, vector<16xf32>,
      %get3A_1011 = arith.constant 144 : index
      %get3A_1012 = tpu.vector_load %arg14[%get3A_1011] {strides = array<i32>} : memref<256xf32, #tpu.memory_space<vmem>>, vector<16xf32>,
      %get3A_1013 = arith.constant 144 : index
      %get3A_1014 = tpu.vector_load %arg15[%get3A_1013] {strides = array<i32>} : memref<256xf32, #tpu.memory_space<vmem>>, vector<16xf32>,
      %get3A_1015 = arith.constant 144 : index
      %get3A_1016 = tpu.vector_load %arg16[%get3A_1015] {strides = array<i32>} : memref<256xi32, #tpu.memory_space<vmem>>, vector<16xi32>,
      %convert_element_type3A_1017 = arith.sitofp %get3A_1016 : vector<16xi32> to vector<16xf32>
      %max3A_1018 = arith.constant 1.000000e+00 : f32
      %max3A_1019 = vector.broadcast %max3A_1018 : f32 to vector<16xf32>
      %max3A_1020 = arith.maximumf %get3A_1010, %max3A_1019 : vector<16xf32>
      %div3A_1021 = arith.divf %get3A_1008, %max3A_1020 : vector<16xf32>
      %min3A_1022 = arith.constant 1.000000e+00 : f32
      %min3A_1023 = vector.broadcast %min3A_1022 : f32 to vector<16xf32>
      %min3A_1024 = arith.minimumf %get3A_1010, %min3A_1023 : vector<16xf32>
      %min3A_1025 = arith.constant 1.000000e+00 : f32
      %min3A_1026 = vector.broadcast %min3A_1025 : f32 to vector<16xf32>
      %min3A_1027 = arith.minimumf %convert_element_type3A_1017, %min3A_1026 : vector<16xf32>
      %mul3A_1028 = arith.constant 9.950000e-01 : f32
      %mul3A_1029 = vector.broadcast %mul3A_1028 : f32 to vector<16xf32>
      %mul3A_1030 = arith.mulf %mul3A_1029, %get3A_1012 : vector<16xf32>
      %mul3A_1031 = arith.constant 5.000000e-03 : f32
      %mul3A_1032 = vector.broadcast %mul3A_1031 : f32 to vector<16xf32>
      %mul3A_1033 = arith.mulf %mul3A_1032, %div3A_1021 : vector<16xf32>
      %add3A_1034 = arith.addf %mul3A_1030, %mul3A_1033 : vector<16xf32>
      %mul3A_1035 = arith.constant 0.899999976 : f32
      %mul3A_1036 = vector.broadcast %mul3A_1035 : f32 to vector<16xf32>
      %mul3A_1037 = arith.mulf %mul3A_1036, %get3A_1014 : vector<16xf32>
      %mul3A_1038 = arith.constant 1.000000e-01 : f32
      %mul3A_1039 = vector.broadcast %mul3A_1038 : f32 to vector<16xf32>
      %mul3A_1040 = arith.mulf %mul3A_1039, %div3A_1021 : vector<16xf32>
      %add3A_1041 = arith.addf %mul3A_1037, %mul3A_1040 : vector<16xf32>
      %sub3A_1042 = arith.constant 1.000000e+00 : f32
      %sub3A_1043 = vector.broadcast %sub3A_1042 : f32 to vector<16xf32>
      %sub3A_1044 = arith.subf %sub3A_1043, %min3A_1027 : vector<16xf32>
      %mul3A_1045 = arith.mulf %sub3A_1044, %div3A_1021 : vector<16xf32>
      %mul3A_1046 = arith.mulf %min3A_1027, %add3A_1034 : vector<16xf32>
      %add3A_1047 = arith.addf %mul3A_1045, %mul3A_1046 : vector<16xf32>
      %sub3A_1048 = arith.constant 1.000000e+00 : f32
      %sub3A_1049 = vector.broadcast %sub3A_1048 : f32 to vector<16xf32>
      %sub3A_1050 = arith.subf %sub3A_1049, %min3A_1027 : vector<16xf32>
      %mul3A_1051 = arith.mulf %sub3A_1050, %div3A_1021 : vector<16xf32>
      %mul3A_1052 = arith.mulf %min3A_1027, %add3A_1041 : vector<16xf32>
      %add3A_1053 = arith.addf %mul3A_1051, %mul3A_1052 : vector<16xf32>
      %sub3A_1054 = arith.constant 1.000000e+00 : f32
      %sub3A_1055 = vector.broadcast %sub3A_1054 : f32 to vector<16xf32>
      %sub3A_1056 = arith.subf %sub3A_1055, %min3A_1024 : vector<16xf32>
      %mul3A_1057 = arith.mulf %sub3A_1056, %get3A_1012 : vector<16xf32>
      %mul3A_1058 = arith.mulf %min3A_1024, %add3A_1047 : vector<16xf32>
      %add3A_1059 = arith.addf %mul3A_1057, %mul3A_1058 : vector<16xf32>
      %sub3A_1060 = arith.constant 1.000000e+00 : f32
      %sub3A_1061 = vector.broadcast %sub3A_1060 : f32 to vector<16xf32>
      %sub3A_1062 = arith.subf %sub3A_1061, %min3A_1024 : vector<16xf32>
      %mul3A_1063 = arith.mulf %sub3A_1062, %get3A_1014 : vector<16xf32>
      %mul3A_1064 = arith.mulf %min3A_1024, %add3A_1053 : vector<16xf32>
      %add3A_1065 = arith.addf %mul3A_1063, %mul3A_1064 : vector<16xf32>
      %mul3A_1066 = arith.mulf %min3A_1024, %min3A_1027 : vector<16xf32>
      %sub3A_1067 = arith.subf %add3A_1059, %add3A_1065 : vector<16xf32>
      %max3A_1068 = arith.constant 0.000000e+00 : f32
      %max3A_1069 = vector.broadcast %max3A_1068 : f32 to vector<16xf32>
      %max3A_1070 = arith.maximumf %sub3A_1067, %max3A_1069 : vector<16xf32>
      %mul3A_1071 = arith.mulf %mul3A_1066, %max3A_1070 : vector<16xf32>
      %swap3A_1072 = arith.constant 144 : index
      %swap3A_1073 = tpu.vector_load %arg17[%swap3A_1072] {strides = array<i32>} : memref<256xf32, #tpu.memory_space<vmem>>, vector<16xf32>,
      tpu.vector_store %arg17[%swap3A_1072], %mul3A_1071 {strides = array<i32>} : memref<256xf32, #tpu.memory_space<vmem>>, vector<16xf32>,
      %get3A_1074 = arith.constant 160 : index
      %get3A_1075 = tpu.vector_load %arg12[%get3A_1074] {strides = array<i32>} : memref<256xf32, #tpu.memory_space<vmem>>, vector<16xf32>,
      %get3A_1076 = arith.constant 160 : index
      %get3A_1077 = tpu.vector_load %arg13[%get3A_1076] {strides = array<i32>} : memref<256xf32, #tpu.memory_space<vmem>>, vector<16xf32>,
      %get3A_1078 = arith.constant 160 : index
      %get3A_1079 = tpu.vector_load %arg14[%get3A_1078] {strides = array<i32>} : memref<256xf32, #tpu.memory_space<vmem>>, vector<16xf32>,
      %get3A_1080 = arith.constant 160 : index
      %get3A_1081 = tpu.vector_load %arg15[%get3A_1080] {strides = array<i32>} : memref<256xf32, #tpu.memory_space<vmem>>, vector<16xf32>,
      %get3A_1082 = arith.constant 160 : index
      %get3A_1083 = tpu.vector_load %arg16[%get3A_1082] {strides = array<i32>} : memref<256xi32, #tpu.memory_space<vmem>>, vector<16xi32>,
      %convert_element_type3A_1084 = arith.sitofp %get3A_1083 : vector<16xi32> to vector<16xf32>
      %max3A_1085 = arith.constant 1.000000e+00 : f32
      %max3A_1086 = vector.broadcast %max3A_1085 : f32 to vector<16xf32>
      %max3A_1087 = arith.maximumf %get3A_1077, %max3A_1086 : vector<16xf32>
      %div3A_1088 = arith.divf %get3A_1075, %max3A_1087 : vector<16xf32>
      %min3A_1089 = arith.constant 1.000000e+00 : f32
      %min3A_1090 = vector.broadcast %min3A_1089 : f32 to vector<16xf32>
      %min3A_1091 = arith.minimumf %get3A_1077, %min3A_1090 : vector<16xf32>
      %min3A_1092 = arith.constant 1.000000e+00 : f32
      %min3A_1093 = vector.broadcast %min3A_1092 : f32 to vector<16xf32>
      %min3A_1094 = arith.minimumf %convert_element_type3A_1084, %min3A_1093 : vector<16xf32>
      %mul3A_1095 = arith.constant 9.950000e-01 : f32
      %mul3A_1096 = vector.broadcast %mul3A_1095 : f32 to vector<16xf32>
      %mul3A_1097 = arith.mulf %mul3A_1096, %get3A_1079 : vector<16xf32>
      %mul3A_1098 = arith.constant 5.000000e-03 : f32
      %mul3A_1099 = vector.broadcast %mul3A_1098 : f32 to vector<16xf32>
      %mul3A_1100 = arith.mulf %mul3A_1099, %div3A_1088 : vector<16xf32>
      %add3A_1101 = arith.addf %mul3A_1097, %mul3A_1100 : vector<16xf32>
      %mul3A_1102 = arith.constant 0.899999976 : f32
      %mul3A_1103 = vector.broadcast %mul3A_1102 : f32 to vector<16xf32>
      %mul3A_1104 = arith.mulf %mul3A_1103, %get3A_1081 : vector<16xf32>
      %mul3A_1105 = arith.constant 1.000000e-01 : f32
      %mul3A_1106 = vector.broadcast %mul3A_1105 : f32 to vector<16xf32>
      %mul3A_1107 = arith.mulf %mul3A_1106, %div3A_1088 : vector<16xf32>
      %add3A_1108 = arith.addf %mul3A_1104, %mul3A_1107 : vector<16xf32>
      %sub3A_1109 = arith.constant 1.000000e+00 : f32
      %sub3A_1110 = vector.broadcast %sub3A_1109 : f32 to vector<16xf32>
      %sub3A_1111 = arith.subf %sub3A_1110, %min3A_1094 : vector<16xf32>
      %mul3A_1112 = arith.mulf %sub3A_1111, %div3A_1088 : vector<16xf32>
      %mul3A_1113 = arith.mulf %min3A_1094, %add3A_1101 : vector<16xf32>
      %add3A_1114 = arith.addf %mul3A_1112, %mul3A_1113 : vector<16xf32>
      %sub3A_1115 = arith.constant 1.000000e+00 : f32
      %sub3A_1116 = vector.broadcast %sub3A_1115 : f32 to vector<16xf32>
      %sub3A_1117 = arith.subf %sub3A_1116, %min3A_1094 : vector<16xf32>
      %mul3A_1118 = arith.mulf %sub3A_1117, %div3A_1088 : vector<16xf32>
      %mul3A_1119 = arith.mulf %min3A_1094, %add3A_1108 : vector<16xf32>
      %add3A_1120 = arith.addf %mul3A_1118, %mul3A_1119 : vector<16xf32>
      %sub3A_1121 = arith.constant 1.000000e+00 : f32
      %sub3A_1122 = vector.broadcast %sub3A_1121 : f32 to vector<16xf32>
      %sub3A_1123 = arith.subf %sub3A_1122, %min3A_1091 : vector<16xf32>
      %mul3A_1124 = arith.mulf %sub3A_1123, %get3A_1079 : vector<16xf32>
      %mul3A_1125 = arith.mulf %min3A_1091, %add3A_1114 : vector<16xf32>
      %add3A_1126 = arith.addf %mul3A_1124, %mul3A_1125 : vector<16xf32>
      %sub3A_1127 = arith.constant 1.000000e+00 : f32
      %sub3A_1128 = vector.broadcast %sub3A_1127 : f32 to vector<16xf32>
      %sub3A_1129 = arith.subf %sub3A_1128, %min3A_1091 : vector<16xf32>
      %mul3A_1130 = arith.mulf %sub3A_1129, %get3A_1081 : vector<16xf32>
      %mul3A_1131 = arith.mulf %min3A_1091, %add3A_1120 : vector<16xf32>
      %add3A_1132 = arith.addf %mul3A_1130, %mul3A_1131 : vector<16xf32>
      %mul3A_1133 = arith.mulf %min3A_1091, %min3A_1094 : vector<16xf32>
      %sub3A_1134 = arith.subf %add3A_1126, %add3A_1132 : vector<16xf32>
      %max3A_1135 = arith.constant 0.000000e+00 : f32
      %max3A_1136 = vector.broadcast %max3A_1135 : f32 to vector<16xf32>
      %max3A_1137 = arith.maximumf %sub3A_1134, %max3A_1136 : vector<16xf32>
      %mul3A_1138 = arith.mulf %mul3A_1133, %max3A_1137 : vector<16xf32>
      %swap3A_1139 = arith.constant 160 : index
      %swap3A_1140 = tpu.vector_load %arg17[%swap3A_1139] {strides = array<i32>} : memref<256xf32, #tpu.memory_space<vmem>>, vector<16xf32>,
      tpu.vector_store %arg17[%swap3A_1139], %mul3A_1138 {strides = array<i32>} : memref<256xf32, #tpu.memory_space<vmem>>, vector<16xf32>,
      %get3A_1141 = arith.constant 176 : index
      %get3A_1142 = tpu.vector_load %arg12[%get3A_1141] {strides = array<i32>} : memref<256xf32, #tpu.memory_space<vmem>>, vector<16xf32>,
      %get3A_1143 = arith.constant 176 : index
      %get3A_1144 = tpu.vector_load %arg13[%get3A_1143] {strides = array<i32>} : memref<256xf32, #tpu.memory_space<vmem>>, vector<16xf32>,
      %get3A_1145 = arith.constant 176 : index
      %get3A_1146 = tpu.vector_load %arg14[%get3A_1145] {strides = array<i32>} : memref<256xf32, #tpu.memory_space<vmem>>, vector<16xf32>,
      %get3A_1147 = arith.constant 176 : index
      %get3A_1148 = tpu.vector_load %arg15[%get3A_1147] {strides = array<i32>} : memref<256xf32, #tpu.memory_space<vmem>>, vector<16xf32>,
      %get3A_1149 = arith.constant 176 : index
      %get3A_1150 = tpu.vector_load %arg16[%get3A_1149] {strides = array<i32>} : memref<256xi32, #tpu.memory_space<vmem>>, vector<16xi32>,
      %convert_element_type3A_1151 = arith.sitofp %get3A_1150 : vector<16xi32> to vector<16xf32>
      %max3A_1152 = arith.constant 1.000000e+00 : f32
      %max3A_1153 = vector.broadcast %max3A_1152 : f32 to vector<16xf32>
      %max3A_1154 = arith.maximumf %get3A_1144, %max3A_1153 : vector<16xf32>
      %div3A_1155 = arith.divf %get3A_1142, %max3A_1154 : vector<16xf32>
      %min3A_1156 = arith.constant 1.000000e+00 : f32
      %min3A_1157 = vector.broadcast %min3A_1156 : f32 to vector<16xf32>
      %min3A_1158 = arith.minimumf %get3A_1144, %min3A_1157 : vector<16xf32>
      %min3A_1159 = arith.constant 1.000000e+00 : f32
      %min3A_1160 = vector.broadcast %min3A_1159 : f32 to vector<16xf32>
      %min3A_1161 = arith.minimumf %convert_element_type3A_1151, %min3A_1160 : vector<16xf32>
      %mul3A_1162 = arith.constant 9.950000e-01 : f32
      %mul3A_1163 = vector.broadcast %mul3A_1162 : f32 to vector<16xf32>
      %mul3A_1164 = arith.mulf %mul3A_1163, %get3A_1146 : vector<16xf32>
      %mul3A_1165 = arith.constant 5.000000e-03 : f32
      %mul3A_1166 = vector.broadcast %mul3A_1165 : f32 to vector<16xf32>
      %mul3A_1167 = arith.mulf %mul3A_1166, %div3A_1155 : vector<16xf32>
      %add3A_1168 = arith.addf %mul3A_1164, %mul3A_1167 : vector<16xf32>
      %mul3A_1169 = arith.constant 0.899999976 : f32
      %mul3A_1170 = vector.broadcast %mul3A_1169 : f32 to vector<16xf32>
      %mul3A_1171 = arith.mulf %mul3A_1170, %get3A_1148 : vector<16xf32>
      %mul3A_1172 = arith.constant 1.000000e-01 : f32
      %mul3A_1173 = vector.broadcast %mul3A_1172 : f32 to vector<16xf32>
      %mul3A_1174 = arith.mulf %mul3A_1173, %div3A_1155 : vector<16xf32>
      %add3A_1175 = arith.addf %mul3A_1171, %mul3A_1174 : vector<16xf32>
      %sub3A_1176 = arith.constant 1.000000e+00 : f32
      %sub3A_1177 = vector.broadcast %sub3A_1176 : f32 to vector<16xf32>
      %sub3A_1178 = arith.subf %sub3A_1177, %min3A_1161 : vector<16xf32>
      %mul3A_1179 = arith.mulf %sub3A_1178, %div3A_1155 : vector<16xf32>
      %mul3A_1180 = arith.mulf %min3A_1161, %add3A_1168 : vector<16xf32>
      %add3A_1181 = arith.addf %mul3A_1179, %mul3A_1180 : vector<16xf32>
      %sub3A_1182 = arith.constant 1.000000e+00 : f32
      %sub3A_1183 = vector.broadcast %sub3A_1182 : f32 to vector<16xf32>
      %sub3A_1184 = arith.subf %sub3A_1183, %min3A_1161 : vector<16xf32>
      %mul3A_1185 = arith.mulf %sub3A_1184, %div3A_1155 : vector<16xf32>
      %mul3A_1186 = arith.mulf %min3A_1161, %add3A_1175 : vector<16xf32>
      %add3A_1187 = arith.addf %mul3A_1185, %mul3A_1186 : vector<16xf32>
      %sub3A_1188 = arith.constant 1.000000e+00 : f32
      %sub3A_1189 = vector.broadcast %sub3A_1188 : f32 to vector<16xf32>
      %sub3A_1190 = arith.subf %sub3A_1189, %min3A_1158 : vector<16xf32>
      %mul3A_1191 = arith.mulf %sub3A_1190, %get3A_1146 : vector<16xf32>
      %mul3A_1192 = arith.mulf %min3A_1158, %add3A_1181 : vector<16xf32>
      %add3A_1193 = arith.addf %mul3A_1191, %mul3A_1192 : vector<16xf32>
      %sub3A_1194 = arith.constant 1.000000e+00 : f32
      %sub3A_1195 = vector.broadcast %sub3A_1194 : f32 to vector<16xf32>
      %sub3A_1196 = arith.subf %sub3A_1195, %min3A_1158 : vector<16xf32>
      %mul3A_1197 = arith.mulf %sub3A_1196, %get3A_1148 : vector<16xf32>
      %mul3A_1198 = arith.mulf %min3A_1158, %add3A_1187 : vector<16xf32>
      %add3A_1199 = arith.addf %mul3A_1197, %mul3A_1198 : vector<16xf32>
      %mul3A_1200 = arith.mulf %min3A_1158, %min3A_1161 : vector<16xf32>
      %sub3A_1201 = arith.subf %add3A_1193, %add3A_1199 : vector<16xf32>
      %max3A_1202 = arith.constant 0.000000e+00 : f32
      %max3A_1203 = vector.broadcast %max3A_1202 : f32 to vector<16xf32>
      %max3A_1204 = arith.maximumf %sub3A_1201, %max3A_1203 : vector<16xf32>
      %mul3A_1205 = arith.mulf %mul3A_1200, %max3A_1204 : vector<16xf32>
      %swap3A_1206 = arith.constant 176 : index
      %swap3A_1207 = tpu.vector_load %arg17[%swap3A_1206] {strides = array<i32>} : memref<256xf32, #tpu.memory_space<vmem>>, vector<16xf32>,
      tpu.vector_store %arg17[%swap3A_1206], %mul3A_1205 {strides = array<i32>} : memref<256xf32, #tpu.memory_space<vmem>>, vector<16xf32>,
      %get3A_1208 = arith.constant 192 : index
      %get3A_1209 = tpu.vector_load %arg12[%get3A_1208] {strides = array<i32>} : memref<256xf32, #tpu.memory_space<vmem>>, vector<16xf32>,
      %get3A_1210 = arith.constant 192 : index
      %get3A_1211 = tpu.vector_load %arg13[%get3A_1210] {strides = array<i32>} : memref<256xf32, #tpu.memory_space<vmem>>, vector<16xf32>,
      %get3A_1212 = arith.constant 192 : index
      %get3A_1213 = tpu.vector_load %arg14[%get3A_1212] {strides = array<i32>} : memref<256xf32, #tpu.memory_space<vmem>>, vector<16xf32>,
      %get3A_1214 = arith.constant 192 : index
      %get3A_1215 = tpu.vector_load %arg15[%get3A_1214] {strides = array<i32>} : memref<256xf32, #tpu.memory_space<vmem>>, vector<16xf32>,
      %get3A_1216 = arith.constant 192 : index
      %get3A_1217 = tpu.vector_load %arg16[%get3A_1216] {strides = array<i32>} : memref<256xi32, #tpu.memory_space<vmem>>, vector<16xi32>,
      %convert_element_type3A_1218 = arith.sitofp %get3A_1217 : vector<16xi32> to vector<16xf32>
      %max3A_1219 = arith.constant 1.000000e+00 : f32
      %max3A_1220 = vector.broadcast %max3A_1219 : f32 to vector<16xf32>
      %max3A_1221 = arith.maximumf %get3A_1211, %max3A_1220 : vector<16xf32>
      %div3A_1222 = arith.divf %get3A_1209, %max3A_1221 : vector<16xf32>
      %min3A_1223 = arith.constant 1.000000e+00 : f32
      %min3A_1224 = vector.broadcast %min3A_1223 : f32 to vector<16xf32>
      %min3A_1225 = arith.minimumf %get3A_1211, %min3A_1224 : vector<16xf32>
      %min3A_1226 = arith.constant 1.000000e+00 : f32
      %min3A_1227 = vector.broadcast %min3A_1226 : f32 to vector<16xf32>
      %min3A_1228 = arith.minimumf %convert_element_type3A_1218, %min3A_1227 : vector<16xf32>
      %mul3A_1229 = arith.constant 9.950000e-01 : f32
      %mul3A_1230 = vector.broadcast %mul3A_1229 : f32 to vector<16xf32>
      %mul3A_1231 = arith.mulf %mul3A_1230, %get3A_1213 : vector<16xf32>
      %mul3A_1232 = arith.constant 5.000000e-03 : f32
      %mul3A_1233 = vector.broadcast %mul3A_1232 : f32 to vector<16xf32>
      %mul3A_1234 = arith.mulf %mul3A_1233, %div3A_1222 : vector<16xf32>
      %add3A_1235 = arith.addf %mul3A_1231, %mul3A_1234 : vector<16xf32>
      %mul3A_1236 = arith.constant 0.899999976 : f32
      %mul3A_1237 = vector.broadcast %mul3A_1236 : f32 to vector<16xf32>
      %mul3A_1238 = arith.mulf %mul3A_1237, %get3A_1215 : vector<16xf32>
      %mul3A_1239 = arith.constant 1.000000e-01 : f32
      %mul3A_1240 = vector.broadcast %mul3A_1239 : f32 to vector<16xf32>
      %mul3A_1241 = arith.mulf %mul3A_1240, %div3A_1222 : vector<16xf32>
      %add3A_1242 = arith.addf %mul3A_1238, %mul3A_1241 : vector<16xf32>
      %sub3A_1243 = arith.constant 1.000000e+00 : f32
      %sub3A_1244 = vector.broadcast %sub3A_1243 : f32 to vector<16xf32>
      %sub3A_1245 = arith.subf %sub3A_1244, %min3A_1228 : vector<16xf32>
      %mul3A_1246 = arith.mulf %sub3A_1245, %div3A_1222 : vector<16xf32>
      %mul3A_1247 = arith.mulf %min3A_1228, %add3A_1235 : vector<16xf32>
      %add3A_1248 = arith.addf %mul3A_1246, %mul3A_1247 : vector<16xf32>
      %sub3A_1249 = arith.constant 1.000000e+00 : f32
      %sub3A_1250 = vector.broadcast %sub3A_1249 : f32 to vector<16xf32>
      %sub3A_1251 = arith.subf %sub3A_1250, %min3A_1228 : vector<16xf32>
      %mul3A_1252 = arith.mulf %sub3A_1251, %div3A_1222 : vector<16xf32>
      %mul3A_1253 = arith.mulf %min3A_1228, %add3A_1242 : vector<16xf32>
      %add3A_1254 = arith.addf %mul3A_1252, %mul3A_1253 : vector<16xf32>
      %sub3A_1255 = arith.constant 1.000000e+00 : f32
      %sub3A_1256 = vector.broadcast %sub3A_1255 : f32 to vector<16xf32>
      %sub3A_1257 = arith.subf %sub3A_1256, %min3A_1225 : vector<16xf32>
      %mul3A_1258 = arith.mulf %sub3A_1257, %get3A_1213 : vector<16xf32>
      %mul3A_1259 = arith.mulf %min3A_1225, %add3A_1248 : vector<16xf32>
      %add3A_1260 = arith.addf %mul3A_1258, %mul3A_1259 : vector<16xf32>
      %sub3A_1261 = arith.constant 1.000000e+00 : f32
      %sub3A_1262 = vector.broadcast %sub3A_1261 : f32 to vector<16xf32>
      %sub3A_1263 = arith.subf %sub3A_1262, %min3A_1225 : vector<16xf32>
      %mul3A_1264 = arith.mulf %sub3A_1263, %get3A_1215 : vector<16xf32>
      %mul3A_1265 = arith.mulf %min3A_1225, %add3A_1254 : vector<16xf32>
      %add3A_1266 = arith.addf %mul3A_1264, %mul3A_1265 : vector<16xf32>
      %mul3A_1267 = arith.mulf %min3A_1225, %min3A_1228 : vector<16xf32>
      %sub3A_1268 = arith.subf %add3A_1260, %add3A_1266 : vector<16xf32>
      %max3A_1269 = arith.constant 0.000000e+00 : f32
      %max3A_1270 = vector.broadcast %max3A_1269 : f32 to vector<16xf32>
      %max3A_1271 = arith.maximumf %sub3A_1268, %max3A_1270 : vector<16xf32>
      %mul3A_1272 = arith.mulf %mul3A_1267, %max3A_1271 : vector<16xf32>
      %swap3A_1273 = arith.constant 192 : index
      %swap3A_1274 = tpu.vector_load %arg17[%swap3A_1273] {strides = array<i32>} : memref<256xf32, #tpu.memory_space<vmem>>, vector<16xf32>,
      tpu.vector_store %arg17[%swap3A_1273], %mul3A_1272 {strides = array<i32>} : memref<256xf32, #tpu.memory_space<vmem>>, vector<16xf32>,
      %get3A_1275 = arith.constant 208 : index
      %get3A_1276 = tpu.vector_load %arg12[%get3A_1275] {strides = array<i32>} : memref<256xf32, #tpu.memory_space<vmem>>, vector<16xf32>,
      %get3A_1277 = arith.constant 208 : index
      %get3A_1278 = tpu.vector_load %arg13[%get3A_1277] {strides = array<i32>} : memref<256xf32, #tpu.memory_space<vmem>>, vector<16xf32>,
      %get3A_1279 = arith.constant 208 : index
      %get3A_1280 = tpu.vector_load %arg14[%get3A_1279] {strides = array<i32>} : memref<256xf32, #tpu.memory_space<vmem>>, vector<16xf32>,
      %get3A_1281 = arith.constant 208 : index
      %get3A_1282 = tpu.vector_load %arg15[%get3A_1281] {strides = array<i32>} : memref<256xf32, #tpu.memory_space<vmem>>, vector<16xf32>,
      %get3A_1283 = arith.constant 208 : index
      %get3A_1284 = tpu.vector_load %arg16[%get3A_1283] {strides = array<i32>} : memref<256xi32, #tpu.memory_space<vmem>>, vector<16xi32>,
      %convert_element_type3A_1285 = arith.sitofp %get3A_1284 : vector<16xi32> to vector<16xf32>
      %max3A_1286 = arith.constant 1.000000e+00 : f32
      %max3A_1287 = vector.broadcast %max3A_1286 : f32 to vector<16xf32>
      %max3A_1288 = arith.maximumf %get3A_1278, %max3A_1287 : vector<16xf32>
      %div3A_1289 = arith.divf %get3A_1276, %max3A_1288 : vector<16xf32>
      %min3A_1290 = arith.constant 1.000000e+00 : f32
      %min3A_1291 = vector.broadcast %min3A_1290 : f32 to vector<16xf32>
      %min3A_1292 = arith.minimumf %get3A_1278, %min3A_1291 : vector<16xf32>
      %min3A_1293 = arith.constant 1.000000e+00 : f32
      %min3A_1294 = vector.broadcast %min3A_1293 : f32 to vector<16xf32>
      %min3A_1295 = arith.minimumf %convert_element_type3A_1285, %min3A_1294 : vector<16xf32>
      %mul3A_1296 = arith.constant 9.950000e-01 : f32
      %mul3A_1297 = vector.broadcast %mul3A_1296 : f32 to vector<16xf32>
      %mul3A_1298 = arith.mulf %mul3A_1297, %get3A_1280 : vector<16xf32>
      %mul3A_1299 = arith.constant 5.000000e-03 : f32
      %mul3A_1300 = vector.broadcast %mul3A_1299 : f32 to vector<16xf32>
      %mul3A_1301 = arith.mulf %mul3A_1300, %div3A_1289 : vector<16xf32>
      %add3A_1302 = arith.addf %mul3A_1298, %mul3A_1301 : vector<16xf32>
      %mul3A_1303 = arith.constant 0.899999976 : f32
      %mul3A_1304 = vector.broadcast %mul3A_1303 : f32 to vector<16xf32>
      %mul3A_1305 = arith.mulf %mul3A_1304, %get3A_1282 : vector<16xf32>
      %mul3A_1306 = arith.constant 1.000000e-01 : f32
      %mul3A_1307 = vector.broadcast %mul3A_1306 : f32 to vector<16xf32>
      %mul3A_1308 = arith.mulf %mul3A_1307, %div3A_1289 : vector<16xf32>
      %add3A_1309 = arith.addf %mul3A_1305, %mul3A_1308 : vector<16xf32>
      %sub3A_1310 = arith.constant 1.000000e+00 : f32
      %sub3A_1311 = vector.broadcast %sub3A_1310 : f32 to vector<16xf32>
      %sub3A_1312 = arith.subf %sub3A_1311, %min3A_1295 : vector<16xf32>
      %mul3A_1313 = arith.mulf %sub3A_1312, %div3A_1289 : vector<16xf32>
      %mul3A_1314 = arith.mulf %min3A_1295, %add3A_1302 : vector<16xf32>
      %add3A_1315 = arith.addf %mul3A_1313, %mul3A_1314 : vector<16xf32>
      %sub3A_1316 = arith.constant 1.000000e+00 : f32
      %sub3A_1317 = vector.broadcast %sub3A_1316 : f32 to vector<16xf32>
      %sub3A_1318 = arith.subf %sub3A_1317, %min3A_1295 : vector<16xf32>
      %mul3A_1319 = arith.mulf %sub3A_1318, %div3A_1289 : vector<16xf32>
      %mul3A_1320 = arith.mulf %min3A_1295, %add3A_1309 : vector<16xf32>
      %add3A_1321 = arith.addf %mul3A_1319, %mul3A_1320 : vector<16xf32>
      %sub3A_1322 = arith.constant 1.000000e+00 : f32
      %sub3A_1323 = vector.broadcast %sub3A_1322 : f32 to vector<16xf32>
      %sub3A_1324 = arith.subf %sub3A_1323, %min3A_1292 : vector<16xf32>
      %mul3A_1325 = arith.mulf %sub3A_1324, %get3A_1280 : vector<16xf32>
      %mul3A_1326 = arith.mulf %min3A_1292, %add3A_1315 : vector<16xf32>
      %add3A_1327 = arith.addf %mul3A_1325, %mul3A_1326 : vector<16xf32>
      %sub3A_1328 = arith.constant 1.000000e+00 : f32
      %sub3A_1329 = vector.broadcast %sub3A_1328 : f32 to vector<16xf32>
      %sub3A_1330 = arith.subf %sub3A_1329, %min3A_1292 : vector<16xf32>
      %mul3A_1331 = arith.mulf %sub3A_1330, %get3A_1282 : vector<16xf32>
      %mul3A_1332 = arith.mulf %min3A_1292, %add3A_1321 : vector<16xf32>
      %add3A_1333 = arith.addf %mul3A_1331, %mul3A_1332 : vector<16xf32>
      %mul3A_1334 = arith.mulf %min3A_1292, %min3A_1295 : vector<16xf32>
      %sub3A_1335 = arith.subf %add3A_1327, %add3A_1333 : vector<16xf32>
      %max3A_1336 = arith.constant 0.000000e+00 : f32
      %max3A_1337 = vector.broadcast %max3A_1336 : f32 to vector<16xf32>
      %max3A_1338 = arith.maximumf %sub3A_1335, %max3A_1337 : vector<16xf32>
      %mul3A_1339 = arith.mulf %mul3A_1334, %max3A_1338 : vector<16xf32>
      %swap3A_1340 = arith.constant 208 : index
      %swap3A_1341 = tpu.vector_load %arg17[%swap3A_1340] {strides = array<i32>} : memref<256xf32, #tpu.memory_space<vmem>>, vector<16xf32>,
      tpu.vector_store %arg17[%swap3A_1340], %mul3A_1339 {strides = array<i32>} : memref<256xf32, #tpu.memory_space<vmem>>, vector<16xf32>,
      %get3A_1342 = arith.constant 224 : index
      %get3A_1343 = tpu.vector_load %arg12[%get3A_1342] {strides = array<i32>} : memref<256xf32, #tpu.memory_space<vmem>>, vector<16xf32>,
      %get3A_1344 = arith.constant 224 : index
      %get3A_1345 = tpu.vector_load %arg13[%get3A_1344] {strides = array<i32>} : memref<256xf32, #tpu.memory_space<vmem>>, vector<16xf32>,
      %get3A_1346 = arith.constant 224 : index
      %get3A_1347 = tpu.vector_load %arg14[%get3A_1346] {strides = array<i32>} : memref<256xf32, #tpu.memory_space<vmem>>, vector<16xf32>,
      %get3A_1348 = arith.constant 224 : index
      %get3A_1349 = tpu.vector_load %arg15[%get3A_1348] {strides = array<i32>} : memref<256xf32, #tpu.memory_space<vmem>>, vector<16xf32>,
      %get3A_1350 = arith.constant 224 : index
      %get3A_1351 = tpu.vector_load %arg16[%get3A_1350] {strides = array<i32>} : memref<256xi32, #tpu.memory_space<vmem>>, vector<16xi32>,
      %convert_element_type3A_1352 = arith.sitofp %get3A_1351 : vector<16xi32> to vector<16xf32>
      %max3A_1353 = arith.constant 1.000000e+00 : f32
      %max3A_1354 = vector.broadcast %max3A_1353 : f32 to vector<16xf32>
      %max3A_1355 = arith.maximumf %get3A_1345, %max3A_1354 : vector<16xf32>
      %div3A_1356 = arith.divf %get3A_1343, %max3A_1355 : vector<16xf32>
      %min3A_1357 = arith.constant 1.000000e+00 : f32
      %min3A_1358 = vector.broadcast %min3A_1357 : f32 to vector<16xf32>
      %min3A_1359 = arith.minimumf %get3A_1345, %min3A_1358 : vector<16xf32>
      %min3A_1360 = arith.constant 1.000000e+00 : f32
      %min3A_1361 = vector.broadcast %min3A_1360 : f32 to vector<16xf32>
      %min3A_1362 = arith.minimumf %convert_element_type3A_1352, %min3A_1361 : vector<16xf32>
      %mul3A_1363 = arith.constant 9.950000e-01 : f32
      %mul3A_1364 = vector.broadcast %mul3A_1363 : f32 to vector<16xf32>
      %mul3A_1365 = arith.mulf %mul3A_1364, %get3A_1347 : vector<16xf32>
      %mul3A_1366 = arith.constant 5.000000e-03 : f32
      %mul3A_1367 = vector.broadcast %mul3A_1366 : f32 to vector<16xf32>
      %mul3A_1368 = arith.mulf %mul3A_1367, %div3A_1356 : vector<16xf32>
      %add3A_1369 = arith.addf %mul3A_1365, %mul3A_1368 : vector<16xf32>
      %mul3A_1370 = arith.constant 0.899999976 : f32
      %mul3A_1371 = vector.broadcast %mul3A_1370 : f32 to vector<16xf32>
      %mul3A_1372 = arith.mulf %mul3A_1371, %get3A_1349 : vector<16xf32>
      %mul3A_1373 = arith.constant 1.000000e-01 : f32
      %mul3A_1374 = vector.broadcast %mul3A_1373 : f32 to vector<16xf32>
      %mul3A_1375 = arith.mulf %mul3A_1374, %div3A_1356 : vector<16xf32>
      %add3A_1376 = arith.addf %mul3A_1372, %mul3A_1375 : vector<16xf32>
      %sub3A_1377 = arith.constant 1.000000e+00 : f32
      %sub3A_1378 = vector.broadcast %sub3A_1377 : f32 to vector<16xf32>
      %sub3A_1379 = arith.subf %sub3A_1378, %min3A_1362 : vector<16xf32>
      %mul3A_1380 = arith.mulf %sub3A_1379, %div3A_1356 : vector<16xf32>
      %mul3A_1381 = arith.mulf %min3A_1362, %add3A_1369 : vector<16xf32>
      %add3A_1382 = arith.addf %mul3A_1380, %mul3A_1381 : vector<16xf32>
      %sub3A_1383 = arith.constant 1.000000e+00 : f32
      %sub3A_1384 = vector.broadcast %sub3A_1383 : f32 to vector<16xf32>
      %sub3A_1385 = arith.subf %sub3A_1384, %min3A_1362 : vector<16xf32>
      %mul3A_1386 = arith.mulf %sub3A_1385, %div3A_1356 : vector<16xf32>
      %mul3A_1387 = arith.mulf %min3A_1362, %add3A_1376 : vector<16xf32>
      %add3A_1388 = arith.addf %mul3A_1386, %mul3A_1387 : vector<16xf32>
      %sub3A_1389 = arith.constant 1.000000e+00 : f32
      %sub3A_1390 = vector.broadcast %sub3A_1389 : f32 to vector<16xf32>
      %sub3A_1391 = arith.subf %sub3A_1390, %min3A_1359 : vector<16xf32>
      %mul3A_1392 = arith.mulf %sub3A_1391, %get3A_1347 : vector<16xf32>
      %mul3A_1393 = arith.mulf %min3A_1359, %add3A_1382 : vector<16xf32>
      %add3A_1394 = arith.addf %mul3A_1392, %mul3A_1393 : vector<16xf32>
      %sub3A_1395 = arith.constant 1.000000e+00 : f32
      %sub3A_1396 = vector.broadcast %sub3A_1395 : f32 to vector<16xf32>
      %sub3A_1397 = arith.subf %sub3A_1396, %min3A_1359 : vector<16xf32>
      %mul3A_1398 = arith.mulf %sub3A_1397, %get3A_1349 : vector<16xf32>
      %mul3A_1399 = arith.mulf %min3A_1359, %add3A_1388 : vector<16xf32>
      %add3A_1400 = arith.addf %mul3A_1398, %mul3A_1399 : vector<16xf32>
      %mul3A_1401 = arith.mulf %min3A_1359, %min3A_1362 : vector<16xf32>
      %sub3A_1402 = arith.subf %add3A_1394, %add3A_1400 : vector<16xf32>
      %max3A_1403 = arith.constant 0.000000e+00 : f32
      %max3A_1404 = vector.broadcast %max3A_1403 : f32 to vector<16xf32>
      %max3A_1405 = arith.maximumf %sub3A_1402, %max3A_1404 : vector<16xf32>
      %mul3A_1406 = arith.mulf %mul3A_1401, %max3A_1405 : vector<16xf32>
      %swap3A_1407 = arith.constant 224 : index
      %swap3A_1408 = tpu.vector_load %arg17[%swap3A_1407] {strides = array<i32>} : memref<256xf32, #tpu.memory_space<vmem>>, vector<16xf32>,
      tpu.vector_store %arg17[%swap3A_1407], %mul3A_1406 {strides = array<i32>} : memref<256xf32, #tpu.memory_space<vmem>>, vector<16xf32>,
      %get3A_1409 = arith.constant 240 : index
      %get3A_1410 = tpu.vector_load %arg12[%get3A_1409] {strides = array<i32>} : memref<256xf32, #tpu.memory_space<vmem>>, vector<16xf32>,
      %get3A_1411 = arith.constant 240 : index
      %get3A_1412 = tpu.vector_load %arg13[%get3A_1411] {strides = array<i32>} : memref<256xf32, #tpu.memory_space<vmem>>, vector<16xf32>,
      %get3A_1413 = arith.constant 240 : index
      %get3A_1414 = tpu.vector_load %arg14[%get3A_1413] {strides = array<i32>} : memref<256xf32, #tpu.memory_space<vmem>>, vector<16xf32>,
      %get3A_1415 = arith.constant 240 : index
      %get3A_1416 = tpu.vector_load %arg15[%get3A_1415] {strides = array<i32>} : memref<256xf32, #tpu.memory_space<vmem>>, vector<16xf32>,
      %get3A_1417 = arith.constant 240 : index
      %get3A_1418 = tpu.vector_load %arg16[%get3A_1417] {strides = array<i32>} : memref<256xi32, #tpu.memory_space<vmem>>, vector<16xi32>,
      %convert_element_type3A_1419 = arith.sitofp %get3A_1418 : vector<16xi32> to vector<16xf32>
      %max3A_1420 = arith.constant 1.000000e+00 : f32
      %max3A_1421 = vector.broadcast %max3A_1420 : f32 to vector<16xf32>
      %max3A_1422 = arith.maximumf %get3A_1412, %max3A_1421 : vector<16xf32>
      %div3A_1423 = arith.divf %get3A_1410, %max3A_1422 : vector<16xf32>
      %min3A_1424 = arith.constant 1.000000e+00 : f32
      %min3A_1425 = vector.broadcast %min3A_1424 : f32 to vector<16xf32>
      %min3A_1426 = arith.minimumf %get3A_1412, %min3A_1425 : vector<16xf32>
      %min3A_1427 = arith.constant 1.000000e+00 : f32
      %min3A_1428 = vector.broadcast %min3A_1427 : f32 to vector<16xf32>
      %min3A_1429 = arith.minimumf %convert_element_type3A_1419, %min3A_1428 : vector<16xf32>
      %mul3A_1430 = arith.constant 9.950000e-01 : f32
      %mul3A_1431 = vector.broadcast %mul3A_1430 : f32 to vector<16xf32>
      %mul3A_1432 = arith.mulf %mul3A_1431, %get3A_1414 : vector<16xf32>
      %mul3A_1433 = arith.constant 5.000000e-03 : f32
      %mul3A_1434 = vector.broadcast %mul3A_1433 : f32 to vector<16xf32>
      %mul3A_1435 = arith.mulf %mul3A_1434, %div3A_1423 : vector<16xf32>
      %add3A_1436 = arith.addf %mul3A_1432, %mul3A_1435 : vector<16xf32>
      %mul3A_1437 = arith.constant 0.899999976 : f32
      %mul3A_1438 = vector.broadcast %mul3A_1437 : f32 to vector<16xf32>
      %mul3A_1439 = arith.mulf %mul3A_1438, %get3A_1416 : vector<16xf32>
      %mul3A_1440 = arith.constant 1.000000e-01 : f32
      %mul3A_1441 = vector.broadcast %mul3A_1440 : f32 to vector<16xf32>
      %mul3A_1442 = arith.mulf %mul3A_1441, %div3A_1423 : vector<16xf32>
      %add3A_1443 = arith.addf %mul3A_1439, %mul3A_1442 : vector<16xf32>
      %sub3A_1444 = arith.constant 1.000000e+00 : f32
      %sub3A_1445 = vector.broadcast %sub3A_1444 : f32 to vector<16xf32>
      %sub3A_1446 = arith.subf %sub3A_1445, %min3A_1429 : vector<16xf32>
      %mul3A_1447 = arith.mulf %sub3A_1446, %div3A_1423 : vector<16xf32>
      %mul3A_1448 = arith.mulf %min3A_1429, %add3A_1436 : vector<16xf32>
      %add3A_1449 = arith.addf %mul3A_1447, %mul3A_1448 : vector<16xf32>
      %sub3A_1450 = arith.constant 1.000000e+00 : f32
      %sub3A_1451 = vector.broadcast %sub3A_1450 : f32 to vector<16xf32>
      %sub3A_1452 = arith.subf %sub3A_1451, %min3A_1429 : vector<16xf32>
      %mul3A_1453 = arith.mulf %sub3A_1452, %div3A_1423 : vector<16xf32>
      %mul3A_1454 = arith.mulf %min3A_1429, %add3A_1443 : vector<16xf32>
      %add3A_1455 = arith.addf %mul3A_1453, %mul3A_1454 : vector<16xf32>
      %sub3A_1456 = arith.constant 1.000000e+00 : f32
      %sub3A_1457 = vector.broadcast %sub3A_1456 : f32 to vector<16xf32>
      %sub3A_1458 = arith.subf %sub3A_1457, %min3A_1426 : vector<16xf32>
      %mul3A_1459 = arith.mulf %sub3A_1458, %get3A_1414 : vector<16xf32>
      %mul3A_1460 = arith.mulf %min3A_1426, %add3A_1449 : vector<16xf32>
      %add3A_1461 = arith.addf %mul3A_1459, %mul3A_1460 : vector<16xf32>
      %sub3A_1462 = arith.constant 1.000000e+00 : f32
      %sub3A_1463 = vector.broadcast %sub3A_1462 : f32 to vector<16xf32>
      %sub3A_1464 = arith.subf %sub3A_1463, %min3A_1426 : vector<16xf32>
      %mul3A_1465 = arith.mulf %sub3A_1464, %get3A_1416 : vector<16xf32>
      %mul3A_1466 = arith.mulf %min3A_1426, %add3A_1455 : vector<16xf32>
      %add3A_1467 = arith.addf %mul3A_1465, %mul3A_1466 : vector<16xf32>
      %mul3A_1468 = arith.mulf %min3A_1426, %min3A_1429 : vector<16xf32>
      %sub3A_1469 = arith.subf %add3A_1461, %add3A_1467 : vector<16xf32>
      %max3A_1470 = arith.constant 0.000000e+00 : f32
      %max3A_1471 = vector.broadcast %max3A_1470 : f32 to vector<16xf32>
      %max3A_1472 = arith.maximumf %sub3A_1469, %max3A_1471 : vector<16xf32>
      %mul3A_1473 = arith.mulf %mul3A_1468, %max3A_1472 : vector<16xf32>
      %swap3A_1474 = arith.constant 240 : index
      %swap3A_1475 = tpu.vector_load %arg17[%swap3A_1474] {strides = array<i32>} : memref<256xf32, #tpu.memory_space<vmem>>, vector<16xf32>,
      tpu.vector_store %arg17[%swap3A_1474], %mul3A_1473 {strides = array<i32>} : memref<256xf32, #tpu.memory_space<vmem>>, vector<16xf32>,
      "tpu.region"() ({
        %run_scoped3A = tpu.sem_alloc : memref<!tpu.dma_semaphore, #tpu.memory_space<semaphore_mem>>
        %dma_start3A_2711 = tpu.memref_slice %arg24[%mul3A_2] : memref<4096xf32, #tpu.memory_space<vmem_shared>> -> memref<256xf32, #tpu.memory_space<vmem_shared>>
        %dma_start3A_2712 = tpu.memref_slice %arg24[%mul3A_2] : memref<4096xf32, #tpu.memory_space<vmem_shared>> -> memref<256xf32, #tpu.memory_space<vmem_shared>>
        tpu.enqueue_dma source(%arg17 : memref<256xf32, #tpu.memory_space<vmem>>) target(%dma_start3A_2712 : memref<256xf32, #tpu.memory_space<vmem_shared>>) target_semaphore(%run_scoped3A : memref<!tpu.dma_semaphore, #tpu.memory_space<semaphore_mem>>)
        %dma_wait3A_2713 = tpu.memref_slice %arg24[%mul3A_2] : memref<4096xf32, #tpu.memory_space<vmem_shared>> -> memref<256xf32, #tpu.memory_space<vmem_shared>>
        %dma_wait3A_2714 = tpu.memref_slice %arg24[%mul3A_2] : memref<4096xf32, #tpu.memory_space<vmem_shared>> -> memref<256xf32, #tpu.memory_space<vmem_shared>>
        tpu.wait_dma2 semaphore(%run_scoped3A : memref<!tpu.dma_semaphore, #tpu.memory_space<semaphore_mem>>) src(%arg17 : memref<256xf32, #tpu.memory_space<vmem>>) dst(%dma_wait3A_2714 : memref<256xf32, #tpu.memory_space<vmem_shared>>)
        tpu.yield
      }) : () -> ()
      %barrier3A_1476 = arith.constant 0 : index
      tpu.barrier barrier_id(%barrier3A_1476)
      %dma_start3A_1477 = arith.constant 0 : i32
      %dma_start3A_1478 = arith.constant 0 : i32
      %dma_start3A_1479 = arith.constant 0 : i32
      %dma_start3A_1480 = tpu.memref_slice %arg18[%dma_start3A_1478, %dma_start3A_1479] : memref<8x128xf32, #tpu.memory_space<vmem>> -> memref<1x128xf32, #tpu.memory_space<vmem>>
      %dma_start3A_1481 = tpu.memref_squeeze %dma_start3A_1480 : memref<1x128xf32, #tpu.memory_space<vmem>> -> memref<128xf32, #tpu.memory_space<vmem>>
      %dma_start3A_1482 = arith.constant 0 : i32
      %dma_start3A_1483 = tpu.memref_slice %arg9[%dma_start3A_1477, %dma_start3A_1482] : memref<8x128xi32, #tpu.memory_space<vmem>> -> memref<1x128xi32, #tpu.memory_space<vmem>>
      %dma_start3A_1484 = tpu.memref_squeeze %dma_start3A_1483 : memref<1x128xi32, #tpu.memory_space<vmem>> -> memref<128xi32, #tpu.memory_space<vmem>>
      %dma_start3A_1485 = arith.constant 0 : i32
      %dma_start3A_1486 = tpu.memref_slice %arg24[%dma_start3A_1485] : memref<4096xf32, #tpu.memory_space<vmem_shared>> -> memref<4096xf32, #tpu.memory_space<vmem_shared>>
      tpu.enqueue_indirect_dma source(%dma_start3A_1486 : memref<4096xf32, #tpu.memory_space<vmem_shared>>) target(%dma_start3A_1481 : memref<128xf32, #tpu.memory_space<vmem>>) offsets(%dma_start3A_1484 : memref<128xi32, #tpu.memory_space<vmem>>) semaphore(%arg27 : memref<!tpu.dma_semaphore, #tpu.memory_space<semaphore_mem>>)
      %dma_start3A_1487 = arith.constant 1 : i32
      %dma_start3A_1488 = arith.constant 1 : i32
      %dma_start3A_1489 = arith.constant 0 : i32
      %dma_start3A_1490 = tpu.memref_slice %arg18[%dma_start3A_1488, %dma_start3A_1489] : memref<8x128xf32, #tpu.memory_space<vmem>> -> memref<1x128xf32, #tpu.memory_space<vmem>>
      %dma_start3A_1491 = tpu.memref_squeeze %dma_start3A_1490 : memref<1x128xf32, #tpu.memory_space<vmem>> -> memref<128xf32, #tpu.memory_space<vmem>>
      %dma_start3A_1492 = arith.constant 0 : i32
      %dma_start3A_1493 = tpu.memref_slice %arg9[%dma_start3A_1487, %dma_start3A_1492] : memref<8x128xi32, #tpu.memory_space<vmem>> -> memref<1x128xi32, #tpu.memory_space<vmem>>
      %dma_start3A_1494 = tpu.memref_squeeze %dma_start3A_1493 : memref<1x128xi32, #tpu.memory_space<vmem>> -> memref<128xi32, #tpu.memory_space<vmem>>
      %dma_start3A_1495 = arith.constant 0 : i32
      %dma_start3A_1496 = tpu.memref_slice %arg24[%dma_start3A_1495] : memref<4096xf32, #tpu.memory_space<vmem_shared>> -> memref<4096xf32, #tpu.memory_space<vmem_shared>>
      tpu.enqueue_indirect_dma source(%dma_start3A_1496 : memref<4096xf32, #tpu.memory_space<vmem_shared>>) target(%dma_start3A_1491 : memref<128xf32, #tpu.memory_space<vmem>>) offsets(%dma_start3A_1494 : memref<128xi32, #tpu.memory_space<vmem>>) semaphore(%arg27 : memref<!tpu.dma_semaphore, #tpu.memory_space<semaphore_mem>>)
      %dma_start3A_1497 = arith.constant 2 : i32
      %dma_start3A_1498 = arith.constant 2 : i32
      %dma_start3A_1499 = arith.constant 0 : i32
      %dma_start3A_1500 = tpu.memref_slice %arg18[%dma_start3A_1498, %dma_start3A_1499] : memref<8x128xf32, #tpu.memory_space<vmem>> -> memref<1x128xf32, #tpu.memory_space<vmem>>
      %dma_start3A_1501 = tpu.memref_squeeze %dma_start3A_1500 : memref<1x128xf32, #tpu.memory_space<vmem>> -> memref<128xf32, #tpu.memory_space<vmem>>
      %dma_start3A_1502 = arith.constant 0 : i32
      %dma_start3A_1503 = tpu.memref_slice %arg9[%dma_start3A_1497, %dma_start3A_1502] : memref<8x128xi32, #tpu.memory_space<vmem>> -> memref<1x128xi32, #tpu.memory_space<vmem>>
      %dma_start3A_1504 = tpu.memref_squeeze %dma_start3A_1503 : memref<1x128xi32, #tpu.memory_space<vmem>> -> memref<128xi32, #tpu.memory_space<vmem>>
      %dma_start3A_1505 = arith.constant 0 : i32
      %dma_start3A_1506 = tpu.memref_slice %arg24[%dma_start3A_1505] : memref<4096xf32, #tpu.memory_space<vmem_shared>> -> memref<4096xf32, #tpu.memory_space<vmem_shared>>
      tpu.enqueue_indirect_dma source(%dma_start3A_1506 : memref<4096xf32, #tpu.memory_space<vmem_shared>>) target(%dma_start3A_1501 : memref<128xf32, #tpu.memory_space<vmem>>) offsets(%dma_start3A_1504 : memref<128xi32, #tpu.memory_space<vmem>>) semaphore(%arg27 : memref<!tpu.dma_semaphore, #tpu.memory_space<semaphore_mem>>)
      %dma_start3A_1507 = arith.constant 3 : i32
      %dma_start3A_1508 = arith.constant 3 : i32
      %dma_start3A_1509 = arith.constant 0 : i32
      %dma_start3A_1510 = tpu.memref_slice %arg18[%dma_start3A_1508, %dma_start3A_1509] : memref<8x128xf32, #tpu.memory_space<vmem>> -> memref<1x128xf32, #tpu.memory_space<vmem>>
      %dma_start3A_1511 = tpu.memref_squeeze %dma_start3A_1510 : memref<1x128xf32, #tpu.memory_space<vmem>> -> memref<128xf32, #tpu.memory_space<vmem>>
      %dma_start3A_1512 = arith.constant 0 : i32
      %dma_start3A_1513 = tpu.memref_slice %arg9[%dma_start3A_1507, %dma_start3A_1512] : memref<8x128xi32, #tpu.memory_space<vmem>> -> memref<1x128xi32, #tpu.memory_space<vmem>>
      %dma_start3A_1514 = tpu.memref_squeeze %dma_start3A_1513 : memref<1x128xi32, #tpu.memory_space<vmem>> -> memref<128xi32, #tpu.memory_space<vmem>>
      %dma_start3A_1515 = arith.constant 0 : i32
      %dma_start3A_1516 = tpu.memref_slice %arg24[%dma_start3A_1515] : memref<4096xf32, #tpu.memory_space<vmem_shared>> -> memref<4096xf32, #tpu.memory_space<vmem_shared>>
      tpu.enqueue_indirect_dma source(%dma_start3A_1516 : memref<4096xf32, #tpu.memory_space<vmem_shared>>) target(%dma_start3A_1511 : memref<128xf32, #tpu.memory_space<vmem>>) offsets(%dma_start3A_1514 : memref<128xi32, #tpu.memory_space<vmem>>) semaphore(%arg27 : memref<!tpu.dma_semaphore, #tpu.memory_space<semaphore_mem>>)
      %dma_start3A_1517 = arith.constant 4 : i32
      %dma_start3A_1518 = arith.constant 4 : i32
      %dma_start3A_1519 = arith.constant 0 : i32
      %dma_start3A_1520 = tpu.memref_slice %arg18[%dma_start3A_1518, %dma_start3A_1519] : memref<8x128xf32, #tpu.memory_space<vmem>> -> memref<1x128xf32, #tpu.memory_space<vmem>>
      %dma_start3A_1521 = tpu.memref_squeeze %dma_start3A_1520 : memref<1x128xf32, #tpu.memory_space<vmem>> -> memref<128xf32, #tpu.memory_space<vmem>>
      %dma_start3A_1522 = arith.constant 0 : i32
      %dma_start3A_1523 = tpu.memref_slice %arg9[%dma_start3A_1517, %dma_start3A_1522] : memref<8x128xi32, #tpu.memory_space<vmem>> -> memref<1x128xi32, #tpu.memory_space<vmem>>
      %dma_start3A_1524 = tpu.memref_squeeze %dma_start3A_1523 : memref<1x128xi32, #tpu.memory_space<vmem>> -> memref<128xi32, #tpu.memory_space<vmem>>
      %dma_start3A_1525 = arith.constant 0 : i32
      %dma_start3A_1526 = tpu.memref_slice %arg24[%dma_start3A_1525] : memref<4096xf32, #tpu.memory_space<vmem_shared>> -> memref<4096xf32, #tpu.memory_space<vmem_shared>>
      tpu.enqueue_indirect_dma source(%dma_start3A_1526 : memref<4096xf32, #tpu.memory_space<vmem_shared>>) target(%dma_start3A_1521 : memref<128xf32, #tpu.memory_space<vmem>>) offsets(%dma_start3A_1524 : memref<128xi32, #tpu.memory_space<vmem>>) semaphore(%arg27 : memref<!tpu.dma_semaphore, #tpu.memory_space<semaphore_mem>>)
      %dma_start3A_1527 = arith.constant 5 : i32
      %dma_start3A_1528 = arith.constant 5 : i32
      %dma_start3A_1529 = arith.constant 0 : i32
      %dma_start3A_1530 = tpu.memref_slice %arg18[%dma_start3A_1528, %dma_start3A_1529] : memref<8x128xf32, #tpu.memory_space<vmem>> -> memref<1x128xf32, #tpu.memory_space<vmem>>
      %dma_start3A_1531 = tpu.memref_squeeze %dma_start3A_1530 : memref<1x128xf32, #tpu.memory_space<vmem>> -> memref<128xf32, #tpu.memory_space<vmem>>
      %dma_start3A_1532 = arith.constant 0 : i32
      %dma_start3A_1533 = tpu.memref_slice %arg9[%dma_start3A_1527, %dma_start3A_1532] : memref<8x128xi32, #tpu.memory_space<vmem>> -> memref<1x128xi32, #tpu.memory_space<vmem>>
      %dma_start3A_1534 = tpu.memref_squeeze %dma_start3A_1533 : memref<1x128xi32, #tpu.memory_space<vmem>> -> memref<128xi32, #tpu.memory_space<vmem>>
      %dma_start3A_1535 = arith.constant 0 : i32
      %dma_start3A_1536 = tpu.memref_slice %arg24[%dma_start3A_1535] : memref<4096xf32, #tpu.memory_space<vmem_shared>> -> memref<4096xf32, #tpu.memory_space<vmem_shared>>
      tpu.enqueue_indirect_dma source(%dma_start3A_1536 : memref<4096xf32, #tpu.memory_space<vmem_shared>>) target(%dma_start3A_1531 : memref<128xf32, #tpu.memory_space<vmem>>) offsets(%dma_start3A_1534 : memref<128xi32, #tpu.memory_space<vmem>>) semaphore(%arg27 : memref<!tpu.dma_semaphore, #tpu.memory_space<semaphore_mem>>)
      %dma_start3A_1537 = arith.constant 6 : i32
      %dma_start3A_1538 = arith.constant 6 : i32
      %dma_start3A_1539 = arith.constant 0 : i32
      %dma_start3A_1540 = tpu.memref_slice %arg18[%dma_start3A_1538, %dma_start3A_1539] : memref<8x128xf32, #tpu.memory_space<vmem>> -> memref<1x128xf32, #tpu.memory_space<vmem>>
      %dma_start3A_1541 = tpu.memref_squeeze %dma_start3A_1540 : memref<1x128xf32, #tpu.memory_space<vmem>> -> memref<128xf32, #tpu.memory_space<vmem>>
      %dma_start3A_1542 = arith.constant 0 : i32
      %dma_start3A_1543 = tpu.memref_slice %arg9[%dma_start3A_1537, %dma_start3A_1542] : memref<8x128xi32, #tpu.memory_space<vmem>> -> memref<1x128xi32, #tpu.memory_space<vmem>>
      %dma_start3A_1544 = tpu.memref_squeeze %dma_start3A_1543 : memref<1x128xi32, #tpu.memory_space<vmem>> -> memref<128xi32, #tpu.memory_space<vmem>>
      %dma_start3A_1545 = arith.constant 0 : i32
      %dma_start3A_1546 = tpu.memref_slice %arg24[%dma_start3A_1545] : memref<4096xf32, #tpu.memory_space<vmem_shared>> -> memref<4096xf32, #tpu.memory_space<vmem_shared>>
      tpu.enqueue_indirect_dma source(%dma_start3A_1546 : memref<4096xf32, #tpu.memory_space<vmem_shared>>) target(%dma_start3A_1541 : memref<128xf32, #tpu.memory_space<vmem>>) offsets(%dma_start3A_1544 : memref<128xi32, #tpu.memory_space<vmem>>) semaphore(%arg27 : memref<!tpu.dma_semaphore, #tpu.memory_space<semaphore_mem>>)
      %dma_start3A_1547 = arith.constant 7 : i32
      %dma_start3A_1548 = arith.constant 7 : i32
      %dma_start3A_1549 = arith.constant 0 : i32
      %dma_start3A_1550 = tpu.memref_slice %arg18[%dma_start3A_1548, %dma_start3A_1549] : memref<8x128xf32, #tpu.memory_space<vmem>> -> memref<1x128xf32, #tpu.memory_space<vmem>>
      %dma_start3A_1551 = tpu.memref_squeeze %dma_start3A_1550 : memref<1x128xf32, #tpu.memory_space<vmem>> -> memref<128xf32, #tpu.memory_space<vmem>>
      %dma_start3A_1552 = arith.constant 0 : i32
      %dma_start3A_1553 = tpu.memref_slice %arg9[%dma_start3A_1547, %dma_start3A_1552] : memref<8x128xi32, #tpu.memory_space<vmem>> -> memref<1x128xi32, #tpu.memory_space<vmem>>
      %dma_start3A_1554 = tpu.memref_squeeze %dma_start3A_1553 : memref<1x128xi32, #tpu.memory_space<vmem>> -> memref<128xi32, #tpu.memory_space<vmem>>
      %dma_start3A_1555 = arith.constant 0 : i32
      %dma_start3A_1556 = tpu.memref_slice %arg24[%dma_start3A_1555] : memref<4096xf32, #tpu.memory_space<vmem_shared>> -> memref<4096xf32, #tpu.memory_space<vmem_shared>>
      tpu.enqueue_indirect_dma source(%dma_start3A_1556 : memref<4096xf32, #tpu.memory_space<vmem_shared>>) target(%dma_start3A_1551 : memref<128xf32, #tpu.memory_space<vmem>>) offsets(%dma_start3A_1554 : memref<128xi32, #tpu.memory_space<vmem>>) semaphore(%arg27 : memref<!tpu.dma_semaphore, #tpu.memory_space<semaphore_mem>>)
      %dma_wait3A_1557 = arith.constant 0 : i32
      %dma_wait3A_1558 = arith.constant 0 : i32
      %dma_wait3A_1559 = arith.constant 0 : i32
      %dma_wait3A_1560 = tpu.memref_slice %arg18[%dma_wait3A_1558, %dma_wait3A_1559] : memref<8x128xf32, #tpu.memory_space<vmem>> -> memref<1x128xf32, #tpu.memory_space<vmem>>
      %dma_wait3A_1561 = tpu.memref_squeeze %dma_wait3A_1560 : memref<1x128xf32, #tpu.memory_space<vmem>> -> memref<128xf32, #tpu.memory_space<vmem>>
      %dma_wait3A_1562 = arith.constant 0 : i32
      %dma_wait3A_1563 = tpu.memref_slice %arg9[%dma_wait3A_1557, %dma_wait3A_1562] : memref<8x128xi32, #tpu.memory_space<vmem>> -> memref<1x128xi32, #tpu.memory_space<vmem>>
      %dma_wait3A_1564 = tpu.memref_squeeze %dma_wait3A_1563 : memref<1x128xi32, #tpu.memory_space<vmem>> -> memref<128xi32, #tpu.memory_space<vmem>>
      %dma_wait3A_1565 = arith.constant 0 : i32
      %dma_wait3A_1566 = tpu.memref_slice %arg24[%dma_wait3A_1565] : memref<4096xf32, #tpu.memory_space<vmem_shared>> -> memref<4096xf32, #tpu.memory_space<vmem_shared>>
      tpu.wait_indirect_dma semaphore(%arg27 : memref<!tpu.dma_semaphore, #tpu.memory_space<semaphore_mem>>) src(%dma_wait3A_1566 : memref<4096xf32, #tpu.memory_space<vmem_shared>>) dst(%dma_wait3A_1561 : memref<128xf32, #tpu.memory_space<vmem>>)
      %dma_wait3A_1567 = arith.constant 1 : i32
      %dma_wait3A_1568 = arith.constant 1 : i32
      %dma_wait3A_1569 = arith.constant 0 : i32
      %dma_wait3A_1570 = tpu.memref_slice %arg18[%dma_wait3A_1568, %dma_wait3A_1569] : memref<8x128xf32, #tpu.memory_space<vmem>> -> memref<1x128xf32, #tpu.memory_space<vmem>>
      %dma_wait3A_1571 = tpu.memref_squeeze %dma_wait3A_1570 : memref<1x128xf32, #tpu.memory_space<vmem>> -> memref<128xf32, #tpu.memory_space<vmem>>
      %dma_wait3A_1572 = arith.constant 0 : i32
      %dma_wait3A_1573 = tpu.memref_slice %arg9[%dma_wait3A_1567, %dma_wait3A_1572] : memref<8x128xi32, #tpu.memory_space<vmem>> -> memref<1x128xi32, #tpu.memory_space<vmem>>
      %dma_wait3A_1574 = tpu.memref_squeeze %dma_wait3A_1573 : memref<1x128xi32, #tpu.memory_space<vmem>> -> memref<128xi32, #tpu.memory_space<vmem>>
      %dma_wait3A_1575 = arith.constant 0 : i32
      %dma_wait3A_1576 = tpu.memref_slice %arg24[%dma_wait3A_1575] : memref<4096xf32, #tpu.memory_space<vmem_shared>> -> memref<4096xf32, #tpu.memory_space<vmem_shared>>
      tpu.wait_indirect_dma semaphore(%arg27 : memref<!tpu.dma_semaphore, #tpu.memory_space<semaphore_mem>>) src(%dma_wait3A_1576 : memref<4096xf32, #tpu.memory_space<vmem_shared>>) dst(%dma_wait3A_1571 : memref<128xf32, #tpu.memory_space<vmem>>)
      %dma_wait3A_1577 = arith.constant 2 : i32
      %dma_wait3A_1578 = arith.constant 2 : i32
      %dma_wait3A_1579 = arith.constant 0 : i32
      %dma_wait3A_1580 = tpu.memref_slice %arg18[%dma_wait3A_1578, %dma_wait3A_1579] : memref<8x128xf32, #tpu.memory_space<vmem>> -> memref<1x128xf32, #tpu.memory_space<vmem>>
      %dma_wait3A_1581 = tpu.memref_squeeze %dma_wait3A_1580 : memref<1x128xf32, #tpu.memory_space<vmem>> -> memref<128xf32, #tpu.memory_space<vmem>>
      %dma_wait3A_1582 = arith.constant 0 : i32
      %dma_wait3A_1583 = tpu.memref_slice %arg9[%dma_wait3A_1577, %dma_wait3A_1582] : memref<8x128xi32, #tpu.memory_space<vmem>> -> memref<1x128xi32, #tpu.memory_space<vmem>>
      %dma_wait3A_1584 = tpu.memref_squeeze %dma_wait3A_1583 : memref<1x128xi32, #tpu.memory_space<vmem>> -> memref<128xi32, #tpu.memory_space<vmem>>
      %dma_wait3A_1585 = arith.constant 0 : i32
      %dma_wait3A_1586 = tpu.memref_slice %arg24[%dma_wait3A_1585] : memref<4096xf32, #tpu.memory_space<vmem_shared>> -> memref<4096xf32, #tpu.memory_space<vmem_shared>>
      tpu.wait_indirect_dma semaphore(%arg27 : memref<!tpu.dma_semaphore, #tpu.memory_space<semaphore_mem>>) src(%dma_wait3A_1586 : memref<4096xf32, #tpu.memory_space<vmem_shared>>) dst(%dma_wait3A_1581 : memref<128xf32, #tpu.memory_space<vmem>>)
      %dma_wait3A_1587 = arith.constant 3 : i32
      %dma_wait3A_1588 = arith.constant 3 : i32
      %dma_wait3A_1589 = arith.constant 0 : i32
      %dma_wait3A_1590 = tpu.memref_slice %arg18[%dma_wait3A_1588, %dma_wait3A_1589] : memref<8x128xf32, #tpu.memory_space<vmem>> -> memref<1x128xf32, #tpu.memory_space<vmem>>
      %dma_wait3A_1591 = tpu.memref_squeeze %dma_wait3A_1590 : memref<1x128xf32, #tpu.memory_space<vmem>> -> memref<128xf32, #tpu.memory_space<vmem>>
      %dma_wait3A_1592 = arith.constant 0 : i32
      %dma_wait3A_1593 = tpu.memref_slice %arg9[%dma_wait3A_1587, %dma_wait3A_1592] : memref<8x128xi32, #tpu.memory_space<vmem>> -> memref<1x128xi32, #tpu.memory_space<vmem>>
      %dma_wait3A_1594 = tpu.memref_squeeze %dma_wait3A_1593 : memref<1x128xi32, #tpu.memory_space<vmem>> -> memref<128xi32, #tpu.memory_space<vmem>>
      %dma_wait3A_1595 = arith.constant 0 : i32
      %dma_wait3A_1596 = tpu.memref_slice %arg24[%dma_wait3A_1595] : memref<4096xf32, #tpu.memory_space<vmem_shared>> -> memref<4096xf32, #tpu.memory_space<vmem_shared>>
      tpu.wait_indirect_dma semaphore(%arg27 : memref<!tpu.dma_semaphore, #tpu.memory_space<semaphore_mem>>) src(%dma_wait3A_1596 : memref<4096xf32, #tpu.memory_space<vmem_shared>>) dst(%dma_wait3A_1591 : memref<128xf32, #tpu.memory_space<vmem>>)
      %dma_wait3A_1597 = arith.constant 4 : i32
      %dma_wait3A_1598 = arith.constant 4 : i32
      %dma_wait3A_1599 = arith.constant 0 : i32
      %dma_wait3A_1600 = tpu.memref_slice %arg18[%dma_wait3A_1598, %dma_wait3A_1599] : memref<8x128xf32, #tpu.memory_space<vmem>> -> memref<1x128xf32, #tpu.memory_space<vmem>>
      %dma_wait3A_1601 = tpu.memref_squeeze %dma_wait3A_1600 : memref<1x128xf32, #tpu.memory_space<vmem>> -> memref<128xf32, #tpu.memory_space<vmem>>
      %dma_wait3A_1602 = arith.constant 0 : i32
      %dma_wait3A_1603 = tpu.memref_slice %arg9[%dma_wait3A_1597, %dma_wait3A_1602] : memref<8x128xi32, #tpu.memory_space<vmem>> -> memref<1x128xi32, #tpu.memory_space<vmem>>
      %dma_wait3A_1604 = tpu.memref_squeeze %dma_wait3A_1603 : memref<1x128xi32, #tpu.memory_space<vmem>> -> memref<128xi32, #tpu.memory_space<vmem>>
      %dma_wait3A_1605 = arith.constant 0 : i32
      %dma_wait3A_1606 = tpu.memref_slice %arg24[%dma_wait3A_1605] : memref<4096xf32, #tpu.memory_space<vmem_shared>> -> memref<4096xf32, #tpu.memory_space<vmem_shared>>
      tpu.wait_indirect_dma semaphore(%arg27 : memref<!tpu.dma_semaphore, #tpu.memory_space<semaphore_mem>>) src(%dma_wait3A_1606 : memref<4096xf32, #tpu.memory_space<vmem_shared>>) dst(%dma_wait3A_1601 : memref<128xf32, #tpu.memory_space<vmem>>)
      %dma_wait3A_1607 = arith.constant 5 : i32
      %dma_wait3A_1608 = arith.constant 5 : i32
      %dma_wait3A_1609 = arith.constant 0 : i32
      %dma_wait3A_1610 = tpu.memref_slice %arg18[%dma_wait3A_1608, %dma_wait3A_1609] : memref<8x128xf32, #tpu.memory_space<vmem>> -> memref<1x128xf32, #tpu.memory_space<vmem>>
      %dma_wait3A_1611 = tpu.memref_squeeze %dma_wait3A_1610 : memref<1x128xf32, #tpu.memory_space<vmem>> -> memref<128xf32, #tpu.memory_space<vmem>>
      %dma_wait3A_1612 = arith.constant 0 : i32
      %dma_wait3A_1613 = tpu.memref_slice %arg9[%dma_wait3A_1607, %dma_wait3A_1612] : memref<8x128xi32, #tpu.memory_space<vmem>> -> memref<1x128xi32, #tpu.memory_space<vmem>>
      %dma_wait3A_1614 = tpu.memref_squeeze %dma_wait3A_1613 : memref<1x128xi32, #tpu.memory_space<vmem>> -> memref<128xi32, #tpu.memory_space<vmem>>
      %dma_wait3A_1615 = arith.constant 0 : i32
      %dma_wait3A_1616 = tpu.memref_slice %arg24[%dma_wait3A_1615] : memref<4096xf32, #tpu.memory_space<vmem_shared>> -> memref<4096xf32, #tpu.memory_space<vmem_shared>>
      tpu.wait_indirect_dma semaphore(%arg27 : memref<!tpu.dma_semaphore, #tpu.memory_space<semaphore_mem>>) src(%dma_wait3A_1616 : memref<4096xf32, #tpu.memory_space<vmem_shared>>) dst(%dma_wait3A_1611 : memref<128xf32, #tpu.memory_space<vmem>>)
      %dma_wait3A_1617 = arith.constant 6 : i32
      %dma_wait3A_1618 = arith.constant 6 : i32
      %dma_wait3A_1619 = arith.constant 0 : i32
      %dma_wait3A_1620 = tpu.memref_slice %arg18[%dma_wait3A_1618, %dma_wait3A_1619] : memref<8x128xf32, #tpu.memory_space<vmem>> -> memref<1x128xf32, #tpu.memory_space<vmem>>
      %dma_wait3A_1621 = tpu.memref_squeeze %dma_wait3A_1620 : memref<1x128xf32, #tpu.memory_space<vmem>> -> memref<128xf32, #tpu.memory_space<vmem>>
      %dma_wait3A_1622 = arith.constant 0 : i32
      %dma_wait3A_1623 = tpu.memref_slice %arg9[%dma_wait3A_1617, %dma_wait3A_1622] : memref<8x128xi32, #tpu.memory_space<vmem>> -> memref<1x128xi32, #tpu.memory_space<vmem>>
      %dma_wait3A_1624 = tpu.memref_squeeze %dma_wait3A_1623 : memref<1x128xi32, #tpu.memory_space<vmem>> -> memref<128xi32, #tpu.memory_space<vmem>>
      %dma_wait3A_1625 = arith.constant 0 : i32
      %dma_wait3A_1626 = tpu.memref_slice %arg24[%dma_wait3A_1625] : memref<4096xf32, #tpu.memory_space<vmem_shared>> -> memref<4096xf32, #tpu.memory_space<vmem_shared>>
      tpu.wait_indirect_dma semaphore(%arg27 : memref<!tpu.dma_semaphore, #tpu.memory_space<semaphore_mem>>) src(%dma_wait3A_1626 : memref<4096xf32, #tpu.memory_space<vmem_shared>>) dst(%dma_wait3A_1621 : memref<128xf32, #tpu.memory_space<vmem>>)
      %dma_wait3A_1627 = arith.constant 7 : i32
      %dma_wait3A_1628 = arith.constant 7 : i32
      %dma_wait3A_1629 = arith.constant 0 : i32
      %dma_wait3A_1630 = tpu.memref_slice %arg18[%dma_wait3A_1628, %dma_wait3A_1629] : memref<8x128xf32, #tpu.memory_space<vmem>> -> memref<1x128xf32, #tpu.memory_space<vmem>>
      %dma_wait3A_1631 = tpu.memref_squeeze %dma_wait3A_1630 : memref<1x128xf32, #tpu.memory_space<vmem>> -> memref<128xf32, #tpu.memory_space<vmem>>
      %dma_wait3A_1632 = arith.constant 0 : i32
      %dma_wait3A_1633 = tpu.memref_slice %arg9[%dma_wait3A_1627, %dma_wait3A_1632] : memref<8x128xi32, #tpu.memory_space<vmem>> -> memref<1x128xi32, #tpu.memory_space<vmem>>
      %dma_wait3A_1634 = tpu.memref_squeeze %dma_wait3A_1633 : memref<1x128xi32, #tpu.memory_space<vmem>> -> memref<128xi32, #tpu.memory_space<vmem>>
      %dma_wait3A_1635 = arith.constant 0 : i32
      %dma_wait3A_1636 = tpu.memref_slice %arg24[%dma_wait3A_1635] : memref<4096xf32, #tpu.memory_space<vmem_shared>> -> memref<4096xf32, #tpu.memory_space<vmem_shared>>
      tpu.wait_indirect_dma semaphore(%arg27 : memref<!tpu.dma_semaphore, #tpu.memory_space<semaphore_mem>>) src(%dma_wait3A_1636 : memref<4096xf32, #tpu.memory_space<vmem_shared>>) dst(%dma_wait3A_1631 : memref<128xf32, #tpu.memory_space<vmem>>)
      %broadcast_in_dim3A_1637 = arith.constant 0.000000e+00 : f32
      %broadcast_in_dim3A_1638 = vector.broadcast %broadcast_in_dim3A_1637 : f32 to vector<16xf32>
      %get3A_1639 = arith.constant 0 : i32
      %get3A_1640 = arith.index_cast %get3A_1639 : i32 to index
      %get3A_1641 = arith.constant 0 : index
      %get3A_1642 = tpu.vector_load %arg18[%get3A_1640, %get3A_1641] {strides = array<i32>} : memref<8x128xf32, #tpu.memory_space<vmem>>, vector<16xf32>,
      %mul3A_1643 = arith.mulf %get3A_1642, %get3A_1642 : vector<16xf32>
      %add3A_1644 = arith.addf %broadcast_in_dim3A_1638, %mul3A_1643 : vector<16xf32>
      %get3A_1645 = arith.constant 0 : i32
      %get3A_1646 = arith.index_cast %get3A_1645 : i32 to index
      %get3A_1647 = arith.constant 16 : index
      %get3A_1648 = tpu.vector_load %arg18[%get3A_1646, %get3A_1647] {strides = array<i32>} : memref<8x128xf32, #tpu.memory_space<vmem>>, vector<16xf32>,
      %mul3A_1649 = arith.mulf %get3A_1648, %get3A_1648 : vector<16xf32>
      %add3A_1650 = arith.addf %add3A_1644, %mul3A_1649 : vector<16xf32>
      %get3A_1651 = arith.constant 0 : i32
      %get3A_1652 = arith.index_cast %get3A_1651 : i32 to index
      %get3A_1653 = arith.constant 32 : index
      %get3A_1654 = tpu.vector_load %arg18[%get3A_1652, %get3A_1653] {strides = array<i32>} : memref<8x128xf32, #tpu.memory_space<vmem>>, vector<16xf32>,
      %mul3A_1655 = arith.mulf %get3A_1654, %get3A_1654 : vector<16xf32>
      %add3A_1656 = arith.addf %add3A_1650, %mul3A_1655 : vector<16xf32>
      %get3A_1657 = arith.constant 0 : i32
      %get3A_1658 = arith.index_cast %get3A_1657 : i32 to index
      %get3A_1659 = arith.constant 48 : index
      %get3A_1660 = tpu.vector_load %arg18[%get3A_1658, %get3A_1659] {strides = array<i32>} : memref<8x128xf32, #tpu.memory_space<vmem>>, vector<16xf32>,
      %mul3A_1661 = arith.mulf %get3A_1660, %get3A_1660 : vector<16xf32>
      %add3A_1662 = arith.addf %add3A_1656, %mul3A_1661 : vector<16xf32>
      %get3A_1663 = arith.constant 0 : i32
      %get3A_1664 = arith.index_cast %get3A_1663 : i32 to index
      %get3A_1665 = arith.constant 64 : index
      %get3A_1666 = tpu.vector_load %arg18[%get3A_1664, %get3A_1665] {strides = array<i32>} : memref<8x128xf32, #tpu.memory_space<vmem>>, vector<16xf32>,
      %mul3A_1667 = arith.mulf %get3A_1666, %get3A_1666 : vector<16xf32>
      %add3A_1668 = arith.addf %add3A_1662, %mul3A_1667 : vector<16xf32>
      %get3A_1669 = arith.constant 0 : i32
      %get3A_1670 = arith.index_cast %get3A_1669 : i32 to index
      %get3A_1671 = arith.constant 80 : index
      %get3A_1672 = tpu.vector_load %arg18[%get3A_1670, %get3A_1671] {strides = array<i32>} : memref<8x128xf32, #tpu.memory_space<vmem>>, vector<16xf32>,
      %mul3A_1673 = arith.mulf %get3A_1672, %get3A_1672 : vector<16xf32>
      %add3A_1674 = arith.addf %add3A_1668, %mul3A_1673 : vector<16xf32>
      %get3A_1675 = arith.constant 0 : i32
      %get3A_1676 = arith.index_cast %get3A_1675 : i32 to index
      %get3A_1677 = arith.constant 96 : index
      %get3A_1678 = tpu.vector_load %arg18[%get3A_1676, %get3A_1677] {strides = array<i32>} : memref<8x128xf32, #tpu.memory_space<vmem>>, vector<16xf32>,
      %mul3A_1679 = arith.mulf %get3A_1678, %get3A_1678 : vector<16xf32>
      %add3A_1680 = arith.addf %add3A_1674, %mul3A_1679 : vector<16xf32>
      %get3A_1681 = arith.constant 0 : i32
      %get3A_1682 = arith.index_cast %get3A_1681 : i32 to index
      %get3A_1683 = arith.constant 112 : index
      %get3A_1684 = tpu.vector_load %arg18[%get3A_1682, %get3A_1683] {strides = array<i32>} : memref<8x128xf32, #tpu.memory_space<vmem>>, vector<16xf32>,
      %mul3A_1685 = arith.mulf %get3A_1684, %get3A_1684 : vector<16xf32>
      %add3A_1686 = arith.addf %add3A_1680, %mul3A_1685 : vector<16xf32>
      %get3A_1687 = arith.constant 1 : i32
      %get3A_1688 = arith.index_cast %get3A_1687 : i32 to index
      %get3A_1689 = arith.constant 0 : index
      %get3A_1690 = tpu.vector_load %arg18[%get3A_1688, %get3A_1689] {strides = array<i32>} : memref<8x128xf32, #tpu.memory_space<vmem>>, vector<16xf32>,
      %mul3A_1691 = arith.mulf %get3A_1690, %get3A_1690 : vector<16xf32>
      %add3A_1692 = arith.addf %add3A_1686, %mul3A_1691 : vector<16xf32>
      %get3A_1693 = arith.constant 1 : i32
      %get3A_1694 = arith.index_cast %get3A_1693 : i32 to index
      %get3A_1695 = arith.constant 16 : index
      %get3A_1696 = tpu.vector_load %arg18[%get3A_1694, %get3A_1695] {strides = array<i32>} : memref<8x128xf32, #tpu.memory_space<vmem>>, vector<16xf32>,
      %mul3A_1697 = arith.mulf %get3A_1696, %get3A_1696 : vector<16xf32>
      %add3A_1698 = arith.addf %add3A_1692, %mul3A_1697 : vector<16xf32>
      %get3A_1699 = arith.constant 1 : i32
      %get3A_1700 = arith.index_cast %get3A_1699 : i32 to index
      %get3A_1701 = arith.constant 32 : index
      %get3A_1702 = tpu.vector_load %arg18[%get3A_1700, %get3A_1701] {strides = array<i32>} : memref<8x128xf32, #tpu.memory_space<vmem>>, vector<16xf32>,
      %mul3A_1703 = arith.mulf %get3A_1702, %get3A_1702 : vector<16xf32>
      %add3A_1704 = arith.addf %add3A_1698, %mul3A_1703 : vector<16xf32>
      %get3A_1705 = arith.constant 1 : i32
      %get3A_1706 = arith.index_cast %get3A_1705 : i32 to index
      %get3A_1707 = arith.constant 48 : index
      %get3A_1708 = tpu.vector_load %arg18[%get3A_1706, %get3A_1707] {strides = array<i32>} : memref<8x128xf32, #tpu.memory_space<vmem>>, vector<16xf32>,
      %mul3A_1709 = arith.mulf %get3A_1708, %get3A_1708 : vector<16xf32>
      %add3A_1710 = arith.addf %add3A_1704, %mul3A_1709 : vector<16xf32>
      %get3A_1711 = arith.constant 1 : i32
      %get3A_1712 = arith.index_cast %get3A_1711 : i32 to index
      %get3A_1713 = arith.constant 64 : index
      %get3A_1714 = tpu.vector_load %arg18[%get3A_1712, %get3A_1713] {strides = array<i32>} : memref<8x128xf32, #tpu.memory_space<vmem>>, vector<16xf32>,
      %mul3A_1715 = arith.mulf %get3A_1714, %get3A_1714 : vector<16xf32>
      %add3A_1716 = arith.addf %add3A_1710, %mul3A_1715 : vector<16xf32>
      %get3A_1717 = arith.constant 1 : i32
      %get3A_1718 = arith.index_cast %get3A_1717 : i32 to index
      %get3A_1719 = arith.constant 80 : index
      %get3A_1720 = tpu.vector_load %arg18[%get3A_1718, %get3A_1719] {strides = array<i32>} : memref<8x128xf32, #tpu.memory_space<vmem>>, vector<16xf32>,
      %mul3A_1721 = arith.mulf %get3A_1720, %get3A_1720 : vector<16xf32>
      %add3A_1722 = arith.addf %add3A_1716, %mul3A_1721 : vector<16xf32>
      %get3A_1723 = arith.constant 1 : i32
      %get3A_1724 = arith.index_cast %get3A_1723 : i32 to index
      %get3A_1725 = arith.constant 96 : index
      %get3A_1726 = tpu.vector_load %arg18[%get3A_1724, %get3A_1725] {strides = array<i32>} : memref<8x128xf32, #tpu.memory_space<vmem>>, vector<16xf32>,
      %mul3A_1727 = arith.mulf %get3A_1726, %get3A_1726 : vector<16xf32>
      %add3A_1728 = arith.addf %add3A_1722, %mul3A_1727 : vector<16xf32>
      %get3A_1729 = arith.constant 1 : i32
      %get3A_1730 = arith.index_cast %get3A_1729 : i32 to index
      %get3A_1731 = arith.constant 112 : index
      %get3A_1732 = tpu.vector_load %arg18[%get3A_1730, %get3A_1731] {strides = array<i32>} : memref<8x128xf32, #tpu.memory_space<vmem>>, vector<16xf32>,
      %mul3A_1733 = arith.mulf %get3A_1732, %get3A_1732 : vector<16xf32>
      %add3A_1734 = arith.addf %add3A_1728, %mul3A_1733 : vector<16xf32>
      %get3A_1735 = arith.constant 2 : i32
      %get3A_1736 = arith.index_cast %get3A_1735 : i32 to index
      %get3A_1737 = arith.constant 0 : index
      %get3A_1738 = tpu.vector_load %arg18[%get3A_1736, %get3A_1737] {strides = array<i32>} : memref<8x128xf32, #tpu.memory_space<vmem>>, vector<16xf32>,
      %mul3A_1739 = arith.mulf %get3A_1738, %get3A_1738 : vector<16xf32>
      %add3A_1740 = arith.addf %add3A_1734, %mul3A_1739 : vector<16xf32>
      %get3A_1741 = arith.constant 2 : i32
      %get3A_1742 = arith.index_cast %get3A_1741 : i32 to index
      %get3A_1743 = arith.constant 16 : index
      %get3A_1744 = tpu.vector_load %arg18[%get3A_1742, %get3A_1743] {strides = array<i32>} : memref<8x128xf32, #tpu.memory_space<vmem>>, vector<16xf32>,
      %mul3A_1745 = arith.mulf %get3A_1744, %get3A_1744 : vector<16xf32>
      %add3A_1746 = arith.addf %add3A_1740, %mul3A_1745 : vector<16xf32>
      %get3A_1747 = arith.constant 2 : i32
      %get3A_1748 = arith.index_cast %get3A_1747 : i32 to index
      %get3A_1749 = arith.constant 32 : index
      %get3A_1750 = tpu.vector_load %arg18[%get3A_1748, %get3A_1749] {strides = array<i32>} : memref<8x128xf32, #tpu.memory_space<vmem>>, vector<16xf32>,
      %mul3A_1751 = arith.mulf %get3A_1750, %get3A_1750 : vector<16xf32>
      %add3A_1752 = arith.addf %add3A_1746, %mul3A_1751 : vector<16xf32>
      %get3A_1753 = arith.constant 2 : i32
      %get3A_1754 = arith.index_cast %get3A_1753 : i32 to index
      %get3A_1755 = arith.constant 48 : index
      %get3A_1756 = tpu.vector_load %arg18[%get3A_1754, %get3A_1755] {strides = array<i32>} : memref<8x128xf32, #tpu.memory_space<vmem>>, vector<16xf32>,
      %mul3A_1757 = arith.mulf %get3A_1756, %get3A_1756 : vector<16xf32>
      %add3A_1758 = arith.addf %add3A_1752, %mul3A_1757 : vector<16xf32>
      %get3A_1759 = arith.constant 2 : i32
      %get3A_1760 = arith.index_cast %get3A_1759 : i32 to index
      %get3A_1761 = arith.constant 64 : index
      %get3A_1762 = tpu.vector_load %arg18[%get3A_1760, %get3A_1761] {strides = array<i32>} : memref<8x128xf32, #tpu.memory_space<vmem>>, vector<16xf32>,
      %mul3A_1763 = arith.mulf %get3A_1762, %get3A_1762 : vector<16xf32>
      %add3A_1764 = arith.addf %add3A_1758, %mul3A_1763 : vector<16xf32>
      %get3A_1765 = arith.constant 2 : i32
      %get3A_1766 = arith.index_cast %get3A_1765 : i32 to index
      %get3A_1767 = arith.constant 80 : index
      %get3A_1768 = tpu.vector_load %arg18[%get3A_1766, %get3A_1767] {strides = array<i32>} : memref<8x128xf32, #tpu.memory_space<vmem>>, vector<16xf32>,
      %mul3A_1769 = arith.mulf %get3A_1768, %get3A_1768 : vector<16xf32>
      %add3A_1770 = arith.addf %add3A_1764, %mul3A_1769 : vector<16xf32>
      %get3A_1771 = arith.constant 2 : i32
      %get3A_1772 = arith.index_cast %get3A_1771 : i32 to index
      %get3A_1773 = arith.constant 96 : index
      %get3A_1774 = tpu.vector_load %arg18[%get3A_1772, %get3A_1773] {strides = array<i32>} : memref<8x128xf32, #tpu.memory_space<vmem>>, vector<16xf32>,
      %mul3A_1775 = arith.mulf %get3A_1774, %get3A_1774 : vector<16xf32>
      %add3A_1776 = arith.addf %add3A_1770, %mul3A_1775 : vector<16xf32>
      %get3A_1777 = arith.constant 2 : i32
      %get3A_1778 = arith.index_cast %get3A_1777 : i32 to index
      %get3A_1779 = arith.constant 112 : index
      %get3A_1780 = tpu.vector_load %arg18[%get3A_1778, %get3A_1779] {strides = array<i32>} : memref<8x128xf32, #tpu.memory_space<vmem>>, vector<16xf32>,
      %mul3A_1781 = arith.mulf %get3A_1780, %get3A_1780 : vector<16xf32>
      %add3A_1782 = arith.addf %add3A_1776, %mul3A_1781 : vector<16xf32>
      %get3A_1783 = arith.constant 3 : i32
      %get3A_1784 = arith.index_cast %get3A_1783 : i32 to index
      %get3A_1785 = arith.constant 0 : index
      %get3A_1786 = tpu.vector_load %arg18[%get3A_1784, %get3A_1785] {strides = array<i32>} : memref<8x128xf32, #tpu.memory_space<vmem>>, vector<16xf32>,
      %mul3A_1787 = arith.mulf %get3A_1786, %get3A_1786 : vector<16xf32>
      %add3A_1788 = arith.addf %add3A_1782, %mul3A_1787 : vector<16xf32>
      %get3A_1789 = arith.constant 3 : i32
      %get3A_1790 = arith.index_cast %get3A_1789 : i32 to index
      %get3A_1791 = arith.constant 16 : index
      %get3A_1792 = tpu.vector_load %arg18[%get3A_1790, %get3A_1791] {strides = array<i32>} : memref<8x128xf32, #tpu.memory_space<vmem>>, vector<16xf32>,
      %mul3A_1793 = arith.mulf %get3A_1792, %get3A_1792 : vector<16xf32>
      %add3A_1794 = arith.addf %add3A_1788, %mul3A_1793 : vector<16xf32>
      %get3A_1795 = arith.constant 3 : i32
      %get3A_1796 = arith.index_cast %get3A_1795 : i32 to index
      %get3A_1797 = arith.constant 32 : index
      %get3A_1798 = tpu.vector_load %arg18[%get3A_1796, %get3A_1797] {strides = array<i32>} : memref<8x128xf32, #tpu.memory_space<vmem>>, vector<16xf32>,
      %mul3A_1799 = arith.mulf %get3A_1798, %get3A_1798 : vector<16xf32>
      %add3A_1800 = arith.addf %add3A_1794, %mul3A_1799 : vector<16xf32>
      %get3A_1801 = arith.constant 3 : i32
      %get3A_1802 = arith.index_cast %get3A_1801 : i32 to index
      %get3A_1803 = arith.constant 48 : index
      %get3A_1804 = tpu.vector_load %arg18[%get3A_1802, %get3A_1803] {strides = array<i32>} : memref<8x128xf32, #tpu.memory_space<vmem>>, vector<16xf32>,
      %mul3A_1805 = arith.mulf %get3A_1804, %get3A_1804 : vector<16xf32>
      %add3A_1806 = arith.addf %add3A_1800, %mul3A_1805 : vector<16xf32>
      %get3A_1807 = arith.constant 3 : i32
      %get3A_1808 = arith.index_cast %get3A_1807 : i32 to index
      %get3A_1809 = arith.constant 64 : index
      %get3A_1810 = tpu.vector_load %arg18[%get3A_1808, %get3A_1809] {strides = array<i32>} : memref<8x128xf32, #tpu.memory_space<vmem>>, vector<16xf32>,
      %mul3A_1811 = arith.mulf %get3A_1810, %get3A_1810 : vector<16xf32>
      %add3A_1812 = arith.addf %add3A_1806, %mul3A_1811 : vector<16xf32>
      %get3A_1813 = arith.constant 3 : i32
      %get3A_1814 = arith.index_cast %get3A_1813 : i32 to index
      %get3A_1815 = arith.constant 80 : index
      %get3A_1816 = tpu.vector_load %arg18[%get3A_1814, %get3A_1815] {strides = array<i32>} : memref<8x128xf32, #tpu.memory_space<vmem>>, vector<16xf32>,
      %mul3A_1817 = arith.mulf %get3A_1816, %get3A_1816 : vector<16xf32>
      %add3A_1818 = arith.addf %add3A_1812, %mul3A_1817 : vector<16xf32>
      %get3A_1819 = arith.constant 3 : i32
      %get3A_1820 = arith.index_cast %get3A_1819 : i32 to index
      %get3A_1821 = arith.constant 96 : index
      %get3A_1822 = tpu.vector_load %arg18[%get3A_1820, %get3A_1821] {strides = array<i32>} : memref<8x128xf32, #tpu.memory_space<vmem>>, vector<16xf32>,
      %mul3A_1823 = arith.mulf %get3A_1822, %get3A_1822 : vector<16xf32>
      %add3A_1824 = arith.addf %add3A_1818, %mul3A_1823 : vector<16xf32>
      %get3A_1825 = arith.constant 3 : i32
      %get3A_1826 = arith.index_cast %get3A_1825 : i32 to index
      %get3A_1827 = arith.constant 112 : index
      %get3A_1828 = tpu.vector_load %arg18[%get3A_1826, %get3A_1827] {strides = array<i32>} : memref<8x128xf32, #tpu.memory_space<vmem>>, vector<16xf32>,
      %mul3A_1829 = arith.mulf %get3A_1828, %get3A_1828 : vector<16xf32>
      %add3A_1830 = arith.addf %add3A_1824, %mul3A_1829 : vector<16xf32>
      %get3A_1831 = arith.constant 4 : i32
      %get3A_1832 = arith.index_cast %get3A_1831 : i32 to index
      %get3A_1833 = arith.constant 0 : index
      %get3A_1834 = tpu.vector_load %arg18[%get3A_1832, %get3A_1833] {strides = array<i32>} : memref<8x128xf32, #tpu.memory_space<vmem>>, vector<16xf32>,
      %mul3A_1835 = arith.mulf %get3A_1834, %get3A_1834 : vector<16xf32>
      %add3A_1836 = arith.addf %add3A_1830, %mul3A_1835 : vector<16xf32>
      %get3A_1837 = arith.constant 4 : i32
      %get3A_1838 = arith.index_cast %get3A_1837 : i32 to index
      %get3A_1839 = arith.constant 16 : index
      %get3A_1840 = tpu.vector_load %arg18[%get3A_1838, %get3A_1839] {strides = array<i32>} : memref<8x128xf32, #tpu.memory_space<vmem>>, vector<16xf32>,
      %mul3A_1841 = arith.mulf %get3A_1840, %get3A_1840 : vector<16xf32>
      %add3A_1842 = arith.addf %add3A_1836, %mul3A_1841 : vector<16xf32>
      %get3A_1843 = arith.constant 4 : i32
      %get3A_1844 = arith.index_cast %get3A_1843 : i32 to index
      %get3A_1845 = arith.constant 32 : index
      %get3A_1846 = tpu.vector_load %arg18[%get3A_1844, %get3A_1845] {strides = array<i32>} : memref<8x128xf32, #tpu.memory_space<vmem>>, vector<16xf32>,
      %mul3A_1847 = arith.mulf %get3A_1846, %get3A_1846 : vector<16xf32>
      %add3A_1848 = arith.addf %add3A_1842, %mul3A_1847 : vector<16xf32>
      %get3A_1849 = arith.constant 4 : i32
      %get3A_1850 = arith.index_cast %get3A_1849 : i32 to index
      %get3A_1851 = arith.constant 48 : index
      %get3A_1852 = tpu.vector_load %arg18[%get3A_1850, %get3A_1851] {strides = array<i32>} : memref<8x128xf32, #tpu.memory_space<vmem>>, vector<16xf32>,
      %mul3A_1853 = arith.mulf %get3A_1852, %get3A_1852 : vector<16xf32>
      %add3A_1854 = arith.addf %add3A_1848, %mul3A_1853 : vector<16xf32>
      %get3A_1855 = arith.constant 4 : i32
      %get3A_1856 = arith.index_cast %get3A_1855 : i32 to index
      %get3A_1857 = arith.constant 64 : index
      %get3A_1858 = tpu.vector_load %arg18[%get3A_1856, %get3A_1857] {strides = array<i32>} : memref<8x128xf32, #tpu.memory_space<vmem>>, vector<16xf32>,
      %mul3A_1859 = arith.mulf %get3A_1858, %get3A_1858 : vector<16xf32>
      %add3A_1860 = arith.addf %add3A_1854, %mul3A_1859 : vector<16xf32>
      %get3A_1861 = arith.constant 4 : i32
      %get3A_1862 = arith.index_cast %get3A_1861 : i32 to index
      %get3A_1863 = arith.constant 80 : index
      %get3A_1864 = tpu.vector_load %arg18[%get3A_1862, %get3A_1863] {strides = array<i32>} : memref<8x128xf32, #tpu.memory_space<vmem>>, vector<16xf32>,
      %mul3A_1865 = arith.mulf %get3A_1864, %get3A_1864 : vector<16xf32>
      %add3A_1866 = arith.addf %add3A_1860, %mul3A_1865 : vector<16xf32>
      %get3A_1867 = arith.constant 4 : i32
      %get3A_1868 = arith.index_cast %get3A_1867 : i32 to index
      %get3A_1869 = arith.constant 96 : index
      %get3A_1870 = tpu.vector_load %arg18[%get3A_1868, %get3A_1869] {strides = array<i32>} : memref<8x128xf32, #tpu.memory_space<vmem>>, vector<16xf32>,
      %mul3A_1871 = arith.mulf %get3A_1870, %get3A_1870 : vector<16xf32>
      %add3A_1872 = arith.addf %add3A_1866, %mul3A_1871 : vector<16xf32>
      %get3A_1873 = arith.constant 4 : i32
      %get3A_1874 = arith.index_cast %get3A_1873 : i32 to index
      %get3A_1875 = arith.constant 112 : index
      %get3A_1876 = tpu.vector_load %arg18[%get3A_1874, %get3A_1875] {strides = array<i32>} : memref<8x128xf32, #tpu.memory_space<vmem>>, vector<16xf32>,
      %mul3A_1877 = arith.mulf %get3A_1876, %get3A_1876 : vector<16xf32>
      %add3A_1878 = arith.addf %add3A_1872, %mul3A_1877 : vector<16xf32>
      %get3A_1879 = arith.constant 5 : i32
      %get3A_1880 = arith.index_cast %get3A_1879 : i32 to index
      %get3A_1881 = arith.constant 0 : index
      %get3A_1882 = tpu.vector_load %arg18[%get3A_1880, %get3A_1881] {strides = array<i32>} : memref<8x128xf32, #tpu.memory_space<vmem>>, vector<16xf32>,
      %mul3A_1883 = arith.mulf %get3A_1882, %get3A_1882 : vector<16xf32>
      %add3A_1884 = arith.addf %add3A_1878, %mul3A_1883 : vector<16xf32>
      %get3A_1885 = arith.constant 5 : i32
      %get3A_1886 = arith.index_cast %get3A_1885 : i32 to index
      %get3A_1887 = arith.constant 16 : index
      %get3A_1888 = tpu.vector_load %arg18[%get3A_1886, %get3A_1887] {strides = array<i32>} : memref<8x128xf32, #tpu.memory_space<vmem>>, vector<16xf32>,
      %mul3A_1889 = arith.mulf %get3A_1888, %get3A_1888 : vector<16xf32>
      %add3A_1890 = arith.addf %add3A_1884, %mul3A_1889 : vector<16xf32>
      %get3A_1891 = arith.constant 5 : i32
      %get3A_1892 = arith.index_cast %get3A_1891 : i32 to index
      %get3A_1893 = arith.constant 32 : index
      %get3A_1894 = tpu.vector_load %arg18[%get3A_1892, %get3A_1893] {strides = array<i32>} : memref<8x128xf32, #tpu.memory_space<vmem>>, vector<16xf32>,
      %mul3A_1895 = arith.mulf %get3A_1894, %get3A_1894 : vector<16xf32>
      %add3A_1896 = arith.addf %add3A_1890, %mul3A_1895 : vector<16xf32>
      %get3A_1897 = arith.constant 5 : i32
      %get3A_1898 = arith.index_cast %get3A_1897 : i32 to index
      %get3A_1899 = arith.constant 48 : index
      %get3A_1900 = tpu.vector_load %arg18[%get3A_1898, %get3A_1899] {strides = array<i32>} : memref<8x128xf32, #tpu.memory_space<vmem>>, vector<16xf32>,
      %mul3A_1901 = arith.mulf %get3A_1900, %get3A_1900 : vector<16xf32>
      %add3A_1902 = arith.addf %add3A_1896, %mul3A_1901 : vector<16xf32>
      %get3A_1903 = arith.constant 5 : i32
      %get3A_1904 = arith.index_cast %get3A_1903 : i32 to index
      %get3A_1905 = arith.constant 64 : index
      %get3A_1906 = tpu.vector_load %arg18[%get3A_1904, %get3A_1905] {strides = array<i32>} : memref<8x128xf32, #tpu.memory_space<vmem>>, vector<16xf32>,
      %mul3A_1907 = arith.mulf %get3A_1906, %get3A_1906 : vector<16xf32>
      %add3A_1908 = arith.addf %add3A_1902, %mul3A_1907 : vector<16xf32>
      %get3A_1909 = arith.constant 5 : i32
      %get3A_1910 = arith.index_cast %get3A_1909 : i32 to index
      %get3A_1911 = arith.constant 80 : index
      %get3A_1912 = tpu.vector_load %arg18[%get3A_1910, %get3A_1911] {strides = array<i32>} : memref<8x128xf32, #tpu.memory_space<vmem>>, vector<16xf32>,
      %mul3A_1913 = arith.mulf %get3A_1912, %get3A_1912 : vector<16xf32>
      %add3A_1914 = arith.addf %add3A_1908, %mul3A_1913 : vector<16xf32>
      %get3A_1915 = arith.constant 5 : i32
      %get3A_1916 = arith.index_cast %get3A_1915 : i32 to index
      %get3A_1917 = arith.constant 96 : index
      %get3A_1918 = tpu.vector_load %arg18[%get3A_1916, %get3A_1917] {strides = array<i32>} : memref<8x128xf32, #tpu.memory_space<vmem>>, vector<16xf32>,
      %mul3A_1919 = arith.mulf %get3A_1918, %get3A_1918 : vector<16xf32>
      %add3A_1920 = arith.addf %add3A_1914, %mul3A_1919 : vector<16xf32>
      %get3A_1921 = arith.constant 5 : i32
      %get3A_1922 = arith.index_cast %get3A_1921 : i32 to index
      %get3A_1923 = arith.constant 112 : index
      %get3A_1924 = tpu.vector_load %arg18[%get3A_1922, %get3A_1923] {strides = array<i32>} : memref<8x128xf32, #tpu.memory_space<vmem>>, vector<16xf32>,
      %mul3A_1925 = arith.mulf %get3A_1924, %get3A_1924 : vector<16xf32>
      %add3A_1926 = arith.addf %add3A_1920, %mul3A_1925 : vector<16xf32>
      %get3A_1927 = arith.constant 6 : i32
      %get3A_1928 = arith.index_cast %get3A_1927 : i32 to index
      %get3A_1929 = arith.constant 0 : index
      %get3A_1930 = tpu.vector_load %arg18[%get3A_1928, %get3A_1929] {strides = array<i32>} : memref<8x128xf32, #tpu.memory_space<vmem>>, vector<16xf32>,
      %mul3A_1931 = arith.mulf %get3A_1930, %get3A_1930 : vector<16xf32>
      %add3A_1932 = arith.addf %add3A_1926, %mul3A_1931 : vector<16xf32>
      %get3A_1933 = arith.constant 6 : i32
      %get3A_1934 = arith.index_cast %get3A_1933 : i32 to index
      %get3A_1935 = arith.constant 16 : index
      %get3A_1936 = tpu.vector_load %arg18[%get3A_1934, %get3A_1935] {strides = array<i32>} : memref<8x128xf32, #tpu.memory_space<vmem>>, vector<16xf32>,
      %mul3A_1937 = arith.mulf %get3A_1936, %get3A_1936 : vector<16xf32>
      %add3A_1938 = arith.addf %add3A_1932, %mul3A_1937 : vector<16xf32>
      %get3A_1939 = arith.constant 6 : i32
      %get3A_1940 = arith.index_cast %get3A_1939 : i32 to index
      %get3A_1941 = arith.constant 32 : index
      %get3A_1942 = tpu.vector_load %arg18[%get3A_1940, %get3A_1941] {strides = array<i32>} : memref<8x128xf32, #tpu.memory_space<vmem>>, vector<16xf32>,
      %mul3A_1943 = arith.mulf %get3A_1942, %get3A_1942 : vector<16xf32>
      %add3A_1944 = arith.addf %add3A_1938, %mul3A_1943 : vector<16xf32>
      %get3A_1945 = arith.constant 6 : i32
      %get3A_1946 = arith.index_cast %get3A_1945 : i32 to index
      %get3A_1947 = arith.constant 48 : index
      %get3A_1948 = tpu.vector_load %arg18[%get3A_1946, %get3A_1947] {strides = array<i32>} : memref<8x128xf32, #tpu.memory_space<vmem>>, vector<16xf32>,
      %mul3A_1949 = arith.mulf %get3A_1948, %get3A_1948 : vector<16xf32>
      %add3A_1950 = arith.addf %add3A_1944, %mul3A_1949 : vector<16xf32>
      %get3A_1951 = arith.constant 6 : i32
      %get3A_1952 = arith.index_cast %get3A_1951 : i32 to index
      %get3A_1953 = arith.constant 64 : index
      %get3A_1954 = tpu.vector_load %arg18[%get3A_1952, %get3A_1953] {strides = array<i32>} : memref<8x128xf32, #tpu.memory_space<vmem>>, vector<16xf32>,
      %mul3A_1955 = arith.mulf %get3A_1954, %get3A_1954 : vector<16xf32>
      %add3A_1956 = arith.addf %add3A_1950, %mul3A_1955 : vector<16xf32>
      %get3A_1957 = arith.constant 6 : i32
      %get3A_1958 = arith.index_cast %get3A_1957 : i32 to index
      %get3A_1959 = arith.constant 80 : index
      %get3A_1960 = tpu.vector_load %arg18[%get3A_1958, %get3A_1959] {strides = array<i32>} : memref<8x128xf32, #tpu.memory_space<vmem>>, vector<16xf32>,
      %mul3A_1961 = arith.mulf %get3A_1960, %get3A_1960 : vector<16xf32>
      %add3A_1962 = arith.addf %add3A_1956, %mul3A_1961 : vector<16xf32>
      %get3A_1963 = arith.constant 6 : i32
      %get3A_1964 = arith.index_cast %get3A_1963 : i32 to index
      %get3A_1965 = arith.constant 96 : index
      %get3A_1966 = tpu.vector_load %arg18[%get3A_1964, %get3A_1965] {strides = array<i32>} : memref<8x128xf32, #tpu.memory_space<vmem>>, vector<16xf32>,
      %mul3A_1967 = arith.mulf %get3A_1966, %get3A_1966 : vector<16xf32>
      %add3A_1968 = arith.addf %add3A_1962, %mul3A_1967 : vector<16xf32>
      %get3A_1969 = arith.constant 6 : i32
      %get3A_1970 = arith.index_cast %get3A_1969 : i32 to index
      %get3A_1971 = arith.constant 112 : index
      %get3A_1972 = tpu.vector_load %arg18[%get3A_1970, %get3A_1971] {strides = array<i32>} : memref<8x128xf32, #tpu.memory_space<vmem>>, vector<16xf32>,
      %mul3A_1973 = arith.mulf %get3A_1972, %get3A_1972 : vector<16xf32>
      %add3A_1974 = arith.addf %add3A_1968, %mul3A_1973 : vector<16xf32>
      %get3A_1975 = arith.constant 7 : i32
      %get3A_1976 = arith.index_cast %get3A_1975 : i32 to index
      %get3A_1977 = arith.constant 0 : index
      %get3A_1978 = tpu.vector_load %arg18[%get3A_1976, %get3A_1977] {strides = array<i32>} : memref<8x128xf32, #tpu.memory_space<vmem>>, vector<16xf32>,
      %mul3A_1979 = arith.mulf %get3A_1978, %get3A_1978 : vector<16xf32>
      %add3A_1980 = arith.addf %add3A_1974, %mul3A_1979 : vector<16xf32>
      %get3A_1981 = arith.constant 7 : i32
      %get3A_1982 = arith.index_cast %get3A_1981 : i32 to index
      %get3A_1983 = arith.constant 16 : index
      %get3A_1984 = tpu.vector_load %arg18[%get3A_1982, %get3A_1983] {strides = array<i32>} : memref<8x128xf32, #tpu.memory_space<vmem>>, vector<16xf32>,
      %mul3A_1985 = arith.mulf %get3A_1984, %get3A_1984 : vector<16xf32>
      %add3A_1986 = arith.addf %add3A_1980, %mul3A_1985 : vector<16xf32>
      %get3A_1987 = arith.constant 7 : i32
      %get3A_1988 = arith.index_cast %get3A_1987 : i32 to index
      %get3A_1989 = arith.constant 32 : index
      %get3A_1990 = tpu.vector_load %arg18[%get3A_1988, %get3A_1989] {strides = array<i32>} : memref<8x128xf32, #tpu.memory_space<vmem>>, vector<16xf32>,
      %mul3A_1991 = arith.mulf %get3A_1990, %get3A_1990 : vector<16xf32>
      %add3A_1992 = arith.addf %add3A_1986, %mul3A_1991 : vector<16xf32>
      %get3A_1993 = arith.constant 7 : i32
      %get3A_1994 = arith.index_cast %get3A_1993 : i32 to index
      %get3A_1995 = arith.constant 48 : index
      %get3A_1996 = tpu.vector_load %arg18[%get3A_1994, %get3A_1995] {strides = array<i32>} : memref<8x128xf32, #tpu.memory_space<vmem>>, vector<16xf32>,
      %mul3A_1997 = arith.mulf %get3A_1996, %get3A_1996 : vector<16xf32>
      %add3A_1998 = arith.addf %add3A_1992, %mul3A_1997 : vector<16xf32>
      %get3A_1999 = arith.constant 7 : i32
      %get3A_2000 = arith.index_cast %get3A_1999 : i32 to index
      %get3A_2001 = arith.constant 64 : index
      %get3A_2002 = tpu.vector_load %arg18[%get3A_2000, %get3A_2001] {strides = array<i32>} : memref<8x128xf32, #tpu.memory_space<vmem>>, vector<16xf32>,
      %mul3A_2003 = arith.mulf %get3A_2002, %get3A_2002 : vector<16xf32>
      %add3A_2004 = arith.addf %add3A_1998, %mul3A_2003 : vector<16xf32>
      %get3A_2005 = arith.constant 7 : i32
      %get3A_2006 = arith.index_cast %get3A_2005 : i32 to index
      %get3A_2007 = arith.constant 80 : index
      %get3A_2008 = tpu.vector_load %arg18[%get3A_2006, %get3A_2007] {strides = array<i32>} : memref<8x128xf32, #tpu.memory_space<vmem>>, vector<16xf32>,
      %mul3A_2009 = arith.mulf %get3A_2008, %get3A_2008 : vector<16xf32>
      %add3A_2010 = arith.addf %add3A_2004, %mul3A_2009 : vector<16xf32>
      %get3A_2011 = arith.constant 7 : i32
      %get3A_2012 = arith.index_cast %get3A_2011 : i32 to index
      %get3A_2013 = arith.constant 96 : index
      %get3A_2014 = tpu.vector_load %arg18[%get3A_2012, %get3A_2013] {strides = array<i32>} : memref<8x128xf32, #tpu.memory_space<vmem>>, vector<16xf32>,
      %mul3A_2015 = arith.mulf %get3A_2014, %get3A_2014 : vector<16xf32>
      %add3A_2016 = arith.addf %add3A_2010, %mul3A_2015 : vector<16xf32>
      %get3A_2017 = arith.constant 7 : i32
      %get3A_2018 = arith.index_cast %get3A_2017 : i32 to index
      %get3A_2019 = arith.constant 112 : index
      %get3A_2020 = tpu.vector_load %arg18[%get3A_2018, %get3A_2019] {strides = array<i32>} : memref<8x128xf32, #tpu.memory_space<vmem>>, vector<16xf32>,
      %mul3A_2021 = arith.mulf %get3A_2020, %get3A_2020 : vector<16xf32>
      %add3A_2022 = arith.addf %add3A_2016, %mul3A_2021 : vector<16xf32>
      %swap3A_2023 = arith.constant 0 : index
      %swap3A_2024 = tpu.vector_load %arg19[%swap3A_2023] {strides = array<i32>} : memref<16xf32, #tpu.memory_space<vmem>>, vector<16xf32>,
      tpu.vector_store %arg19[%swap3A_2023], %add3A_2022 {strides = array<i32>} : memref<16xf32, #tpu.memory_space<vmem>>, vector<16xf32>,
      %mul3A_2025 = arith.constant 16 : i32
      %mul3A_2026 = arith.muli %arg1, %mul3A_2025 : i32
      "tpu.region"() ({
        %run_scoped3A = tpu.sem_alloc : memref<!tpu.dma_semaphore, #tpu.memory_space<semaphore_mem>>
        %dma_start3A_2711 = tpu.memref_slice %arg25[%mul3A_2026] : memref<256xf32, #tpu.memory_space<vmem_shared>> -> memref<16xf32, #tpu.memory_space<vmem_shared>>
        %dma_start3A_2712 = tpu.memref_slice %arg25[%mul3A_2026] : memref<256xf32, #tpu.memory_space<vmem_shared>> -> memref<16xf32, #tpu.memory_space<vmem_shared>>
        tpu.enqueue_dma source(%arg19 : memref<16xf32, #tpu.memory_space<vmem>>) target(%dma_start3A_2712 : memref<16xf32, #tpu.memory_space<vmem_shared>>) target_semaphore(%run_scoped3A : memref<!tpu.dma_semaphore, #tpu.memory_space<semaphore_mem>>)
        %dma_wait3A_2713 = tpu.memref_slice %arg25[%mul3A_2026] : memref<256xf32, #tpu.memory_space<vmem_shared>> -> memref<16xf32, #tpu.memory_space<vmem_shared>>
        %dma_wait3A_2714 = tpu.memref_slice %arg25[%mul3A_2026] : memref<256xf32, #tpu.memory_space<vmem_shared>> -> memref<16xf32, #tpu.memory_space<vmem_shared>>
        tpu.wait_dma2 semaphore(%run_scoped3A : memref<!tpu.dma_semaphore, #tpu.memory_space<semaphore_mem>>) src(%arg19 : memref<16xf32, #tpu.memory_space<vmem>>) dst(%dma_wait3A_2714 : memref<16xf32, #tpu.memory_space<vmem_shared>>)
        tpu.yield
      }) : () -> ()
      %barrier3A_2027 = arith.constant 0 : index
      tpu.barrier barrier_id(%barrier3A_2027)
      "tpu.region"() ({
        %run_scoped3A = tpu.sem_alloc : memref<!tpu.dma_semaphore, #tpu.memory_space<semaphore_mem>>
        tpu.enqueue_dma source(%arg25 : memref<256xf32, #tpu.memory_space<vmem_shared>>) target(%arg20 : memref<256xf32, #tpu.memory_space<vmem>>) target_semaphore(%run_scoped3A : memref<!tpu.dma_semaphore, #tpu.memory_space<semaphore_mem>>)
        tpu.wait_dma2 semaphore(%run_scoped3A : memref<!tpu.dma_semaphore, #tpu.memory_space<semaphore_mem>>) src(%arg25 : memref<256xf32, #tpu.memory_space<vmem_shared>>) dst(%arg20 : memref<256xf32, #tpu.memory_space<vmem>>)
        tpu.yield
      }) : () -> ()
      %broadcast_in_dim3A_2028 = arith.constant 0.000000e+00 : f32
      %broadcast_in_dim3A_2029 = vector.broadcast %broadcast_in_dim3A_2028 : f32 to vector<16xf32>
      %get3A_2030 = arith.constant 0 : index
      %get3A_2031 = tpu.vector_load %arg20[%get3A_2030] {strides = array<i32>} : memref<256xf32, #tpu.memory_space<vmem>>, vector<16xf32>,
      %add3A_2032 = arith.addf %broadcast_in_dim3A_2029, %get3A_2031 : vector<16xf32>
      %get3A_2033 = arith.constant 16 : index
      %get3A_2034 = tpu.vector_load %arg20[%get3A_2033] {strides = array<i32>} : memref<256xf32, #tpu.memory_space<vmem>>, vector<16xf32>,
      %add3A_2035 = arith.addf %add3A_2032, %get3A_2034 : vector<16xf32>
      %get3A_2036 = arith.constant 32 : index
      %get3A_2037 = tpu.vector_load %arg20[%get3A_2036] {strides = array<i32>} : memref<256xf32, #tpu.memory_space<vmem>>, vector<16xf32>,
      %add3A_2038 = arith.addf %add3A_2035, %get3A_2037 : vector<16xf32>
      %get3A_2039 = arith.constant 48 : index
      %get3A_2040 = tpu.vector_load %arg20[%get3A_2039] {strides = array<i32>} : memref<256xf32, #tpu.memory_space<vmem>>, vector<16xf32>,
      %add3A_2041 = arith.addf %add3A_2038, %get3A_2040 : vector<16xf32>
      %get3A_2042 = arith.constant 64 : index
      %get3A_2043 = tpu.vector_load %arg20[%get3A_2042] {strides = array<i32>} : memref<256xf32, #tpu.memory_space<vmem>>, vector<16xf32>,
      %add3A_2044 = arith.addf %add3A_2041, %get3A_2043 : vector<16xf32>
      %get3A_2045 = arith.constant 80 : index
      %get3A_2046 = tpu.vector_load %arg20[%get3A_2045] {strides = array<i32>} : memref<256xf32, #tpu.memory_space<vmem>>, vector<16xf32>,
      %add3A_2047 = arith.addf %add3A_2044, %get3A_2046 : vector<16xf32>
      %get3A_2048 = arith.constant 96 : index
      %get3A_2049 = tpu.vector_load %arg20[%get3A_2048] {strides = array<i32>} : memref<256xf32, #tpu.memory_space<vmem>>, vector<16xf32>,
      %add3A_2050 = arith.addf %add3A_2047, %get3A_2049 : vector<16xf32>
      %get3A_2051 = arith.constant 112 : index
      %get3A_2052 = tpu.vector_load %arg20[%get3A_2051] {strides = array<i32>} : memref<256xf32, #tpu.memory_space<vmem>>, vector<16xf32>,
      %add3A_2053 = arith.addf %add3A_2050, %get3A_2052 : vector<16xf32>
      %get3A_2054 = arith.constant 128 : index
      %get3A_2055 = tpu.vector_load %arg20[%get3A_2054] {strides = array<i32>} : memref<256xf32, #tpu.memory_space<vmem>>, vector<16xf32>,
      %add3A_2056 = arith.addf %add3A_2053, %get3A_2055 : vector<16xf32>
      %get3A_2057 = arith.constant 144 : index
      %get3A_2058 = tpu.vector_load %arg20[%get3A_2057] {strides = array<i32>} : memref<256xf32, #tpu.memory_space<vmem>>, vector<16xf32>,
      %add3A_2059 = arith.addf %add3A_2056, %get3A_2058 : vector<16xf32>
      %get3A_2060 = arith.constant 160 : index
      %get3A_2061 = tpu.vector_load %arg20[%get3A_2060] {strides = array<i32>} : memref<256xf32, #tpu.memory_space<vmem>>, vector<16xf32>,
      %add3A_2062 = arith.addf %add3A_2059, %get3A_2061 : vector<16xf32>
      %get3A_2063 = arith.constant 176 : index
      %get3A_2064 = tpu.vector_load %arg20[%get3A_2063] {strides = array<i32>} : memref<256xf32, #tpu.memory_space<vmem>>, vector<16xf32>,
      %add3A_2065 = arith.addf %add3A_2062, %get3A_2064 : vector<16xf32>
      %get3A_2066 = arith.constant 192 : index
      %get3A_2067 = tpu.vector_load %arg20[%get3A_2066] {strides = array<i32>} : memref<256xf32, #tpu.memory_space<vmem>>, vector<16xf32>,
      %add3A_2068 = arith.addf %add3A_2065, %get3A_2067 : vector<16xf32>
      %get3A_2069 = arith.constant 208 : index
      %get3A_2070 = tpu.vector_load %arg20[%get3A_2069] {strides = array<i32>} : memref<256xf32, #tpu.memory_space<vmem>>, vector<16xf32>,
      %add3A_2071 = arith.addf %add3A_2068, %get3A_2070 : vector<16xf32>
      %get3A_2072 = arith.constant 224 : index
      %get3A_2073 = tpu.vector_load %arg20[%get3A_2072] {strides = array<i32>} : memref<256xf32, #tpu.memory_space<vmem>>, vector<16xf32>,
      %add3A_2074 = arith.addf %add3A_2071, %get3A_2073 : vector<16xf32>
      %get3A_2075 = arith.constant 240 : index
      %get3A_2076 = tpu.vector_load %arg20[%get3A_2075] {strides = array<i32>} : memref<256xf32, #tpu.memory_space<vmem>>, vector<16xf32>,
      %add3A_2077 = arith.addf %add3A_2074, %get3A_2076 : vector<16xf32>
      %reduce_sum3A = arith.constant true
      %reduce_sum3A_2078 = vector.broadcast %reduce_sum3A : i1 to vector<16xi1>
      %reduce_sum3A_2079 = tpu.scan <sum>, %add3A_2077 masked %reduce_sum3A_2078 : vector<16xf32>, vector<16xi1> -> vector<16xf32>
      %reduce_sum3A_2080 = vector.extract %reduce_sum3A_2079[15] : f32 from vector<16xf32>
      %get3A_2081 = arith.constant 0 : index
      %get3A_2082 = tpu.vector_load %arg21[%get3A_2081] {strides = array<i32>} : memref<16xf32, #tpu.memory_space<vmem>>, vector<16xf32>,
      %reduce_sum3A_2083 = arith.constant true
      %reduce_sum3A_2084 = vector.broadcast %reduce_sum3A_2083 : i1 to vector<16xi1>
      %reduce_sum3A_2085 = tpu.scan <sum>, %get3A_2082 masked %reduce_sum3A_2084 : vector<16xf32>, vector<16xi1> -> vector<16xf32>
      %reduce_sum3A_2086 = vector.extract %reduce_sum3A_2085[15] : f32 from vector<16xf32>
      %mul3A_2087 = arith.constant 9.900000e-01 : f32
      %mul3A_2088 = arith.mulf %mul3A_2087, %reduce_sum3A_2086 : f32
      %mul3A_2089 = arith.constant 6.10351549E-7 : f32
      %mul3A_2090 = arith.mulf %mul3A_2089, %reduce_sum3A_2080 : f32
      %add3A_2091 = arith.addf %mul3A_2088, %mul3A_2090 : f32
      %add3A_2092 = arith.constant 9.99999993E-9 : f32
      %add3A_2093 = arith.addf %add3A_2091, %add3A_2092 : f32
      %broadcast_in_dim3A_2094 = vector.broadcast %add3A_2093 : f32 to vector<16xf32>
      %bitcast_convert_type3A = tpu.bitcast %broadcast_in_dim3A_2094 : vector<16xf32> -> vector<16xi32>
      %broadcast_in_dim3A_2095 = arith.constant 1597463007 : i32
      %broadcast_in_dim3A_2096 = vector.broadcast %broadcast_in_dim3A_2095 : i32 to vector<16xi32>
      %shift_right_arithmetic3A = arith.constant 1 : i32
      %shift_right_arithmetic3A_2097 = vector.broadcast %shift_right_arithmetic3A : i32 to vector<16xi32>
      %shift_right_arithmetic3A_2098 = arith.shrsi %bitcast_convert_type3A, %shift_right_arithmetic3A_2097 : vector<16xi32>
      %sub3A_2099 = arith.subi %broadcast_in_dim3A_2096, %shift_right_arithmetic3A_2098 : vector<16xi32>
      %bitcast_convert_type3A_2100 = tpu.bitcast %sub3A_2099 : vector<16xi32> -> vector<16xf32>
      %mul3A_2101 = arith.constant 5.000000e-01 : f32
      %mul3A_2102 = vector.broadcast %mul3A_2101 : f32 to vector<16xf32>
      %mul3A_2103 = arith.mulf %mul3A_2102, %broadcast_in_dim3A_2094 : vector<16xf32>
      %mul3A_2104 = arith.mulf %mul3A_2103, %bitcast_convert_type3A_2100 : vector<16xf32>
      %mul3A_2105 = arith.mulf %mul3A_2104, %bitcast_convert_type3A_2100 : vector<16xf32>
      %sub3A_2106 = arith.constant 1.500000e+00 : f32
      %sub3A_2107 = vector.broadcast %sub3A_2106 : f32 to vector<16xf32>
      %sub3A_2108 = arith.subf %sub3A_2107, %mul3A_2105 : vector<16xf32>
      %mul3A_2109 = arith.mulf %bitcast_convert_type3A_2100, %sub3A_2108 : vector<16xf32>
      %mul3A_2110 = arith.constant 5.000000e-01 : f32
      %mul3A_2111 = vector.broadcast %mul3A_2110 : f32 to vector<16xf32>
      %mul3A_2112 = arith.mulf %mul3A_2111, %broadcast_in_dim3A_2094 : vector<16xf32>
      %mul3A_2113 = arith.mulf %mul3A_2112, %mul3A_2109 : vector<16xf32>
      %mul3A_2114 = arith.mulf %mul3A_2113, %mul3A_2109 : vector<16xf32>
      %sub3A_2115 = arith.constant 1.500000e+00 : f32
      %sub3A_2116 = vector.broadcast %sub3A_2115 : f32 to vector<16xf32>
      %sub3A_2117 = arith.subf %sub3A_2116, %mul3A_2114 : vector<16xf32>
      %mul3A_2118 = arith.mulf %mul3A_2109, %sub3A_2117 : vector<16xf32>
      %mul3A_2119 = arith.constant 5.000000e-01 : f32
      %mul3A_2120 = vector.broadcast %mul3A_2119 : f32 to vector<16xf32>
      %mul3A_2121 = arith.mulf %mul3A_2120, %broadcast_in_dim3A_2094 : vector<16xf32>
      %mul3A_2122 = arith.mulf %mul3A_2121, %mul3A_2118 : vector<16xf32>
      %mul3A_2123 = arith.mulf %mul3A_2122, %mul3A_2118 : vector<16xf32>
      %sub3A_2124 = arith.constant 1.500000e+00 : f32
      %sub3A_2125 = vector.broadcast %sub3A_2124 : f32 to vector<16xf32>
      %sub3A_2126 = arith.subf %sub3A_2125, %mul3A_2123 : vector<16xf32>
      %mul3A_2127 = arith.mulf %mul3A_2118, %sub3A_2126 : vector<16xf32>
      %mul3A_2128 = arith.mulf %broadcast_in_dim3A_2094, %mul3A_2127 : vector<16xf32>
      %add3A_2129 = arith.constant 9.99999993E-9 : f32
      %add3A_2130 = vector.broadcast %add3A_2129 : f32 to vector<16xf32>
      %add3A_2131 = arith.addf %mul3A_2128, %add3A_2130 : vector<16xf32>
      %div3A_2132 = arith.constant 5.000000e-01 : f32
      %div3A_2133 = vector.broadcast %div3A_2132 : f32 to vector<16xf32>
      %div3A_2134 = arith.divf %div3A_2133, %add3A_2131 : vector<16xf32>
      %get3A_2135 = arith.constant 0 : i32
      %get3A_2136 = arith.index_cast %get3A_2135 : i32 to index
      %get3A_2137 = arith.constant 0 : index
      %get3A_2138 = tpu.vector_load %arg18[%get3A_2136, %get3A_2137] {strides = array<i32>} : memref<8x128xf32, #tpu.memory_space<vmem>>, vector<16xf32>,
      %mul3A_2139 = arith.mulf %get3A_2138, %div3A_2134 : vector<16xf32>
      %swap3A_2140 = arith.constant 0 : i32
      %swap3A_2141 = arith.index_cast %swap3A_2140 : i32 to index
      %swap3A_2142 = arith.constant 0 : index
      %swap3A_2143 = tpu.vector_load %arg18[%swap3A_2141, %swap3A_2142] {strides = array<i32>} : memref<8x128xf32, #tpu.memory_space<vmem>>, vector<16xf32>,
      tpu.vector_store %arg18[%swap3A_2141, %swap3A_2142], %mul3A_2139 {strides = array<i32>} : memref<8x128xf32, #tpu.memory_space<vmem>>, vector<16xf32>,
      %get3A_2144 = arith.constant 0 : i32
      %get3A_2145 = arith.index_cast %get3A_2144 : i32 to index
      %get3A_2146 = arith.constant 16 : index
      %get3A_2147 = tpu.vector_load %arg18[%get3A_2145, %get3A_2146] {strides = array<i32>} : memref<8x128xf32, #tpu.memory_space<vmem>>, vector<16xf32>,
      %mul3A_2148 = arith.mulf %get3A_2147, %div3A_2134 : vector<16xf32>
      %swap3A_2149 = arith.constant 0 : i32
      %swap3A_2150 = arith.index_cast %swap3A_2149 : i32 to index
      %swap3A_2151 = arith.constant 16 : index
      %swap3A_2152 = tpu.vector_load %arg18[%swap3A_2150, %swap3A_2151] {strides = array<i32>} : memref<8x128xf32, #tpu.memory_space<vmem>>, vector<16xf32>,
      tpu.vector_store %arg18[%swap3A_2150, %swap3A_2151], %mul3A_2148 {strides = array<i32>} : memref<8x128xf32, #tpu.memory_space<vmem>>, vector<16xf32>,
      %get3A_2153 = arith.constant 0 : i32
      %get3A_2154 = arith.index_cast %get3A_2153 : i32 to index
      %get3A_2155 = arith.constant 32 : index
      %get3A_2156 = tpu.vector_load %arg18[%get3A_2154, %get3A_2155] {strides = array<i32>} : memref<8x128xf32, #tpu.memory_space<vmem>>, vector<16xf32>,
      %mul3A_2157 = arith.mulf %get3A_2156, %div3A_2134 : vector<16xf32>
      %swap3A_2158 = arith.constant 0 : i32
      %swap3A_2159 = arith.index_cast %swap3A_2158 : i32 to index
      %swap3A_2160 = arith.constant 32 : index
      %swap3A_2161 = tpu.vector_load %arg18[%swap3A_2159, %swap3A_2160] {strides = array<i32>} : memref<8x128xf32, #tpu.memory_space<vmem>>, vector<16xf32>,
      tpu.vector_store %arg18[%swap3A_2159, %swap3A_2160], %mul3A_2157 {strides = array<i32>} : memref<8x128xf32, #tpu.memory_space<vmem>>, vector<16xf32>,
      %get3A_2162 = arith.constant 0 : i32
      %get3A_2163 = arith.index_cast %get3A_2162 : i32 to index
      %get3A_2164 = arith.constant 48 : index
      %get3A_2165 = tpu.vector_load %arg18[%get3A_2163, %get3A_2164] {strides = array<i32>} : memref<8x128xf32, #tpu.memory_space<vmem>>, vector<16xf32>,
      %mul3A_2166 = arith.mulf %get3A_2165, %div3A_2134 : vector<16xf32>
      %swap3A_2167 = arith.constant 0 : i32
      %swap3A_2168 = arith.index_cast %swap3A_2167 : i32 to index
      %swap3A_2169 = arith.constant 48 : index
      %swap3A_2170 = tpu.vector_load %arg18[%swap3A_2168, %swap3A_2169] {strides = array<i32>} : memref<8x128xf32, #tpu.memory_space<vmem>>, vector<16xf32>,
      tpu.vector_store %arg18[%swap3A_2168, %swap3A_2169], %mul3A_2166 {strides = array<i32>} : memref<8x128xf32, #tpu.memory_space<vmem>>, vector<16xf32>,
      %get3A_2171 = arith.constant 0 : i32
      %get3A_2172 = arith.index_cast %get3A_2171 : i32 to index
      %get3A_2173 = arith.constant 64 : index
      %get3A_2174 = tpu.vector_load %arg18[%get3A_2172, %get3A_2173] {strides = array<i32>} : memref<8x128xf32, #tpu.memory_space<vmem>>, vector<16xf32>,
      %mul3A_2175 = arith.mulf %get3A_2174, %div3A_2134 : vector<16xf32>
      %swap3A_2176 = arith.constant 0 : i32
      %swap3A_2177 = arith.index_cast %swap3A_2176 : i32 to index
      %swap3A_2178 = arith.constant 64 : index
      %swap3A_2179 = tpu.vector_load %arg18[%swap3A_2177, %swap3A_2178] {strides = array<i32>} : memref<8x128xf32, #tpu.memory_space<vmem>>, vector<16xf32>,
      tpu.vector_store %arg18[%swap3A_2177, %swap3A_2178], %mul3A_2175 {strides = array<i32>} : memref<8x128xf32, #tpu.memory_space<vmem>>, vector<16xf32>,
      %get3A_2180 = arith.constant 0 : i32
      %get3A_2181 = arith.index_cast %get3A_2180 : i32 to index
      %get3A_2182 = arith.constant 80 : index
      %get3A_2183 = tpu.vector_load %arg18[%get3A_2181, %get3A_2182] {strides = array<i32>} : memref<8x128xf32, #tpu.memory_space<vmem>>, vector<16xf32>,
      %mul3A_2184 = arith.mulf %get3A_2183, %div3A_2134 : vector<16xf32>
      %swap3A_2185 = arith.constant 0 : i32
      %swap3A_2186 = arith.index_cast %swap3A_2185 : i32 to index
      %swap3A_2187 = arith.constant 80 : index
      %swap3A_2188 = tpu.vector_load %arg18[%swap3A_2186, %swap3A_2187] {strides = array<i32>} : memref<8x128xf32, #tpu.memory_space<vmem>>, vector<16xf32>,
      tpu.vector_store %arg18[%swap3A_2186, %swap3A_2187], %mul3A_2184 {strides = array<i32>} : memref<8x128xf32, #tpu.memory_space<vmem>>, vector<16xf32>,
      %get3A_2189 = arith.constant 0 : i32
      %get3A_2190 = arith.index_cast %get3A_2189 : i32 to index
      %get3A_2191 = arith.constant 96 : index
      %get3A_2192 = tpu.vector_load %arg18[%get3A_2190, %get3A_2191] {strides = array<i32>} : memref<8x128xf32, #tpu.memory_space<vmem>>, vector<16xf32>,
      %mul3A_2193 = arith.mulf %get3A_2192, %div3A_2134 : vector<16xf32>
      %swap3A_2194 = arith.constant 0 : i32
      %swap3A_2195 = arith.index_cast %swap3A_2194 : i32 to index
      %swap3A_2196 = arith.constant 96 : index
      %swap3A_2197 = tpu.vector_load %arg18[%swap3A_2195, %swap3A_2196] {strides = array<i32>} : memref<8x128xf32, #tpu.memory_space<vmem>>, vector<16xf32>,
      tpu.vector_store %arg18[%swap3A_2195, %swap3A_2196], %mul3A_2193 {strides = array<i32>} : memref<8x128xf32, #tpu.memory_space<vmem>>, vector<16xf32>,
      %get3A_2198 = arith.constant 0 : i32
      %get3A_2199 = arith.index_cast %get3A_2198 : i32 to index
      %get3A_2200 = arith.constant 112 : index
      %get3A_2201 = tpu.vector_load %arg18[%get3A_2199, %get3A_2200] {strides = array<i32>} : memref<8x128xf32, #tpu.memory_space<vmem>>, vector<16xf32>,
      %mul3A_2202 = arith.mulf %get3A_2201, %div3A_2134 : vector<16xf32>
      %swap3A_2203 = arith.constant 0 : i32
      %swap3A_2204 = arith.index_cast %swap3A_2203 : i32 to index
      %swap3A_2205 = arith.constant 112 : index
      %swap3A_2206 = tpu.vector_load %arg18[%swap3A_2204, %swap3A_2205] {strides = array<i32>} : memref<8x128xf32, #tpu.memory_space<vmem>>, vector<16xf32>,
      tpu.vector_store %arg18[%swap3A_2204, %swap3A_2205], %mul3A_2202 {strides = array<i32>} : memref<8x128xf32, #tpu.memory_space<vmem>>, vector<16xf32>,
      %get3A_2207 = arith.constant 1 : i32
      %get3A_2208 = arith.index_cast %get3A_2207 : i32 to index
      %get3A_2209 = arith.constant 0 : index
      %get3A_2210 = tpu.vector_load %arg18[%get3A_2208, %get3A_2209] {strides = array<i32>} : memref<8x128xf32, #tpu.memory_space<vmem>>, vector<16xf32>,
      %mul3A_2211 = arith.mulf %get3A_2210, %div3A_2134 : vector<16xf32>
      %swap3A_2212 = arith.constant 1 : i32
      %swap3A_2213 = arith.index_cast %swap3A_2212 : i32 to index
      %swap3A_2214 = arith.constant 0 : index
      %swap3A_2215 = tpu.vector_load %arg18[%swap3A_2213, %swap3A_2214] {strides = array<i32>} : memref<8x128xf32, #tpu.memory_space<vmem>>, vector<16xf32>,
      tpu.vector_store %arg18[%swap3A_2213, %swap3A_2214], %mul3A_2211 {strides = array<i32>} : memref<8x128xf32, #tpu.memory_space<vmem>>, vector<16xf32>,
      %get3A_2216 = arith.constant 1 : i32
      %get3A_2217 = arith.index_cast %get3A_2216 : i32 to index
      %get3A_2218 = arith.constant 16 : index
      %get3A_2219 = tpu.vector_load %arg18[%get3A_2217, %get3A_2218] {strides = array<i32>} : memref<8x128xf32, #tpu.memory_space<vmem>>, vector<16xf32>,
      %mul3A_2220 = arith.mulf %get3A_2219, %div3A_2134 : vector<16xf32>
      %swap3A_2221 = arith.constant 1 : i32
      %swap3A_2222 = arith.index_cast %swap3A_2221 : i32 to index
      %swap3A_2223 = arith.constant 16 : index
      %swap3A_2224 = tpu.vector_load %arg18[%swap3A_2222, %swap3A_2223] {strides = array<i32>} : memref<8x128xf32, #tpu.memory_space<vmem>>, vector<16xf32>,
      tpu.vector_store %arg18[%swap3A_2222, %swap3A_2223], %mul3A_2220 {strides = array<i32>} : memref<8x128xf32, #tpu.memory_space<vmem>>, vector<16xf32>,
      %get3A_2225 = arith.constant 1 : i32
      %get3A_2226 = arith.index_cast %get3A_2225 : i32 to index
      %get3A_2227 = arith.constant 32 : index
      %get3A_2228 = tpu.vector_load %arg18[%get3A_2226, %get3A_2227] {strides = array<i32>} : memref<8x128xf32, #tpu.memory_space<vmem>>, vector<16xf32>,
      %mul3A_2229 = arith.mulf %get3A_2228, %div3A_2134 : vector<16xf32>
      %swap3A_2230 = arith.constant 1 : i32
      %swap3A_2231 = arith.index_cast %swap3A_2230 : i32 to index
      %swap3A_2232 = arith.constant 32 : index
      %swap3A_2233 = tpu.vector_load %arg18[%swap3A_2231, %swap3A_2232] {strides = array<i32>} : memref<8x128xf32, #tpu.memory_space<vmem>>, vector<16xf32>,
      tpu.vector_store %arg18[%swap3A_2231, %swap3A_2232], %mul3A_2229 {strides = array<i32>} : memref<8x128xf32, #tpu.memory_space<vmem>>, vector<16xf32>,
      %get3A_2234 = arith.constant 1 : i32
      %get3A_2235 = arith.index_cast %get3A_2234 : i32 to index
      %get3A_2236 = arith.constant 48 : index
      %get3A_2237 = tpu.vector_load %arg18[%get3A_2235, %get3A_2236] {strides = array<i32>} : memref<8x128xf32, #tpu.memory_space<vmem>>, vector<16xf32>,
      %mul3A_2238 = arith.mulf %get3A_2237, %div3A_2134 : vector<16xf32>
      %swap3A_2239 = arith.constant 1 : i32
      %swap3A_2240 = arith.index_cast %swap3A_2239 : i32 to index
      %swap3A_2241 = arith.constant 48 : index
      %swap3A_2242 = tpu.vector_load %arg18[%swap3A_2240, %swap3A_2241] {strides = array<i32>} : memref<8x128xf32, #tpu.memory_space<vmem>>, vector<16xf32>,
      tpu.vector_store %arg18[%swap3A_2240, %swap3A_2241], %mul3A_2238 {strides = array<i32>} : memref<8x128xf32, #tpu.memory_space<vmem>>, vector<16xf32>,
      %get3A_2243 = arith.constant 1 : i32
      %get3A_2244 = arith.index_cast %get3A_2243 : i32 to index
      %get3A_2245 = arith.constant 64 : index
      %get3A_2246 = tpu.vector_load %arg18[%get3A_2244, %get3A_2245] {strides = array<i32>} : memref<8x128xf32, #tpu.memory_space<vmem>>, vector<16xf32>,
      %mul3A_2247 = arith.mulf %get3A_2246, %div3A_2134 : vector<16xf32>
      %swap3A_2248 = arith.constant 1 : i32
      %swap3A_2249 = arith.index_cast %swap3A_2248 : i32 to index
      %swap3A_2250 = arith.constant 64 : index
      %swap3A_2251 = tpu.vector_load %arg18[%swap3A_2249, %swap3A_2250] {strides = array<i32>} : memref<8x128xf32, #tpu.memory_space<vmem>>, vector<16xf32>,
      tpu.vector_store %arg18[%swap3A_2249, %swap3A_2250], %mul3A_2247 {strides = array<i32>} : memref<8x128xf32, #tpu.memory_space<vmem>>, vector<16xf32>,
      %get3A_2252 = arith.constant 1 : i32
      %get3A_2253 = arith.index_cast %get3A_2252 : i32 to index
      %get3A_2254 = arith.constant 80 : index
      %get3A_2255 = tpu.vector_load %arg18[%get3A_2253, %get3A_2254] {strides = array<i32>} : memref<8x128xf32, #tpu.memory_space<vmem>>, vector<16xf32>,
      %mul3A_2256 = arith.mulf %get3A_2255, %div3A_2134 : vector<16xf32>
      %swap3A_2257 = arith.constant 1 : i32
      %swap3A_2258 = arith.index_cast %swap3A_2257 : i32 to index
      %swap3A_2259 = arith.constant 80 : index
      %swap3A_2260 = tpu.vector_load %arg18[%swap3A_2258, %swap3A_2259] {strides = array<i32>} : memref<8x128xf32, #tpu.memory_space<vmem>>, vector<16xf32>,
      tpu.vector_store %arg18[%swap3A_2258, %swap3A_2259], %mul3A_2256 {strides = array<i32>} : memref<8x128xf32, #tpu.memory_space<vmem>>, vector<16xf32>,
      %get3A_2261 = arith.constant 1 : i32
      %get3A_2262 = arith.index_cast %get3A_2261 : i32 to index
      %get3A_2263 = arith.constant 96 : index
      %get3A_2264 = tpu.vector_load %arg18[%get3A_2262, %get3A_2263] {strides = array<i32>} : memref<8x128xf32, #tpu.memory_space<vmem>>, vector<16xf32>,
      %mul3A_2265 = arith.mulf %get3A_2264, %div3A_2134 : vector<16xf32>
      %swap3A_2266 = arith.constant 1 : i32
      %swap3A_2267 = arith.index_cast %swap3A_2266 : i32 to index
      %swap3A_2268 = arith.constant 96 : index
      %swap3A_2269 = tpu.vector_load %arg18[%swap3A_2267, %swap3A_2268] {strides = array<i32>} : memref<8x128xf32, #tpu.memory_space<vmem>>, vector<16xf32>,
      tpu.vector_store %arg18[%swap3A_2267, %swap3A_2268], %mul3A_2265 {strides = array<i32>} : memref<8x128xf32, #tpu.memory_space<vmem>>, vector<16xf32>,
      %get3A_2270 = arith.constant 1 : i32
      %get3A_2271 = arith.index_cast %get3A_2270 : i32 to index
      %get3A_2272 = arith.constant 112 : index
      %get3A_2273 = tpu.vector_load %arg18[%get3A_2271, %get3A_2272] {strides = array<i32>} : memref<8x128xf32, #tpu.memory_space<vmem>>, vector<16xf32>,
      %mul3A_2274 = arith.mulf %get3A_2273, %div3A_2134 : vector<16xf32>
      %swap3A_2275 = arith.constant 1 : i32
      %swap3A_2276 = arith.index_cast %swap3A_2275 : i32 to index
      %swap3A_2277 = arith.constant 112 : index
      %swap3A_2278 = tpu.vector_load %arg18[%swap3A_2276, %swap3A_2277] {strides = array<i32>} : memref<8x128xf32, #tpu.memory_space<vmem>>, vector<16xf32>,
      tpu.vector_store %arg18[%swap3A_2276, %swap3A_2277], %mul3A_2274 {strides = array<i32>} : memref<8x128xf32, #tpu.memory_space<vmem>>, vector<16xf32>,
      %get3A_2279 = arith.constant 2 : i32
      %get3A_2280 = arith.index_cast %get3A_2279 : i32 to index
      %get3A_2281 = arith.constant 0 : index
      %get3A_2282 = tpu.vector_load %arg18[%get3A_2280, %get3A_2281] {strides = array<i32>} : memref<8x128xf32, #tpu.memory_space<vmem>>, vector<16xf32>,
      %mul3A_2283 = arith.mulf %get3A_2282, %div3A_2134 : vector<16xf32>
      %swap3A_2284 = arith.constant 2 : i32
      %swap3A_2285 = arith.index_cast %swap3A_2284 : i32 to index
      %swap3A_2286 = arith.constant 0 : index
      %swap3A_2287 = tpu.vector_load %arg18[%swap3A_2285, %swap3A_2286] {strides = array<i32>} : memref<8x128xf32, #tpu.memory_space<vmem>>, vector<16xf32>,
      tpu.vector_store %arg18[%swap3A_2285, %swap3A_2286], %mul3A_2283 {strides = array<i32>} : memref<8x128xf32, #tpu.memory_space<vmem>>, vector<16xf32>,
      %get3A_2288 = arith.constant 2 : i32
      %get3A_2289 = arith.index_cast %get3A_2288 : i32 to index
      %get3A_2290 = arith.constant 16 : index
      %get3A_2291 = tpu.vector_load %arg18[%get3A_2289, %get3A_2290] {strides = array<i32>} : memref<8x128xf32, #tpu.memory_space<vmem>>, vector<16xf32>,
      %mul3A_2292 = arith.mulf %get3A_2291, %div3A_2134 : vector<16xf32>
      %swap3A_2293 = arith.constant 2 : i32
      %swap3A_2294 = arith.index_cast %swap3A_2293 : i32 to index
      %swap3A_2295 = arith.constant 16 : index
      %swap3A_2296 = tpu.vector_load %arg18[%swap3A_2294, %swap3A_2295] {strides = array<i32>} : memref<8x128xf32, #tpu.memory_space<vmem>>, vector<16xf32>,
      tpu.vector_store %arg18[%swap3A_2294, %swap3A_2295], %mul3A_2292 {strides = array<i32>} : memref<8x128xf32, #tpu.memory_space<vmem>>, vector<16xf32>,
      %get3A_2297 = arith.constant 2 : i32
      %get3A_2298 = arith.index_cast %get3A_2297 : i32 to index
      %get3A_2299 = arith.constant 32 : index
      %get3A_2300 = tpu.vector_load %arg18[%get3A_2298, %get3A_2299] {strides = array<i32>} : memref<8x128xf32, #tpu.memory_space<vmem>>, vector<16xf32>,
      %mul3A_2301 = arith.mulf %get3A_2300, %div3A_2134 : vector<16xf32>
      %swap3A_2302 = arith.constant 2 : i32
      %swap3A_2303 = arith.index_cast %swap3A_2302 : i32 to index
      %swap3A_2304 = arith.constant 32 : index
      %swap3A_2305 = tpu.vector_load %arg18[%swap3A_2303, %swap3A_2304] {strides = array<i32>} : memref<8x128xf32, #tpu.memory_space<vmem>>, vector<16xf32>,
      tpu.vector_store %arg18[%swap3A_2303, %swap3A_2304], %mul3A_2301 {strides = array<i32>} : memref<8x128xf32, #tpu.memory_space<vmem>>, vector<16xf32>,
      %get3A_2306 = arith.constant 2 : i32
      %get3A_2307 = arith.index_cast %get3A_2306 : i32 to index
      %get3A_2308 = arith.constant 48 : index
      %get3A_2309 = tpu.vector_load %arg18[%get3A_2307, %get3A_2308] {strides = array<i32>} : memref<8x128xf32, #tpu.memory_space<vmem>>, vector<16xf32>,
      %mul3A_2310 = arith.mulf %get3A_2309, %div3A_2134 : vector<16xf32>
      %swap3A_2311 = arith.constant 2 : i32
      %swap3A_2312 = arith.index_cast %swap3A_2311 : i32 to index
      %swap3A_2313 = arith.constant 48 : index
      %swap3A_2314 = tpu.vector_load %arg18[%swap3A_2312, %swap3A_2313] {strides = array<i32>} : memref<8x128xf32, #tpu.memory_space<vmem>>, vector<16xf32>,
      tpu.vector_store %arg18[%swap3A_2312, %swap3A_2313], %mul3A_2310 {strides = array<i32>} : memref<8x128xf32, #tpu.memory_space<vmem>>, vector<16xf32>,
      %get3A_2315 = arith.constant 2 : i32
      %get3A_2316 = arith.index_cast %get3A_2315 : i32 to index
      %get3A_2317 = arith.constant 64 : index
      %get3A_2318 = tpu.vector_load %arg18[%get3A_2316, %get3A_2317] {strides = array<i32>} : memref<8x128xf32, #tpu.memory_space<vmem>>, vector<16xf32>,
      %mul3A_2319 = arith.mulf %get3A_2318, %div3A_2134 : vector<16xf32>
      %swap3A_2320 = arith.constant 2 : i32
      %swap3A_2321 = arith.index_cast %swap3A_2320 : i32 to index
      %swap3A_2322 = arith.constant 64 : index
      %swap3A_2323 = tpu.vector_load %arg18[%swap3A_2321, %swap3A_2322] {strides = array<i32>} : memref<8x128xf32, #tpu.memory_space<vmem>>, vector<16xf32>,
      tpu.vector_store %arg18[%swap3A_2321, %swap3A_2322], %mul3A_2319 {strides = array<i32>} : memref<8x128xf32, #tpu.memory_space<vmem>>, vector<16xf32>,
      %get3A_2324 = arith.constant 2 : i32
      %get3A_2325 = arith.index_cast %get3A_2324 : i32 to index
      %get3A_2326 = arith.constant 80 : index
      %get3A_2327 = tpu.vector_load %arg18[%get3A_2325, %get3A_2326] {strides = array<i32>} : memref<8x128xf32, #tpu.memory_space<vmem>>, vector<16xf32>,
      %mul3A_2328 = arith.mulf %get3A_2327, %div3A_2134 : vector<16xf32>
      %swap3A_2329 = arith.constant 2 : i32
      %swap3A_2330 = arith.index_cast %swap3A_2329 : i32 to index
      %swap3A_2331 = arith.constant 80 : index
      %swap3A_2332 = tpu.vector_load %arg18[%swap3A_2330, %swap3A_2331] {strides = array<i32>} : memref<8x128xf32, #tpu.memory_space<vmem>>, vector<16xf32>,
      tpu.vector_store %arg18[%swap3A_2330, %swap3A_2331], %mul3A_2328 {strides = array<i32>} : memref<8x128xf32, #tpu.memory_space<vmem>>, vector<16xf32>,
      %get3A_2333 = arith.constant 2 : i32
      %get3A_2334 = arith.index_cast %get3A_2333 : i32 to index
      %get3A_2335 = arith.constant 96 : index
      %get3A_2336 = tpu.vector_load %arg18[%get3A_2334, %get3A_2335] {strides = array<i32>} : memref<8x128xf32, #tpu.memory_space<vmem>>, vector<16xf32>,
      %mul3A_2337 = arith.mulf %get3A_2336, %div3A_2134 : vector<16xf32>
      %swap3A_2338 = arith.constant 2 : i32
      %swap3A_2339 = arith.index_cast %swap3A_2338 : i32 to index
      %swap3A_2340 = arith.constant 96 : index
      %swap3A_2341 = tpu.vector_load %arg18[%swap3A_2339, %swap3A_2340] {strides = array<i32>} : memref<8x128xf32, #tpu.memory_space<vmem>>, vector<16xf32>,
      tpu.vector_store %arg18[%swap3A_2339, %swap3A_2340], %mul3A_2337 {strides = array<i32>} : memref<8x128xf32, #tpu.memory_space<vmem>>, vector<16xf32>,
      %get3A_2342 = arith.constant 2 : i32
      %get3A_2343 = arith.index_cast %get3A_2342 : i32 to index
      %get3A_2344 = arith.constant 112 : index
      %get3A_2345 = tpu.vector_load %arg18[%get3A_2343, %get3A_2344] {strides = array<i32>} : memref<8x128xf32, #tpu.memory_space<vmem>>, vector<16xf32>,
      %mul3A_2346 = arith.mulf %get3A_2345, %div3A_2134 : vector<16xf32>
      %swap3A_2347 = arith.constant 2 : i32
      %swap3A_2348 = arith.index_cast %swap3A_2347 : i32 to index
      %swap3A_2349 = arith.constant 112 : index
      %swap3A_2350 = tpu.vector_load %arg18[%swap3A_2348, %swap3A_2349] {strides = array<i32>} : memref<8x128xf32, #tpu.memory_space<vmem>>, vector<16xf32>,
      tpu.vector_store %arg18[%swap3A_2348, %swap3A_2349], %mul3A_2346 {strides = array<i32>} : memref<8x128xf32, #tpu.memory_space<vmem>>, vector<16xf32>,
      %get3A_2351 = arith.constant 3 : i32
      %get3A_2352 = arith.index_cast %get3A_2351 : i32 to index
      %get3A_2353 = arith.constant 0 : index
      %get3A_2354 = tpu.vector_load %arg18[%get3A_2352, %get3A_2353] {strides = array<i32>} : memref<8x128xf32, #tpu.memory_space<vmem>>, vector<16xf32>,
      %mul3A_2355 = arith.mulf %get3A_2354, %div3A_2134 : vector<16xf32>
      %swap3A_2356 = arith.constant 3 : i32
      %swap3A_2357 = arith.index_cast %swap3A_2356 : i32 to index
      %swap3A_2358 = arith.constant 0 : index
      %swap3A_2359 = tpu.vector_load %arg18[%swap3A_2357, %swap3A_2358] {strides = array<i32>} : memref<8x128xf32, #tpu.memory_space<vmem>>, vector<16xf32>,
      tpu.vector_store %arg18[%swap3A_2357, %swap3A_2358], %mul3A_2355 {strides = array<i32>} : memref<8x128xf32, #tpu.memory_space<vmem>>, vector<16xf32>,
      %get3A_2360 = arith.constant 3 : i32
      %get3A_2361 = arith.index_cast %get3A_2360 : i32 to index
      %get3A_2362 = arith.constant 16 : index
      %get3A_2363 = tpu.vector_load %arg18[%get3A_2361, %get3A_2362] {strides = array<i32>} : memref<8x128xf32, #tpu.memory_space<vmem>>, vector<16xf32>,
      %mul3A_2364 = arith.mulf %get3A_2363, %div3A_2134 : vector<16xf32>
      %swap3A_2365 = arith.constant 3 : i32
      %swap3A_2366 = arith.index_cast %swap3A_2365 : i32 to index
      %swap3A_2367 = arith.constant 16 : index
      %swap3A_2368 = tpu.vector_load %arg18[%swap3A_2366, %swap3A_2367] {strides = array<i32>} : memref<8x128xf32, #tpu.memory_space<vmem>>, vector<16xf32>,
      tpu.vector_store %arg18[%swap3A_2366, %swap3A_2367], %mul3A_2364 {strides = array<i32>} : memref<8x128xf32, #tpu.memory_space<vmem>>, vector<16xf32>,
      %get3A_2369 = arith.constant 3 : i32
      %get3A_2370 = arith.index_cast %get3A_2369 : i32 to index
      %get3A_2371 = arith.constant 32 : index
      %get3A_2372 = tpu.vector_load %arg18[%get3A_2370, %get3A_2371] {strides = array<i32>} : memref<8x128xf32, #tpu.memory_space<vmem>>, vector<16xf32>,
      %mul3A_2373 = arith.mulf %get3A_2372, %div3A_2134 : vector<16xf32>
      %swap3A_2374 = arith.constant 3 : i32
      %swap3A_2375 = arith.index_cast %swap3A_2374 : i32 to index
      %swap3A_2376 = arith.constant 32 : index
      %swap3A_2377 = tpu.vector_load %arg18[%swap3A_2375, %swap3A_2376] {strides = array<i32>} : memref<8x128xf32, #tpu.memory_space<vmem>>, vector<16xf32>,
      tpu.vector_store %arg18[%swap3A_2375, %swap3A_2376], %mul3A_2373 {strides = array<i32>} : memref<8x128xf32, #tpu.memory_space<vmem>>, vector<16xf32>,
      %get3A_2378 = arith.constant 3 : i32
      %get3A_2379 = arith.index_cast %get3A_2378 : i32 to index
      %get3A_2380 = arith.constant 48 : index
      %get3A_2381 = tpu.vector_load %arg18[%get3A_2379, %get3A_2380] {strides = array<i32>} : memref<8x128xf32, #tpu.memory_space<vmem>>, vector<16xf32>,
      %mul3A_2382 = arith.mulf %get3A_2381, %div3A_2134 : vector<16xf32>
      %swap3A_2383 = arith.constant 3 : i32
      %swap3A_2384 = arith.index_cast %swap3A_2383 : i32 to index
      %swap3A_2385 = arith.constant 48 : index
      %swap3A_2386 = tpu.vector_load %arg18[%swap3A_2384, %swap3A_2385] {strides = array<i32>} : memref<8x128xf32, #tpu.memory_space<vmem>>, vector<16xf32>,
      tpu.vector_store %arg18[%swap3A_2384, %swap3A_2385], %mul3A_2382 {strides = array<i32>} : memref<8x128xf32, #tpu.memory_space<vmem>>, vector<16xf32>,
      %get3A_2387 = arith.constant 3 : i32
      %get3A_2388 = arith.index_cast %get3A_2387 : i32 to index
      %get3A_2389 = arith.constant 64 : index
      %get3A_2390 = tpu.vector_load %arg18[%get3A_2388, %get3A_2389] {strides = array<i32>} : memref<8x128xf32, #tpu.memory_space<vmem>>, vector<16xf32>,
      %mul3A_2391 = arith.mulf %get3A_2390, %div3A_2134 : vector<16xf32>
      %swap3A_2392 = arith.constant 3 : i32
      %swap3A_2393 = arith.index_cast %swap3A_2392 : i32 to index
      %swap3A_2394 = arith.constant 64 : index
      %swap3A_2395 = tpu.vector_load %arg18[%swap3A_2393, %swap3A_2394] {strides = array<i32>} : memref<8x128xf32, #tpu.memory_space<vmem>>, vector<16xf32>,
      tpu.vector_store %arg18[%swap3A_2393, %swap3A_2394], %mul3A_2391 {strides = array<i32>} : memref<8x128xf32, #tpu.memory_space<vmem>>, vector<16xf32>,
      %get3A_2396 = arith.constant 3 : i32
      %get3A_2397 = arith.index_cast %get3A_2396 : i32 to index
      %get3A_2398 = arith.constant 80 : index
      %get3A_2399 = tpu.vector_load %arg18[%get3A_2397, %get3A_2398] {strides = array<i32>} : memref<8x128xf32, #tpu.memory_space<vmem>>, vector<16xf32>,
      %mul3A_2400 = arith.mulf %get3A_2399, %div3A_2134 : vector<16xf32>
      %swap3A_2401 = arith.constant 3 : i32
      %swap3A_2402 = arith.index_cast %swap3A_2401 : i32 to index
      %swap3A_2403 = arith.constant 80 : index
      %swap3A_2404 = tpu.vector_load %arg18[%swap3A_2402, %swap3A_2403] {strides = array<i32>} : memref<8x128xf32, #tpu.memory_space<vmem>>, vector<16xf32>,
      tpu.vector_store %arg18[%swap3A_2402, %swap3A_2403], %mul3A_2400 {strides = array<i32>} : memref<8x128xf32, #tpu.memory_space<vmem>>, vector<16xf32>,
      %get3A_2405 = arith.constant 3 : i32
      %get3A_2406 = arith.index_cast %get3A_2405 : i32 to index
      %get3A_2407 = arith.constant 96 : index
      %get3A_2408 = tpu.vector_load %arg18[%get3A_2406, %get3A_2407] {strides = array<i32>} : memref<8x128xf32, #tpu.memory_space<vmem>>, vector<16xf32>,
      %mul3A_2409 = arith.mulf %get3A_2408, %div3A_2134 : vector<16xf32>
      %swap3A_2410 = arith.constant 3 : i32
      %swap3A_2411 = arith.index_cast %swap3A_2410 : i32 to index
      %swap3A_2412 = arith.constant 96 : index
      %swap3A_2413 = tpu.vector_load %arg18[%swap3A_2411, %swap3A_2412] {strides = array<i32>} : memref<8x128xf32, #tpu.memory_space<vmem>>, vector<16xf32>,
      tpu.vector_store %arg18[%swap3A_2411, %swap3A_2412], %mul3A_2409 {strides = array<i32>} : memref<8x128xf32, #tpu.memory_space<vmem>>, vector<16xf32>,
      %get3A_2414 = arith.constant 3 : i32
      %get3A_2415 = arith.index_cast %get3A_2414 : i32 to index
      %get3A_2416 = arith.constant 112 : index
      %get3A_2417 = tpu.vector_load %arg18[%get3A_2415, %get3A_2416] {strides = array<i32>} : memref<8x128xf32, #tpu.memory_space<vmem>>, vector<16xf32>,
      %mul3A_2418 = arith.mulf %get3A_2417, %div3A_2134 : vector<16xf32>
      %swap3A_2419 = arith.constant 3 : i32
      %swap3A_2420 = arith.index_cast %swap3A_2419 : i32 to index
      %swap3A_2421 = arith.constant 112 : index
      %swap3A_2422 = tpu.vector_load %arg18[%swap3A_2420, %swap3A_2421] {strides = array<i32>} : memref<8x128xf32, #tpu.memory_space<vmem>>, vector<16xf32>,
      tpu.vector_store %arg18[%swap3A_2420, %swap3A_2421], %mul3A_2418 {strides = array<i32>} : memref<8x128xf32, #tpu.memory_space<vmem>>, vector<16xf32>,
      %get3A_2423 = arith.constant 4 : i32
      %get3A_2424 = arith.index_cast %get3A_2423 : i32 to index
      %get3A_2425 = arith.constant 0 : index
      %get3A_2426 = tpu.vector_load %arg18[%get3A_2424, %get3A_2425] {strides = array<i32>} : memref<8x128xf32, #tpu.memory_space<vmem>>, vector<16xf32>,
      %mul3A_2427 = arith.mulf %get3A_2426, %div3A_2134 : vector<16xf32>
      %swap3A_2428 = arith.constant 4 : i32
      %swap3A_2429 = arith.index_cast %swap3A_2428 : i32 to index
      %swap3A_2430 = arith.constant 0 : index
      %swap3A_2431 = tpu.vector_load %arg18[%swap3A_2429, %swap3A_2430] {strides = array<i32>} : memref<8x128xf32, #tpu.memory_space<vmem>>, vector<16xf32>,
      tpu.vector_store %arg18[%swap3A_2429, %swap3A_2430], %mul3A_2427 {strides = array<i32>} : memref<8x128xf32, #tpu.memory_space<vmem>>, vector<16xf32>,
      %get3A_2432 = arith.constant 4 : i32
      %get3A_2433 = arith.index_cast %get3A_2432 : i32 to index
      %get3A_2434 = arith.constant 16 : index
      %get3A_2435 = tpu.vector_load %arg18[%get3A_2433, %get3A_2434] {strides = array<i32>} : memref<8x128xf32, #tpu.memory_space<vmem>>, vector<16xf32>,
      %mul3A_2436 = arith.mulf %get3A_2435, %div3A_2134 : vector<16xf32>
      %swap3A_2437 = arith.constant 4 : i32
      %swap3A_2438 = arith.index_cast %swap3A_2437 : i32 to index
      %swap3A_2439 = arith.constant 16 : index
      %swap3A_2440 = tpu.vector_load %arg18[%swap3A_2438, %swap3A_2439] {strides = array<i32>} : memref<8x128xf32, #tpu.memory_space<vmem>>, vector<16xf32>,
      tpu.vector_store %arg18[%swap3A_2438, %swap3A_2439], %mul3A_2436 {strides = array<i32>} : memref<8x128xf32, #tpu.memory_space<vmem>>, vector<16xf32>,
      %get3A_2441 = arith.constant 4 : i32
      %get3A_2442 = arith.index_cast %get3A_2441 : i32 to index
      %get3A_2443 = arith.constant 32 : index
      %get3A_2444 = tpu.vector_load %arg18[%get3A_2442, %get3A_2443] {strides = array<i32>} : memref<8x128xf32, #tpu.memory_space<vmem>>, vector<16xf32>,
      %mul3A_2445 = arith.mulf %get3A_2444, %div3A_2134 : vector<16xf32>
      %swap3A_2446 = arith.constant 4 : i32
      %swap3A_2447 = arith.index_cast %swap3A_2446 : i32 to index
      %swap3A_2448 = arith.constant 32 : index
      %swap3A_2449 = tpu.vector_load %arg18[%swap3A_2447, %swap3A_2448] {strides = array<i32>} : memref<8x128xf32, #tpu.memory_space<vmem>>, vector<16xf32>,
      tpu.vector_store %arg18[%swap3A_2447, %swap3A_2448], %mul3A_2445 {strides = array<i32>} : memref<8x128xf32, #tpu.memory_space<vmem>>, vector<16xf32>,
      %get3A_2450 = arith.constant 4 : i32
      %get3A_2451 = arith.index_cast %get3A_2450 : i32 to index
      %get3A_2452 = arith.constant 48 : index
      %get3A_2453 = tpu.vector_load %arg18[%get3A_2451, %get3A_2452] {strides = array<i32>} : memref<8x128xf32, #tpu.memory_space<vmem>>, vector<16xf32>,
      %mul3A_2454 = arith.mulf %get3A_2453, %div3A_2134 : vector<16xf32>
      %swap3A_2455 = arith.constant 4 : i32
      %swap3A_2456 = arith.index_cast %swap3A_2455 : i32 to index
      %swap3A_2457 = arith.constant 48 : index
      %swap3A_2458 = tpu.vector_load %arg18[%swap3A_2456, %swap3A_2457] {strides = array<i32>} : memref<8x128xf32, #tpu.memory_space<vmem>>, vector<16xf32>,
      tpu.vector_store %arg18[%swap3A_2456, %swap3A_2457], %mul3A_2454 {strides = array<i32>} : memref<8x128xf32, #tpu.memory_space<vmem>>, vector<16xf32>,
      %get3A_2459 = arith.constant 4 : i32
      %get3A_2460 = arith.index_cast %get3A_2459 : i32 to index
      %get3A_2461 = arith.constant 64 : index
      %get3A_2462 = tpu.vector_load %arg18[%get3A_2460, %get3A_2461] {strides = array<i32>} : memref<8x128xf32, #tpu.memory_space<vmem>>, vector<16xf32>,
      %mul3A_2463 = arith.mulf %get3A_2462, %div3A_2134 : vector<16xf32>
      %swap3A_2464 = arith.constant 4 : i32
      %swap3A_2465 = arith.index_cast %swap3A_2464 : i32 to index
      %swap3A_2466 = arith.constant 64 : index
      %swap3A_2467 = tpu.vector_load %arg18[%swap3A_2465, %swap3A_2466] {strides = array<i32>} : memref<8x128xf32, #tpu.memory_space<vmem>>, vector<16xf32>,
      tpu.vector_store %arg18[%swap3A_2465, %swap3A_2466], %mul3A_2463 {strides = array<i32>} : memref<8x128xf32, #tpu.memory_space<vmem>>, vector<16xf32>,
      %get3A_2468 = arith.constant 4 : i32
      %get3A_2469 = arith.index_cast %get3A_2468 : i32 to index
      %get3A_2470 = arith.constant 80 : index
      %get3A_2471 = tpu.vector_load %arg18[%get3A_2469, %get3A_2470] {strides = array<i32>} : memref<8x128xf32, #tpu.memory_space<vmem>>, vector<16xf32>,
      %mul3A_2472 = arith.mulf %get3A_2471, %div3A_2134 : vector<16xf32>
      %swap3A_2473 = arith.constant 4 : i32
      %swap3A_2474 = arith.index_cast %swap3A_2473 : i32 to index
      %swap3A_2475 = arith.constant 80 : index
      %swap3A_2476 = tpu.vector_load %arg18[%swap3A_2474, %swap3A_2475] {strides = array<i32>} : memref<8x128xf32, #tpu.memory_space<vmem>>, vector<16xf32>,
      tpu.vector_store %arg18[%swap3A_2474, %swap3A_2475], %mul3A_2472 {strides = array<i32>} : memref<8x128xf32, #tpu.memory_space<vmem>>, vector<16xf32>,
      %get3A_2477 = arith.constant 4 : i32
      %get3A_2478 = arith.index_cast %get3A_2477 : i32 to index
      %get3A_2479 = arith.constant 96 : index
      %get3A_2480 = tpu.vector_load %arg18[%get3A_2478, %get3A_2479] {strides = array<i32>} : memref<8x128xf32, #tpu.memory_space<vmem>>, vector<16xf32>,
      %mul3A_2481 = arith.mulf %get3A_2480, %div3A_2134 : vector<16xf32>
      %swap3A_2482 = arith.constant 4 : i32
      %swap3A_2483 = arith.index_cast %swap3A_2482 : i32 to index
      %swap3A_2484 = arith.constant 96 : index
      %swap3A_2485 = tpu.vector_load %arg18[%swap3A_2483, %swap3A_2484] {strides = array<i32>} : memref<8x128xf32, #tpu.memory_space<vmem>>, vector<16xf32>,
      tpu.vector_store %arg18[%swap3A_2483, %swap3A_2484], %mul3A_2481 {strides = array<i32>} : memref<8x128xf32, #tpu.memory_space<vmem>>, vector<16xf32>,
      %get3A_2486 = arith.constant 4 : i32
      %get3A_2487 = arith.index_cast %get3A_2486 : i32 to index
      %get3A_2488 = arith.constant 112 : index
      %get3A_2489 = tpu.vector_load %arg18[%get3A_2487, %get3A_2488] {strides = array<i32>} : memref<8x128xf32, #tpu.memory_space<vmem>>, vector<16xf32>,
      %mul3A_2490 = arith.mulf %get3A_2489, %div3A_2134 : vector<16xf32>
      %swap3A_2491 = arith.constant 4 : i32
      %swap3A_2492 = arith.index_cast %swap3A_2491 : i32 to index
      %swap3A_2493 = arith.constant 112 : index
      %swap3A_2494 = tpu.vector_load %arg18[%swap3A_2492, %swap3A_2493] {strides = array<i32>} : memref<8x128xf32, #tpu.memory_space<vmem>>, vector<16xf32>,
      tpu.vector_store %arg18[%swap3A_2492, %swap3A_2493], %mul3A_2490 {strides = array<i32>} : memref<8x128xf32, #tpu.memory_space<vmem>>, vector<16xf32>,
      %get3A_2495 = arith.constant 5 : i32
      %get3A_2496 = arith.index_cast %get3A_2495 : i32 to index
      %get3A_2497 = arith.constant 0 : index
      %get3A_2498 = tpu.vector_load %arg18[%get3A_2496, %get3A_2497] {strides = array<i32>} : memref<8x128xf32, #tpu.memory_space<vmem>>, vector<16xf32>,
      %mul3A_2499 = arith.mulf %get3A_2498, %div3A_2134 : vector<16xf32>
      %swap3A_2500 = arith.constant 5 : i32
      %swap3A_2501 = arith.index_cast %swap3A_2500 : i32 to index
      %swap3A_2502 = arith.constant 0 : index
      %swap3A_2503 = tpu.vector_load %arg18[%swap3A_2501, %swap3A_2502] {strides = array<i32>} : memref<8x128xf32, #tpu.memory_space<vmem>>, vector<16xf32>,
      tpu.vector_store %arg18[%swap3A_2501, %swap3A_2502], %mul3A_2499 {strides = array<i32>} : memref<8x128xf32, #tpu.memory_space<vmem>>, vector<16xf32>,
      %get3A_2504 = arith.constant 5 : i32
      %get3A_2505 = arith.index_cast %get3A_2504 : i32 to index
      %get3A_2506 = arith.constant 16 : index
      %get3A_2507 = tpu.vector_load %arg18[%get3A_2505, %get3A_2506] {strides = array<i32>} : memref<8x128xf32, #tpu.memory_space<vmem>>, vector<16xf32>,
      %mul3A_2508 = arith.mulf %get3A_2507, %div3A_2134 : vector<16xf32>
      %swap3A_2509 = arith.constant 5 : i32
      %swap3A_2510 = arith.index_cast %swap3A_2509 : i32 to index
      %swap3A_2511 = arith.constant 16 : index
      %swap3A_2512 = tpu.vector_load %arg18[%swap3A_2510, %swap3A_2511] {strides = array<i32>} : memref<8x128xf32, #tpu.memory_space<vmem>>, vector<16xf32>,
      tpu.vector_store %arg18[%swap3A_2510, %swap3A_2511], %mul3A_2508 {strides = array<i32>} : memref<8x128xf32, #tpu.memory_space<vmem>>, vector<16xf32>,
      %get3A_2513 = arith.constant 5 : i32
      %get3A_2514 = arith.index_cast %get3A_2513 : i32 to index
      %get3A_2515 = arith.constant 32 : index
      %get3A_2516 = tpu.vector_load %arg18[%get3A_2514, %get3A_2515] {strides = array<i32>} : memref<8x128xf32, #tpu.memory_space<vmem>>, vector<16xf32>,
      %mul3A_2517 = arith.mulf %get3A_2516, %div3A_2134 : vector<16xf32>
      %swap3A_2518 = arith.constant 5 : i32
      %swap3A_2519 = arith.index_cast %swap3A_2518 : i32 to index
      %swap3A_2520 = arith.constant 32 : index
      %swap3A_2521 = tpu.vector_load %arg18[%swap3A_2519, %swap3A_2520] {strides = array<i32>} : memref<8x128xf32, #tpu.memory_space<vmem>>, vector<16xf32>,
      tpu.vector_store %arg18[%swap3A_2519, %swap3A_2520], %mul3A_2517 {strides = array<i32>} : memref<8x128xf32, #tpu.memory_space<vmem>>, vector<16xf32>,
      %get3A_2522 = arith.constant 5 : i32
      %get3A_2523 = arith.index_cast %get3A_2522 : i32 to index
      %get3A_2524 = arith.constant 48 : index
      %get3A_2525 = tpu.vector_load %arg18[%get3A_2523, %get3A_2524] {strides = array<i32>} : memref<8x128xf32, #tpu.memory_space<vmem>>, vector<16xf32>,
      %mul3A_2526 = arith.mulf %get3A_2525, %div3A_2134 : vector<16xf32>
      %swap3A_2527 = arith.constant 5 : i32
      %swap3A_2528 = arith.index_cast %swap3A_2527 : i32 to index
      %swap3A_2529 = arith.constant 48 : index
      %swap3A_2530 = tpu.vector_load %arg18[%swap3A_2528, %swap3A_2529] {strides = array<i32>} : memref<8x128xf32, #tpu.memory_space<vmem>>, vector<16xf32>,
      tpu.vector_store %arg18[%swap3A_2528, %swap3A_2529], %mul3A_2526 {strides = array<i32>} : memref<8x128xf32, #tpu.memory_space<vmem>>, vector<16xf32>,
      %get3A_2531 = arith.constant 5 : i32
      %get3A_2532 = arith.index_cast %get3A_2531 : i32 to index
      %get3A_2533 = arith.constant 64 : index
      %get3A_2534 = tpu.vector_load %arg18[%get3A_2532, %get3A_2533] {strides = array<i32>} : memref<8x128xf32, #tpu.memory_space<vmem>>, vector<16xf32>,
      %mul3A_2535 = arith.mulf %get3A_2534, %div3A_2134 : vector<16xf32>
      %swap3A_2536 = arith.constant 5 : i32
      %swap3A_2537 = arith.index_cast %swap3A_2536 : i32 to index
      %swap3A_2538 = arith.constant 64 : index
      %swap3A_2539 = tpu.vector_load %arg18[%swap3A_2537, %swap3A_2538] {strides = array<i32>} : memref<8x128xf32, #tpu.memory_space<vmem>>, vector<16xf32>,
      tpu.vector_store %arg18[%swap3A_2537, %swap3A_2538], %mul3A_2535 {strides = array<i32>} : memref<8x128xf32, #tpu.memory_space<vmem>>, vector<16xf32>,
      %get3A_2540 = arith.constant 5 : i32
      %get3A_2541 = arith.index_cast %get3A_2540 : i32 to index
      %get3A_2542 = arith.constant 80 : index
      %get3A_2543 = tpu.vector_load %arg18[%get3A_2541, %get3A_2542] {strides = array<i32>} : memref<8x128xf32, #tpu.memory_space<vmem>>, vector<16xf32>,
      %mul3A_2544 = arith.mulf %get3A_2543, %div3A_2134 : vector<16xf32>
      %swap3A_2545 = arith.constant 5 : i32
      %swap3A_2546 = arith.index_cast %swap3A_2545 : i32 to index
      %swap3A_2547 = arith.constant 80 : index
      %swap3A_2548 = tpu.vector_load %arg18[%swap3A_2546, %swap3A_2547] {strides = array<i32>} : memref<8x128xf32, #tpu.memory_space<vmem>>, vector<16xf32>,
      tpu.vector_store %arg18[%swap3A_2546, %swap3A_2547], %mul3A_2544 {strides = array<i32>} : memref<8x128xf32, #tpu.memory_space<vmem>>, vector<16xf32>,
      %get3A_2549 = arith.constant 5 : i32
      %get3A_2550 = arith.index_cast %get3A_2549 : i32 to index
      %get3A_2551 = arith.constant 96 : index
      %get3A_2552 = tpu.vector_load %arg18[%get3A_2550, %get3A_2551] {strides = array<i32>} : memref<8x128xf32, #tpu.memory_space<vmem>>, vector<16xf32>,
      %mul3A_2553 = arith.mulf %get3A_2552, %div3A_2134 : vector<16xf32>
      %swap3A_2554 = arith.constant 5 : i32
      %swap3A_2555 = arith.index_cast %swap3A_2554 : i32 to index
      %swap3A_2556 = arith.constant 96 : index
      %swap3A_2557 = tpu.vector_load %arg18[%swap3A_2555, %swap3A_2556] {strides = array<i32>} : memref<8x128xf32, #tpu.memory_space<vmem>>, vector<16xf32>,
      tpu.vector_store %arg18[%swap3A_2555, %swap3A_2556], %mul3A_2553 {strides = array<i32>} : memref<8x128xf32, #tpu.memory_space<vmem>>, vector<16xf32>,
      %get3A_2558 = arith.constant 5 : i32
      %get3A_2559 = arith.index_cast %get3A_2558 : i32 to index
      %get3A_2560 = arith.constant 112 : index
      %get3A_2561 = tpu.vector_load %arg18[%get3A_2559, %get3A_2560] {strides = array<i32>} : memref<8x128xf32, #tpu.memory_space<vmem>>, vector<16xf32>,
      %mul3A_2562 = arith.mulf %get3A_2561, %div3A_2134 : vector<16xf32>
      %swap3A_2563 = arith.constant 5 : i32
      %swap3A_2564 = arith.index_cast %swap3A_2563 : i32 to index
      %swap3A_2565 = arith.constant 112 : index
      %swap3A_2566 = tpu.vector_load %arg18[%swap3A_2564, %swap3A_2565] {strides = array<i32>} : memref<8x128xf32, #tpu.memory_space<vmem>>, vector<16xf32>,
      tpu.vector_store %arg18[%swap3A_2564, %swap3A_2565], %mul3A_2562 {strides = array<i32>} : memref<8x128xf32, #tpu.memory_space<vmem>>, vector<16xf32>,
      %get3A_2567 = arith.constant 6 : i32
      %get3A_2568 = arith.index_cast %get3A_2567 : i32 to index
      %get3A_2569 = arith.constant 0 : index
      %get3A_2570 = tpu.vector_load %arg18[%get3A_2568, %get3A_2569] {strides = array<i32>} : memref<8x128xf32, #tpu.memory_space<vmem>>, vector<16xf32>,
      %mul3A_2571 = arith.mulf %get3A_2570, %div3A_2134 : vector<16xf32>
      %swap3A_2572 = arith.constant 6 : i32
      %swap3A_2573 = arith.index_cast %swap3A_2572 : i32 to index
      %swap3A_2574 = arith.constant 0 : index
      %swap3A_2575 = tpu.vector_load %arg18[%swap3A_2573, %swap3A_2574] {strides = array<i32>} : memref<8x128xf32, #tpu.memory_space<vmem>>, vector<16xf32>,
      tpu.vector_store %arg18[%swap3A_2573, %swap3A_2574], %mul3A_2571 {strides = array<i32>} : memref<8x128xf32, #tpu.memory_space<vmem>>, vector<16xf32>,
      %get3A_2576 = arith.constant 6 : i32
      %get3A_2577 = arith.index_cast %get3A_2576 : i32 to index
      %get3A_2578 = arith.constant 16 : index
      %get3A_2579 = tpu.vector_load %arg18[%get3A_2577, %get3A_2578] {strides = array<i32>} : memref<8x128xf32, #tpu.memory_space<vmem>>, vector<16xf32>,
      %mul3A_2580 = arith.mulf %get3A_2579, %div3A_2134 : vector<16xf32>
      %swap3A_2581 = arith.constant 6 : i32
      %swap3A_2582 = arith.index_cast %swap3A_2581 : i32 to index
      %swap3A_2583 = arith.constant 16 : index
      %swap3A_2584 = tpu.vector_load %arg18[%swap3A_2582, %swap3A_2583] {strides = array<i32>} : memref<8x128xf32, #tpu.memory_space<vmem>>, vector<16xf32>,
      tpu.vector_store %arg18[%swap3A_2582, %swap3A_2583], %mul3A_2580 {strides = array<i32>} : memref<8x128xf32, #tpu.memory_space<vmem>>, vector<16xf32>,
      %get3A_2585 = arith.constant 6 : i32
      %get3A_2586 = arith.index_cast %get3A_2585 : i32 to index
      %get3A_2587 = arith.constant 32 : index
      %get3A_2588 = tpu.vector_load %arg18[%get3A_2586, %get3A_2587] {strides = array<i32>} : memref<8x128xf32, #tpu.memory_space<vmem>>, vector<16xf32>,
      %mul3A_2589 = arith.mulf %get3A_2588, %div3A_2134 : vector<16xf32>
      %swap3A_2590 = arith.constant 6 : i32
      %swap3A_2591 = arith.index_cast %swap3A_2590 : i32 to index
      %swap3A_2592 = arith.constant 32 : index
      %swap3A_2593 = tpu.vector_load %arg18[%swap3A_2591, %swap3A_2592] {strides = array<i32>} : memref<8x128xf32, #tpu.memory_space<vmem>>, vector<16xf32>,
      tpu.vector_store %arg18[%swap3A_2591, %swap3A_2592], %mul3A_2589 {strides = array<i32>} : memref<8x128xf32, #tpu.memory_space<vmem>>, vector<16xf32>,
      %get3A_2594 = arith.constant 6 : i32
      %get3A_2595 = arith.index_cast %get3A_2594 : i32 to index
      %get3A_2596 = arith.constant 48 : index
      %get3A_2597 = tpu.vector_load %arg18[%get3A_2595, %get3A_2596] {strides = array<i32>} : memref<8x128xf32, #tpu.memory_space<vmem>>, vector<16xf32>,
      %mul3A_2598 = arith.mulf %get3A_2597, %div3A_2134 : vector<16xf32>
      %swap3A_2599 = arith.constant 6 : i32
      %swap3A_2600 = arith.index_cast %swap3A_2599 : i32 to index
      %swap3A_2601 = arith.constant 48 : index
      %swap3A_2602 = tpu.vector_load %arg18[%swap3A_2600, %swap3A_2601] {strides = array<i32>} : memref<8x128xf32, #tpu.memory_space<vmem>>, vector<16xf32>,
      tpu.vector_store %arg18[%swap3A_2600, %swap3A_2601], %mul3A_2598 {strides = array<i32>} : memref<8x128xf32, #tpu.memory_space<vmem>>, vector<16xf32>,
      %get3A_2603 = arith.constant 6 : i32
      %get3A_2604 = arith.index_cast %get3A_2603 : i32 to index
      %get3A_2605 = arith.constant 64 : index
      %get3A_2606 = tpu.vector_load %arg18[%get3A_2604, %get3A_2605] {strides = array<i32>} : memref<8x128xf32, #tpu.memory_space<vmem>>, vector<16xf32>,
      %mul3A_2607 = arith.mulf %get3A_2606, %div3A_2134 : vector<16xf32>
      %swap3A_2608 = arith.constant 6 : i32
      %swap3A_2609 = arith.index_cast %swap3A_2608 : i32 to index
      %swap3A_2610 = arith.constant 64 : index
      %swap3A_2611 = tpu.vector_load %arg18[%swap3A_2609, %swap3A_2610] {strides = array<i32>} : memref<8x128xf32, #tpu.memory_space<vmem>>, vector<16xf32>,
      tpu.vector_store %arg18[%swap3A_2609, %swap3A_2610], %mul3A_2607 {strides = array<i32>} : memref<8x128xf32, #tpu.memory_space<vmem>>, vector<16xf32>,
      %get3A_2612 = arith.constant 6 : i32
      %get3A_2613 = arith.index_cast %get3A_2612 : i32 to index
      %get3A_2614 = arith.constant 80 : index
      %get3A_2615 = tpu.vector_load %arg18[%get3A_2613, %get3A_2614] {strides = array<i32>} : memref<8x128xf32, #tpu.memory_space<vmem>>, vector<16xf32>,
      %mul3A_2616 = arith.mulf %get3A_2615, %div3A_2134 : vector<16xf32>
      %swap3A_2617 = arith.constant 6 : i32
      %swap3A_2618 = arith.index_cast %swap3A_2617 : i32 to index
      %swap3A_2619 = arith.constant 80 : index
      %swap3A_2620 = tpu.vector_load %arg18[%swap3A_2618, %swap3A_2619] {strides = array<i32>} : memref<8x128xf32, #tpu.memory_space<vmem>>, vector<16xf32>,
      tpu.vector_store %arg18[%swap3A_2618, %swap3A_2619], %mul3A_2616 {strides = array<i32>} : memref<8x128xf32, #tpu.memory_space<vmem>>, vector<16xf32>,
      %get3A_2621 = arith.constant 6 : i32
      %get3A_2622 = arith.index_cast %get3A_2621 : i32 to index
      %get3A_2623 = arith.constant 96 : index
      %get3A_2624 = tpu.vector_load %arg18[%get3A_2622, %get3A_2623] {strides = array<i32>} : memref<8x128xf32, #tpu.memory_space<vmem>>, vector<16xf32>,
      %mul3A_2625 = arith.mulf %get3A_2624, %div3A_2134 : vector<16xf32>
      %swap3A_2626 = arith.constant 6 : i32
      %swap3A_2627 = arith.index_cast %swap3A_2626 : i32 to index
      %swap3A_2628 = arith.constant 96 : index
      %swap3A_2629 = tpu.vector_load %arg18[%swap3A_2627, %swap3A_2628] {strides = array<i32>} : memref<8x128xf32, #tpu.memory_space<vmem>>, vector<16xf32>,
      tpu.vector_store %arg18[%swap3A_2627, %swap3A_2628], %mul3A_2625 {strides = array<i32>} : memref<8x128xf32, #tpu.memory_space<vmem>>, vector<16xf32>,
      %get3A_2630 = arith.constant 6 : i32
      %get3A_2631 = arith.index_cast %get3A_2630 : i32 to index
      %get3A_2632 = arith.constant 112 : index
      %get3A_2633 = tpu.vector_load %arg18[%get3A_2631, %get3A_2632] {strides = array<i32>} : memref<8x128xf32, #tpu.memory_space<vmem>>, vector<16xf32>,
      %mul3A_2634 = arith.mulf %get3A_2633, %div3A_2134 : vector<16xf32>
      %swap3A_2635 = arith.constant 6 : i32
      %swap3A_2636 = arith.index_cast %swap3A_2635 : i32 to index
      %swap3A_2637 = arith.constant 112 : index
      %swap3A_2638 = tpu.vector_load %arg18[%swap3A_2636, %swap3A_2637] {strides = array<i32>} : memref<8x128xf32, #tpu.memory_space<vmem>>, vector<16xf32>,
      tpu.vector_store %arg18[%swap3A_2636, %swap3A_2637], %mul3A_2634 {strides = array<i32>} : memref<8x128xf32, #tpu.memory_space<vmem>>, vector<16xf32>,
      %get3A_2639 = arith.constant 7 : i32
      %get3A_2640 = arith.index_cast %get3A_2639 : i32 to index
      %get3A_2641 = arith.constant 0 : index
      %get3A_2642 = tpu.vector_load %arg18[%get3A_2640, %get3A_2641] {strides = array<i32>} : memref<8x128xf32, #tpu.memory_space<vmem>>, vector<16xf32>,
      %mul3A_2643 = arith.mulf %get3A_2642, %div3A_2134 : vector<16xf32>
      %swap3A_2644 = arith.constant 7 : i32
      %swap3A_2645 = arith.index_cast %swap3A_2644 : i32 to index
      %swap3A_2646 = arith.constant 0 : index
      %swap3A_2647 = tpu.vector_load %arg18[%swap3A_2645, %swap3A_2646] {strides = array<i32>} : memref<8x128xf32, #tpu.memory_space<vmem>>, vector<16xf32>,
      tpu.vector_store %arg18[%swap3A_2645, %swap3A_2646], %mul3A_2643 {strides = array<i32>} : memref<8x128xf32, #tpu.memory_space<vmem>>, vector<16xf32>,
      %get3A_2648 = arith.constant 7 : i32
      %get3A_2649 = arith.index_cast %get3A_2648 : i32 to index
      %get3A_2650 = arith.constant 16 : index
      %get3A_2651 = tpu.vector_load %arg18[%get3A_2649, %get3A_2650] {strides = array<i32>} : memref<8x128xf32, #tpu.memory_space<vmem>>, vector<16xf32>,
      %mul3A_2652 = arith.mulf %get3A_2651, %div3A_2134 : vector<16xf32>
      %swap3A_2653 = arith.constant 7 : i32
      %swap3A_2654 = arith.index_cast %swap3A_2653 : i32 to index
      %swap3A_2655 = arith.constant 16 : index
      %swap3A_2656 = tpu.vector_load %arg18[%swap3A_2654, %swap3A_2655] {strides = array<i32>} : memref<8x128xf32, #tpu.memory_space<vmem>>, vector<16xf32>,
      tpu.vector_store %arg18[%swap3A_2654, %swap3A_2655], %mul3A_2652 {strides = array<i32>} : memref<8x128xf32, #tpu.memory_space<vmem>>, vector<16xf32>,
      %get3A_2657 = arith.constant 7 : i32
      %get3A_2658 = arith.index_cast %get3A_2657 : i32 to index
      %get3A_2659 = arith.constant 32 : index
      %get3A_2660 = tpu.vector_load %arg18[%get3A_2658, %get3A_2659] {strides = array<i32>} : memref<8x128xf32, #tpu.memory_space<vmem>>, vector<16xf32>,
      %mul3A_2661 = arith.mulf %get3A_2660, %div3A_2134 : vector<16xf32>
      %swap3A_2662 = arith.constant 7 : i32
      %swap3A_2663 = arith.index_cast %swap3A_2662 : i32 to index
      %swap3A_2664 = arith.constant 32 : index
      %swap3A_2665 = tpu.vector_load %arg18[%swap3A_2663, %swap3A_2664] {strides = array<i32>} : memref<8x128xf32, #tpu.memory_space<vmem>>, vector<16xf32>,
      tpu.vector_store %arg18[%swap3A_2663, %swap3A_2664], %mul3A_2661 {strides = array<i32>} : memref<8x128xf32, #tpu.memory_space<vmem>>, vector<16xf32>,
      %get3A_2666 = arith.constant 7 : i32
      %get3A_2667 = arith.index_cast %get3A_2666 : i32 to index
      %get3A_2668 = arith.constant 48 : index
      %get3A_2669 = tpu.vector_load %arg18[%get3A_2667, %get3A_2668] {strides = array<i32>} : memref<8x128xf32, #tpu.memory_space<vmem>>, vector<16xf32>,
      %mul3A_2670 = arith.mulf %get3A_2669, %div3A_2134 : vector<16xf32>
      %swap3A_2671 = arith.constant 7 : i32
      %swap3A_2672 = arith.index_cast %swap3A_2671 : i32 to index
      %swap3A_2673 = arith.constant 48 : index
      %swap3A_2674 = tpu.vector_load %arg18[%swap3A_2672, %swap3A_2673] {strides = array<i32>} : memref<8x128xf32, #tpu.memory_space<vmem>>, vector<16xf32>,
      tpu.vector_store %arg18[%swap3A_2672, %swap3A_2673], %mul3A_2670 {strides = array<i32>} : memref<8x128xf32, #tpu.memory_space<vmem>>, vector<16xf32>,
      %get3A_2675 = arith.constant 7 : i32
      %get3A_2676 = arith.index_cast %get3A_2675 : i32 to index
      %get3A_2677 = arith.constant 64 : index
      %get3A_2678 = tpu.vector_load %arg18[%get3A_2676, %get3A_2677] {strides = array<i32>} : memref<8x128xf32, #tpu.memory_space<vmem>>, vector<16xf32>,
      %mul3A_2679 = arith.mulf %get3A_2678, %div3A_2134 : vector<16xf32>
      %swap3A_2680 = arith.constant 7 : i32
      %swap3A_2681 = arith.index_cast %swap3A_2680 : i32 to index
      %swap3A_2682 = arith.constant 64 : index
      %swap3A_2683 = tpu.vector_load %arg18[%swap3A_2681, %swap3A_2682] {strides = array<i32>} : memref<8x128xf32, #tpu.memory_space<vmem>>, vector<16xf32>,
      tpu.vector_store %arg18[%swap3A_2681, %swap3A_2682], %mul3A_2679 {strides = array<i32>} : memref<8x128xf32, #tpu.memory_space<vmem>>, vector<16xf32>,
      %get3A_2684 = arith.constant 7 : i32
      %get3A_2685 = arith.index_cast %get3A_2684 : i32 to index
      %get3A_2686 = arith.constant 80 : index
      %get3A_2687 = tpu.vector_load %arg18[%get3A_2685, %get3A_2686] {strides = array<i32>} : memref<8x128xf32, #tpu.memory_space<vmem>>, vector<16xf32>,
      %mul3A_2688 = arith.mulf %get3A_2687, %div3A_2134 : vector<16xf32>
      %swap3A_2689 = arith.constant 7 : i32
      %swap3A_2690 = arith.index_cast %swap3A_2689 : i32 to index
      %swap3A_2691 = arith.constant 80 : index
      %swap3A_2692 = tpu.vector_load %arg18[%swap3A_2690, %swap3A_2691] {strides = array<i32>} : memref<8x128xf32, #tpu.memory_space<vmem>>, vector<16xf32>,
      tpu.vector_store %arg18[%swap3A_2690, %swap3A_2691], %mul3A_2688 {strides = array<i32>} : memref<8x128xf32, #tpu.memory_space<vmem>>, vector<16xf32>,
      %get3A_2693 = arith.constant 7 : i32
      %get3A_2694 = arith.index_cast %get3A_2693 : i32 to index
      %get3A_2695 = arith.constant 96 : index
      %get3A_2696 = tpu.vector_load %arg18[%get3A_2694, %get3A_2695] {strides = array<i32>} : memref<8x128xf32, #tpu.memory_space<vmem>>, vector<16xf32>,
      %mul3A_2697 = arith.mulf %get3A_2696, %div3A_2134 : vector<16xf32>
      %swap3A_2698 = arith.constant 7 : i32
      %swap3A_2699 = arith.index_cast %swap3A_2698 : i32 to index
      %swap3A_2700 = arith.constant 96 : index
      %swap3A_2701 = tpu.vector_load %arg18[%swap3A_2699, %swap3A_2700] {strides = array<i32>} : memref<8x128xf32, #tpu.memory_space<vmem>>, vector<16xf32>,
      tpu.vector_store %arg18[%swap3A_2699, %swap3A_2700], %mul3A_2697 {strides = array<i32>} : memref<8x128xf32, #tpu.memory_space<vmem>>, vector<16xf32>,
      %get3A_2702 = arith.constant 7 : i32
      %get3A_2703 = arith.index_cast %get3A_2702 : i32 to index
      %get3A_2704 = arith.constant 112 : index
      %get3A_2705 = tpu.vector_load %arg18[%get3A_2703, %get3A_2704] {strides = array<i32>} : memref<8x128xf32, #tpu.memory_space<vmem>>, vector<16xf32>,
      %mul3A_2706 = arith.mulf %get3A_2705, %div3A_2134 : vector<16xf32>
      %swap3A_2707 = arith.constant 7 : i32
      %swap3A_2708 = arith.index_cast %swap3A_2707 : i32 to index
      %swap3A_2709 = arith.constant 112 : index
      %swap3A_2710 = tpu.vector_load %arg18[%swap3A_2708, %swap3A_2709] {strides = array<i32>} : memref<8x128xf32, #tpu.memory_space<vmem>>, vector<16xf32>,
      tpu.vector_store %arg18[%swap3A_2708, %swap3A_2709], %mul3A_2706 {strides = array<i32>} : memref<8x128xf32, #tpu.memory_space<vmem>>, vector<16xf32>,
      "tpu.region"() ({
        %run_scoped3A = tpu.sem_alloc : memref<!tpu.dma_semaphore, #tpu.memory_space<semaphore_mem>>
        %dma_start3A_2711 = arith.constant 0 : i32
        %dma_start3A_2712 = tpu.memref_slice %arg8[%mul3A_4, %dma_start3A_2711] : memref<128x128xf32, #tpu.memory_space<hbm>> -> memref<8x128xf32, #tpu.memory_space<hbm>>
        %dma_start3A_2713 = arith.constant 0 : i32
        %dma_start3A_2714 = tpu.memref_slice %arg8[%mul3A_4, %dma_start3A_2713] : memref<128x128xf32, #tpu.memory_space<hbm>> -> memref<8x128xf32, #tpu.memory_space<hbm>>
        tpu.enqueue_dma source(%arg18 : memref<8x128xf32, #tpu.memory_space<vmem>>) target(%dma_start3A_2714 : memref<8x128xf32, #tpu.memory_space<hbm>>) target_semaphore(%run_scoped3A : memref<!tpu.dma_semaphore, #tpu.memory_space<semaphore_mem>>)
        %dma_wait3A_2715 = arith.constant 0 : i32
        %dma_wait3A_2716 = tpu.memref_slice %arg8[%mul3A_4, %dma_wait3A_2715] : memref<128x128xf32, #tpu.memory_space<hbm>> -> memref<8x128xf32, #tpu.memory_space<hbm>>
        %dma_wait3A_2717 = arith.constant 0 : i32
        %dma_wait3A_2718 = tpu.memref_slice %arg8[%mul3A_4, %dma_wait3A_2717] : memref<128x128xf32, #tpu.memory_space<hbm>> -> memref<8x128xf32, #tpu.memory_space<hbm>>
        tpu.wait_dma2 semaphore(%run_scoped3A : memref<!tpu.dma_semaphore, #tpu.memory_space<semaphore_mem>>) src(%arg18 : memref<8x128xf32, #tpu.memory_space<vmem>>) dst(%dma_wait3A_2718 : memref<8x128xf32, #tpu.memory_space<hbm>>)
        tpu.yield
      }) : () -> ()
    } else {
    }
    return
  }
}

module attributes {stable_mosaic.version = 14 : i64} {
  func.func @_err_body(%arg0: i32, %arg1: memref<2048x512xf32, #tpu.memory_space<vmem>>, %arg2: memref<2048x512xf32, #tpu.memory_space<vmem>>, %arg3: memref<32x2048xf32, #tpu.memory_space<vmem>>, %arg4: memref<512x256xf32, #tpu.memory_space<vmem>>, %arg5: memref<1x256xf32, #tpu.memory_space<vmem>>, %arg6: memref<256x256xf32, #tpu.memory_space<vmem>>, %arg7: memref<32x256xf32, #tpu.memory_space<vmem>>, %arg8: memref<1x256xf32, #tpu.memory_space<vmem>>, %arg9: memref<16x128xf32, #tpu.memory_space<vmem>>) attributes {dimension_semantics = [#tpu.dimension_semantics<arbitrary>], iteration_bounds = array<i64: 8>, scalar_prefetch = 0 : i64, scratch_operands = 0 : i64, tpu.core_type = #tpu.core_type<tc>, window_params = [{transform_indices = @transform_0, window_bounds = array<i64: 2048, 512>}, {transform_indices = @transform_1, window_bounds = array<i64: 2048, 512>}, {transform_indices = @transform_2, window_bounds = array<i64: 32, 2048>}, {pipeline_mode = #tpu.pipeline_mode<synchronous>, transform_indices = @transform_3, window_bounds = array<i64: 512, 256>}, {pipeline_mode = #tpu.pipeline_mode<synchronous>, transform_indices = @transform_4, window_bounds = array<i64: 1, 256>}, {transform_indices = @transform_5, window_bounds = array<i64: 256, 256>}, {transform_indices = @transform_6, window_bounds = array<i64: 32, 256>}, {pipeline_mode = #tpu.pipeline_mode<synchronous>, transform_indices = @transform_7, window_bounds = array<i64: 1, 256>}, {transform_indices = @transform_8, window_bounds = array<i64: 16, 128>}]} {
    %get3A = arith.constant 0 : index
    %get3A_0 = arith.constant 0 : index
    %get3A_1 = vector.load %arg1[%get3A, %get3A_0] : memref<2048x512xf32, #tpu.memory_space<vmem>>, vector<2048x512xf32>
    %get3A_2 = arith.constant 0 : index
    %get3A_3 = arith.constant 0 : index
    %get3A_4 = vector.load %arg2[%get3A_2, %get3A_3] : memref<2048x512xf32, #tpu.memory_space<vmem>>, vector<2048x512xf32>
    %get3A_5 = arith.constant 0 : index
    %get3A_6 = arith.constant 0 : index
    %get3A_7 = vector.load %arg4[%get3A_5, %get3A_6] : memref<512x256xf32, #tpu.memory_space<vmem>>, vector<512x256xf32>
    %dot_general3A = arith.constant dense<0.000000e+00> : vector<2048x256xf32>
    %dot_general3A_8 = tpu.matmul %get3A_1, %get3A_7, %dot_general3A {dimension_numbers = #tpu.dot_dimension_numbers<[1], [0], [0], [1], [0, 0, 1, 1], [], []>, transpose_lhs_hint = false} : vector<2048x512xf32>, vector<512x256xf32>, vector<2048x256xf32> -> vector<2048x256xf32>
    %get3A_9 = arith.constant 0 : index
    %get3A_10 = arith.constant 0 : index
    %get3A_11 = vector.load %arg5[%get3A_9, %get3A_10] : memref<1x256xf32, #tpu.memory_space<vmem>>, vector<1x256xf32>
    %add3A = vector.broadcast %get3A_11 : vector<1x256xf32> to vector<2048x256xf32>
    %add3A_12 = arith.addf %dot_general3A_8, %add3A : vector<2048x256xf32>
    %max3A = arith.constant 0.000000e+00 : f32
    %max3A_13 = vector.broadcast %max3A : f32 to vector<2048x256xf32>
    %max3A_14 = arith.maximumf %add3A_12, %max3A_13 : vector<2048x256xf32>
    %get3A_15 = arith.constant 0 : index
    %get3A_16 = arith.constant 0 : index
    %get3A_17 = vector.load %arg4[%get3A_15, %get3A_16] : memref<512x256xf32, #tpu.memory_space<vmem>>, vector<512x256xf32>
    %dot_general3A_18 = arith.constant dense<0.000000e+00> : vector<2048x256xf32>
    %dot_general3A_19 = tpu.matmul %get3A_4, %get3A_17, %dot_general3A_18 {dimension_numbers = #tpu.dot_dimension_numbers<[1], [0], [0], [1], [0, 0, 1, 1], [], []>, transpose_lhs_hint = false} : vector<2048x512xf32>, vector<512x256xf32>, vector<2048x256xf32> -> vector<2048x256xf32>
    %get3A_20 = arith.constant 0 : index
    %get3A_21 = arith.constant 0 : index
    %get3A_22 = vector.load %arg5[%get3A_20, %get3A_21] : memref<1x256xf32, #tpu.memory_space<vmem>>, vector<1x256xf32>
    %add3A_23 = vector.broadcast %get3A_22 : vector<1x256xf32> to vector<2048x256xf32>
    %add3A_24 = arith.addf %dot_general3A_19, %add3A_23 : vector<2048x256xf32>
    %max3A_25 = arith.constant 0.000000e+00 : f32
    %max3A_26 = vector.broadcast %max3A_25 : f32 to vector<2048x256xf32>
    %max3A_27 = arith.maximumf %add3A_24, %max3A_26 : vector<2048x256xf32>
    %get3A_28 = arith.constant 0 : index
    %get3A_29 = arith.constant 0 : index
    %get3A_30 = vector.load %arg3[%get3A_28, %get3A_29] : memref<32x2048xf32, #tpu.memory_space<vmem>>, vector<32x2048xf32>
    %get3A_31 = arith.constant 0 : index
    %get3A_32 = arith.constant 0 : index
    %get3A_33 = vector.load %arg7[%get3A_31, %get3A_32] : memref<32x256xf32, #tpu.memory_space<vmem>>, vector<32x256xf32>
    %dot_general3A_34 = arith.constant dense<0.000000e+00> : vector<2048x256xf32>
    %dot_general3A_35 = tpu.matmul %get3A_30, %get3A_33, %dot_general3A_34 {dimension_numbers = #tpu.dot_dimension_numbers<[0], [0], [1], [1], [0, 1, 1, 1], [], []>, transpose_lhs_hint = false} : vector<32x2048xf32>, vector<32x256xf32>, vector<2048x256xf32> -> vector<2048x256xf32>
    %get3A_36 = arith.constant 0 : index
    %get3A_37 = arith.constant 0 : index
    %get3A_38 = vector.load %arg6[%get3A_36, %get3A_37] : memref<256x256xf32, #tpu.memory_space<vmem>>, vector<256x256xf32>
    %dot_general3A_39 = arith.constant dense<0.000000e+00> : vector<2048x256xf32>
    %dot_general3A_40 = tpu.matmul %max3A_14, %get3A_38, %dot_general3A_39 {dimension_numbers = #tpu.dot_dimension_numbers<[1], [0], [0], [1], [0, 0, 1, 1], [], []>, transpose_lhs_hint = false} : vector<2048x256xf32>, vector<256x256xf32>, vector<2048x256xf32> -> vector<2048x256xf32>
    %add3A_41 = arith.addf %dot_general3A_40, %dot_general3A_35 : vector<2048x256xf32>
    %get3A_42 = arith.constant 0 : index
    %get3A_43 = arith.constant 0 : index
    %get3A_44 = vector.load %arg8[%get3A_42, %get3A_43] : memref<1x256xf32, #tpu.memory_space<vmem>>, vector<1x256xf32>
    %add3A_45 = vector.broadcast %get3A_44 : vector<1x256xf32> to vector<2048x256xf32>
    %add3A_46 = arith.addf %add3A_41, %add3A_45 : vector<2048x256xf32>
    %sub3A = arith.subf %add3A_46, %max3A_27 : vector<2048x256xf32>
    %mul3A = arith.mulf %sub3A, %sub3A : vector<2048x256xf32>
    %reduce_sum3A = arith.constant dense<0.000000e+00> : vector<2048xf32>
    %reduce_sum3A_47 = vector.multi_reduction <add>, %mul3A, %reduce_sum3A [1] : vector<2048x256xf32> to vector<2048xf32>
    %broadcast_in_dim3A = vector.shape_cast %reduce_sum3A_47 : vector<2048xf32> to vector<2048x1xf32>
    %mul3A_48 = arith.constant 3.906250e-03 : f32
    %mul3A_49 = vector.broadcast %mul3A_48 : f32 to vector<2048x1xf32>
    %mul3A_50 = arith.mulf %broadcast_in_dim3A, %mul3A_49 : vector<2048x1xf32>
    %iota3A = tpu.iota {dimensions = array<i32: 0>} : vector<2048x128xi32>
    %iota3A_51 = tpu.iota {dimensions = array<i32: 1>} : vector<2048x128xi32>
    %jit3A = arith.constant 128 : i32
    %div3A = vector.broadcast %jit3A : i32 to vector<2048x128xi32>
    %div3A_52 = arith.divsi %iota3A, %div3A : vector<2048x128xi32>
    %sign3A = arith.constant 0 : i32
    %sign3A_53 = vector.broadcast %sign3A : i32 to vector<2048x128xi32>
    %sign3A_54 = arith.cmpi sgt, %iota3A, %sign3A_53 : vector<2048x128xi32>
    %sign3A_55 = arith.extui %sign3A_54 : vector<2048x128xi1> to vector<2048x128xi32>
    %sign3A_56 = arith.constant 0 : i32
    %sign3A_57 = vector.broadcast %sign3A_56 : i32 to vector<2048x128xi32>
    %sign3A_58 = arith.cmpi slt, %iota3A, %sign3A_57 : vector<2048x128xi32>
    %sign3A_59 = arith.extui %sign3A_58 : vector<2048x128xi1> to vector<2048x128xi32>
    %sign3A_60 = arith.subi %sign3A_55, %sign3A_59 : vector<2048x128xi32>
    %sign3A_61 = arith.constant 0 : i32
    %sign3A_62 = arith.cmpi sgt, %jit3A, %sign3A_61 : i32
    %sign3A_63 = arith.extui %sign3A_62 : i1 to i32
    %sign3A_64 = arith.constant 0 : i32
    %sign3A_65 = arith.cmpi slt, %jit3A, %sign3A_64 : i32
    %sign3A_66 = arith.extui %sign3A_65 : i1 to i32
    %sign3A_67 = arith.subi %sign3A_63, %sign3A_66 : i32
    %ne3A = vector.broadcast %sign3A_67 : i32 to vector<2048x128xi32>
    %ne3A_68 = arith.cmpi ne, %sign3A_60, %ne3A : vector<2048x128xi32>
    %rem3A = vector.broadcast %jit3A : i32 to vector<2048x128xi32>
    %rem3A_69 = arith.remsi %iota3A, %rem3A : vector<2048x128xi32>
    %ne3A_70 = arith.constant 0 : i32
    %ne3A_71 = vector.broadcast %ne3A_70 : i32 to vector<2048x128xi32>
    %ne3A_72 = arith.cmpi ne, %rem3A_69, %ne3A_71 : vector<2048x128xi32>
    %and3A = arith.andi %ne3A_68, %ne3A_72 : vector<2048x128xi1>
    %sub3A_73 = arith.constant 1 : i32
    %sub3A_74 = vector.broadcast %sub3A_73 : i32 to vector<2048x128xi32>
    %sub3A_75 = arith.subi %div3A_52, %sub3A_74 : vector<2048x128xi32>
    %select_n3A = arith.select %and3A, %sub3A_75, %div3A_52 : vector<2048x128xi1>, vector<2048x128xi32>
    %mul3A_76 = arith.constant 128 : i32
    %mul3A_77 = vector.broadcast %mul3A_76 : i32 to vector<2048x128xi32>
    %mul3A_78 = arith.muli %select_n3A, %mul3A_77 : vector<2048x128xi32>
    %sub3A_79 = arith.subi %iota3A, %mul3A_78 : vector<2048x128xi32>
    %eq3A = arith.cmpi eq, %sub3A_79, %iota3A_51 : vector<2048x128xi32>
    %convert_element_type3A = arith.extui %eq3A : vector<2048x128xi1> to vector<2048x128xi32>
    %convert_element_type3A_80 = arith.sitofp %convert_element_type3A : vector<2048x128xi32> to vector<2048x128xf32>
    %iota3A_81 = tpu.iota {dimensions = array<i32: 0>} : vector<16x2048xi32>
    %iota3A_82 = tpu.iota {dimensions = array<i32: 1>} : vector<16x2048xi32>
    %jit3A_83 = arith.constant 128 : i32
    %div3A_84 = vector.broadcast %jit3A_83 : i32 to vector<16x2048xi32>
    %div3A_85 = arith.divsi %iota3A_82, %div3A_84 : vector<16x2048xi32>
    %sign3A_86 = arith.constant 0 : i32
    %sign3A_87 = vector.broadcast %sign3A_86 : i32 to vector<16x2048xi32>
    %sign3A_88 = arith.cmpi sgt, %iota3A_82, %sign3A_87 : vector<16x2048xi32>
    %sign3A_89 = arith.extui %sign3A_88 : vector<16x2048xi1> to vector<16x2048xi32>
    %sign3A_90 = arith.constant 0 : i32
    %sign3A_91 = vector.broadcast %sign3A_90 : i32 to vector<16x2048xi32>
    %sign3A_92 = arith.cmpi slt, %iota3A_82, %sign3A_91 : vector<16x2048xi32>
    %sign3A_93 = arith.extui %sign3A_92 : vector<16x2048xi1> to vector<16x2048xi32>
    %sign3A_94 = arith.subi %sign3A_89, %sign3A_93 : vector<16x2048xi32>
    %sign3A_95 = arith.constant 0 : i32
    %sign3A_96 = arith.cmpi sgt, %jit3A_83, %sign3A_95 : i32
    %sign3A_97 = arith.extui %sign3A_96 : i1 to i32
    %sign3A_98 = arith.constant 0 : i32
    %sign3A_99 = arith.cmpi slt, %jit3A_83, %sign3A_98 : i32
    %sign3A_100 = arith.extui %sign3A_99 : i1 to i32
    %sign3A_101 = arith.subi %sign3A_97, %sign3A_100 : i32
    %ne3A_102 = vector.broadcast %sign3A_101 : i32 to vector<16x2048xi32>
    %ne3A_103 = arith.cmpi ne, %sign3A_94, %ne3A_102 : vector<16x2048xi32>
    %rem3A_104 = vector.broadcast %jit3A_83 : i32 to vector<16x2048xi32>
    %rem3A_105 = arith.remsi %iota3A_82, %rem3A_104 : vector<16x2048xi32>
    %ne3A_106 = arith.constant 0 : i32
    %ne3A_107 = vector.broadcast %ne3A_106 : i32 to vector<16x2048xi32>
    %ne3A_108 = arith.cmpi ne, %rem3A_105, %ne3A_107 : vector<16x2048xi32>
    %and3A_109 = arith.andi %ne3A_103, %ne3A_108 : vector<16x2048xi1>
    %sub3A_110 = arith.constant 1 : i32
    %sub3A_111 = vector.broadcast %sub3A_110 : i32 to vector<16x2048xi32>
    %sub3A_112 = arith.subi %div3A_85, %sub3A_111 : vector<16x2048xi32>
    %select_n3A_113 = arith.select %and3A_109, %sub3A_112, %div3A_85 : vector<16x2048xi1>, vector<16x2048xi32>
    %eq3A_114 = arith.cmpi eq, %select_n3A_113, %iota3A_81 : vector<16x2048xi32>
    %convert_element_type3A_115 = arith.extui %eq3A_114 : vector<16x2048xi1> to vector<16x2048xi32>
    %convert_element_type3A_116 = arith.sitofp %convert_element_type3A_115 : vector<16x2048xi32> to vector<16x2048xf32>
    %mul3A_117 = vector.broadcast %mul3A_50 : vector<2048x1xf32> to vector<2048x128xf32>
    %mul3A_118 = arith.mulf %mul3A_117, %convert_element_type3A_80 : vector<2048x128xf32>
    %dot_general3A_119 = arith.constant dense<0.000000e+00> : vector<16x128xf32>
    %dot_general3A_120 = tpu.matmul %convert_element_type3A_116, %mul3A_118, %dot_general3A_119 {dimension_numbers = #tpu.dot_dimension_numbers<[1], [0], [0], [1], [0, 0, 1, 1], [], []>, transpose_lhs_hint = false} : vector<16x2048xf32>, vector<2048x128xf32>, vector<16x128xf32> -> vector<16x128xf32>
    %swap3A = arith.constant 0 : index
    %swap3A_121 = arith.constant 0 : index
    %swap3A_122 = vector.load %arg9[%swap3A, %swap3A_121] : memref<16x128xf32, #tpu.memory_space<vmem>>, vector<16x128xf32>
    tpu.vector_store %arg9[%swap3A, %swap3A_121], %dot_general3A_120 {strides = array<i32>} : memref<16x128xf32, #tpu.memory_space<vmem>>, vector<16x128xf32>,
    return
  }
  func.func @transform_0(%arg0: i32) -> (i32, i32) {
    %c0_i32 = arith.constant 0 : i32
    %c0_i32_0 = arith.constant 0 : i32
    return %arg0, %c0_i32 : i32, i32
  }
  func.func @transform_1(%arg0: i32) -> (i32, i32) {
    %c0_i32 = arith.constant 0 : i32
    %c0_i32_0 = arith.constant 0 : i32
    return %arg0, %c0_i32 : i32, i32
  }
  func.func @transform_2(%arg0: i32) -> (i32, i32) {
    %c0_i32 = arith.constant 0 : i32
    %c0_i32_0 = arith.constant 0 : i32
    return %c0_i32, %arg0 : i32, i32
  }
  func.func @transform_3(%arg0: i32) -> (i32, i32) {
    %c0_i32 = arith.constant 0 : i32
    %c0_i32_0 = arith.constant 0 : i32
    %c0_i32_1 = arith.constant 0 : i32
    return %c0_i32, %c0_i32_0 : i32, i32
  }
  func.func @transform_4(%arg0: i32) -> (i32, i32) {
    %c0_i32 = arith.constant 0 : i32
    %c0_i32_0 = arith.constant 0 : i32
    %c0_i32_1 = arith.constant 0 : i32
    return %c0_i32, %c0_i32_0 : i32, i32
  }
  func.func @transform_5(%arg0: i32) -> (i32, i32) {
    %c0_i32 = arith.constant 0 : i32
    %c0_i32_0 = arith.constant 0 : i32
    %c0_i32_1 = arith.constant 0 : i32
    return %c0_i32, %c0_i32_0 : i32, i32
  }
  func.func @transform_6(%arg0: i32) -> (i32, i32) {
    %c8_i32 = arith.constant 8 : i32
    %c0_i32 = arith.constant 0 : i32
    %c0_i32_0 = arith.constant 0 : i32
    return %c8_i32, %c0_i32 : i32, i32
  }
  func.func @transform_7(%arg0: i32) -> (i32, i32) {
    %c0_i32 = arith.constant 0 : i32
    %c0_i32_0 = arith.constant 0 : i32
    %c0_i32_1 = arith.constant 0 : i32
    return %c0_i32, %c0_i32_0 : i32, i32
  }
  func.func @transform_8(%arg0: i32) -> (i32, i32) {
    %c0_i32 = arith.constant 0 : i32
    %c0_i32_0 = arith.constant 0 : i32
    return %arg0, %c0_i32 : i32, i32
  }
}

</mosaic_0001>

<sc_bundles>
// kernel: kernel.4.cloned.1.call-start
scs
__scs_entry_jumppad:
0x0: {  	(pc) =	sbr.rel $0x88, $3  }
0x1: {  	(tag) =	ssettag $0x0;
	lr =	simm.s32 $0x1  }
0x2: {  	[smem:$0x3F95] =	sst lr;
	_ =	strace $0xD0000000  }
0x3: {  	_ = 	snop  }
0x4: {  	_ = 	snop  }
0x5: {  	_ = 	snop  }
0x6: {  	_ = 	snop  }
0x7: {  	_ = 	snop  }
__scs_overlays_trampoline_lowered:
0x8: {  	[smem:$0x3FA4] =	sst s0  }
0x9: {  	[smem:$0x3FA5] =	sst s1  }
0xa: {  	[smem:$0x3FA6] =	sst s2  }
0xb: {  	[smem:$0x3FA7] =	sst s3  }
0xc: {  	[smem:$0x3FA8] =	sst s4  }
0xd: {  	[smem:$0x3FA9] =	sst s5  }
0xe: {  	[smem:$0x3FAA] =	sst s6  }
0xf: {  	[smem:$0x3FAB] =	sst s7  }
0x10: {  	[smem:$0x3FAC] =	sst s8  }
0x11: {  	[smem:$0x3FAD] =	sst s9;
	s0 =	simm.s32 @!p0 $0x0  }
0x12: {  	s1 =	sld [smem:$0x3F93];
	s0 =	simm.s32 @p0 $0x1  }
0x13: {  	[smem:$0x3FAE] =	sst s0;
	s0 =	simm.s32 @!p1 $0x0  }
0x14: {  	s2 =	sld [smem:$0x3F92];
	s0 =	simm.s32 @p1 $0x1  }
0x15: {  	[smem:$0x3FAF] =	sst s0;
	s0 =	simm.s32 @!p2 $0x0  }
0x16: {  	s3 =	sld [smem:$0x3FDB];
	s0 =	simm.s32 @p2 $0x1  }
0x17: {  	s4 =	simm.s32 $0x1BF5;
	[smem:$0x3FB1] =	sst s0  }
0x18: {  	s0 =	sld [smem:$0x3F94];
	_ =	swait.ge [sflag:s4], $0x0  }
0x19: {  	s7 =	sld [smem:$0x3F95]  }
0x1a: {  	s8 =	sadd.s32 $0xFFFFE003, lr  }
0x1b: {  	s9 =	sadd.s32 $0xFFFFFEF7, lr;
	s5 =	simm.s32 $0xFFFFFFFF;
	p2 =	slt.u32 s8, $0xFFFFF086  }
0x1c: {  	p1 =	slt.u32 s9, $0xF7A;
	s5 =	simm.s32 @!p2 $0x0  }
0x1d: {  	s5 =	simm.s32 @p1 $0x1;
	p0 =	seq.s32 s7, s2  }
0x1e: {  	s7 =	smul.u32 @!p0 $0xF7A, s2;
	p2 =	seq.s32 @!p0 s5, $0x0  }
0x1f: {  	s9 =	smul.u32 $0xF7A, s1;
	s8 =	simm.s32 @!p0 $0x1BF5;
	p2 =	por !p2, p0  }
0x20: {  	[sflag:s8] =	ssyncset.s32 @!p0 $0xFFFFF086;
	s6 =	sadd.s32 @!p0 s3, s7;
	s7 =	simm.s32 @!p0 $0x108  }
0x21: {  	s3 =	sadd.s32 s3, s9;
	s6 =	sadd.s32 @!p0 $0x88, s6;
	s7 =	simm.s32 @p2 $0x1082  }
0x22: {  	[simem:s7], [sflag:s8] =	dma.local @!p0 [hbm:s6], $0xF7A  }
0x23: {  	s9 =	sor.u32 $0xD0000000, s2;
	s6 =	simm.s32 $0x108;
	_ =	swait.ge @!p0 [sflag:s8], $0x0  }
0x24: {  	s3 =	sadd.s32 $0x88, s3;
	s6 =	simm.s32 @!p1 $0x1082;
	[sflag:s4] =	ssyncset.s32 $0xFFFFF086  }
0x25: {  	[simem:s6], [sflag:s4] =	dma.local [hbm:s3], $0xF7A  }
0x26: {  	[smem:$0x3F95] =	sst s1;
	(tag) =	ssettag s2;
	_ =	strace s9  }
0x27: {  	s1 =	sld [smem:$0x3FA5]  }
0x28: {  	s2 =	sld [smem:$0x3FA6]  }
0x29: {  	s4 =	sld [smem:$0x3FA8]  }
0x2a: {  	p0 =	seq.s32 s5, $0x0;
	s5 =	sld [smem:$0x3FA9]  }
0x2b: {  	s6 =	sld [smem:$0x3FAA]  }
0x2c: {  	s7 =	sld [smem:$0x3FAB]  }
0x2d: {  	s3 =	simm.s32 $0x108;
	s8 =	sld [smem:$0x3FAC]  }
0x2e: {  	s3 =	simm.s32 @!p0 $0x1082;
	s9 =	sld [smem:$0x3FAD]  }
0x2f: {  	lr =	sadd.s32 s0, s3;
	s0 =	sld [smem:$0x3FA4]  }
0x30: {  	s3 =	sld [smem:$0x3FA7]  }
0x31: {  	[smem:$0x3FB0] =	sst s10  }
0x32: {  	s10 =	sld [smem:$0x3FAE];
	_ =	sdelay $0x3  }
0x33: {  	p0 =	seq.s32 s10, $0x1;
	s10 =	sld [smem:$0x3FB0];
	_ =	sdelay $0x3  }
0x34: {  	[smem:$0x3FB0] =	sst s10  }
0x35: {  	s10 =	sld [smem:$0x3FAF];
	_ =	sdelay $0x3  }
0x36: {  	p1 =	seq.s32 s10, $0x1;
	s10 =	sld [smem:$0x3FB0];
	_ =	sdelay $0x3  }
0x37: {  	[smem:$0x3FB0] =	sst s10  }
0x38: {  	s10 =	sld [smem:$0x3FB1]  }
0x39: {  	_ = 	snop;
	(pc) =	sbr.ind lr, $3  }
0x3a: {  	_ = 	snop  }
0x3b: {  	_ = 	snop  }
0x3c: {  	p2 =	seq.s32 s10, $0x1;
	s10 =	sld [smem:$0x3FB0]  }
0x3d: {  	_ =	shalt  }
0x3e: {  	_ =	shalt  }
0x3f: {  	_ =	shalt  }
0x40: {  	_ =	shalt  }
0x41: {  	_ =	shalt  }
0x42: {  	_ =	shalt  }
0x43: {  	_ =	shalt  }
0x44: {  	_ =	shalt  }
0x45: {  	_ =	shalt  }
0x46: {  	_ =	shalt  }
0x47: {  	_ =	shalt  }
0x48: {  	_ =	shalt  }
0x49: {  	_ =	shalt  }
0x4a: {  	_ =	shalt  }
0x4b: {  	_ =	shalt  }
0x4c: {  	_ =	shalt  }
0x4d: {  	_ =	shalt  }
0x4e: {  	_ =	shalt  }
0x4f: {  	_ =	shalt  }
0x50: {  	_ =	shalt  }
0x51: {  	_ =	shalt  }
0x52: {  	_ =	shalt  }
0x53: {  	_ =	shalt  }
0x54: {  	_ =	shalt  }
0x55: {  	_ =	shalt  }
0x56: {  	_ =	shalt  }
0x57: {  	_ =	shalt  }
0x58: {  	_ =	shalt  }
0x59: {  	_ =	shalt  }
0x5a: {  	_ =	shalt  }
0x5b: {  	_ =	shalt  }
0x5c: {  	_ =	shalt  }
0x5d: {  	_ =	shalt  }
0x5e: {  	_ =	shalt  }
0x5f: {  	_ =	shalt  }
0x60: {  	_ =	shalt  }
0x61: {  	_ =	shalt  }
0x62: {  	_ =	shalt  }
0x63: {  	_ =	shalt  }
0x64: {  	_ =	shalt  }
0x65: {  	_ =	shalt  }
0x66: {  	_ =	shalt  }
0x67: {  	_ =	shalt  }
0x68: {  	_ =	shalt  }
0x69: {  	_ =	shalt  }
0x6a: {  	_ =	shalt  }
0x6b: {  	_ =	shalt  }
0x6c: {  	_ =	shalt  }
0x6d: {  	_ =	shalt  }
0x6e: {  	_ =	shalt  }
0x6f: {  	_ =	shalt  }
0x70: {  	_ =	shalt  }
0x71: {  	_ =	shalt  }
0x72: {  	_ =	shalt  }
0x73: {  	_ =	shalt  }
0x74: {  	_ =	shalt  }
0x75: {  	_ =	shalt  }
0x76: {  	_ =	shalt  }
0x77: {  	_ =	shalt  }
0x78: {  	_ =	shalt  }
0x79: {  	_ =	shalt  }
0x7a: {  	_ =	shalt  }
0x7b: {  	_ =	shalt  }
0x7c: {  	_ =	shalt  }
0x7d: {  	_ =	shalt  }
0x7e: {  	_ =	shalt  }
0x7f: {  	_ =	shalt  }
0x80: {  	_ =	shalt  }
0x81: {  	_ =	shalt  }
0x82: {  	_ =	shalt  }
0x83: {  	_ =	shalt  }
0x84: {  	_ =	shalt  }
0x85: {  	_ =	shalt  }
0x86: {  	_ =	shalt  }
0x87: {  	_ =	shalt  }
.Lfunc_end0:
.L_simem_size_0:
called_computation_lowered:
.L_overlay_start_0:
0x88: {  	s2 =	sld [smem:$0x3FD9]  }
0x89: {  	s3 =	sld [smem:$0x3FFE];
	_ =	sdelay $0x1  }
0x8a: {  	s1 =	srdreg.scid  }
0x8b: {  	s0 =	sand.u32 $0x1, s1  }
0x8c: {  	s17 =	sshll.u32 s0, $0xA;
	s2 =	sadd.s32 s3, s2  }
0x8d: {  	s2 =	sadd.s32 s2, s17  }
0x8e: {  	[smem:$0x3FBC] =	sst s2  }
0x8f: {  	_ = 	snop  }
0x90: {  	s2 =	sld [smem:$0x3FC6]  }
0x91: {  	s18 =	sld [smem:$0x3FC5]  }
0x92: {  	s4 =	sld [smem:$0x3FC4]  }
0x93: {  	s5 =	sld [smem:$0x3FC3]  }
0x94: {  	s6 =	sld [smem:$0x3FBE]  }
0x95: {  	s7 =	sld [smem:$0x3FD0];
	(tm) =	ssettm $0x1  }
0x96: {  	s8 =	sld [smem:$0x3FFB];
	_ =	sdelay $0x3  }
0x97: {  	_ =	strace s8  }
0x98: {  	s8 =	sld [smem:$0x3FFC];
	_ =	sdelay $0x3  }
0x99: {  	_ =	strace s8  }
0x9a: {  	s8 =	sld [smem:$0x3FFD];
	_ =	sdelay $0x3  }
0x9b: {  	_ =	strace s8  }
0x9c: {  	_ =	strace $0x8FFFFFFF  }
0x9d: {  	s19 =	sld [smem:$0x3FDB];
	_ =	sdelay $0x1  }
0x9e: {  	s9 =	simm.s32 $_scs_section_size  }
0x9f: {  	s10 =	simm.s32 $_size__tile_overlayer_lowered;
	s11 =	simm.s32 $_tile_overlayer_lowered  }
0xa0: {  	s22 =	simm.s32 $0x1BFF;
	s21 =	sshll.u32 s11, $0x1;
	s8 =	sadd.s32 s9, s19  }
0xa1: {  	s12 =	simm.s32 $0x0;
	s20 =	sshll.u32 s10, $0x1;
	s10 =	sadd.s32 s21, s8  }
0xa2: {  	[timem:s12], [sflag:s22] =	dma.local [hbm:s10], s20  }
0xa3: {  	_ =	swait.ge [sflag:s22], s20  }
0xa4: {  	s9 =	ssub.s32 $0x0, s20;
	[sflag:s22] =	ssyncset.done $0x0  }
0xa5: {  	[sflag:s22] =	ssyncadd.s32 s9;
	_ =	sdelay $0x1  }
0xa6: {  	s23 =	simm.s32 $0x1B8B  }
0xa7: {  	_ =	swait.ge [sflag:s23], $0x1  }
0xa8: {  	[sflag:s23] =	ssyncset.done $0x0  }
0xa9: {  	s25 =	simm.s32 $0x1B8E;
	s24 =	sld [smem:$0x3FFE];
	[sflag:s23] =	ssyncadd.s32 $0xFFFFFFFF  }
0xaa: {  	s26 =	simm.s32 $execute0_lowered;
	[smem:$0x3FD2] =	sst s25  }
0xab: {  	s10 =	sshll.u32 s26, $0x1;
	_ =	strace $0x80000046;
	[dreg:$0x1] =	wrdreg $0xFFFFFFFF  }
0xac: {  	s28 =	simm.s32 $_size_execute0_lowered;
	s8 =	sadd.s32 s8, s10;
	[dreg:$0x0] =	wrdreg $0x0  }
0xad: {  	s10 =	sshll.u32 s28, $0x1;
	[dreg:$0x2] =	wrdreg s8  }
0xae: {  	[dreg:$0x3] =	wrdreg s10  }
0xaf: {  	[dreg:$0x4] =	wrdreg $0xC0  }
0xb0: {  	_ =	task [dreg:s12], $0x5FFFF  }
0xb1: {  	[dreg:$0x1] =	wrdreg $0xFFFFFFFF  }
0xb2: {  	[dreg:$0x0] =	wrdreg $0x60  }
0xb3: {  	[dreg:$0x2] =	wrdreg s24  }
0xb4: {  	[dreg:$0x3] =	wrdreg s2  }
0xb5: {  	[dreg:$0x4] =	wrdreg s18  }
0xb6: {  	[dreg:$0x5] =	wrdreg s4  }
0xb7: {  	[dreg:$0x6] =	wrdreg s5  }
0xb8: {  	[dreg:$0x7] =	wrdreg s6  }
0xb9: {  	[dreg:$0x8] =	wrdreg s7  }
0xba: {  	[dreg:$0x9] =	wrdreg $0x14800  }
0xbb: {  	[dreg:$0xa] =	wrdreg $0x15800  }
0xbc: {  	[dreg:$0xb] =	wrdreg $0x16800  }
0xbd: {  	[dreg:$0xc] =	wrdreg $0x17800  }
0xbe: {  	[dreg:$0xd] =	wrdreg $0x9  }
0xbf: {  	_ =	task.clear_ibuf [dreg:s12], $0xEFFFF;
	_ =	strace $0x90000046  }
0xc0: {  	s29 =	simm.s32 $0x9;
	_ =	strace $0x80000048  }
0xc1: {  	_ =	swait.ge [sflag:s29], $0x1  }
0xc2: {  	[sflag:s29] =	ssyncadd.s32 $0xFFFFFFFF  }
0xc3: {  	_ =	strace $0x90000048  }
0xc4: {  	_ =	sfence  }
0xc5: {  	s30 =	sld [smem:$0x0];
	_ =	sdelay $0x2  }
0xc6: {  	s31 =	sshll.u32 s1, $0xD;
	s1 =	sshrl.u32 s1, $0x2  }
0xc7: {  	s3 =	sand.u32 $0x4000, s31;
	s1 =	sadd.s32 s1, s30  }
0xc8: {  	s0 =	sor.u32 s3, s0;
	s1 =	sshll.u32 s1, $0x11  }
0xc9: {  	s0 =	sor.u32 s1, s0  }
0xca: {  	s0 =	sadd.s32 $0x8F2B, s0  }
0xcb: {  	[sflag:s0] =	ssyncadd.remote.s32 $0x1  }
0xcc: {  	_ =	sfence.sel $0xFFFF  }
0xcd: {  	[dreg:$0x0] =	wrdreg $0xFFFFFFFF;
	(pc) =	sbr.abs _section_cstart, $3  }
0xce: {  	[dreg:$0x1] =	wrdreg $0xFFFFFFFF  }
0xcf: {  	_ =	task.clear_ibuf [dreg:s12], $0x2FFFF;
	_ =	strace $0x9FFFFFFF  }
0xd0: {  	(tm) =	ssettm $0x7FFFFFFF  }
0xd1: {  	_ =	shalt  }
tec
execute0_lowered:
.L_overlay_start_1:
0x0: {  	(tag) =	ssettag $0x1  }
0x1: {  	s12 =	rddreg [dreg:$0x0]  }
0x2: {  	s11 =	rddreg [dreg:$0x1]  }
0x3: {  	s10 =	rddreg [dreg:$0x2]  }
0x4: {  	s9 =	rddreg [dreg:$0x3]  }
0x5: {  	s8 =	rddreg [dreg:$0x4]  }
0x6: {  	s7 =	rddreg [dreg:$0x5];
	s2 =	srdreg.scid  }
0x7: {  	s1 =	rddreg [dreg:$0x6];
	s2 =	sand.u32 $0x1, s2  }
0x8: {  	s16 =	rddreg [dreg:$0x7];
	p0 =	seq.s32 s2, $0x1  }
.Ltmp0:
0x9: {  	s17 =	rddreg [dreg:$0x8];
	(pc) =	sbr.rel @p0 .LBB2_2-.Ltmp0, $4  }
0xa: {  	s6 =	rddreg [dreg:$0x9]  }
0xb: {  	s5 =	rddreg [dreg:$0xa];
	s3 =	simm.s32 $0x0  }
0xc: {  	[smem:$0x7FF] =	sst s3  }
0xd: {  	s0 =	rddreg [dreg:$0xb];
	_ =	strace $0x80000047;
	s2 =	stileid.u32  }
0xe: {  	s4 =	sshll.u32 s2, $0x7  }
0xf: {  	s12 =	sadd.s32 $0x1000, s12;
	s11 =	sadd.s32 s11, s4  }
0x10: {  	[tilespmem:s3], [sflag:$0x1] =	stream.linear.gather [hbm4b:s11+s3], $0x400, $0x38;
	[tilespmem:$0x1790] =	vst v63  }
0x11: {  	s29 =	sshll.u32 s2, $0x5;
	s13 =	simm.s32 $0x400;
	s12 =	sadd.s32 s12, s4  }
0x12: {  	[tilespmem:s13], [sflag:$0x1] =	stream.linear.gather [hbm4b:s12+s3], $0x400, $0x38;
	[tilespmem:$0x1790] =	vst v63  }
0x13: {  	s30 =	simm.s32 $0xA80;
	s10 =	sadd.s32 s10, s29  }
0x14: {  	[tilespmem:s30], [sflag:$0x1] =	stream.linear.gather [hbm4b:s10+s3], $0x100, $0x38;
	[tilespmem:$0x1790] =	vst v63  }
0x15: {  	s31 =	simm.s32 $0xB80;
	s9 =	sadd.s32 s9, s29  }
0x16: {  	[tilespmem:s31], [sflag:$0x1] =	stream.linear.gather [hbm4b:s9+s3], $0x100, $0x38;
	[tilespmem:$0x1790] =	vst v63  }
0x17: {  	s8 =	sadd.s32 s8, s29;
	s12 =	simm.s32 $0xC80  }
0x18: {  	v0 =	vimm.f32 $0.0e+00;
	[tilespmem:s12], [sflag:$0x1] =	stream.linear.gather [hbm4b:s8+s3], $0x100, $0x38;
	[tilespmem:$0x1790] =	vst v63  }
0x19: {  	s14 =	simm.s32 $0x1400;
	[tilespmem:$0x1400] =	vst v0  }
0x1a: {  	v1 =	vimm.f32 $1.000000000e+00;
	[tilespmem:s14], [sflag:$0x1] =	stream.linear.gather [hbm4b:s7+s3], $0x1, $0x38;
	[tilespmem:$0x1790] =	vst v63  }
0x1b: {  	[tilespmem:$0x800] =	vst v1  }
0x1c: {  	[tilespmem:$0x810] =	vst v1  }
0x1d: {  	[tilespmem:$0x820] =	vst v1  }
0x1e: {  	[tilespmem:$0x830] =	vst v1  }
0x1f: {  	[tilespmem:$0x840] =	vst v1  }
0x20: {  	[tilespmem:$0x850] =	vst v1  }
0x21: {  	[tilespmem:$0x860] =	vst v1  }
0x22: {  	[tilespmem:$0x870] =	vst v1  }
0x23: {  	[tilespmem:$0x880] =	vst v0  }
0x24: {  	[tilespmem:$0x890] =	vst v0  }
0x25: {  	[tilespmem:$0x8A0] =	vst v0  }
0x26: {  	[tilespmem:$0x8B0] =	vst v0  }
0x27: {  	[tilespmem:$0x8C0] =	vst v0  }
0x28: {  	[tilespmem:$0x8D0] =	vst v0  }
0x29: {  	[tilespmem:$0x8E0] =	vst v0  }
0x2a: {  	[tilespmem:$0x8F0] =	vst v0  }
0x2b: {  	[tilespmem:$0x900] =	vst v0  }
0x2c: {  	[tilespmem:$0x910] =	vst v0  }
0x2d: {  	[tilespmem:$0x920] =	vst v0  }
0x2e: {  	[tilespmem:$0x930] =	vst v0  }
0x2f: {  	[tilespmem:$0x940] =	vst v0  }
0x30: {  	[tilespmem:$0x950] =	vst v0  }
0x31: {  	s9 =	sshll.u32 s2, $0x8;
	[tilespmem:$0x960] =	vst v0  }
0x32: {  	s21 =	simm.s32 $0x880;
	s19 =	sadd.s32 s9, s16;
	[tilespmem:$0x970] =	vst v0  }
0x33: {  	[spmem:s19] =	stream.linear.scatter [tilespmem:s21], [sflag:$0x2], $0x100, $0x38;
	[tilespmem:$0x1790] =	vst v63  }
0x34: {  	s20 =	sadd.s32 s9, s17;
	s7 =	simm.s32 $0x2  }
0x35: {  	[spmem:s20] =	stream.linear.scatter [tilespmem:s21], [sflag:$0x2], $0x100, $0x38;
	[tilespmem:$0x1790] =	vst v63  }
0x36: {  	_ =	swait.ge [sflag:s7], $0x100  }
0x37: {  	[sflag:s7] =	ssyncset.done $0x0  }
0x38: {  	[sflag:s7] =	ssyncadd.s32 $0xFFFFFF00  }
0x39: {  	_ =	swait.ge [sflag:s7], $0x100  }
0x3a: {  	[sflag:s7] =	ssyncset.done $0x0  }
0x3b: {  	s18 =	simm.s32 $0x1;
	[sflag:s7] =	ssyncadd.s32 $0xFFFFFF00  }
0x3c: {  	_ =	swait.ge [sflag:s18], $0x400  }
0x3d: {  	[sflag:s18] =	ssyncset.done $0x0  }
0x3e: {  	[sflag:s18] =	ssyncadd.s32 $0xFFFFFC00  }
0x3f: {  	_ =	swait.ge [sflag:s18], $0x400  }
0x40: {  	[sflag:s18] =	ssyncset.done $0x0  }
0x41: {  	[sflag:s18] =	ssyncadd.s32 $0xFFFFFC00  }
0x42: {  	s8 =	simm.s32 $0x80;
	[bflag:$0x0] =	sbarrier.arrive $0xFFFF  }
0x43: {  	[spmem:s16] =	stream.indirect.scatter.add.f32 [tilespmem:s13], [sflag:$0x2], $0x1, s3, s8, $0xb8;
	[tilespmem:$0x1790] =	vst v63  }
0x44: {  	s22 =	simm.s32 $0x800  }
0x45: {  	[spmem:s17] =	stream.indirect.scatter.add.f32 [tilespmem:s22], [sflag:$0x2], $0x1, s3, s8, $0xb8;
	[tilespmem:$0x1790] =	vst v63  }
0x46: {  	s15 =	simm.s32 $0x480  }
0x47: {  	[spmem:s16] =	stream.indirect.scatter.add.f32 [tilespmem:s15], [sflag:$0x2], $0x1, s8, s8, $0xb8;
	[tilespmem:$0x1790] =	vst v63  }
0x48: {  	_ = 	snop  }
0x49: {  	[spmem:s17] =	stream.indirect.scatter.add.f32 [tilespmem:s22], [sflag:$0x2], $0x1, s8, s8, $0xb8;
	[tilespmem:$0x1790] =	vst v63  }
0x4a: {  	s23 =	simm.s32 $0x500;
	s10 =	simm.s32 $0x100  }
0x4b: {  	[spmem:s16] =	stream.indirect.scatter.add.f32 [tilespmem:s23], [sflag:$0x2], $0x1, s10, s8, $0xb8;
	[tilespmem:$0x1790] =	vst v63  }
0x4c: {  	_ = 	snop  }
0x4d: {  	[spmem:s17] =	stream.indirect.scatter.add.f32 [tilespmem:s22], [sflag:$0x2], $0x1, s10, s8, $0xb8;
	[tilespmem:$0x1790] =	vst v63  }
0x4e: {  	s24 =	simm.s32 $0x580;
	s11 =	simm.s32 $0x180  }
0x4f: {  	[spmem:s16] =	stream.indirect.scatter.add.f32 [tilespmem:s24], [sflag:$0x2], $0x1, s11, s8, $0xb8;
	[tilespmem:$0x1790] =	vst v63  }
0x50: {  	_ = 	snop  }
0x51: {  	[spmem:s17] =	stream.indirect.scatter.add.f32 [tilespmem:s22], [sflag:$0x2], $0x1, s11, s8, $0xb8;
	[tilespmem:$0x1790] =	vst v63  }
0x52: {  	s25 =	simm.s32 $0x200;
	s26 =	simm.s32 $0x600  }
0x53: {  	[spmem:s16] =	stream.indirect.scatter.add.f32 [tilespmem:s26], [sflag:$0x2], $0x1, s25, s8, $0xb8;
	[tilespmem:$0x1790] =	vst v63  }
0x54: {  	_ = 	snop  }
0x55: {  	[spmem:s17] =	stream.indirect.scatter.add.f32 [tilespmem:s22], [sflag:$0x2], $0x1, s25, s8, $0xb8;
	[tilespmem:$0x1790] =	vst v63  }
0x56: {  	s28 =	simm.s32 $0x280;
	s14 =	simm.s32 $0x680  }
0x57: {  	[spmem:s16] =	stream.indirect.scatter.add.f32 [tilespmem:s14], [sflag:$0x2], $0x1, s28, s8, $0xb8;
	[tilespmem:$0x1790] =	vst v63  }
0x58: {  	_ = 	snop  }
0x59: {  	[spmem:s17] =	stream.indirect.scatter.add.f32 [tilespmem:s22], [sflag:$0x2], $0x1, s28, s8, $0xb8;
	[tilespmem:$0x1790] =	vst v63  }
0x5a: {  	s29 =	simm.s32 $0x300;
	s15 =	simm.s32 $0x700  }
0x5b: {  	[spmem:s16] =	stream.indirect.scatter.add.f32 [tilespmem:s15], [sflag:$0x2], $0x1, s29, s8, $0xb8;
	[tilespmem:$0x1790] =	vst v63  }
0x5c: {  	_ = 	snop  }
0x5d: {  	[spmem:s17] =	stream.indirect.scatter.add.f32 [tilespmem:s22], [sflag:$0x2], $0x1, s29, s8, $0xb8;
	[tilespmem:$0x1790] =	vst v63  }
0x5e: {  	s30 =	simm.s32 $0x380;
	s23 =	simm.s32 $0x780  }
0x5f: {  	[spmem:s16] =	stream.indirect.scatter.add.f32 [tilespmem:s23], [sflag:$0x2], $0x1, s30, s8, $0xb8;
	[tilespmem:$0x1790] =	vst v63  }
0x60: {  	_ = 	snop  }
0x61: {  	[spmem:s17] =	stream.indirect.scatter.add.f32 [tilespmem:s22], [sflag:$0x2], $0x1, s30, s8, $0xb8;
	[tilespmem:$0x1790] =	vst v63  }
0x62: {  	_ =	swait.ge [sflag:s7], $0x80  }
0x63: {  	[sflag:s7] =	ssyncset.done $0x0  }
0x64: {  	[sflag:s7] =	ssyncadd.s32 $0xFFFFFF80  }
0x65: {  	_ =	swait.ge [sflag:s7], $0x80  }
0x66: {  	[sflag:s7] =	ssyncset.done $0x0  }
0x67: {  	[sflag:s7] =	ssyncadd.s32 $0xFFFFFF80  }
0x68: {  	_ =	swait.ge [sflag:s7], $0x80  }
0x69: {  	[sflag:s7] =	ssyncset.done $0x0  }
0x6a: {  	[sflag:s7] =	ssyncadd.s32 $0xFFFFFF80  }
0x6b: {  	_ =	swait.ge [sflag:s7], $0x80  }
0x6c: {  	[sflag:s7] =	ssyncset.done $0x0  }
0x6d: {  	[sflag:s7] =	ssyncadd.s32 $0xFFFFFF80  }
0x6e: {  	_ =	swait.ge [sflag:s7], $0x80  }
0x6f: {  	[sflag:s7] =	ssyncset.done $0x0  }
0x70: {  	[sflag:s7] =	ssyncadd.s32 $0xFFFFFF80  }
0x71: {  	_ =	swait.ge [sflag:s7], $0x80  }
0x72: {  	[sflag:s7] =	ssyncset.done $0x0  }
0x73: {  	[sflag:s7] =	ssyncadd.s32 $0xFFFFFF80  }
0x74: {  	_ =	swait.ge [sflag:s7], $0x80  }
0x75: {  	[sflag:s7] =	ssyncset.done $0x0  }
0x76: {  	[sflag:s7] =	ssyncadd.s32 $0xFFFFFF80  }
0x77: {  	_ =	swait.ge [sflag:s7], $0x80  }
0x78: {  	[sflag:s7] =	ssyncset.done $0x0  }
0x79: {  	[sflag:s7] =	ssyncadd.s32 $0xFFFFFF80  }
0x7a: {  	_ =	swait.ge [sflag:s7], $0x80  }
0x7b: {  	[sflag:s7] =	ssyncset.done $0x0  }
0x7c: {  	[sflag:s7] =	ssyncadd.s32 $0xFFFFFF80  }
0x7d: {  	_ =	swait.ge [sflag:s7], $0x80  }
0x7e: {  	[sflag:s7] =	ssyncset.done $0x0  }
0x7f: {  	[sflag:s7] =	ssyncadd.s32 $0xFFFFFF80  }
0x80: {  	_ =	swait.ge [sflag:s7], $0x80  }
0x81: {  	[sflag:s7] =	ssyncset.done $0x0  }
0x82: {  	[sflag:s7] =	ssyncadd.s32 $0xFFFFFF80  }
0x83: {  	_ =	swait.ge [sflag:s7], $0x80  }
0x84: {  	[sflag:s7] =	ssyncset.done $0x0  }
0x85: {  	[sflag:s7] =	ssyncadd.s32 $0xFFFFFF80  }
0x86: {  	_ =	swait.ge [sflag:s7], $0x80  }
0x87: {  	[sflag:s7] =	ssyncset.done $0x0  }
0x88: {  	[sflag:s7] =	ssyncadd.s32 $0xFFFFFF80  }
0x89: {  	_ =	swait.ge [sflag:s7], $0x80  }
0x8a: {  	[sflag:s7] =	ssyncset.done $0x0  }
0x8b: {  	[sflag:s7] =	ssyncadd.s32 $0xFFFFFF80  }
0x8c: {  	_ =	swait.ge [sflag:s7], $0x80  }
0x8d: {  	[sflag:s7] =	ssyncset.done $0x0  }
0x8e: {  	[sflag:s7] =	ssyncadd.s32 $0xFFFFFF80  }
0x8f: {  	_ =	swait.ge [sflag:s7], $0x80  }
0x90: {  	[sflag:s7] =	ssyncset.done $0x0  }
0x91: {  	[sflag:s7] =	ssyncadd.s32 $0xFFFFFF80  }
0x92: {  	[bflag:$0x0] =	sbarrier.arrive $0xFFFF  }
0x93: {  	[tilespmem:s21], [sflag:$0x2] =	stream.linear.gather [spmem:s19], $0x100, $0x38;
	[tilespmem:$0x1790] =	vst v63  }
0x94: {  	s31 =	simm.s32 $0x980  }
0x95: {  	[tilespmem:s31], [sflag:$0x2] =	stream.linear.gather [spmem:s20], $0x100, $0x38;
	[tilespmem:$0x1790] =	vst v63  }
0x96: {  	_ =	swait.ge [sflag:s18], $0x100  }
0x97: {  	[sflag:s18] =	ssyncset.done $0x0  }
0x98: {  	[sflag:s18] =	ssyncadd.s32 $0xFFFFFF00  }
0x99: {  	_ =	swait.ge [sflag:s18], $0x100  }
0x9a: {  	[sflag:s18] =	ssyncset.done $0x0  }
0x9b: {  	[sflag:s18] =	ssyncadd.s32 $0xFFFFFF00  }
0x9c: {  	_ =	swait.ge [sflag:s18], $0x100  }
0x9d: {  	[sflag:s18] =	ssyncset.done $0x0  }
0x9e: {  	[sflag:s18] =	ssyncadd.s32 $0xFFFFFF00  }
0x9f: {  	_ =	swait.ge [sflag:s18], $0x1  }
0xa0: {  	[sflag:s18] =	ssyncset.done $0x0  }
0xa1: {  	[sflag:s18] =	ssyncadd.s32 $0xFFFFFFFF  }
0xa2: {  	_ =	swait.ge [sflag:s7], $0x100  }
0xa3: {  	[sflag:s7] =	ssyncset.done $0x0  }
0xa4: {  	[sflag:s7] =	ssyncadd.s32 $0xFFFFFF00  }
0xa5: {  	_ =	swait.ge [sflag:s7], $0x100  }
0xa6: {  	[sflag:s7] =	ssyncset.done $0x0  }
0xa7: {  	[sflag:s7] =	ssyncadd.s32 $0xFFFFFF00  }
0xa8: {  	v47 =	vld [tilespmem:$0x980]  }
0xa9: {  	v49 =	vld [tilespmem:$0x990]  }
0xaa: {  	v3 =	vld [tilespmem:$0xC80]  }
0xab: {  	v4 =	vld [tilespmem:$0xA80]  }
0xac: {  	v7 =	vld [tilespmem:$0xB80]  }
0xad: {  	v9 =	vld [tilespmem:$0xA90]  }
0xae: {  	v12 =	vld [tilespmem:$0xC90]  }
0xaf: {  	v53 =	vld [tilespmem:$0x9A0]  }
0xb0: {  	v14 =	vld [tilespmem:$0xB90]  }
0xb1: {  	v61 =	vld [tilespmem:$0x9B0]  }
0xb2: {  	v19 =	vld [tilespmem:$0xCA0]  }
0xb3: {  	v22 =	vld [tilespmem:$0xAA0]  }
0xb4: {  	v24 =	vld [tilespmem:$0xBA0];
	v48 =	vmax.f32 v47, $1.000000000e+00  }
0xb5: {  	v28 =	vld [tilespmem:$0x9C0];
	v6 =	vmax.f32 v49, $1.000000000e+00;
	(erf) = vrcp.f32 v48  }
0xb6: {  	v36 =	vld [tilespmem:$0xCB0];
	(erf) = vrcp.f32 v6  }
0xb7: {  	v37 =	vld [tilespmem:$0xAB0];
	v3 =	vcvt.s32.f32 v3;
	v50 =	vmul.f32 $9.950000040e-01, v4  }
0xb8: {  	v10 =	vmul.f32 $8.999999760e-01, v7;
	v0 =	vmin.f32 v47, $1.000000000e+00;
	v12 =	vcvt.s32.f32 v12  }
0xb9: {  	v55 =	vmul.f32 $9.950000040e-01, v9;
	v15 =	vmax.f32 v53, $1.000000000e+00;
	v58 =	vmul.f32 $8.999999760e-01, v14  }
0xba: {  	v2 =	vld [tilespmem:$0x880];
	v1 =	vmin.f32 v49, $1.000000000e+00;
	v25 =	vmax.f32 v61, $1.000000000e+00;
	v27 =	vcvt.s32.f32 v19  }
0xbb: {  	v8 =	vld [tilespmem:$0x890];
	v29 =	vmul.f32 $9.950000040e-01, v22;
	v31 =	vmul.f32 $8.999999760e-01, v24;
	v38 =	vmax.f32 v28, $1.000000000e+00  }
0xbc: {  	v42 =	vcvt.s32.f32 v36;
	v43 =	vmul.f32 $9.950000040e-01, v37;
	v54 =	vsub.f32 $1.000000000e+00, v0  }
0xbd: {  	v18 =	vsub.f32 $1.000000000e+00, v1;
	v3 =	vmin.f32 v3, $1.000000000e+00;
	v56 =	vmin.f32 v12, $1.000000000e+00  }
0xbe: {  	v12 =	vmin.f32 v27, $1.000000000e+00;
	v4 =	vmul.f32 v54, v4;
	v7 =	vmul.f32 v7, v54;
	v5 =	vpop (erf)  }
0xbf: {  	v6 =	vmin.f32 v53, $1.000000000e+00;
	v23 =	vmul.f32 v18, v9;
	v2 =	vmul.f32 v5, v2;
	v13 =	vpop (erf)  }
0xc0: {  	v52 =	vsub.f32 $1.000000000e+00, v3;
	(erf) = vrcp.f32 v15;
	v8 =	vmul.f32 v13, v8  }
0xc1: {  	v60 =	vsub.f32 $1.000000000e+00, v56;
	(erf) = vrcp.f32 v25;
	v51 =	vmul.f32 $4.999999890e-03, v2  }
0xc2: {  	v47 =	vld [tilespmem:$0xAC0];
	v39 =	vsub.f32 $1.000000000e+00, v6;
	v11 =	vmul.f32 $1.000000010e-01, v2;
	v2 =	vmul.f32 v52, v2  }
0xc3: {  	v49 =	vld [tilespmem:$0xBC0];
	v13 =	vmin.f32 v28, $1.000000000e+00;
	v16 =	vmul.f32 $4.999999890e-03, v8;
	v59 =	vmul.f32 $1.000000010e-01, v8  }
0xc4: {  	v8 =	vmul.f32 v60, v8;
	v5 =	vadd.f32 v51, v50;
	v10 =	vadd.f32 v11, v10  }
0xc5: {  	v27 =	vld [tilespmem:$0xBD0];
	v11 =	vmul.f32 v39, v22;
	v57 =	vadd.f32 v16, v55;
	v62 =	vadd.f32 v59, v58  }
0xc6: {  	v16 =	vmin.f32 v61, $1.000000000e+00;
	v61 =	vsub.f32 $1.000000000e+00, v13;
	v5 =	vmul.f32 v5, v3  }
0xc7: {  	v63 =	vld [tilespmem:$0x8A0];
	v55 =	vmul.f32 $9.950000040e-01, v47;
	v10 =	vmul.f32 v10, v3;
	v51 =	vsub.f32 $1.000000000e+00, v16  }
0xc8: {  	v21 =	vmul.f32 v62, v56;
	v15 =	vmul.f32 v49, v61;
	v5 =	vadd.f32 v2, v5  }
0xc9: {  	v2 =	vadd.f32 v2, v10;
	v10 =	vmul.f32 v57, v56;
	v54 =	vmul.f32 v51, v37  }
0xca: {  	v37 =	vmul.f32 $8.999999760e-01, v27;
	v26 =	vpop (erf);
	(erf) = vrcp.f32 v38  }
0xcb: {  	v5 =	vmul.f32 v5, v0;
	v2 =	vmul.f32 v2, v0;
	v20 =	vadd.f32 v8, v10  }
0xcc: {  	v34 =	vld [tilespmem:$0x8B0];
	v0 =	vmul.f32 v3, v0;
	v8 =	vadd.f32 v8, v21;
	v10 =	vmul.f32 v26, v63  }
0xcd: {  	v50 =	vld [tilespmem:$0x9D0];
	v2 =	vadd.f32 v2, v7;
	v3 =	vmul.f32 v20, v1;
	v7 =	vmul.f32 v14, v18  }
0xce: {  	v33 =	vsub.f32 $1.000000000e+00, v12;
	v21 =	vld [tilespmem:$0xCC0];
	v8 =	vmul.f32 v8, v1;
	v30 =	vmul.f32 $4.999999890e-03, v10  }
0xcf: {  	v26 =	vld [tilespmem:$0xAD0];
	v4 =	vadd.f32 v5, v4;
	v17 =	vmul.f32 $1.000000010e-01, v10;
	v1 =	vmul.f32 v56, v1  }
0xd0: {  	v14 =	vmin.f32 v42, $1.000000000e+00;
	v5 =	vmul.f32 v24, v39;
	v56 =	vmul.f32 $8.999999760e-01, v49  }
0xd1: {  	v28 =	vmul.f32 v14, v16;
	v2 =	vsub.f32 v4, v2;
	v3 =	vadd.f32 v3, v23  }
0xd2: {  	v41 =	vpop (erf);
	v18 =	vld [tilespmem:$0xBB0];
	v7 =	vadd.f32 v8, v7;
	v35 =	vadd.f32 v17, v31;
	v4 =	vmul.f32 v33, v10  }
0xd3: {  	v24 =	vld [tilespmem:$0x9E0];
	v8 =	vmul.f32 v41, v34;
	v23 =	vmax.f32 v50, $1.000000000e+00;
	v53 =	vcvt.s32.f32 v21  }
0xd4: {  	v32 =	vadd.f32 v30, v29;
	(erf) = vrcp.f32 v23;
	v34 =	vmul.f32 $9.950000040e-01, v26  }
0xd5: {  	v2 =	vmax.f32 v2, $0.0e+00;
	v40 =	vmul.f32 v35, v12;
	v44 =	vmul.f32 $4.999999890e-03, v8  }
0xd6: {  	v45 =	vld [tilespmem:$0x8C0];
	v3 =	vsub.f32 v3, v7;
	v20 =	vmul.f32 $1.000000010e-01, v8;
	v0 =	vmul.f32 v2, v0  }
0xd7: {  	v46 =	vsub.f32 $1.000000000e+00, v14;
	v2 =	vmul.f32 v32, v12;
	v19 =	vmul.f32 $8.999999760e-01, v18  }
0xd8: {  	v18 =	vmul.f32 v18, v51;
	v63 =	vmax.f32 v24, $1.000000000e+00;
	v3 =	vmax.f32 v3, $0.0e+00  }
0xd9: {  	v7 =	vadd.f32 v44, v43;
	v52 =	vpop (erf);
	(erf) = vrcp.f32 v63;
	v2 =	vadd.f32 v4, v2  }
0xda: {  	v4 =	vadd.f32 v4, v40;
	v1 =	vmul.f32 v3, v1;
	v48 =	vadd.f32 v20, v19  }
0xdb: {  	v32 =	vld [tilespmem:$0xAE0];
	v3 =	vmul.f32 v46, v8;
	v17 =	vmul.f32 v52, v45;
	v8 =	vmin.f32 v50, $1.000000000e+00  }
0xdc: {  	v25 =	vld [tilespmem:$0xCD0];
	v50 =	vmin.f32 v24, $1.000000000e+00;
	v7 =	vmul.f32 v7, v14;
	v2 =	vmul.f32 v2, v6  }
0xdd: {  	v43 =	vsub.f32 $1.000000000e+00, v8;
	v4 =	vmul.f32 v4, v6;
	v9 =	vmul.f32 v48, v14  }
0xde: {  	v49 =	vld [tilespmem:$0xAF0];
	v52 =	vsub.f32 $1.000000000e+00, v50;
	v20 =	vmul.f32 $4.999999890e-03, v17;
	v22 =	vmul.f32 $1.000000010e-01, v17  }
0xdf: {  	v40 =	vld [tilespmem:$0xBE0];
	v6 =	vmul.f32 v12, v6;
	v7 =	vadd.f32 v3, v7;
	v2 =	vadd.f32 v2, v11  }
0xe0: {  	v41 =	vmul.f32 $9.950000040e-01, v32;
	v4 =	vadd.f32 v4, v5;
	v3 =	vadd.f32 v3, v9  }
0xe1: {  	v5 =	vmin.f32 v53, $1.000000000e+00;
	v11 =	vmul.f32 v61, v47;
	v9 =	vcvt.s32.f32 v25  }
0xe2: {  	v30 =	vld [tilespmem:$0x8E0];
	v10 =	vadd.f32 v20, v55;
	v47 =	vmul.f32 v43, v26;
	v55 =	vmul.f32 v52, v32  }
0xe3: {  	v63 =	vld [tilespmem:$0xA10];
	v58 =	vadd.f32 v22, v56;
	v61 =	vmul.f32 $9.950000040e-01, v49;
	v7 =	vmul.f32 v7, v16  }
0xe4: {  	v51 =	vld [tilespmem:$0xCF0];
	v57 =	vsub.f32 $1.000000000e+00, v5;
	v44 =	vmul.f32 $8.999999760e-01, v40;
	v10 =	vmul.f32 v10, v5  }
0xe5: {  	v2 =	vsub.f32 v2, v4;
	v3 =	vmul.f32 v3, v16;
	v60 =	vmul.f32 v58, v5  }
0xe6: {  	v9 =	vmin.f32 v9, $1.000000000e+00;
	v5 =	vmul.f32 v5, v13;
	v59 =	vmul.f32 v57, v17  }
0xe7: {  	v62 =	vld [tilespmem:$0x8D0];
	v29 =	vpop (erf);
	v58 =	vmul.f32 v40, v52;
	v7 =	vadd.f32 v7, v54;
	v36 =	vsub.f32 $1.000000000e+00, v9  }
0xe8: {  	v33 =	vld [tilespmem:$0xCE0];
	v17 =	vmin.f32 v63, $1.000000000e+00;
	v3 =	vadd.f32 v3, v18;
	v39 =	vpop (erf);
	v10 =	vadd.f32 v59, v10  }
0xe9: {  	v24 =	vld [tilespmem:$0xA00];
	v4 =	vadd.f32 v59, v60;
	v14 =	vmul.f32 v39, v30;
	v60 =	vcvt.s32.f32 v51  }
0xea: {  	v57 =	vld [tilespmem:$0xBF0];
	v3 =	vsub.f32 v7, v3;
	v7 =	vmul.f32 v27, v43;
	v10 =	vmul.f32 v10, v13  }
0xeb: {  	v2 =	vmax.f32 v2, $0.0e+00;
	v4 =	vmul.f32 v4, v13;
	v19 =	vmul.f32 $4.999999890e-03, v14  }
0xec: {  	v45 =	vmul.f32 $1.000000010e-01, v14;
	v31 =	vmax.f32 v3, $0.0e+00;
	v3 =	vmul.f32 v2, v6  }
0xed: {  	v6 =	vcvt.s32.f32 v33;
	v10 =	vadd.f32 v10, v11;
	v4 =	vadd.f32 v4, v15  }
0xee: {  	v11 =	vmul.f32 v29, v62;
	v2 =	vmul.f32 v31, v28;
	v18 =	vadd.f32 v19, v41  }
0xef: {  	v15 =	vld [tilespmem:$0x9F0];
	v19 =	vadd.f32 v45, v44;
	v62 =	vmax.f32 v24, $1.000000000e+00;
	v28 =	vmul.f32 $8.999999760e-01, v57  }
0xf0: {  	v6 =	vmin.f32 v6, $1.000000000e+00;
	v35 =	vmul.f32 $4.999999890e-03, v11;
	v38 =	vmul.f32 $1.000000010e-01, v11  }
0xf1: {  	v4 =	vsub.f32 v10, v4;
	v11 =	vmul.f32 v36, v11;
	v18 =	vmul.f32 v18, v6  }
0xf2: {  	v46 =	vsub.f32 $1.000000000e+00, v6;
	v19 =	vmul.f32 v19, v6;
	v31 =	vmul.f32 v6, v50;
	v36 =	vld [tilespmem:$0xD00]  }
0xf3: {  	v4 =	vmax.f32 v4, $0.0e+00;
	v10 =	vadd.f32 v35, v34;
	v12 =	vadd.f32 v38, v37  }
0xf4: {  	v14 =	vmul.f32 v46, v14;
	v35 =	vmax.f32 v63, $1.000000000e+00;
	v42 =	vmax.f32 v15, $1.000000000e+00  }
0xf5: {  	v4 =	vmul.f32 v4, v5;
	v15 =	vmin.f32 v15, $1.000000000e+00;
	v10 =	vmul.f32 v10, v9  }
0xf6: {  	v44 =	vld [tilespmem:$0xB10];
	v12 =	vmul.f32 v12, v9;
	(erf) = vrcp.f32 v42;
	v18 =	vadd.f32 v14, v18  }
0xf7: {  	v38 =	vsub.f32 $1.000000000e+00, v15;
	(erf) = vrcp.f32 v62;
	v16 =	vcvt.s32.f32 v36  }
0xf8: {  	v40 =	vld [tilespmem:$0xC00];
	v10 =	vadd.f32 v11, v10;
	v11 =	vadd.f32 v11, v12;
	v56 =	vmul.f32 v18, v50  }
0xf9: {  	v45 =	vld [tilespmem:$0xD10];
	v54 =	vadd.f32 v14, v19;
	v41 =	vmul.f32 v38, v49;
	v14 =	vmul.f32 v57, v38  }
0xfa: {  	v48 =	vld [tilespmem:$0x8F0];
	v12 =	vmin.f32 v60, $1.000000000e+00;
	v10 =	vmul.f32 v10, v8;
	v11 =	vmul.f32 v11, v8  }
0xfb: {  	v39 =	vld [tilespmem:$0xB00];
	v57 =	vmul.f32 $9.950000040e-01, v44;
	v30 =	vsub.f32 $1.000000000e+00, v12;
	v46 =	vmul.f32 v12, v15  }
0xfc: {  	v34 =	vld [tilespmem:$0x900];
	v8 =	vmul.f32 v9, v8;
	v53 =	vadd.f32 v10, v47;
	v7 =	vadd.f32 v11, v7  }
0xfd: {  	v11 =	vadd.f32 v56, v55;
	v10 =	vmul.f32 v54, v50;
	v50 =	vmul.f32 $8.999999760e-01, v40;
	v55 =	vld [tilespmem:$0xC10]  }
0xfe: {  	v56 =	vcvt.s32.f32 v45;
	v5 =	vsub.f32 v53, v7;
	v53 =	vmin.f32 v24, $1.000000000e+00  }
0xff: {  	v7 =	vadd.f32 v10, v58;
	v59 =	vpop (erf);
	(erf) = vrcp.f32 v35;
	v24 =	vsub.f32 $1.000000000e+00, v53  }
0x100: {  	v9 =	vmul.f32 v59, v48;
	v5 =	vmax.f32 v5, $0.0e+00;
	v43 =	vpop (erf);
	v48 =	vmul.f32 $9.950000040e-01, v39  }
0x101: {  	v32 =	vsub.f32 v11, v7;
	v6 =	vmul.f32 v5, v8;
	v11 =	vmul.f32 v43, v34  }
0x102: {  	v63 =	vld [tilespmem:$0xD20];
	v47 =	vmin.f32 v16, $1.000000000e+00;
	v20 =	vmul.f32 v24, v39;
	v26 =	vmul.f32 $8.999999760e-01, v55  }
0x103: {  	v52 =	vsub.f32 $1.000000000e+00, v47;
	v8 =	vmul.f32 v40, v24;
	v27 =	vmul.f32 $4.999999890e-03, v9  }
0x104: {  	v42 =	vld [tilespmem:$0x910];
	v29 =	vmul.f32 $1.000000010e-01, v9;
	v9 =	vmul.f32 v30, v9;
	v37 =	vmax.f32 v32, $0.0e+00  }
0x105: {  	v16 =	vmin.f32 v56, $1.000000000e+00;
	v43 =	vld [tilespmem:$0xD30];
	v5 =	vmul.f32 v37, v31;
	v49 =	vmul.f32 $4.999999890e-03, v11  }
0x106: {  	v60 =	vld [tilespmem:$0xA30];
	v51 =	vmul.f32 $1.000000010e-01, v11;
	v10 =	vadd.f32 v27, v61;
	v33 =	vadd.f32 v29, v28  }
0x107: {  	v32 =	vsub.f32 $1.000000000e+00, v17;
	v11 =	vmul.f32 v52, v11;
	v37 =	vcvt.s32.f32 v63  }
0x108: {  	v59 =	vsub.f32 $1.000000000e+00, v16;
	v10 =	vmul.f32 v10, v12;
	v7 =	vmul.f32 v33, v12;
	v12 =	vld [tilespmem:$0xA20]  }
0x109: {  	v19 =	vmul.f32 v32, v44;
	v36 =	vmul.f32 v55, v32;
	v21 =	vadd.f32 v51, v50;
	v33 =	vld [tilespmem:$0xB20]  }
0x10a: {  	v50 =	vcvt.s32.f32 v43;
	v10 =	vadd.f32 v9, v10;
	v7 =	vadd.f32 v9, v7;
	v54 =	vpop (erf)  }
0x10b: {  	v34 =	vld [tilespmem:$0xC20];
	v28 =	vmax.f32 v60, $1.000000000e+00;
	v21 =	vmul.f32 v21, v47;
	v13 =	vmul.f32 v54, v42  }
0x10c: {  	v10 =	vmul.f32 v10, v15;
	v7 =	vmul.f32 v7, v15;
	v15 =	vadd.f32 v49, v48  }
0x10d: {  	v58 =	vmax.f32 v12, $1.000000000e+00;
	v25 =	vmul.f32 $4.999999890e-03, v13;
	v27 =	vmul.f32 $1.000000010e-01, v13  }
0x10e: {  	v13 =	vmul.f32 v59, v13;
	v38 =	vmul.f32 $9.950000040e-01, v33;
	v12 =	vmin.f32 v12, $1.000000000e+00  }
0x10f: {  	v48 =	vld [tilespmem:$0xC30];
	v9 =	vadd.f32 v10, v41;
	v7 =	vadd.f32 v7, v14;
	(erf) = vrcp.f32 v58  }
0x110: {  	v15 =	vmul.f32 v15, v47;
	v41 =	vmul.f32 $8.999999760e-01, v34;
	v52 =	vsub.f32 $1.000000000e+00, v12  }
0x111: {  	v18 =	vadd.f32 v25, v57;
	v61 =	vadd.f32 v27, v26;
	(erf) = vrcp.f32 v28  }
0x112: {  	v25 =	vmin.f32 v60, $1.000000000e+00;
	v7 =	vsub.f32 v9, v7;
	v9 =	vmul.f32 v47, v53  }
0x113: {  	v15 =	vadd.f32 v11, v15;
	v27 =	vmul.f32 v52, v33;
	v18 =	vmul.f32 v18, v16  }
0x114: {  	v11 =	vadd.f32 v11, v21;
	v21 =	vmul.f32 v61, v16;
	v56 =	vmul.f32 $8.999999760e-01, v48  }
0x115: {  	v61 =	vsub.f32 $1.000000000e+00, v25;
	v16 =	vmul.f32 v16, v17;
	v15 =	vmul.f32 v15, v53  }
0x116: {  	v62 =	vld [tilespmem:$0x920];
	v11 =	vmul.f32 v11, v53;
	v7 =	vmax.f32 v7, $0.0e+00;
	v18 =	vadd.f32 v13, v18  }
0x117: {  	v13 =	vadd.f32 v13, v21;
	v7 =	vmul.f32 v7, v46;
	v46 =	vld [tilespmem:$0xB30];
	v33 =	vmul.f32 v48, v61  }
0x118: {  	v40 =	vld [tilespmem:$0x930];
	v15 =	vadd.f32 v15, v20;
	v8 =	vadd.f32 v11, v8;
	v18 =	vmul.f32 v18, v17  }
0x119: {  	v53 =	vmin.f32 v50, $1.000000000e+00;
	v11 =	vmul.f32 v34, v52;
	v13 =	vmul.f32 v13, v17  }
0x11a: {  	v59 =	vld [tilespmem:$0xA50];
	v8 =	vsub.f32 v15, v8;
	v15 =	vmin.f32 v37, $1.000000000e+00;
	v35 =	vpop (erf);
	v18 =	vadd.f32 v18, v19  }
0x11b: {  	v45 =	vsub.f32 $1.000000000e+00, v15;
	v13 =	vadd.f32 v13, v36;
	v20 =	vmul.f32 v35, v62  }
0x11c: {  	v30 =	vld [tilespmem:$0xD40];
	v8 =	vmax.f32 v8, $0.0e+00;
	v49 =	vpop (erf);
	v54 =	vmul.f32 $9.950000040e-01, v46;
	v22 =	vmul.f32 v61, v46  }
0x11d: {  	v34 =	vld [tilespmem:$0xB40];
	v13 =	vsub.f32 v18, v13;
	v18 =	vmul.f32 v49, v40;
	v8 =	vmul.f32 v8, v9  }
0x11e: {  	v58 =	vsub.f32 $1.000000000e+00, v53;
	v46 =	vld [tilespmem:$0xC50];
	v39 =	vmul.f32 $4.999999890e-03, v20;
	v42 =	vmul.f32 $1.000000010e-01, v20  }
0x11f: {  	v31 =	vmax.f32 v59, $1.000000000e+00;
	v35 =	vld [tilespmem:$0xC40];
	v19 =	vmul.f32 v45, v20;
	v55 =	vmul.f32 $4.999999890e-03, v18  }
0x120: {  	v20 =	vld [tilespmem:$0xA40];
	v57 =	vmul.f32 $1.000000010e-01, v18;
	v18 =	vmul.f32 v58, v18;
	v13 =	vmax.f32 v13, $0.0e+00  }
0x121: {  	v44 =	vadd.f32 v39, v38;
	v47 =	vadd.f32 v42, v41;
	v38 =	vcvt.s32.f32 v30  }
0x122: {  	v13 =	vmul.f32 v13, v16;
	v41 =	vmul.f32 $9.950000040e-01, v34;
	v23 =	vadd.f32 v55, v54  }
0x123: {  	v26 =	vadd.f32 v57, v56;
	v52 =	vmul.f32 $8.999999760e-01, v46;
	v10 =	vmul.f32 v44, v15  }
0x124: {  	v28 =	vmin.f32 v59, $1.000000000e+00;
	v39 =	vld [tilespmem:$0xB50];
	v14 =	vmul.f32 v47, v15;
	v44 =	vmul.f32 $8.999999760e-01, v35  }
0x125: {  	v29 =	vmax.f32 v20, $1.000000000e+00;
	v23 =	vmul.f32 v23, v53;
	v60 =	vmul.f32 v26, v53  }
0x126: {  	v63 =	vld [tilespmem:$0x940];
	v20 =	vmin.f32 v20, $1.000000000e+00;
	v10 =	vadd.f32 v19, v10;
	v51 =	vadd.f32 v19, v14  }
0x127: {  	v57 =	vld [tilespmem:$0xD60];
	(erf) = vrcp.f32 v29;
	v19 =	vmul.f32 v53, v25;
	v55 =	vsub.f32 $1.000000000e+00, v20  }
0x128: {  	v48 =	vld [tilespmem:$0xA70];
	v62 =	vadd.f32 v18, v23;
	v10 =	vmul.f32 v10, v12;
	v9 =	vmul.f32 v51, v12  }
0x129: {  	v18 =	vadd.f32 v18, v60;
	(erf) = vrcp.f32 v31;
	v23 =	vld [tilespmem:$0xA60];
	v49 =	vmul.f32 $9.950000040e-01, v39  }
0x12a: {  	v60 =	vld [tilespmem:$0xD70];
	v12 =	vmul.f32 v15, v12;
	v10 =	vadd.f32 v10, v27;
	v9 =	vadd.f32 v9, v11  }
0x12b: {  	v40 =	vld [tilespmem:$0xD50];
	v58 =	vsub.f32 $1.000000000e+00, v28;
	v32 =	vmul.f32 v62, v25;
	v18 =	vmul.f32 v18, v25  }
0x12c: {  	v61 =	vld [tilespmem:$0xC60];
	v21 =	vmul.f32 v55, v34;
	v62 =	vcvt.s32.f32 v57;
	v9 =	vsub.f32 v10, v9  }
0x12d: {  	v37 =	vld [tilespmem:$0x950];
	v11 =	vadd.f32 v32, v22;
	v14 =	vadd.f32 v18, v33;
	v22 =	vmul.f32 v58, v39  }
0x12e: {  	v33 =	vld [tilespmem:$0xC70];
	v50 =	vmax.f32 v23, $1.000000000e+00;
	v10 =	vmul.f32 v35, v55;
	v9 =	vmax.f32 v9, $0.0e+00  }
0x12f: {  	v31 =	vld [tilespmem:$0xB60];
	v39 =	vcvt.s32.f32 v60;
	v11 =	vsub.f32 v11, v14;
	v9 =	vmul.f32 v9, v12  }
0x130: {  	v30 =	vmax.f32 v48, $1.000000000e+00;
	v36 =	vpop (erf);
	v12 =	vcvt.s32.f32 v40;
	(erf) = vrcp.f32 v50  }
0x131: {  	v11 =	vmax.f32 v11, $0.0e+00;
	v40 =	vmul.f32 $8.999999760e-01, v61;
	v15 =	vmul.f32 v36, v63  }
0x132: {  	v14 =	vmin.f32 v38, $1.000000000e+00;
	v11 =	vmul.f32 v11, v19;
	v47 =	vpop (erf);
	(erf) = vrcp.f32 v30  }
0x133: {  	v43 =	vsub.f32 $1.000000000e+00, v14;
	v19 =	vmul.f32 v46, v58;
	v36 =	vmul.f32 $8.999999760e-01, v33  }
0x134: {  	v46 =	vmin.f32 v23, $1.000000000e+00;
	v17 =	vmul.f32 v47, v37;
	v37 =	vmul.f32 $9.950000040e-01, v31  }
0x135: {  	v12 =	vmin.f32 v12, $1.000000000e+00;
	v42 =	vmul.f32 $4.999999890e-03, v15;
	v45 =	vmul.f32 $1.000000010e-01, v15  }
0x136: {  	v56 =	vld [tilespmem:$0x960];
	v47 =	vsub.f32 $1.000000000e+00, v46;
	v15 =	vmul.f32 v43, v15;
	v51 =	vmul.f32 $4.999999890e-03, v17  }
0x137: {  	v63 =	vld [tilespmem:$0xB70];
	v53 =	vmul.f32 $1.000000010e-01, v17;
	v16 =	vadd.f32 v42, v41;
	v18 =	vadd.f32 v45, v44  }
0x138: {  	[tilespmem:$0xD90] =	vst v1;
	v54 =	vsub.f32 $1.000000000e+00, v12;
	v1 =	vmul.f32 v61, v47;
	v25 =	vadd.f32 v51, v49  }
0x139: {  	v59 =	vld [tilespmem:$0x970];
	v26 =	vadd.f32 v53, v52;
	v16 =	vmul.f32 v16, v14;
	v18 =	vmul.f32 v18, v14  }
0x13a: {  	v17 =	vmul.f32 v54, v17;
	v25 =	vmul.f32 v25, v12  }
0x13b: {  	v26 =	vmul.f32 v26, v12;
	v16 =	vadd.f32 v15, v16;
	v15 =	vadd.f32 v15, v18;
	v32 =	vpop (erf)  }
0x13c: {  	v34 =	vmul.f32 $9.950000040e-01, v63;
	v25 =	vadd.f32 v17, v25;
	v27 =	vmul.f32 v32, v56  }
0x13d: {  	v17 =	vadd.f32 v17, v26;
	v38 =	vpop (erf);
	v16 =	vmul.f32 v16, v20;
	v15 =	vmul.f32 v15, v20  }
0x13e: {  	v18 =	vmul.f32 v38, v59;
	v25 =	vmul.f32 v25, v28  }
0x13f: {  	v48 =	vmin.f32 v48, $1.000000000e+00;
	v17 =	vmul.f32 v17, v28;
	v32 =	vmul.f32 $4.999999890e-03, v27  }
0x140: {  	v41 =	vmul.f32 $1.000000010e-01, v27;
	v16 =	vadd.f32 v16, v21;
	v10 =	vadd.f32 v15, v10  }
0x141: {  	v35 =	vmul.f32 $4.999999890e-03, v18;
	v22 =	vadd.f32 v25, v22;
	v17 =	vadd.f32 v17, v19  }
0x142: {  	v19 =	vmin.f32 v62, $1.000000000e+00;
	v15 =	vadd.f32 v32, v37;
	v25 =	vmin.f32 v39, $1.000000000e+00  }
0x143: {  	v37 =	vmul.f32 $1.000000010e-01, v18;
	v21 =	vadd.f32 v41, v40;
	v42 =	vsub.f32 $1.000000000e+00, v19  }
0x144: {  	v53 =	vmul.f32 v47, v31;
	v38 =	vsub.f32 $1.000000000e+00, v25;
	v44 =	vadd.f32 v35, v34  }
0x145: {  	v15 =	vmul.f32 v15, v19;
	v45 =	vadd.f32 v37, v36;
	v21 =	vmul.f32 v21, v19  }
0x146: {  	[tilespmem:$0xD80] =	vst v0;
	v52 =	vsub.f32 $1.000000000e+00, v48;
	v43 =	vmul.f32 v42, v27;
	v18 =	vmul.f32 v38, v18  }
0x147: {  	[tilespmem:$0xDA0] =	vst v3;
	v49 =	vmul.f32 v44, v25;
	v51 =	vmul.f32 v45, v25  }
0x148: {  	[tilespmem:$0xDB0] =	vst v2;
	v55 =	vmul.f32 v52, v63;
	v15 =	vadd.f32 v43, v15;
	v50 =	vadd.f32 v43, v21  }
0x149: {  	[tilespmem:$0xDC0] =	vst v4;
	v56 =	vmul.f32 v33, v52;
	v24 =	vadd.f32 v18, v49;
	v54 =	vadd.f32 v18, v51  }
0x14a: {  	[tilespmem:$0xDD0] =	vst v6;
	v57 =	vsub.f32 v16, v10;
	v58 =	vmul.f32 v15, v46;
	v3 =	vmul.f32 v50, v46  }
0x14b: {  	[tilespmem:$0xDE0] =	vst v5;
	v59 =	vsub.f32 v22, v17;
	v60 =	vmul.f32 v24, v48;
	v4 =	vmul.f32 v54, v48  }
0x14c: {  	[tilespmem:$0xDF0] =	vst v7;
	v61 =	vmul.f32 v14, v20;
	v2 =	vadd.f32 v58, v53;
	v1 =	vadd.f32 v3, v1  }
0x14d: {  	[tilespmem:$0xE00] =	vst v8;
	v63 =	vmul.f32 v12, v28;
	v62 =	vadd.f32 v60, v55;
	v4 =	vadd.f32 v4, v56  }
0x14e: {  	[tilespmem:$0xE10] =	vst v13;
	v0 =	vmul.f32 v19, v46;
	v6 =	vmax.f32 v57, $0.0e+00;
	v1 =	vsub.f32 v2, v1  }
0x14f: {  	[tilespmem:$0xE20] =	vst v9;
	v6 =	vmul.f32 v6, v61;
	v12 =	vmax.f32 v59, $0.0e+00;
	v10 =	vsub.f32 v62, v4  }
0x150: {  	[tilespmem:$0xE30] =	vst v11;
	v13 =	vmul.f32 v25, v48;
	v3 =	vmul.f32 v12, v63;
	v1 =	vmax.f32 v1, $0.0e+00  }
0x151: {  	[tilespmem:$0xE40] =	vst v6;
	v0 =	vmul.f32 v1, v0;
	v14 =	vmax.f32 v10, $0.0e+00  }
0x152: {  	[tilespmem:$0xE50] =	vst v3;
	v1 =	vmul.f32 v14, v13  }
0x153: {  	[tilespmem:$0xE60] =	vst v0  }
0x154: {  	s9 =	sadd.s32 s9, s6;
	s17 =	simm.s32 $0xD80;
	[tilespmem:$0xE70] =	vst v1  }
0x155: {  	[spmem:s9] =	stream.linear.scatter [tilespmem:s17], [sflag:$0x3], $0x100, $0x38;
	[tilespmem:$0x1790] =	vst v63  }
0x156: {  	s9 =	simm.s32 $0x3  }
0x157: {  	_ =	swait.ge [sflag:s9], $0x100  }
0x158: {  	[sflag:s9] =	ssyncset.done $0x0  }
0x159: {  	[sflag:s9] =	ssyncadd.s32 $0xFFFFFF00  }
0x15a: {  	s18 =	simm.s32 $0xE80;
	[bflag:$0x0] =	sbarrier.arrive $0xFFFF  }
0x15b: {  	[tilespmem:s18], [sflag:$0x2] =	stream.indirect.gather [spmem:s6], $0x1, s3, s8, $0xb8;
	[tilespmem:$0x1790] =	vst v63  }
0x15c: {  	s19 =	simm.s32 $0xF00  }
0x15d: {  	[tilespmem:s19], [sflag:$0x2] =	stream.indirect.gather [spmem:s6], $0x1, s8, s8, $0xb8;
	[tilespmem:$0x1790] =	vst v63  }
0x15e: {  	s20 =	simm.s32 $0xF80  }
0x15f: {  	[tilespmem:s20], [sflag:$0x2] =	stream.indirect.gather [spmem:s6], $0x1, s10, s8, $0xb8;
	[tilespmem:$0x1790] =	vst v63  }
0x160: {  	s21 =	simm.s32 $0x1000  }
0x161: {  	[tilespmem:s21], [sflag:$0x2] =	stream.indirect.gather [spmem:s6], $0x1, s11, s8, $0xb8;
	[tilespmem:$0x1790] =	vst v63  }
0x162: {  	s22 =	simm.s32 $0x1080  }
0x163: {  	[tilespmem:s22], [sflag:$0x2] =	stream.indirect.gather [spmem:s6], $0x1, s25, s8, $0xb8;
	[tilespmem:$0x1790] =	vst v63  }
0x164: {  	s23 =	simm.s32 $0x1100  }
0x165: {  	[tilespmem:s23], [sflag:$0x2] =	stream.indirect.gather [spmem:s6], $0x1, s28, s8, $0xb8;
	[tilespmem:$0x1790] =	vst v63  }
0x166: {  	s24 =	simm.s32 $0x1180  }
0x167: {  	[tilespmem:s24], [sflag:$0x2] =	stream.indirect.gather [spmem:s6], $0x1, s29, s8, $0xb8;
	[tilespmem:$0x1790] =	vst v63  }
0x168: {  	s25 =	simm.s32 $0x1200  }
0x169: {  	[tilespmem:s25], [sflag:$0x2] =	stream.indirect.gather [spmem:s6], $0x1, s30, s8, $0xb8;
	[tilespmem:$0x1790] =	vst v63  }
0x16a: {  	_ =	swait.ge [sflag:s7], $0x80  }
0x16b: {  	[sflag:s7] =	ssyncset.done $0x0  }
0x16c: {  	[sflag:s7] =	ssyncadd.s32 $0xFFFFFF80  }
0x16d: {  	_ =	swait.ge [sflag:s7], $0x80  }
0x16e: {  	[sflag:s7] =	ssyncset.done $0x0  }
0x16f: {  	[sflag:s7] =	ssyncadd.s32 $0xFFFFFF80  }
0x170: {  	_ =	swait.ge [sflag:s7], $0x80  }
0x171: {  	[sflag:s7] =	ssyncset.done $0x0  }
0x172: {  	[sflag:s7] =	ssyncadd.s32 $0xFFFFFF80  }
0x173: {  	_ =	swait.ge [sflag:s7], $0x80  }
0x174: {  	[sflag:s7] =	ssyncset.done $0x0  }
0x175: {  	[sflag:s7] =	ssyncadd.s32 $0xFFFFFF80  }
0x176: {  	_ =	swait.ge [sflag:s7], $0x80  }
0x177: {  	[sflag:s7] =	ssyncset.done $0x0  }
0x178: {  	[sflag:s7] =	ssyncadd.s32 $0xFFFFFF80  }
0x179: {  	_ =	swait.ge [sflag:s7], $0x80  }
0x17a: {  	[sflag:s7] =	ssyncset.done $0x0  }
0x17b: {  	[sflag:s7] =	ssyncadd.s32 $0xFFFFFF80  }
0x17c: {  	_ =	swait.ge [sflag:s7], $0x80  }
0x17d: {  	[sflag:s7] =	ssyncset.done $0x0  }
0x17e: {  	[sflag:s7] =	ssyncadd.s32 $0xFFFFFF80  }
0x17f: {  	_ =	swait.ge [sflag:s7], $0x80  }
0x180: {  	[sflag:s7] =	ssyncset.done $0x0  }
0x181: {  	[sflag:s7] =	ssyncadd.s32 $0xFFFFFF80  }
0x182: {  	v15 =	vld [tilespmem:$0xE80]  }
0x183: {  	v16 =	vld [tilespmem:$0xE90];
	_ =	sdelay $0x1  }
0x184: {  	v17 =	vld [tilespmem:$0xEA0];
	_ =	sdelay $0x1  }
0x185: {  	v18 =	vld [tilespmem:$0xEB0]  }
0x186: {  	v0 =	vmul.f32 v15, v15;
	v1 =	vmul.f32 v16, v16  }
0x187: {  	v19 =	vld [tilespmem:$0xEC0]  }
0x188: {  	v20 =	vmul.f32 v17, v17;
	v0 =	vadd.f32 v1, v0  }
0x189: {  	v21 =	vld [tilespmem:$0xED0]  }
0x18a: {  	v22 =	vmul.f32 v18, v18;
	v0 =	vadd.f32 v20, v0  }
0x18b: {  	v23 =	vld [tilespmem:$0xEE0]  }
0x18c: {  	v24 =	vmul.f32 v19, v19;
	v0 =	vadd.f32 v22, v0  }
0x18d: {  	v25 =	vld [tilespmem:$0xEF0]  }
0x18e: {  	v26 =	vmul.f32 v21, v21;
	v0 =	vadd.f32 v24, v0  }
0x18f: {  	v27 =	vld [tilespmem:$0xF00]  }
0x190: {  	v28 =	vmul.f32 v23, v23;
	v0 =	vadd.f32 v26, v0  }
0x191: {  	v29 =	vld [tilespmem:$0xF10]  }
0x192: {  	v30 =	vmul.f32 v25, v25;
	v0 =	vadd.f32 v28, v0  }
0x193: {  	v31 =	vld [tilespmem:$0xF20]  }
0x194: {  	v32 =	vmul.f32 v27, v27;
	v0 =	vadd.f32 v30, v0  }
0x195: {  	v33 =	vld [tilespmem:$0xF30]  }
0x196: {  	v34 =	vmul.f32 v29, v29;
	v0 =	vadd.f32 v32, v0  }
0x197: {  	v35 =	vld [tilespmem:$0xF40]  }
0x198: {  	v36 =	vmul.f32 v31, v31;
	v0 =	vadd.f32 v34, v0  }
0x199: {  	v37 =	vld [tilespmem:$0xF50]  }
0x19a: {  	v38 =	vmul.f32 v33, v33;
	v0 =	vadd.f32 v36, v0  }
0x19b: {  	v39 =	vld [tilespmem:$0xF60]  }
0x19c: {  	v40 =	vmul.f32 v35, v35;
	v0 =	vadd.f32 v38, v0  }
0x19d: {  	v41 =	vld [tilespmem:$0xF70]  }
0x19e: {  	v42 =	vmul.f32 v37, v37;
	v0 =	vadd.f32 v40, v0  }
0x19f: {  	v43 =	vld [tilespmem:$0xF80]  }
0x1a0: {  	v44 =	vmul.f32 v39, v39;
	v0 =	vadd.f32 v42, v0  }
0x1a1: {  	v45 =	vld [tilespmem:$0xF90]  }
0x1a2: {  	v46 =	vmul.f32 v41, v41;
	v0 =	vadd.f32 v44, v0  }
0x1a3: {  	v47 =	vld [tilespmem:$0xFA0]  }
0x1a4: {  	v48 =	vmul.f32 v43, v43;
	v0 =	vadd.f32 v46, v0  }
0x1a5: {  	v49 =	vld [tilespmem:$0xFB0]  }
0x1a6: {  	v50 =	vmul.f32 v45, v45;
	v0 =	vadd.f32 v48, v0  }
0x1a7: {  	v51 =	vld [tilespmem:$0xFC0]  }
0x1a8: {  	v52 =	vmul.f32 v47, v47;
	v0 =	vadd.f32 v50, v0  }
0x1a9: {  	v53 =	vld [tilespmem:$0xFD0]  }
0x1aa: {  	v54 =	vmul.f32 v49, v49;
	v0 =	vadd.f32 v52, v0  }
0x1ab: {  	v55 =	vld [tilespmem:$0xFE0]  }
0x1ac: {  	v56 =	vmul.f32 v51, v51;
	v0 =	vadd.f32 v54, v0  }
0x1ad: {  	v57 =	vld [tilespmem:$0xFF0]  }
0x1ae: {  	v58 =	vmul.f32 v53, v53;
	v0 =	vadd.f32 v56, v0  }
0x1af: {  	v59 =	vld [tilespmem:$0x1000]  }
0x1b0: {  	v60 =	vmul.f32 v55, v55;
	v0 =	vadd.f32 v58, v0  }
0x1b1: {  	v61 =	vld [tilespmem:$0x1010]  }
0x1b2: {  	v62 =	vmul.f32 v57, v57;
	v0 =	vadd.f32 v60, v0  }
0x1b3: {  	v63 =	vld [tilespmem:$0x1020]  }
0x1b4: {  	v8 =	vmul.f32 v59, v59;
	v0 =	vadd.f32 v62, v0  }
0x1b5: {  	v9 =	vld [tilespmem:$0x1030]  }
0x1b6: {  	v10 =	vmul.f32 v61, v61;
	v0 =	vadd.f32 v8, v0  }
0x1b7: {  	v11 =	vld [tilespmem:$0x1040]  }
0x1b8: {  	v12 =	vmul.f32 v63, v63;
	v0 =	vadd.f32 v10, v0  }
0x1b9: {  	v13 =	vld [tilespmem:$0x1050]  }
0x1ba: {  	v14 =	vmul.f32 v9, v9;
	v0 =	vadd.f32 v12, v0  }
0x1bb: {  	v15 =	vld [tilespmem:$0x1060]  }
0x1bc: {  	v16 =	vmul.f32 v11, v11;
	v0 =	vadd.f32 v14, v0  }
0x1bd: {  	v17 =	vld [tilespmem:$0x1070]  }
0x1be: {  	v18 =	vmul.f32 v13, v13;
	v0 =	vadd.f32 v16, v0  }
0x1bf: {  	v19 =	vld [tilespmem:$0x1080]  }
0x1c0: {  	v20 =	vmul.f32 v15, v15;
	v0 =	vadd.f32 v18, v0  }
0x1c1: {  	v21 =	vld [tilespmem:$0x1090]  }
0x1c2: {  	v22 =	vmul.f32 v17, v17;
	v0 =	vadd.f32 v20, v0  }
0x1c3: {  	v23 =	vld [tilespmem:$0x10A0]  }
0x1c4: {  	v24 =	vmul.f32 v19, v19;
	v0 =	vadd.f32 v22, v0  }
0x1c5: {  	v25 =	vld [tilespmem:$0x10B0]  }
0x1c6: {  	v26 =	vmul.f32 v21, v21;
	v0 =	vadd.f32 v24, v0  }
0x1c7: {  	v27 =	vld [tilespmem:$0x10C0]  }
0x1c8: {  	v28 =	vmul.f32 v23, v23;
	v0 =	vadd.f32 v26, v0  }
0x1c9: {  	v29 =	vld [tilespmem:$0x10D0]  }
0x1ca: {  	v30 =	vmul.f32 v25, v25;
	v0 =	vadd.f32 v28, v0  }
0x1cb: {  	v31 =	vld [tilespmem:$0x10E0]  }
0x1cc: {  	v32 =	vmul.f32 v27, v27;
	v0 =	vadd.f32 v30, v0  }
0x1cd: {  	v33 =	vld [tilespmem:$0x10F0]  }
0x1ce: {  	v34 =	vmul.f32 v29, v29;
	v0 =	vadd.f32 v32, v0  }
0x1cf: {  	v35 =	vld [tilespmem:$0x1100]  }
0x1d0: {  	v36 =	vmul.f32 v31, v31;
	v0 =	vadd.f32 v34, v0  }
0x1d1: {  	v37 =	vld [tilespmem:$0x1110]  }
0x1d2: {  	v38 =	vmul.f32 v33, v33;
	v0 =	vadd.f32 v36, v0  }
0x1d3: {  	v39 =	vld [tilespmem:$0x1120]  }
0x1d4: {  	v40 =	vmul.f32 v35, v35;
	v0 =	vadd.f32 v38, v0  }
0x1d5: {  	v41 =	vld [tilespmem:$0x1130]  }
0x1d6: {  	v42 =	vmul.f32 v37, v37;
	v0 =	vadd.f32 v40, v0  }
0x1d7: {  	v43 =	vld [tilespmem:$0x1140]  }
0x1d8: {  	v44 =	vmul.f32 v39, v39;
	v0 =	vadd.f32 v42, v0  }
0x1d9: {  	v45 =	vld [tilespmem:$0x1150]  }
0x1da: {  	v46 =	vmul.f32 v41, v41;
	v0 =	vadd.f32 v44, v0  }
0x1db: {  	v47 =	vld [tilespmem:$0x1160]  }
0x1dc: {  	v48 =	vmul.f32 v43, v43;
	v0 =	vadd.f32 v46, v0  }
0x1dd: {  	v49 =	vld [tilespmem:$0x1170]  }
0x1de: {  	v50 =	vmul.f32 v45, v45;
	v0 =	vadd.f32 v48, v0  }
0x1df: {  	v51 =	vld [tilespmem:$0x1180]  }
0x1e0: {  	v52 =	vmul.f32 v47, v47;
	v0 =	vadd.f32 v50, v0  }
0x1e1: {  	v53 =	vld [tilespmem:$0x1190]  }
0x1e2: {  	v54 =	vmul.f32 v49, v49;
	v0 =	vadd.f32 v52, v0  }
0x1e3: {  	v55 =	vld [tilespmem:$0x11A0]  }
0x1e4: {  	v56 =	vmul.f32 v51, v51;
	v0 =	vadd.f32 v54, v0  }
0x1e5: {  	v57 =	vld [tilespmem:$0x11B0]  }
0x1e6: {  	v58 =	vmul.f32 v53, v53;
	v0 =	vadd.f32 v56, v0  }
0x1e7: {  	v59 =	vld [tilespmem:$0x11C0]  }
0x1e8: {  	v60 =	vmul.f32 v55, v55;
	v0 =	vadd.f32 v58, v0  }
0x1e9: {  	v61 =	vld [tilespmem:$0x11D0]  }
0x1ea: {  	v62 =	vmul.f32 v57, v57;
	v0 =	vadd.f32 v60, v0  }
0x1eb: {  	v63 =	vld [tilespmem:$0x11E0]  }
0x1ec: {  	v8 =	vmul.f32 v59, v59;
	v0 =	vadd.f32 v62, v0  }
0x1ed: {  	v9 =	vld [tilespmem:$0x11F0]  }
0x1ee: {  	v10 =	vmul.f32 v61, v61;
	v0 =	vadd.f32 v8, v0  }
0x1ef: {  	v11 =	vld [tilespmem:$0x1200]  }
0x1f0: {  	v12 =	vmul.f32 v63, v63;
	v0 =	vadd.f32 v10, v0  }
0x1f1: {  	v13 =	vld [tilespmem:$0x1210]  }
0x1f2: {  	v14 =	vmul.f32 v9, v9;
	v0 =	vadd.f32 v12, v0  }
0x1f3: {  	v15 =	vld [tilespmem:$0x1220]  }
0x1f4: {  	v16 =	vmul.f32 v11, v11;
	v0 =	vadd.f32 v14, v0  }
0x1f5: {  	v17 =	vld [tilespmem:$0x1230]  }
0x1f6: {  	v18 =	vmul.f32 v13, v13;
	v0 =	vadd.f32 v16, v0  }
0x1f7: {  	v19 =	vld [tilespmem:$0x1240]  }
0x1f8: {  	v20 =	vmul.f32 v15, v15;
	v0 =	vadd.f32 v18, v0  }
0x1f9: {  	v21 =	vld [tilespmem:$0x1250]  }
0x1fa: {  	v22 =	vmul.f32 v17, v17;
	v0 =	vadd.f32 v20, v0  }
0x1fb: {  	v23 =	vld [tilespmem:$0x1260]  }
0x1fc: {  	v24 =	vmul.f32 v19, v19;
	v0 =	vadd.f32 v22, v0  }
0x1fd: {  	v25 =	vld [tilespmem:$0x1270]  }
0x1fe: {  	v26 =	vmul.f32 v21, v21;
	v0 =	vadd.f32 v24, v0;
	_ =	sdelay $0x1  }
0x1ff: {  	v27 =	vmul.f32 v23, v23;
	v0 =	vadd.f32 v26, v0;
	_ =	sdelay $0x1  }
0x200: {  	v28 =	vmul.f32 v25, v25;
	v0 =	vadd.f32 v27, v0;
	_ =	sdelay $0x1  }
0x201: {  	v0 =	vadd.f32 v28, v0  }
0x202: {  	s26 =	sshll.u32 s2, $0x4  }
0x203: {  	s28 =	simm.s32 $0x1280;
	s6 =	sadd.s32 s26, s5;
	[tilespmem:$0x1280] =	vst v0  }
0x204: {  	[spmem:s6] =	stream.linear.scatter [tilespmem:s28], [sflag:$0x3], $0x10, $0x38;
	[tilespmem:$0x1790] =	vst v63  }
0x205: {  	_ =	swait.ge [sflag:s9], $0x10  }
0x206: {  	[sflag:s9] =	ssyncset.done $0x0  }
0x207: {  	[sflag:s9] =	ssyncadd.s32 $0xFFFFFFF0  }
0x208: {  	s29 =	simm.s32 $0x1300;
	[bflag:$0x0] =	sbarrier.arrive $0xFFFF  }
0x209: {  	[tilespmem:s29], [sflag:$0x3] =	stream.linear.gather [spmem:s5], $0x100, $0x38;
	[tilespmem:$0x1790] =	vst v63  }
0x20a: {  	_ =	swait.ge [sflag:s9], $0x100  }
0x20b: {  	[sflag:s9] =	ssyncset.done $0x0  }
0x20c: {  	[sflag:s9] =	ssyncadd.s32 $0xFFFFFF00  }
0x20d: {  	v29 =	vld [tilespmem:$0x1300];
	_ =	sdelay $0x1  }
0x20e: {  	v30 =	vld [tilespmem:$0x1310];
	_ =	sdelay $0x1  }
0x20f: {  	v31 =	vld [tilespmem:$0x1320]  }
0x210: {  	v0 =	vadd.f32 $0.0e+00, v29  }
0x211: {  	v32 =	vld [tilespmem:$0x1330]  }
0x212: {  	v0 =	vadd.f32 v30, v0  }
0x213: {  	v33 =	vld [tilespmem:$0x1340]  }
0x214: {  	v0 =	vadd.f32 v31, v0  }
0x215: {  	v34 =	vld [tilespmem:$0x1350]  }
0x216: {  	v0 =	vadd.f32 v32, v0  }
0x217: {  	v35 =	vld [tilespmem:$0x1360]  }
0x218: {  	v0 =	vadd.f32 v33, v0  }
0x219: {  	v36 =	vld [tilespmem:$0x1370]  }
0x21a: {  	v0 =	vadd.f32 v34, v0  }
0x21b: {  	v37 =	vld [tilespmem:$0x1380]  }
0x21c: {  	v0 =	vadd.f32 v35, v0  }
0x21d: {  	v38 =	vld [tilespmem:$0x1390]  }
0x21e: {  	v0 =	vadd.f32 v36, v0  }
0x21f: {  	v39 =	vld [tilespmem:$0x13A0]  }
0x220: {  	v0 =	vadd.f32 v37, v0  }
0x221: {  	v40 =	vld [tilespmem:$0x13B0]  }
0x222: {  	v0 =	vadd.f32 v38, v0  }
0x223: {  	v41 =	vld [tilespmem:$0x13C0]  }
0x224: {  	v0 =	vadd.f32 v39, v0  }
0x225: {  	v42 =	vld [tilespmem:$0x13D0]  }
0x226: {  	v0 =	vadd.f32 v40, v0  }
0x227: {  	v43 =	vld [tilespmem:$0x13E0]  }
0x228: {  	v0 =	vadd.f32 v41, v0  }
0x229: {  	v44 =	vld [tilespmem:$0x13F0]  }
0x22a: {  	v0 =	vadd.f32 v42, v0;
	_ =	sdelay $0x1  }
0x22b: {  	v45 =	vld [tilespmem:$0x1400];
	v0 =	vadd.f32 v43, v0;
	_ =	sdelay $0x1  }
0x22c: {  	v0 =	vadd.f32 v44, v0;
	_ =	sdelay $0x1  }
0x22d: {  	(xrf2) =	vadd.scan.msk.f32 $0xffff, v0  }
0x22e: {  	(xrf2) =	vadd.scan.msk.f32 $0xffff, v45;
	_ =	sdelay $0x8  }
0x22f: {  	v0, _, _ =	vpop (xrf2)  }
0x230: {  	(v2sf) =	vpush v0, $0xF;
	v46, _, _ =	vpop (xrf2)  }
0x231: {  	(v2sf) =	vpush v46, $0xF;
	_ =	sdelay $0xd  }
0x232: {  	s30 =	spop (v2sf)  }
0x233: {  	s31 =	spop (v2sf);
	s5 =	smul.f32 $6.103515490e-07, s30  }
0x234: {  	s6 =	smul.f32 $9.900000090e-01, s31;
	_ =	sdelay $0x1  }
0x235: {  	s5 =	sadd.f32 s5, s6;
	_ =	sdelay $0x1  }
0x236: {  	s5 =	sadd.f32 $9.999999930e-09, s5;
	_ =	sdelay $0x1  }
0x237: {  	v47 =	vmov s5  }
0x238: {  	v48 =	vshra.s32 v47, $0x1;
	v0 =	vmul.f32 $5.000000000e-01, v47  }
0x239: {  	v1 =	vsub.s32 $0x5F3759DF, v48  }
0x23a: {  	v49 =	vmul.f32 v1, v0;
	_ =	sdelay $0x1  }
0x23b: {  	v2 =	vmul.f32 v1, v49;
	_ =	sdelay $0x1  }
0x23c: {  	v2 =	vsub.f32 $1.500000000e+00, v2;
	_ =	sdelay $0x1  }
0x23d: {  	v1 =	vmul.f32 v1, v2;
	_ =	sdelay $0x1  }
0x23e: {  	v2 =	vmul.f32 v1, v0;
	_ =	sdelay $0x1  }
0x23f: {  	v2 =	vmul.f32 v2, v1;
	_ =	sdelay $0x1  }
0x240: {  	v2 =	vsub.f32 $1.500000000e+00, v2;
	_ =	sdelay $0x1  }
0x241: {  	v1 =	vmul.f32 v2, v1;
	_ =	sdelay $0x1  }
0x242: {  	v0 =	vmul.f32 v1, v0;
	_ =	sdelay $0x1  }
0x243: {  	v0 =	vmul.f32 v0, v1;
	_ =	sdelay $0x1  }
0x244: {  	v0 =	vsub.f32 $1.500000000e+00, v0;
	_ =	sdelay $0x1  }
0x245: {  	v0 =	vmul.f32 v0, v1;
	_ =	sdelay $0x1  }
0x246: {  	v0 =	vmul.f32 s5, v0;
	_ =	sdelay $0x1  }
0x247: {  	v0 =	vadd.f32 $9.999999930e-09, v0;
	_ =	sdelay $0x1  }
0x248: {  	(erf) = vrcp.f32 v0;
	_ =	sdelay $0x6  }
0x249: {  	v50 =	vld [tilespmem:$0xE80]  }
0x24a: {  	v51 =	vld [tilespmem:$0xE90]  }
0x24b: {  	v52 =	vld [tilespmem:$0xEA0];
	v0 =	vpop (erf)  }
0x24c: {  	v53 =	vld [tilespmem:$0xEB0];
	v0 =	vmul.f32 $5.000000000e-01, v0  }
0x24d: {  	v54 =	vld [tilespmem:$0xEC0]  }
0x24e: {  	v55 =	vld [tilespmem:$0xED0];
	v1 =	vmul.f32 v0, v50  }
0x24f: {  	v56 =	vld [tilespmem:$0xEE0];
	v2 =	vmul.f32 v0, v51  }
0x250: {  	v58 =	vld [tilespmem:$0xEF0];
	v57 =	vmul.f32 v0, v52;
	[tilespmem:$0xE80] =	vst v1  }
0x251: {  	v60 =	vld [tilespmem:$0xF00];
	v59 =	vmul.f32 v0, v53;
	[tilespmem:$0xE90] =	vst v2  }
0x252: {  	v62 =	vld [tilespmem:$0xF10];
	v61 =	vmul.f32 v0, v54;
	[tilespmem:$0xEA0] =	vst v57  }
0x253: {  	v9 =	vld [tilespmem:$0xF20];
	v63 =	vmul.f32 v0, v55;
	[tilespmem:$0xEB0] =	vst v59  }
0x254: {  	v11 =	vld [tilespmem:$0xF30];
	v10 =	vmul.f32 v0, v56;
	[tilespmem:$0xEC0] =	vst v61  }
0x255: {  	v13 =	vld [tilespmem:$0xF40];
	v12 =	vmul.f32 v0, v58;
	[tilespmem:$0xED0] =	vst v63  }
0x256: {  	v15 =	vld [tilespmem:$0xF50];
	v14 =	vmul.f32 v0, v60;
	[tilespmem:$0xEE0] =	vst v10  }
0x257: {  	v17 =	vld [tilespmem:$0xF60];
	v16 =	vmul.f32 v0, v62;
	[tilespmem:$0xEF0] =	vst v12  }
0x258: {  	v19 =	vld [tilespmem:$0xF70];
	v18 =	vmul.f32 v0, v9;
	[tilespmem:$0xF00] =	vst v14  }
0x259: {  	v21 =	vld [tilespmem:$0xF80];
	v20 =	vmul.f32 v0, v11;
	[tilespmem:$0xF10] =	vst v16  }
0x25a: {  	v23 =	vld [tilespmem:$0xF90];
	v22 =	vmul.f32 v0, v13;
	[tilespmem:$0xF20] =	vst v18  }
0x25b: {  	v25 =	vld [tilespmem:$0xFA0];
	v24 =	vmul.f32 v0, v15;
	[tilespmem:$0xF30] =	vst v20  }
0x25c: {  	v27 =	vld [tilespmem:$0xFB0];
	v26 =	vmul.f32 v17, v0;
	[tilespmem:$0xF40] =	vst v22  }
0x25d: {  	v29 =	vld [tilespmem:$0xFC0];
	v28 =	vmul.f32 v19, v0;
	[tilespmem:$0xF50] =	vst v24  }
0x25e: {  	v31 =	vld [tilespmem:$0xFD0];
	v30 =	vmul.f32 v21, v0;
	[tilespmem:$0xF60] =	vst v26  }
0x25f: {  	v33 =	vld [tilespmem:$0xFE0];
	v32 =	vmul.f32 v23, v0;
	[tilespmem:$0xF70] =	vst v28  }
0x260: {  	v35 =	vld [tilespmem:$0xFF0];
	v34 =	vmul.f32 v25, v0;
	[tilespmem:$0xF80] =	vst v30  }
0x261: {  	v37 =	vld [tilespmem:$0x1000];
	v36 =	vmul.f32 v27, v0;
	[tilespmem:$0xF90] =	vst v32  }
0x262: {  	v39 =	vld [tilespmem:$0x1010];
	v38 =	vmul.f32 v29, v0;
	[tilespmem:$0xFA0] =	vst v34  }
0x263: {  	v41 =	vld [tilespmem:$0x1020];
	v40 =	vmul.f32 v31, v0;
	[tilespmem:$0xFB0] =	vst v36  }
0x264: {  	v43 =	vld [tilespmem:$0x1030];
	v42 =	vmul.f32 v33, v0;
	[tilespmem:$0xFC0] =	vst v38  }
0x265: {  	v45 =	vld [tilespmem:$0x1040];
	v44 =	vmul.f32 v35, v0;
	[tilespmem:$0xFD0] =	vst v40  }
0x266: {  	v47 =	vld [tilespmem:$0x1050];
	v46 =	vmul.f32 v37, v0;
	[tilespmem:$0xFE0] =	vst v42  }
0x267: {  	v49 =	vld [tilespmem:$0x1060];
	v48 =	vmul.f32 v39, v0;
	[tilespmem:$0xFF0] =	vst v44  }
0x268: {  	v50 =	vmul.f32 v41, v0;
	v51 =	vld [tilespmem:$0x1070];
	[tilespmem:$0x1000] =	vst v46  }
0x269: {  	v52 =	vmul.f32 v43, v0;
	v53 =	vld [tilespmem:$0x1080];
	[tilespmem:$0x1010] =	vst v48  }
0x26a: {  	v54 =	vmul.f32 v45, v0;
	v55 =	vld [tilespmem:$0x1090];
	[tilespmem:$0x1020] =	vst v50  }
0x26b: {  	v56 =	vmul.f32 v47, v0;
	v9 =	vld [tilespmem:$0x10E0];
	[tilespmem:$0x1030] =	vst v52  }
0x26c: {  	v58 =	vmul.f32 v49, v0;
	v11 =	vld [tilespmem:$0x10F0];
	[tilespmem:$0x1040] =	vst v54  }
0x26d: {  	v13 =	vld [tilespmem:$0x1100];
	[tilespmem:$0x1050] =	vst v56;
	v60 =	vmul.f32 v51, v0  }
0x26e: {  	v15 =	vld [tilespmem:$0x1110];
	[tilespmem:$0x1060] =	vst v58;
	v62 =	vmul.f32 v53, v0  }
0x26f: {  	v17 =	vld [tilespmem:$0x1120];
	v8 =	vmul.f32 v55, v0;
	[tilespmem:$0x1070] =	vst v60  }
0x270: {  	v19 =	vld [tilespmem:$0x1130];
	v18 =	vmul.f32 v9, v0;
	[tilespmem:$0x1080] =	vst v62  }
0x271: {  	v21 =	vld [tilespmem:$0x1140];
	v20 =	vmul.f32 v11, v0;
	[tilespmem:$0x1090] =	vst v8  }
0x272: {  	v23 =	vld [tilespmem:$0x1150];
	v22 =	vmul.f32 v13, v0;
	[tilespmem:$0x10E0] =	vst v18  }
0x273: {  	v25 =	vld [tilespmem:$0x1160];
	v24 =	vmul.f32 v15, v0;
	[tilespmem:$0x10F0] =	vst v20  }
0x274: {  	v27 =	vld [tilespmem:$0x1170];
	v26 =	vmul.f32 v17, v0;
	[tilespmem:$0x1100] =	vst v22  }
0x275: {  	v29 =	vld [tilespmem:$0x1180];
	v28 =	vmul.f32 v19, v0;
	[tilespmem:$0x1110] =	vst v24  }
0x276: {  	v31 =	vld [tilespmem:$0x1190];
	v30 =	vmul.f32 v21, v0;
	[tilespmem:$0x1120] =	vst v26  }
0x277: {  	v33 =	vld [tilespmem:$0x11A0];
	v32 =	vmul.f32 v23, v0;
	[tilespmem:$0x1130] =	vst v28  }
0x278: {  	v35 =	vld [tilespmem:$0x11B0];
	v34 =	vmul.f32 v25, v0;
	[tilespmem:$0x1140] =	vst v30  }
0x279: {  	v37 =	vld [tilespmem:$0x11C0];
	v36 =	vmul.f32 v27, v0;
	[tilespmem:$0x1150] =	vst v32  }
0x27a: {  	v39 =	vld [tilespmem:$0x11D0];
	v38 =	vmul.f32 v29, v0;
	[tilespmem:$0x1160] =	vst v34  }
0x27b: {  	v41 =	vld [tilespmem:$0x11E0];
	v40 =	vmul.f32 v31, v0;
	[tilespmem:$0x1170] =	vst v36  }
0x27c: {  	v43 =	vld [tilespmem:$0x11F0];
	v42 =	vmul.f32 v33, v0;
	[tilespmem:$0x1180] =	vst v38  }
0x27d: {  	v45 =	vld [tilespmem:$0x1200];
	v44 =	vmul.f32 v35, v0;
	[tilespmem:$0x1190] =	vst v40  }
0x27e: {  	v47 =	vld [tilespmem:$0x1210];
	v46 =	vmul.f32 v37, v0;
	[tilespmem:$0x11A0] =	vst v42  }
0x27f: {  	v49 =	vld [tilespmem:$0x1220];
	v48 =	vmul.f32 v39, v0;
	[tilespmem:$0x11B0] =	vst v44  }
0x280: {  	v57 =	vld [tilespmem:$0x10A0];
	v50 =	vmul.f32 v41, v0;
	[tilespmem:$0x11C0] =	vst v46  }
0x281: {  	v59 =	vld [tilespmem:$0x10B0];
	v52 =	vmul.f32 v43, v0;
	[tilespmem:$0x11D0] =	vst v48  }
0x282: {  	v61 =	vld [tilespmem:$0x10C0];
	v54 =	vmul.f32 v45, v0;
	[tilespmem:$0x11E0] =	vst v50  }
0x283: {  	v63 =	vld [tilespmem:$0x10D0];
	v56 =	vmul.f32 v47, v0;
	[tilespmem:$0x11F0] =	vst v52  }
0x284: {  	v51 =	vld [tilespmem:$0x1230];
	v58 =	vmul.f32 v49, v0;
	[tilespmem:$0x1200] =	vst v54  }
0x285: {  	v53 =	vld [tilespmem:$0x1240];
	v10 =	vmul.f32 v57, v0;
	[tilespmem:$0x1210] =	vst v56  }
0x286: {  	v55 =	vld [tilespmem:$0x1250];
	v12 =	vmul.f32 v59, v0;
	[tilespmem:$0x1220] =	vst v58  }
0x287: {  	v14 =	vmul.f32 v61, v0;
	v57 =	vld [tilespmem:$0x1260];
	[tilespmem:$0x10A0] =	vst v10  }
0x288: {  	v16 =	vmul.f32 v63, v0;
	v59 =	vld [tilespmem:$0x1270];
	[tilespmem:$0x10B0] =	vst v12  }
0x289: {  	[tilespmem:$0x10C0] =	vst v14;
	v60 =	vmul.f32 v51, v0  }
0x28a: {  	[tilespmem:$0x10D0] =	vst v16;
	v61 =	vmul.f32 v53, v0  }
0x28b: {  	v62 =	vmul.f32 v55, v0;
	[tilespmem:$0x1230] =	vst v60  }
0x28c: {  	[tilespmem:$0x1240] =	vst v61;
	v63 =	vmul.f32 v57, v0  }
0x28d: {  	[tilespmem:$0x1250] =	vst v62;
	v0 =	vmul.f32 v59, v0  }
0x28e: {  	[tilespmem:$0x1260] =	vst v63  }
0x28f: {  	s1 =	sadd.s32 s1, s4;
	[tilespmem:$0x1270] =	vst v0  }
0x290: {  	[hbm4b:s1+s3] =	stream.linear.scatter [tilespmem:s18], [sflag:$0x3], $0x400, $0x38;
	[tilespmem:$0x1790] =	vst v63  }
0x291: {  	_ =	swait.ge [sflag:s9], $0x400  }
0x292: {  	[sflag:s9] =	ssyncset.done $0x0  }
0x293: {  	[sflag:s9] =	ssyncadd.s32 $0xFFFFFC00  }
.LBB2_2:
0x294: {  	_ =	sfence.sel $0x180000  }
0x295: {  	[bflag:$0x0] =	sbarrier.arrive $0xFFFF  }
0x296: {  	p0 =	sne.s32 s2, $0x0;
	_ =	strace $0x90000047  }
0x297: {  	s0 =	sadd.s32 @!p0 $0x100000, s0;
	[bflag:$0x2] =	sbarrier.arrive $0xFFFF  }
0x298: {  	[sflag:s0] =	ssyncadd.tile.s32 @!p0 $0x1;
	_ =	shalt  }
.Lfunc_end2:
_tile_overlayer_lowered:
.L_overlay_start_2:
0x299: {  	(tag) =	ssettag $0x2  }
0x29a: {  	s0 =	rddreg [dreg:$0x0];
	s2 =	stileid.u32  }
0x29b: {  	s1 =	rddreg [dreg:$0x1];
	p0 =	sne.s32 s2, $0x0  }
0x29c: {  	s3 =	rddreg [dreg:$0x2];
	[bflag:$0x3] =	sbarrier.arrive $0xFFFF;
	s2 =	simm.s32 @!p0 $0x1C03  }
0x29d: {  	[timem:s3], [sflag:s2] =	dma.local @!p0 [hbm:s0], s1  }
0x29e: {  	s0 =	simm.s32 @!p0 $0x3  }
0x29f: {  	_ =	swait.ge @!p0 [sflag:s0], s1  }
0x2a0: {  	s1 =	ssub.s32 @!p0 $0x0, s1;
	[sflag:s0] =	ssyncset.done @!p0 $0x0  }
0x2a1: {  	[sflag:s0] =	ssyncadd.s32 @!p0 s1  }
0x2a2: {  	[bflag:$0x3] =	sbarrier.arrive $0xFFFF  }
0x2a3: {  	_ =	shalt  }

</sc_bundles>
